<compile_context>
chip_gen: v7x
topology: tpu7x:2x2x1
jax: 0.10.2.dev20260603
libtpu: 0.0.44.dev20260713+nightly
codegen_flags: <defaults>
</compile_context>

<pallas_src>
import functools

import jax
import jax.numpy as jnp
from jax import lax
from jax.experimental import pallas as pl
from jax.experimental.pallas import tpu as pltpu
from jax.experimental.pallas import tpu_sc as plsc

_NC = 2
_NS = 16
_NW = _NC * _NS
_LANES = 16
@functools.partial(jax.jit, static_argnames=("rows", "d", "chunk", "slots", "pf"))
def _pos_enc_sc(tok, idx, table, *, rows, d, chunk, slots, pf):
    rpw = rows // _NW
    nchunk = rpw // chunk
    nstep = nchunk // slots
    nvec = d // _LANES
    drain = slots - pf

    mesh = plsc.VectorSubcoreMesh(core_axis_name="c", subcore_axis_name="s")

    @functools.partial(
        pl.kernel,
        mesh=mesh,
        out_type=jax.ShapeDtypeStruct((rows, d), jnp.float32),
        scratch_types=[
            pltpu.VMEM((rpw,), jnp.int32),
            pltpu.VMEM((slots, chunk, d), jnp.float32),
            pltpu.VMEM((slots, chunk, d), jnp.float32),
            [pltpu.SemaphoreType.DMA] * slots,
            [pltpu.SemaphoreType.DMA] * slots,
            [pltpu.SemaphoreType.DMA] * slots,
            pltpu.SemaphoreType.DMA,
        ],
    )
    def k(tok_hbm, idx_hbm, tab_hbm, out_hbm, idx_v, tok_v, row_v,
          tsem, rsem, osem, isem):
        wid = lax.axis_index("s") * _NC + lax.axis_index("c")
        base = wid * rpw

        idx_cp = pltpu.async_copy(idx_hbm.at[pl.ds(base, rpw)], idx_v, isem)

        def start_in(g, slot, rslot):
            r0 = base + g * chunk
            pltpu.async_copy(tab_hbm.at[idx_v.at[pl.ds(g * chunk, chunk)]],
                             row_v.at[rslot], rsem[rslot])
            pltpu.async_copy(tok_hbm.at[pl.ds(r0, chunk)], tok_v.at[slot],
                             tsem[slot])

        def wait_in(g, slot, rslot):
            r0 = base + g * chunk
            pltpu.make_async_copy(tok_hbm.at[pl.ds(r0, chunk)],
                                  tok_v.at[slot], tsem[slot]).wait()
            pltpu.make_async_copy(tab_hbm.at[idx_v.at[pl.ds(g * chunk, chunk)]],
                                  row_v.at[rslot], rsem[rslot]).wait()

        def start_out(g, slot):
            r0 = base + g * chunk
            pltpu.async_copy(tok_v.at[slot], out_hbm.at[pl.ds(r0, chunk)],
                             osem[slot])

        def wait_out(g, slot):
            r0 = base + g * chunk
            pltpu.make_async_copy(tok_v.at[slot],
                                  out_hbm.at[pl.ds(r0, chunk)],
                                  osem[slot]).wait()

        def add_chunk(slot, rslot):
            def add_row(r, c2):
                for j in range(nvec):
                    sl = pl.ds(j * _LANES, _LANES)
                    plsc.addupdate(tok_v.at[slot, r, sl], row_v[rslot, r, sl])
                return c2
            lax.fori_loop(0, chunk, add_row, 0)

        for h in range(pf):
            pltpu.async_copy(tok_hbm.at[pl.ds(base + h * chunk, chunk)],
                             tok_v.at[h], tsem[h])
        idx_cp.wait()
        for h in range(pf):
            pltpu.async_copy(tab_hbm.at[idx_v.at[pl.ds(h * chunk, chunk)]],
                             row_v.at[h], rsem[h])

        def step(t, carry):
            for u in range(slots):
                g = slots * t + u

                @pl.when(g >= drain)
                def _():
                    wait_out(g - drain, (u - drain) % slots)

                @pl.when(g + pf < nchunk)
                def _():
                    start_in(g + pf, (u + pf) % slots, (u + pf) % slots)

                wait_in(g, u, u)
                add_chunk(u, u)
                start_out(g, u)
            return carry

        lax.fori_loop(0, nstep, step, 0)
        for g in range(nstep * slots, nchunk):
            u = g % slots
            wait_out(g - drain, (g - drain) % slots)
            wait_in(g, u, u)
            add_chunk(u, u)
            start_out(g, u)
        for h in range(nchunk - drain, nchunk):
            wait_out(h, h % slots)

    return k(tok, idx, table)


def kernel(tokens, pos_indices, pos_table):
    b, s, d = tokens.shape
    rows = b * s
    tok = tokens.reshape(rows, d)
    idx = pos_indices.reshape(rows).astype(jnp.int32)
    out = _pos_enc_sc(tok, idx, pos_table, rows=rows, d=d,
                      chunk=8, slots=4, pf=2)
    return out.reshape(b, s, d)

# --- scband reference (transcript-rebuilt; emitter-appended) ---
"""Pipeline reference for scband-learned-positional-encoding-19301583028638 (READ-ONLY COPY).

The authoritative reference and input builder live on the scoring server;
editing this copy changes nothing except your own understanding.
"""

import jax, jax.numpy as jnp
import numpy as np

CONTEXT_LENGTH = 8192
EMBED_DIM = 1024
BATCH = 4
SEQ = 8192


def setup_inputs(seed: int = 0) -> dict:
    key = jax.random.key(seed)
    k1, k2, k3 = jax.random.split(key, 3)
    tokens = jax.random.normal(k1, (BATCH, SEQ, EMBED_DIM), dtype=jnp.float32)
    pos_indices = jax.random.randint(k2, (BATCH, SEQ), 0, CONTEXT_LENGTH, dtype=jnp.int64 if jax.config.jax_enable_x64 else jnp.int32)
    pos_table = jax.random.normal(k3, (CONTEXT_LENGTH, EMBED_DIM), dtype=jnp.float32)
    return {"tokens": tokens, "pos_indices": pos_indices, "pos_table": pos_table}


def reference(tokens, pos_indices, pos_table):
    # nn.Embedding lookup -> gather rows of pos_table, then residual add
    pos_emb = jnp.take(pos_table, pos_indices, axis=0)  # [B, S, D]
    return tokens + pos_emb

if __name__ == "__main__":
    import jax
    _d = setup_inputs()
    print(jax.jit(kernel)(*tuple(_d.values())))

</pallas_src>

<mosaic_0001>
#map = affine_map<(d0, d1) -> (0, 0)>
#map1 = affine_map<(d0, d1) -> (0)>
module attributes {stable_mosaic.version = 14 : i64} {
  func.func @k(%arg0: i32, %arg1: i32, %arg2: memref<32768x1024xf32, #tpu.memory_space<hbm>>, %arg3: memref<32768xi32, #tpu.memory_space<hbm>>, %arg4: memref<8192x1024xf32, #tpu.memory_space<hbm>>, %arg5: memref<32768x1024xf32, #tpu.memory_space<hbm>>, %arg6: memref<1024xi32, #tpu.memory_space<vmem>>, %arg7: memref<4x8x1024xf32, #tpu.memory_space<vmem>>, %arg8: memref<4x8x1024xf32, #tpu.memory_space<vmem>>, %arg9: memref<!tpu.dma_semaphore, #tpu.memory_space<semaphore_mem>>, %arg10: memref<!tpu.dma_semaphore, #tpu.memory_space<semaphore_mem>>, %arg11: memref<!tpu.dma_semaphore, #tpu.memory_space<semaphore_mem>>, %arg12: memref<!tpu.dma_semaphore, #tpu.memory_space<semaphore_mem>>, %arg13: memref<!tpu.dma_semaphore, #tpu.memory_space<semaphore_mem>>, %arg14: memref<!tpu.dma_semaphore, #tpu.memory_space<semaphore_mem>>, %arg15: memref<!tpu.dma_semaphore, #tpu.memory_space<semaphore_mem>>, %arg16: memref<!tpu.dma_semaphore, #tpu.memory_space<semaphore_mem>>, %arg17: memref<!tpu.dma_semaphore, #tpu.memory_space<semaphore_mem>>, %arg18: memref<!tpu.dma_semaphore, #tpu.memory_space<semaphore_mem>>, %arg19: memref<!tpu.dma_semaphore, #tpu.memory_space<semaphore_mem>>, %arg20: memref<!tpu.dma_semaphore, #tpu.memory_space<semaphore_mem>>, %arg21: memref<!tpu.dma_semaphore, #tpu.memory_space<semaphore_mem>>) attributes {dimension_semantics = [#tpu.dimension_semantics<core_parallel>, #tpu.dimension_semantics<subcore_parallel>], iteration_bounds = array<i64: 2, 16>, scalar_prefetch = 0 : i64, scratch_operands = 16 : i64, tpu.core_type = #tpu.core_type<sc_vector_subcore>, window_params = [{transform_indices = #map}, {transform_indices = #map1}, {transform_indices = #map}, {transform_indices = #map}]} {
    %mul3A = arith.constant 2 : i32
    %mul3A_0 = arith.muli %arg1, %mul3A : i32
    %add3A = arith.addi %mul3A_0, %arg0 : i32
    %mul3A_1 = arith.constant 1024 : i32
    %mul3A_2 = arith.muli %add3A, %mul3A_1 : i32
    %dma_start3A = tpu.memref_slice %arg3[%mul3A_2] : memref<32768xi32, #tpu.memory_space<hbm>> -> memref<1024xi32, #tpu.memory_space<hbm>>
    %dma_start3A_3 = tpu.memref_slice %arg3[%mul3A_2] : memref<32768xi32, #tpu.memory_space<hbm>> -> memref<1024xi32, #tpu.memory_space<hbm>>
    tpu.enqueue_dma source(%dma_start3A_3 : memref<1024xi32, #tpu.memory_space<hbm>>) target(%arg6 : memref<1024xi32, #tpu.memory_space<vmem>>) target_semaphore(%arg21 : memref<!tpu.dma_semaphore, #tpu.memory_space<semaphore_mem>>)
    %add3A_4 = arith.constant 0 : i32
    %add3A_5 = arith.addi %mul3A_2, %add3A_4 : i32
    %dma_start3A_6 = arith.constant 0 : i32
    %dma_start3A_7 = arith.constant 0 : i32
    %dma_start3A_8 = arith.constant 0 : i32
    %dma_start3A_9 = tpu.memref_slice %arg7[%dma_start3A_6, %dma_start3A_7, %dma_start3A_8] : memref<4x8x1024xf32, #tpu.memory_space<vmem>> -> memref<1x8x1024xf32, #tpu.memory_space<vmem>>
    %dma_start3A_10 = tpu.memref_squeeze %dma_start3A_9 : memref<1x8x1024xf32, #tpu.memory_space<vmem>> -> memref<8x1024xf32, #tpu.memory_space<vmem>>
    %dma_start3A_11 = arith.constant 0 : i32
    %dma_start3A_12 = tpu.memref_slice %arg2[%add3A_5, %dma_start3A_11] : memref<32768x1024xf32, #tpu.memory_space<hbm>> -> memref<8x1024xf32, #tpu.memory_space<hbm>>
    %dma_start3A_13 = arith.constant 0 : i32
    %dma_start3A_14 = arith.constant 0 : i32
    %dma_start3A_15 = tpu.memref_slice %arg7[%dma_start3A_6, %dma_start3A_13, %dma_start3A_14] : memref<4x8x1024xf32, #tpu.memory_space<vmem>> -> memref<1x8x1024xf32, #tpu.memory_space<vmem>>
    %dma_start3A_16 = tpu.memref_squeeze %dma_start3A_15 : memref<1x8x1024xf32, #tpu.memory_space<vmem>> -> memref<8x1024xf32, #tpu.memory_space<vmem>>
    %dma_start3A_17 = arith.constant 0 : i32
    %dma_start3A_18 = tpu.memref_slice %arg2[%add3A_5, %dma_start3A_17] : memref<32768x1024xf32, #tpu.memory_space<hbm>> -> memref<8x1024xf32, #tpu.memory_space<hbm>>
    tpu.enqueue_dma source(%dma_start3A_18 : memref<8x1024xf32, #tpu.memory_space<hbm>>) target(%dma_start3A_16 : memref<8x1024xf32, #tpu.memory_space<vmem>>) target_semaphore(%arg9 : memref<!tpu.dma_semaphore, #tpu.memory_space<semaphore_mem>>)
    %add3A_19 = arith.constant 8 : i32
    %add3A_20 = arith.addi %mul3A_2, %add3A_19 : i32
    %dma_start3A_21 = arith.constant 1 : i32
    %dma_start3A_22 = arith.constant 0 : i32
    %dma_start3A_23 = arith.constant 0 : i32
    %dma_start3A_24 = tpu.memref_slice %arg7[%dma_start3A_21, %dma_start3A_22, %dma_start3A_23] : memref<4x8x1024xf32, #tpu.memory_space<vmem>> -> memref<1x8x1024xf32, #tpu.memory_space<vmem>>
    %dma_start3A_25 = tpu.memref_squeeze %dma_start3A_24 : memref<1x8x1024xf32, #tpu.memory_space<vmem>> -> memref<8x1024xf32, #tpu.memory_space<vmem>>
    %dma_start3A_26 = arith.constant 0 : i32
    %dma_start3A_27 = tpu.memref_slice %arg2[%add3A_20, %dma_start3A_26] : memref<32768x1024xf32, #tpu.memory_space<hbm>> -> memref<8x1024xf32, #tpu.memory_space<hbm>>
    %dma_start3A_28 = arith.constant 0 : i32
    %dma_start3A_29 = arith.constant 0 : i32
    %dma_start3A_30 = tpu.memref_slice %arg7[%dma_start3A_21, %dma_start3A_28, %dma_start3A_29] : memref<4x8x1024xf32, #tpu.memory_space<vmem>> -> memref<1x8x1024xf32, #tpu.memory_space<vmem>>
    %dma_start3A_31 = tpu.memref_squeeze %dma_start3A_30 : memref<1x8x1024xf32, #tpu.memory_space<vmem>> -> memref<8x1024xf32, #tpu.memory_space<vmem>>
    %dma_start3A_32 = arith.constant 0 : i32
    %dma_start3A_33 = tpu.memref_slice %arg2[%add3A_20, %dma_start3A_32] : memref<32768x1024xf32, #tpu.memory_space<hbm>> -> memref<8x1024xf32, #tpu.memory_space<hbm>>
    tpu.enqueue_dma source(%dma_start3A_33 : memref<8x1024xf32, #tpu.memory_space<hbm>>) target(%dma_start3A_31 : memref<8x1024xf32, #tpu.memory_space<vmem>>) target_semaphore(%arg10 : memref<!tpu.dma_semaphore, #tpu.memory_space<semaphore_mem>>)
    %dma_wait3A = tpu.memref_slice %arg3[%mul3A_2] : memref<32768xi32, #tpu.memory_space<hbm>> -> memref<1024xi32, #tpu.memory_space<hbm>>
    %dma_wait3A_34 = tpu.memref_slice %arg3[%mul3A_2] : memref<32768xi32, #tpu.memory_space<hbm>> -> memref<1024xi32, #tpu.memory_space<hbm>>
    tpu.wait_dma2 semaphore(%arg21 : memref<!tpu.dma_semaphore, #tpu.memory_space<semaphore_mem>>) src(%dma_wait3A_34 : memref<1024xi32, #tpu.memory_space<hbm>>) dst(%arg6 : memref<1024xi32, #tpu.memory_space<vmem>>)
    %dma_start3A_35 = arith.constant 0 : i32
    %dma_start3A_36 = arith.constant 0 : i32
    %dma_start3A_37 = arith.constant 0 : i32
    %dma_start3A_38 = tpu.memref_slice %arg8[%dma_start3A_35, %dma_start3A_36, %dma_start3A_37] : memref<4x8x1024xf32, #tpu.memory_space<vmem>> -> memref<1x8x1024xf32, #tpu.memory_space<vmem>>
    %dma_start3A_39 = tpu.memref_squeeze %dma_start3A_38 : memref<1x8x1024xf32, #tpu.memory_space<vmem>> -> memref<8x1024xf32, #tpu.memory_space<vmem>>
    %dma_start3A_40 = arith.constant 0 : i32
    %dma_start3A_41 = tpu.memref_slice %arg6[%dma_start3A_40] : memref<1024xi32, #tpu.memory_space<vmem>> -> memref<8xi32, #tpu.memory_space<vmem>>
    %dma_start3A_42 = arith.constant 0 : i32
    %dma_start3A_43 = arith.constant 0 : i32
    %dma_start3A_44 = tpu.memref_slice %arg4[%dma_start3A_42, %dma_start3A_43] : memref<8192x1024xf32, #tpu.memory_space<hbm>> -> memref<8192x1024xf32, #tpu.memory_space<hbm>>
    tpu.enqueue_indirect_dma source(%dma_start3A_44 : memref<8192x1024xf32, #tpu.memory_space<hbm>>) target(%dma_start3A_39 : memref<8x1024xf32, #tpu.memory_space<vmem>>) offsets(%dma_start3A_41 : memref<8xi32, #tpu.memory_space<vmem>>) semaphore(%arg13 : memref<!tpu.dma_semaphore, #tpu.memory_space<semaphore_mem>>)
    %dma_start3A_45 = arith.constant 1 : i32
    %dma_start3A_46 = arith.constant 0 : i32
    %dma_start3A_47 = arith.constant 0 : i32
    %dma_start3A_48 = tpu.memref_slice %arg8[%dma_start3A_45, %dma_start3A_46, %dma_start3A_47] : memref<4x8x1024xf32, #tpu.memory_space<vmem>> -> memref<1x8x1024xf32, #tpu.memory_space<vmem>>
    %dma_start3A_49 = tpu.memref_squeeze %dma_start3A_48 : memref<1x8x1024xf32, #tpu.memory_space<vmem>> -> memref<8x1024xf32, #tpu.memory_space<vmem>>
    %dma_start3A_50 = arith.constant 8 : i32
    %dma_start3A_51 = tpu.memref_slice %arg6[%dma_start3A_50] : memref<1024xi32, #tpu.memory_space<vmem>> -> memref<8xi32, #tpu.memory_space<vmem>>
    %dma_start3A_52 = arith.constant 0 : i32
    %dma_start3A_53 = arith.constant 0 : i32
    %dma_start3A_54 = tpu.memref_slice %arg4[%dma_start3A_52, %dma_start3A_53] : memref<8192x1024xf32, #tpu.memory_space<hbm>> -> memref<8192x1024xf32, #tpu.memory_space<hbm>>
    tpu.enqueue_indirect_dma source(%dma_start3A_54 : memref<8192x1024xf32, #tpu.memory_space<hbm>>) target(%dma_start3A_49 : memref<8x1024xf32, #tpu.memory_space<vmem>>) offsets(%dma_start3A_51 : memref<8xi32, #tpu.memory_space<vmem>>) semaphore(%arg14 : memref<!tpu.dma_semaphore, #tpu.memory_space<semaphore_mem>>)
    %scan3A = arith.constant 0 : i32
    %scan3A_55 = arith.constant 0 : i32
    %scan3A_56 = arith.constant 32 : i32
    %scan3A_57 = arith.addi %scan3A_55, %scan3A_56 : i32
    %scan3A_58 = arith.constant 1 : i32
    scf.for %scan3A_90 = %scan3A_55 to %scan3A_57 step %scan3A_58  : i32 {
      %mul3A_91 = arith.constant 4 : i32
      %mul3A_92 = arith.muli %mul3A_91, %scan3A_90 : i32
      %add3A_93 = arith.constant 0 : i32
      %add3A_94 = arith.addi %mul3A_92, %add3A_93 : i32
      %ge3A = arith.constant 2 : i32
      %ge3A_95 = arith.cmpi sge, %add3A_94, %ge3A : i32
      %convert_element_type3A = arith.extui %ge3A_95 : i1 to i32
      %cond3A = arith.constant 0 : i32
      %cond3A_96 = arith.cmpi ne, %convert_element_type3A, %cond3A : i32
      scf.if %cond3A_96 {
        %sub3A = arith.constant 2 : i32
        %sub3A_347 = arith.subi %add3A_94, %sub3A : i32
        %mul3A_348 = arith.constant 8 : i32
        %mul3A_349 = arith.muli %sub3A_347, %mul3A_348 : i32
        %add3A_350 = arith.addi %mul3A_2, %mul3A_349 : i32
        %dma_wait3A_351 = arith.constant 2 : i32
        %dma_wait3A_352 = arith.constant 0 : i32
        %dma_wait3A_353 = arith.constant 0 : i32
        %dma_wait3A_354 = tpu.memref_slice %arg7[%dma_wait3A_351, %dma_wait3A_352, %dma_wait3A_353] : memref<4x8x1024xf32, #tpu.memory_space<vmem>> -> memref<1x8x1024xf32, #tpu.memory_space<vmem>>
        %dma_wait3A_355 = tpu.memref_squeeze %dma_wait3A_354 : memref<1x8x1024xf32, #tpu.memory_space<vmem>> -> memref<8x1024xf32, #tpu.memory_space<vmem>>
        %dma_wait3A_356 = arith.constant 0 : i32
        %dma_wait3A_357 = tpu.memref_slice %arg5[%add3A_350, %dma_wait3A_356] : memref<32768x1024xf32, #tpu.memory_space<hbm>> -> memref<8x1024xf32, #tpu.memory_space<hbm>>
        %dma_wait3A_358 = arith.constant 0 : i32
        %dma_wait3A_359 = tpu.memref_slice %arg5[%add3A_350, %dma_wait3A_358] : memref<32768x1024xf32, #tpu.memory_space<hbm>> -> memref<8x1024xf32, #tpu.memory_space<hbm>>
        %dma_wait3A_360 = arith.constant 0 : i32
        %dma_wait3A_361 = arith.constant 0 : i32
        %dma_wait3A_362 = tpu.memref_slice %arg7[%dma_wait3A_351, %dma_wait3A_360, %dma_wait3A_361] : memref<4x8x1024xf32, #tpu.memory_space<vmem>> -> memref<1x8x1024xf32, #tpu.memory_space<vmem>>
        %dma_wait3A_363 = tpu.memref_squeeze %dma_wait3A_362 : memref<1x8x1024xf32, #tpu.memory_space<vmem>> -> memref<8x1024xf32, #tpu.memory_space<vmem>>
        tpu.wait_dma2 semaphore(%arg19 : memref<!tpu.dma_semaphore, #tpu.memory_space<semaphore_mem>>) src(%dma_wait3A_363 : memref<8x1024xf32, #tpu.memory_space<vmem>>) dst(%dma_wait3A_359 : memref<8x1024xf32, #tpu.memory_space<hbm>>)
      } else {
      }
      %add3A_97 = arith.constant 2 : i32
      %add3A_98 = arith.addi %add3A_94, %add3A_97 : i32
      %lt3A = arith.constant 128 : i32
      %lt3A_99 = arith.cmpi slt, %add3A_98, %lt3A : i32
      %convert_element_type3A_100 = arith.extui %lt3A_99 : i1 to i32
      %cond3A_101 = arith.constant 0 : i32
      %cond3A_102 = arith.cmpi ne, %convert_element_type3A_100, %cond3A_101 : i32
      scf.if %cond3A_102 {
        %add3A_347 = arith.constant 2 : i32
        %add3A_348 = arith.addi %add3A_94, %add3A_347 : i32
        %mul3A_349 = arith.constant 8 : i32
        %mul3A_350 = arith.muli %add3A_348, %mul3A_349 : i32
        %add3A_351 = arith.addi %mul3A_2, %mul3A_350 : i32
        %mul3A_352 = arith.constant 8 : i32
        %mul3A_353 = arith.muli %add3A_348, %mul3A_352 : i32
        %dma_start3A_354 = arith.constant 2 : i32
        %dma_start3A_355 = arith.constant 0 : i32
        %dma_start3A_356 = arith.constant 0 : i32
        %dma_start3A_357 = tpu.memref_slice %arg8[%dma_start3A_354, %dma_start3A_355, %dma_start3A_356] : memref<4x8x1024xf32, #tpu.memory_space<vmem>> -> memref<1x8x1024xf32, #tpu.memory_space<vmem>>
        %dma_start3A_358 = tpu.memref_squeeze %dma_start3A_357 : memref<1x8x1024xf32, #tpu.memory_space<vmem>> -> memref<8x1024xf32, #tpu.memory_space<vmem>>
        %dma_start3A_359 = tpu.memref_slice %arg6[%mul3A_353] : memref<1024xi32, #tpu.memory_space<vmem>> -> memref<8xi32, #tpu.memory_space<vmem>>
        %dma_start3A_360 = arith.constant 0 : i32
        %dma_start3A_361 = arith.constant 0 : i32
        %dma_start3A_362 = tpu.memref_slice %arg4[%dma_start3A_360, %dma_start3A_361] : memref<8192x1024xf32, #tpu.memory_space<hbm>> -> memref<8192x1024xf32, #tpu.memory_space<hbm>>
        tpu.enqueue_indirect_dma source(%dma_start3A_362 : memref<8192x1024xf32, #tpu.memory_space<hbm>>) target(%dma_start3A_358 : memref<8x1024xf32, #tpu.memory_space<vmem>>) offsets(%dma_start3A_359 : memref<8xi32, #tpu.memory_space<vmem>>) semaphore(%arg15 : memref<!tpu.dma_semaphore, #tpu.memory_space<semaphore_mem>>)
        %dma_start3A_363 = arith.constant 2 : i32
        %dma_start3A_364 = arith.constant 0 : i32
        %dma_start3A_365 = arith.constant 0 : i32
        %dma_start3A_366 = tpu.memref_slice %arg7[%dma_start3A_363, %dma_start3A_364, %dma_start3A_365] : memref<4x8x1024xf32, #tpu.memory_space<vmem>> -> memref<1x8x1024xf32, #tpu.memory_space<vmem>>
        %dma_start3A_367 = tpu.memref_squeeze %dma_start3A_366 : memref<1x8x1024xf32, #tpu.memory_space<vmem>> -> memref<8x1024xf32, #tpu.memory_space<vmem>>
        %dma_start3A_368 = arith.constant 0 : i32
        %dma_start3A_369 = tpu.memref_slice %arg2[%add3A_351, %dma_start3A_368] : memref<32768x1024xf32, #tpu.memory_space<hbm>> -> memref<8x1024xf32, #tpu.memory_space<hbm>>
        %dma_start3A_370 = arith.constant 0 : i32
        %dma_start3A_371 = arith.constant 0 : i32
        %dma_start3A_372 = tpu.memref_slice %arg7[%dma_start3A_363, %dma_start3A_370, %dma_start3A_371] : memref<4x8x1024xf32, #tpu.memory_space<vmem>> -> memref<1x8x1024xf32, #tpu.memory_space<vmem>>
        %dma_start3A_373 = tpu.memref_squeeze %dma_start3A_372 : memref<1x8x1024xf32, #tpu.memory_space<vmem>> -> memref<8x1024xf32, #tpu.memory_space<vmem>>
        %dma_start3A_374 = arith.constant 0 : i32
        %dma_start3A_375 = tpu.memref_slice %arg2[%add3A_351, %dma_start3A_374] : memref<32768x1024xf32, #tpu.memory_space<hbm>> -> memref<8x1024xf32, #tpu.memory_space<hbm>>
        tpu.enqueue_dma source(%dma_start3A_375 : memref<8x1024xf32, #tpu.memory_space<hbm>>) target(%dma_start3A_373 : memref<8x1024xf32, #tpu.memory_space<vmem>>) target_semaphore(%arg11 : memref<!tpu.dma_semaphore, #tpu.memory_space<semaphore_mem>>)
      } else {
      }
      %mul3A_103 = arith.constant 8 : i32
      %mul3A_104 = arith.muli %add3A_94, %mul3A_103 : i32
      %add3A_105 = arith.addi %mul3A_2, %mul3A_104 : i32
      %dma_wait3A_106 = arith.constant 0 : i32
      %dma_wait3A_107 = arith.constant 0 : i32
      %dma_wait3A_108 = arith.constant 0 : i32
      %dma_wait3A_109 = tpu.memref_slice %arg7[%dma_wait3A_106, %dma_wait3A_107, %dma_wait3A_108] : memref<4x8x1024xf32, #tpu.memory_space<vmem>> -> memref<1x8x1024xf32, #tpu.memory_space<vmem>>
      %dma_wait3A_110 = tpu.memref_squeeze %dma_wait3A_109 : memref<1x8x1024xf32, #tpu.memory_space<vmem>> -> memref<8x1024xf32, #tpu.memory_space<vmem>>
      %dma_wait3A_111 = arith.constant 0 : i32
      %dma_wait3A_112 = tpu.memref_slice %arg2[%add3A_105, %dma_wait3A_111] : memref<32768x1024xf32, #tpu.memory_space<hbm>> -> memref<8x1024xf32, #tpu.memory_space<hbm>>
      %dma_wait3A_113 = arith.constant 0 : i32
      %dma_wait3A_114 = arith.constant 0 : i32
      %dma_wait3A_115 = tpu.memref_slice %arg7[%dma_wait3A_106, %dma_wait3A_113, %dma_wait3A_114] : memref<4x8x1024xf32, #tpu.memory_space<vmem>> -> memref<1x8x1024xf32, #tpu.memory_space<vmem>>
      %dma_wait3A_116 = tpu.memref_squeeze %dma_wait3A_115 : memref<1x8x1024xf32, #tpu.memory_space<vmem>> -> memref<8x1024xf32, #tpu.memory_space<vmem>>
      %dma_wait3A_117 = arith.constant 0 : i32
      %dma_wait3A_118 = tpu.memref_slice %arg2[%add3A_105, %dma_wait3A_117] : memref<32768x1024xf32, #tpu.memory_space<hbm>> -> memref<8x1024xf32, #tpu.memory_space<hbm>>
      tpu.wait_dma2 semaphore(%arg9 : memref<!tpu.dma_semaphore, #tpu.memory_space<semaphore_mem>>) src(%dma_wait3A_118 : memref<8x1024xf32, #tpu.memory_space<hbm>>) dst(%dma_wait3A_116 : memref<8x1024xf32, #tpu.memory_space<vmem>>)
      %mul3A_119 = arith.constant 8 : i32
      %mul3A_120 = arith.muli %add3A_94, %mul3A_119 : i32
      %dma_wait3A_121 = arith.constant 0 : i32
      %dma_wait3A_122 = arith.constant 0 : i32
      %dma_wait3A_123 = arith.constant 0 : i32
      %dma_wait3A_124 = tpu.memref_slice %arg8[%dma_wait3A_121, %dma_wait3A_122, %dma_wait3A_123] : memref<4x8x1024xf32, #tpu.memory_space<vmem>> -> memref<1x8x1024xf32, #tpu.memory_space<vmem>>
      %dma_wait3A_125 = tpu.memref_squeeze %dma_wait3A_124 : memref<1x8x1024xf32, #tpu.memory_space<vmem>> -> memref<8x1024xf32, #tpu.memory_space<vmem>>
      %dma_wait3A_126 = tpu.memref_slice %arg6[%mul3A_120] : memref<1024xi32, #tpu.memory_space<vmem>> -> memref<8xi32, #tpu.memory_space<vmem>>
      %dma_wait3A_127 = arith.constant 0 : i32
      %dma_wait3A_128 = arith.constant 0 : i32
      %dma_wait3A_129 = tpu.memref_slice %arg4[%dma_wait3A_127, %dma_wait3A_128] : memref<8192x1024xf32, #tpu.memory_space<hbm>> -> memref<8192x1024xf32, #tpu.memory_space<hbm>>
      tpu.wait_indirect_dma semaphore(%arg13 : memref<!tpu.dma_semaphore, #tpu.memory_space<semaphore_mem>>) src(%dma_wait3A_129 : memref<8192x1024xf32, #tpu.memory_space<hbm>>) dst(%dma_wait3A_125 : memref<8x1024xf32, #tpu.memory_space<vmem>>)
      %scan3A_130 = arith.constant 0 : i32
      %scan3A_131 = arith.constant 0 : i32
      %scan3A_132 = arith.constant 8 : i32
      %scan3A_133 = arith.addi %scan3A_131, %scan3A_132 : i32
      %scan3A_134 = arith.constant 1 : i32
      scf.for %scan3A_347 = %scan3A_131 to %scan3A_133 step %scan3A_134  : i32 {
        %get3A = arith.constant 0 : i32
        %get3A_348 = arith.index_cast %get3A : i32 to index
        %get3A_349 = arith.index_cast %scan3A_347 : i32 to index
        %get3A_350 = arith.constant 0 : index
        %get3A_351 = tpu.vector_load %arg8[%get3A_348, %get3A_349, %get3A_350] {strides = array<i32>} : memref<4x8x1024xf32, #tpu.memory_space<vmem>>, vector<1x1x16xf32>,
        %get3A_352 = vector.shape_cast %get3A_351 : vector<1x1x16xf32> to vector<16xf32>
        %swap3A = arith.constant 0 : i32
        %swap3A_353 = arith.index_cast %swap3A : i32 to index
        %swap3A_354 = arith.index_cast %scan3A_347 : i32 to index
        %swap3A_355 = arith.constant 0 : index
        %swap3A_356 = tpu.vector_load %arg7[%swap3A_353, %swap3A_354, %swap3A_355] {strides = array<i32>} : memref<4x8x1024xf32, #tpu.memory_space<vmem>>, vector<1x1x16xf32>,
        %swap3A_357 = vector.shape_cast %swap3A_356 : vector<1x1x16xf32> to vector<16xf32>
        %swap3A_358 = vector.shape_cast %get3A_352 : vector<16xf32> to vector<1x1x16xf32>
        tpu.vector_store %arg7[%swap3A_353, %swap3A_354, %swap3A_355], %swap3A_358 {add = true, strides = array<i32>} : memref<4x8x1024xf32, #tpu.memory_space<vmem>>, vector<1x1x16xf32>,
        %get3A_359 = arith.constant 0 : i32
        %get3A_360 = arith.index_cast %get3A_359 : i32 to index
        %get3A_361 = arith.index_cast %scan3A_347 : i32 to index
        %get3A_362 = arith.constant 16 : index
        %get3A_363 = tpu.vector_load %arg8[%get3A_360, %get3A_361, %get3A_362] {strides = array<i32>} : memref<4x8x1024xf32, #tpu.memory_space<vmem>>, vector<1x1x16xf32>,
        %get3A_364 = vector.shape_cast %get3A_363 : vector<1x1x16xf32> to vector<16xf32>
        %swap3A_365 = arith.constant 0 : i32
        %swap3A_366 = arith.index_cast %swap3A_365 : i32 to index
        %swap3A_367 = arith.index_cast %scan3A_347 : i32 to index
        %swap3A_368 = arith.constant 16 : index
        %swap3A_369 = tpu.vector_load %arg7[%swap3A_366, %swap3A_367, %swap3A_368] {strides = array<i32>} : memref<4x8x1024xf32, #tpu.memory_space<vmem>>, vector<1x1x16xf32>,
        %swap3A_370 = vector.shape_cast %swap3A_369 : vector<1x1x16xf32> to vector<16xf32>
        %swap3A_371 = vector.shape_cast %get3A_364 : vector<16xf32> to vector<1x1x16xf32>
        tpu.vector_store %arg7[%swap3A_366, %swap3A_367, %swap3A_368], %swap3A_371 {add = true, strides = array<i32>} : memref<4x8x1024xf32, #tpu.memory_space<vmem>>, vector<1x1x16xf32>,
        %get3A_372 = arith.constant 0 : i32
        %get3A_373 = arith.index_cast %get3A_372 : i32 to index
        %get3A_374 = arith.index_cast %scan3A_347 : i32 to index
        %get3A_375 = arith.constant 32 : index
        %get3A_376 = tpu.vector_load %arg8[%get3A_373, %get3A_374, %get3A_375] {strides = array<i32>} : memref<4x8x1024xf32, #tpu.memory_space<vmem>>, vector<1x1x16xf32>,
        %get3A_377 = vector.shape_cast %get3A_376 : vector<1x1x16xf32> to vector<16xf32>
        %swap3A_378 = arith.constant 0 : i32
        %swap3A_379 = arith.index_cast %swap3A_378 : i32 to index
        %swap3A_380 = arith.index_cast %scan3A_347 : i32 to index
        %swap3A_381 = arith.constant 32 : index
        %swap3A_382 = tpu.vector_load %arg7[%swap3A_379, %swap3A_380, %swap3A_381] {strides = array<i32>} : memref<4x8x1024xf32, #tpu.memory_space<vmem>>, vector<1x1x16xf32>,
        %swap3A_383 = vector.shape_cast %swap3A_382 : vector<1x1x16xf32> to vector<16xf32>
        %swap3A_384 = vector.shape_cast %get3A_377 : vector<16xf32> to vector<1x1x16xf32>
        tpu.vector_store %arg7[%swap3A_379, %swap3A_380, %swap3A_381], %swap3A_384 {add = true, strides = array<i32>} : memref<4x8x1024xf32, #tpu.memory_space<vmem>>, vector<1x1x16xf32>,
        %get3A_385 = arith.constant 0 : i32
        %get3A_386 = arith.index_cast %get3A_385 : i32 to index
        %get3A_387 = arith.index_cast %scan3A_347 : i32 to index
        %get3A_388 = arith.constant 48 : index
        %get3A_389 = tpu.vector_load %arg8[%get3A_386, %get3A_387, %get3A_388] {strides = array<i32>} : memref<4x8x1024xf32, #tpu.memory_space<vmem>>, vector<1x1x16xf32>,
        %get3A_390 = vector.shape_cast %get3A_389 : vector<1x1x16xf32> to vector<16xf32>
        %swap3A_391 = arith.constant 0 : i32
        %swap3A_392 = arith.index_cast %swap3A_391 : i32 to index
        %swap3A_393 = arith.index_cast %scan3A_347 : i32 to index
        %swap3A_394 = arith.constant 48 : index
        %swap3A_395 = tpu.vector_load %arg7[%swap3A_392, %swap3A_393, %swap3A_394] {strides = array<i32>} : memref<4x8x1024xf32, #tpu.memory_space<vmem>>, vector<1x1x16xf32>,
        %swap3A_396 = vector.shape_cast %swap3A_395 : vector<1x1x16xf32> to vector<16xf32>
        %swap3A_397 = vector.shape_cast %get3A_390 : vector<16xf32> to vector<1x1x16xf32>
        tpu.vector_store %arg7[%swap3A_392, %swap3A_393, %swap3A_394], %swap3A_397 {add = true, strides = array<i32>} : memref<4x8x1024xf32, #tpu.memory_space<vmem>>, vector<1x1x16xf32>,
        %get3A_398 = arith.constant 0 : i32
        %get3A_399 = arith.index_cast %get3A_398 : i32 to index
        %get3A_400 = arith.index_cast %scan3A_347 : i32 to index
        %get3A_401 = arith.constant 64 : index
        %get3A_402 = tpu.vector_load %arg8[%get3A_399, %get3A_400, %get3A_401] {strides = array<i32>} : memref<4x8x1024xf32, #tpu.memory_space<vmem>>, vector<1x1x16xf32>,
        %get3A_403 = vector.shape_cast %get3A_402 : vector<1x1x16xf32> to vector<16xf32>
        %swap3A_404 = arith.constant 0 : i32
        %swap3A_405 = arith.index_cast %swap3A_404 : i32 to index
        %swap3A_406 = arith.index_cast %scan3A_347 : i32 to index
        %swap3A_407 = arith.constant 64 : index
        %swap3A_408 = tpu.vector_load %arg7[%swap3A_405, %swap3A_406, %swap3A_407] {strides = array<i32>} : memref<4x8x1024xf32, #tpu.memory_space<vmem>>, vector<1x1x16xf32>,
        %swap3A_409 = vector.shape_cast %swap3A_408 : vector<1x1x16xf32> to vector<16xf32>
        %swap3A_410 = vector.shape_cast %get3A_403 : vector<16xf32> to vector<1x1x16xf32>
        tpu.vector_store %arg7[%swap3A_405, %swap3A_406, %swap3A_407], %swap3A_410 {add = true, strides = array<i32>} : memref<4x8x1024xf32, #tpu.memory_space<vmem>>, vector<1x1x16xf32>,
        %get3A_411 = arith.constant 0 : i32
        %get3A_412 = arith.index_cast %get3A_411 : i32 to index
        %get3A_413 = arith.index_cast %scan3A_347 : i32 to index
        %get3A_414 = arith.constant 80 : index
        %get3A_415 = tpu.vector_load %arg8[%get3A_412, %get3A_413, %get3A_414] {strides = array<i32>} : memref<4x8x1024xf32, #tpu.memory_space<vmem>>, vector<1x1x16xf32>,
        %get3A_416 = vector.shape_cast %get3A_415 : vector<1x1x16xf32> to vector<16xf32>
        %swap3A_417 = arith.constant 0 : i32
        %swap3A_418 = arith.index_cast %swap3A_417 : i32 to index
        %swap3A_419 = arith.index_cast %scan3A_347 : i32 to index
        %swap3A_420 = arith.constant 80 : index
        %swap3A_421 = tpu.vector_load %arg7[%swap3A_418, %swap3A_419, %swap3A_420] {strides = array<i32>} : memref<4x8x1024xf32, #tpu.memory_space<vmem>>, vector<1x1x16xf32>,
        %swap3A_422 = vector.shape_cast %swap3A_421 : vector<1x1x16xf32> to vector<16xf32>
        %swap3A_423 = vector.shape_cast %get3A_416 : vector<16xf32> to vector<1x1x16xf32>
        tpu.vector_store %arg7[%swap3A_418, %swap3A_419, %swap3A_420], %swap3A_423 {add = true, strides = array<i32>} : memref<4x8x1024xf32, #tpu.memory_space<vmem>>, vector<1x1x16xf32>,
        %get3A_424 = arith.constant 0 : i32
        %get3A_425 = arith.index_cast %get3A_424 : i32 to index
        %get3A_426 = arith.index_cast %scan3A_347 : i32 to index
        %get3A_427 = arith.constant 96 : index
        %get3A_428 = tpu.vector_load %arg8[%get3A_425, %get3A_426, %get3A_427] {strides = array<i32>} : memref<4x8x1024xf32, #tpu.memory_space<vmem>>, vector<1x1x16xf32>,
        %get3A_429 = vector.shape_cast %get3A_428 : vector<1x1x16xf32> to vector<16xf32>
        %swap3A_430 = arith.constant 0 : i32
        %swap3A_431 = arith.index_cast %swap3A_430 : i32 to index
        %swap3A_432 = arith.index_cast %scan3A_347 : i32 to index
        %swap3A_433 = arith.constant 96 : index
        %swap3A_434 = tpu.vector_load %arg7[%swap3A_431, %swap3A_432, %swap3A_433] {strides = array<i32>} : memref<4x8x1024xf32, #tpu.memory_space<vmem>>, vector<1x1x16xf32>,
        %swap3A_435 = vector.shape_cast %swap3A_434 : vector<1x1x16xf32> to vector<16xf32>
        %swap3A_436 = vector.shape_cast %get3A_429 : vector<16xf32> to vector<1x1x16xf32>
        tpu.vector_store %arg7[%swap3A_431, %swap3A_432, %swap3A_433], %swap3A_436 {add = true, strides = array<i32>} : memref<4x8x1024xf32, #tpu.memory_space<vmem>>, vector<1x1x16xf32>,
        %get3A_437 = arith.constant 0 : i32
        %get3A_438 = arith.index_cast %get3A_437 : i32 to index
        %get3A_439 = arith.index_cast %scan3A_347 : i32 to index
        %get3A_440 = arith.constant 112 : index
        %get3A_441 = tpu.vector_load %arg8[%get3A_438, %get3A_439, %get3A_440] {strides = array<i32>} : memref<4x8x1024xf32, #tpu.memory_space<vmem>>, vector<1x1x16xf32>,
        %get3A_442 = vector.shape_cast %get3A_441 : vector<1x1x16xf32> to vector<16xf32>
        %swap3A_443 = arith.constant 0 : i32
        %swap3A_444 = arith.index_cast %swap3A_443 : i32 to index
        %swap3A_445 = arith.index_cast %scan3A_347 : i32 to index
        %swap3A_446 = arith.constant 112 : index
        %swap3A_447 = tpu.vector_load %arg7[%swap3A_444, %swap3A_445, %swap3A_446] {strides = array<i32>} : memref<4x8x1024xf32, #tpu.memory_space<vmem>>, vector<1x1x16xf32>,
        %swap3A_448 = vector.shape_cast %swap3A_447 : vector<1x1x16xf32> to vector<16xf32>
        %swap3A_449 = vector.shape_cast %get3A_442 : vector<16xf32> to vector<1x1x16xf32>
        tpu.vector_store %arg7[%swap3A_444, %swap3A_445, %swap3A_446], %swap3A_449 {add = true, strides = array<i32>} : memref<4x8x1024xf32, #tpu.memory_space<vmem>>, vector<1x1x16xf32>,
        %get3A_450 = arith.constant 0 : i32
        %get3A_451 = arith.index_cast %get3A_450 : i32 to index
        %get3A_452 = arith.index_cast %scan3A_347 : i32 to index
        %get3A_453 = arith.constant 128 : index
        %get3A_454 = tpu.vector_load %arg8[%get3A_451, %get3A_452, %get3A_453] {strides = array<i32>} : memref<4x8x1024xf32, #tpu.memory_space<vmem>>, vector<1x1x16xf32>,
        %get3A_455 = vector.shape_cast %get3A_454 : vector<1x1x16xf32> to vector<16xf32>
        %swap3A_456 = arith.constant 0 : i32
        %swap3A_457 = arith.index_cast %swap3A_456 : i32 to index
        %swap3A_458 = arith.index_cast %scan3A_347 : i32 to index
        %swap3A_459 = arith.constant 128 : index
        %swap3A_460 = tpu.vector_load %arg7[%swap3A_457, %swap3A_458, %swap3A_459] {strides = array<i32>} : memref<4x8x1024xf32, #tpu.memory_space<vmem>>, vector<1x1x16xf32>,
        %swap3A_461 = vector.shape_cast %swap3A_460 : vector<1x1x16xf32> to vector<16xf32>
        %swap3A_462 = vector.shape_cast %get3A_455 : vector<16xf32> to vector<1x1x16xf32>
        tpu.vector_store %arg7[%swap3A_457, %swap3A_458, %swap3A_459], %swap3A_462 {add = true, strides = array<i32>} : memref<4x8x1024xf32, #tpu.memory_space<vmem>>, vector<1x1x16xf32>,
        %get3A_463 = arith.constant 0 : i32
        %get3A_464 = arith.index_cast %get3A_463 : i32 to index
        %get3A_465 = arith.index_cast %scan3A_347 : i32 to index
        %get3A_466 = arith.constant 144 : index
        %get3A_467 = tpu.vector_load %arg8[%get3A_464, %get3A_465, %get3A_466] {strides = array<i32>} : memref<4x8x1024xf32, #tpu.memory_space<vmem>>, vector<1x1x16xf32>,
        %get3A_468 = vector.shape_cast %get3A_467 : vector<1x1x16xf32> to vector<16xf32>
        %swap3A_469 = arith.constant 0 : i32
        %swap3A_470 = arith.index_cast %swap3A_469 : i32 to index
        %swap3A_471 = arith.index_cast %scan3A_347 : i32 to index
        %swap3A_472 = arith.constant 144 : index
        %swap3A_473 = tpu.vector_load %arg7[%swap3A_470, %swap3A_471, %swap3A_472] {strides = array<i32>} : memref<4x8x1024xf32, #tpu.memory_space<vmem>>, vector<1x1x16xf32>,
        %swap3A_474 = vector.shape_cast %swap3A_473 : vector<1x1x16xf32> to vector<16xf32>
        %swap3A_475 = vector.shape_cast %get3A_468 : vector<16xf32> to vector<1x1x16xf32>
        tpu.vector_store %arg7[%swap3A_470, %swap3A_471, %swap3A_472], %swap3A_475 {add = true, strides = array<i32>} : memref<4x8x1024xf32, #tpu.memory_space<vmem>>, vector<1x1x16xf32>,
        %get3A_476 = arith.constant 0 : i32
        %get3A_477 = arith.index_cast %get3A_476 : i32 to index
        %get3A_478 = arith.index_cast %scan3A_347 : i32 to index
        %get3A_479 = arith.constant 160 : index
        %get3A_480 = tpu.vector_load %arg8[%get3A_477, %get3A_478, %get3A_479] {strides = array<i32>} : memref<4x8x1024xf32, #tpu.memory_space<vmem>>, vector<1x1x16xf32>,
        %get3A_481 = vector.shape_cast %get3A_480 : vector<1x1x16xf32> to vector<16xf32>
        %swap3A_482 = arith.constant 0 : i32
        %swap3A_483 = arith.index_cast %swap3A_482 : i32 to index
        %swap3A_484 = arith.index_cast %scan3A_347 : i32 to index
        %swap3A_485 = arith.constant 160 : index
        %swap3A_486 = tpu.vector_load %arg7[%swap3A_483, %swap3A_484, %swap3A_485] {strides = array<i32>} : memref<4x8x1024xf32, #tpu.memory_space<vmem>>, vector<1x1x16xf32>,
        %swap3A_487 = vector.shape_cast %swap3A_486 : vector<1x1x16xf32> to vector<16xf32>
        %swap3A_488 = vector.shape_cast %get3A_481 : vector<16xf32> to vector<1x1x16xf32>
        tpu.vector_store %arg7[%swap3A_483, %swap3A_484, %swap3A_485], %swap3A_488 {add = true, strides = array<i32>} : memref<4x8x1024xf32, #tpu.memory_space<vmem>>, vector<1x1x16xf32>,
        %get3A_489 = arith.constant 0 : i32
        %get3A_490 = arith.index_cast %get3A_489 : i32 to index
        %get3A_491 = arith.index_cast %scan3A_347 : i32 to index
        %get3A_492 = arith.constant 176 : index
        %get3A_493 = tpu.vector_load %arg8[%get3A_490, %get3A_491, %get3A_492] {strides = array<i32>} : memref<4x8x1024xf32, #tpu.memory_space<vmem>>, vector<1x1x16xf32>,
        %get3A_494 = vector.shape_cast %get3A_493 : vector<1x1x16xf32> to vector<16xf32>
        %swap3A_495 = arith.constant 0 : i32
        %swap3A_496 = arith.index_cast %swap3A_495 : i32 to index
        %swap3A_497 = arith.index_cast %scan3A_347 : i32 to index
        %swap3A_498 = arith.constant 176 : index
        %swap3A_499 = tpu.vector_load %arg7[%swap3A_496, %swap3A_497, %swap3A_498] {strides = array<i32>} : memref<4x8x1024xf32, #tpu.memory_space<vmem>>, vector<1x1x16xf32>,
        %swap3A_500 = vector.shape_cast %swap3A_499 : vector<1x1x16xf32> to vector<16xf32>
        %swap3A_501 = vector.shape_cast %get3A_494 : vector<16xf32> to vector<1x1x16xf32>
        tpu.vector_store %arg7[%swap3A_496, %swap3A_497, %swap3A_498], %swap3A_501 {add = true, strides = array<i32>} : memref<4x8x1024xf32, #tpu.memory_space<vmem>>, vector<1x1x16xf32>,
        %get3A_502 = arith.constant 0 : i32
        %get3A_503 = arith.index_cast %get3A_502 : i32 to index
        %get3A_504 = arith.index_cast %scan3A_347 : i32 to index
        %get3A_505 = arith.constant 192 : index
        %get3A_506 = tpu.vector_load %arg8[%get3A_503, %get3A_504, %get3A_505] {strides = array<i32>} : memref<4x8x1024xf32, #tpu.memory_space<vmem>>, vector<1x1x16xf32>,
        %get3A_507 = vector.shape_cast %get3A_506 : vector<1x1x16xf32> to vector<16xf32>
        %swap3A_508 = arith.constant 0 : i32
        %swap3A_509 = arith.index_cast %swap3A_508 : i32 to index
        %swap3A_510 = arith.index_cast %scan3A_347 : i32 to index
        %swap3A_511 = arith.constant 192 : index
        %swap3A_512 = tpu.vector_load %arg7[%swap3A_509, %swap3A_510, %swap3A_511] {strides = array<i32>} : memref<4x8x1024xf32, #tpu.memory_space<vmem>>, vector<1x1x16xf32>,
        %swap3A_513 = vector.shape_cast %swap3A_512 : vector<1x1x16xf32> to vector<16xf32>
        %swap3A_514 = vector.shape_cast %get3A_507 : vector<16xf32> to vector<1x1x16xf32>
        tpu.vector_store %arg7[%swap3A_509, %swap3A_510, %swap3A_511], %swap3A_514 {add = true, strides = array<i32>} : memref<4x8x1024xf32, #tpu.memory_space<vmem>>, vector<1x1x16xf32>,
        %get3A_515 = arith.constant 0 : i32
        %get3A_516 = arith.index_cast %get3A_515 : i32 to index
        %get3A_517 = arith.index_cast %scan3A_347 : i32 to index
        %get3A_518 = arith.constant 208 : index
        %get3A_519 = tpu.vector_load %arg8[%get3A_516, %get3A_517, %get3A_518] {strides = array<i32>} : memref<4x8x1024xf32, #tpu.memory_space<vmem>>, vector<1x1x16xf32>,
        %get3A_520 = vector.shape_cast %get3A_519 : vector<1x1x16xf32> to vector<16xf32>
        %swap3A_521 = arith.constant 0 : i32
        %swap3A_522 = arith.index_cast %swap3A_521 : i32 to index
        %swap3A_523 = arith.index_cast %scan3A_347 : i32 to index
        %swap3A_524 = arith.constant 208 : index
        %swap3A_525 = tpu.vector_load %arg7[%swap3A_522, %swap3A_523, %swap3A_524] {strides = array<i32>} : memref<4x8x1024xf32, #tpu.memory_space<vmem>>, vector<1x1x16xf32>,
        %swap3A_526 = vector.shape_cast %swap3A_525 : vector<1x1x16xf32> to vector<16xf32>
        %swap3A_527 = vector.shape_cast %get3A_520 : vector<16xf32> to vector<1x1x16xf32>
        tpu.vector_store %arg7[%swap3A_522, %swap3A_523, %swap3A_524], %swap3A_527 {add = true, strides = array<i32>} : memref<4x8x1024xf32, #tpu.memory_space<vmem>>, vector<1x1x16xf32>,
        %get3A_528 = arith.constant 0 : i32
        %get3A_529 = arith.index_cast %get3A_528 : i32 to index
        %get3A_530 = arith.index_cast %scan3A_347 : i32 to index
        %get3A_531 = arith.constant 224 : index
        %get3A_532 = tpu.vector_load %arg8[%get3A_529, %get3A_530, %get3A_531] {strides = array<i32>} : memref<4x8x1024xf32, #tpu.memory_space<vmem>>, vector<1x1x16xf32>,
        %get3A_533 = vector.shape_cast %get3A_532 : vector<1x1x16xf32> to vector<16xf32>
        %swap3A_534 = arith.constant 0 : i32
        %swap3A_535 = arith.index_cast %swap3A_534 : i32 to index
        %swap3A_536 = arith.index_cast %scan3A_347 : i32 to index
        %swap3A_537 = arith.constant 224 : index
        %swap3A_538 = tpu.vector_load %arg7[%swap3A_535, %swap3A_536, %swap3A_537] {strides = array<i32>} : memref<4x8x1024xf32, #tpu.memory_space<vmem>>, vector<1x1x16xf32>,
        %swap3A_539 = vector.shape_cast %swap3A_538 : vector<1x1x16xf32> to vector<16xf32>
        %swap3A_540 = vector.shape_cast %get3A_533 : vector<16xf32> to vector<1x1x16xf32>
        tpu.vector_store %arg7[%swap3A_535, %swap3A_536, %swap3A_537], %swap3A_540 {add = true, strides = array<i32>} : memref<4x8x1024xf32, #tpu.memory_space<vmem>>, vector<1x1x16xf32>,
        %get3A_541 = arith.constant 0 : i32
        %get3A_542 = arith.index_cast %get3A_541 : i32 to index
        %get3A_543 = arith.index_cast %scan3A_347 : i32 to index
        %get3A_544 = arith.constant 240 : index
        %get3A_545 = tpu.vector_load %arg8[%get3A_542, %get3A_543, %get3A_544] {strides = array<i32>} : memref<4x8x1024xf32, #tpu.memory_space<vmem>>, vector<1x1x16xf32>,
        %get3A_546 = vector.shape_cast %get3A_545 : vector<1x1x16xf32> to vector<16xf32>
        %swap3A_547 = arith.constant 0 : i32
        %swap3A_548 = arith.index_cast %swap3A_547 : i32 to index
        %swap3A_549 = arith.index_cast %scan3A_347 : i32 to index
        %swap3A_550 = arith.constant 240 : index
        %swap3A_551 = tpu.vector_load %arg7[%swap3A_548, %swap3A_549, %swap3A_550] {strides = array<i32>} : memref<4x8x1024xf32, #tpu.memory_space<vmem>>, vector<1x1x16xf32>,
        %swap3A_552 = vector.shape_cast %swap3A_551 : vector<1x1x16xf32> to vector<16xf32>
        %swap3A_553 = vector.shape_cast %get3A_546 : vector<16xf32> to vector<1x1x16xf32>
        tpu.vector_store %arg7[%swap3A_548, %swap3A_549, %swap3A_550], %swap3A_553 {add = true, strides = array<i32>} : memref<4x8x1024xf32, #tpu.memory_space<vmem>>, vector<1x1x16xf32>,
        %get3A_554 = arith.constant 0 : i32
        %get3A_555 = arith.index_cast %get3A_554 : i32 to index
        %get3A_556 = arith.index_cast %scan3A_347 : i32 to index
        %get3A_557 = arith.constant 256 : index
        %get3A_558 = tpu.vector_load %arg8[%get3A_555, %get3A_556, %get3A_557] {strides = array<i32>} : memref<4x8x1024xf32, #tpu.memory_space<vmem>>, vector<1x1x16xf32>,
        %get3A_559 = vector.shape_cast %get3A_558 : vector<1x1x16xf32> to vector<16xf32>
        %swap3A_560 = arith.constant 0 : i32
        %swap3A_561 = arith.index_cast %swap3A_560 : i32 to index
        %swap3A_562 = arith.index_cast %scan3A_347 : i32 to index
        %swap3A_563 = arith.constant 256 : index
        %swap3A_564 = tpu.vector_load %arg7[%swap3A_561, %swap3A_562, %swap3A_563] {strides = array<i32>} : memref<4x8x1024xf32, #tpu.memory_space<vmem>>, vector<1x1x16xf32>,
        %swap3A_565 = vector.shape_cast %swap3A_564 : vector<1x1x16xf32> to vector<16xf32>
        %swap3A_566 = vector.shape_cast %get3A_559 : vector<16xf32> to vector<1x1x16xf32>
        tpu.vector_store %arg7[%swap3A_561, %swap3A_562, %swap3A_563], %swap3A_566 {add = true, strides = array<i32>} : memref<4x8x1024xf32, #tpu.memory_space<vmem>>, vector<1x1x16xf32>,
        %get3A_567 = arith.constant 0 : i32
        %get3A_568 = arith.index_cast %get3A_567 : i32 to index
        %get3A_569 = arith.index_cast %scan3A_347 : i32 to index
        %get3A_570 = arith.constant 272 : index
        %get3A_571 = tpu.vector_load %arg8[%get3A_568, %get3A_569, %get3A_570] {strides = array<i32>} : memref<4x8x1024xf32, #tpu.memory_space<vmem>>, vector<1x1x16xf32>,
        %get3A_572 = vector.shape_cast %get3A_571 : vector<1x1x16xf32> to vector<16xf32>
        %swap3A_573 = arith.constant 0 : i32
        %swap3A_574 = arith.index_cast %swap3A_573 : i32 to index
        %swap3A_575 = arith.index_cast %scan3A_347 : i32 to index
        %swap3A_576 = arith.constant 272 : index
        %swap3A_577 = tpu.vector_load %arg7[%swap3A_574, %swap3A_575, %swap3A_576] {strides = array<i32>} : memref<4x8x1024xf32, #tpu.memory_space<vmem>>, vector<1x1x16xf32>,
        %swap3A_578 = vector.shape_cast %swap3A_577 : vector<1x1x16xf32> to vector<16xf32>
        %swap3A_579 = vector.shape_cast %get3A_572 : vector<16xf32> to vector<1x1x16xf32>
        tpu.vector_store %arg7[%swap3A_574, %swap3A_575, %swap3A_576], %swap3A_579 {add = true, strides = array<i32>} : memref<4x8x1024xf32, #tpu.memory_space<vmem>>, vector<1x1x16xf32>,
        %get3A_580 = arith.constant 0 : i32
        %get3A_581 = arith.index_cast %get3A_580 : i32 to index
        %get3A_582 = arith.index_cast %scan3A_347 : i32 to index
        %get3A_583 = arith.constant 288 : index
        %get3A_584 = tpu.vector_load %arg8[%get3A_581, %get3A_582, %get3A_583] {strides = array<i32>} : memref<4x8x1024xf32, #tpu.memory_space<vmem>>, vector<1x1x16xf32>,
        %get3A_585 = vector.shape_cast %get3A_584 : vector<1x1x16xf32> to vector<16xf32>
        %swap3A_586 = arith.constant 0 : i32
        %swap3A_587 = arith.index_cast %swap3A_586 : i32 to index
        %swap3A_588 = arith.index_cast %scan3A_347 : i32 to index
        %swap3A_589 = arith.constant 288 : index
        %swap3A_590 = tpu.vector_load %arg7[%swap3A_587, %swap3A_588, %swap3A_589] {strides = array<i32>} : memref<4x8x1024xf32, #tpu.memory_space<vmem>>, vector<1x1x16xf32>,
        %swap3A_591 = vector.shape_cast %swap3A_590 : vector<1x1x16xf32> to vector<16xf32>
        %swap3A_592 = vector.shape_cast %get3A_585 : vector<16xf32> to vector<1x1x16xf32>
        tpu.vector_store %arg7[%swap3A_587, %swap3A_588, %swap3A_589], %swap3A_592 {add = true, strides = array<i32>} : memref<4x8x1024xf32, #tpu.memory_space<vmem>>, vector<1x1x16xf32>,
        %get3A_593 = arith.constant 0 : i32
        %get3A_594 = arith.index_cast %get3A_593 : i32 to index
        %get3A_595 = arith.index_cast %scan3A_347 : i32 to index
        %get3A_596 = arith.constant 304 : index
        %get3A_597 = tpu.vector_load %arg8[%get3A_594, %get3A_595, %get3A_596] {strides = array<i32>} : memref<4x8x1024xf32, #tpu.memory_space<vmem>>, vector<1x1x16xf32>,
        %get3A_598 = vector.shape_cast %get3A_597 : vector<1x1x16xf32> to vector<16xf32>
        %swap3A_599 = arith.constant 0 : i32
        %swap3A_600 = arith.index_cast %swap3A_599 : i32 to index
        %swap3A_601 = arith.index_cast %scan3A_347 : i32 to index
        %swap3A_602 = arith.constant 304 : index
        %swap3A_603 = tpu.vector_load %arg7[%swap3A_600, %swap3A_601, %swap3A_602] {strides = array<i32>} : memref<4x8x1024xf32, #tpu.memory_space<vmem>>, vector<1x1x16xf32>,
        %swap3A_604 = vector.shape_cast %swap3A_603 : vector<1x1x16xf32> to vector<16xf32>
        %swap3A_605 = vector.shape_cast %get3A_598 : vector<16xf32> to vector<1x1x16xf32>
        tpu.vector_store %arg7[%swap3A_600, %swap3A_601, %swap3A_602], %swap3A_605 {add = true, strides = array<i32>} : memref<4x8x1024xf32, #tpu.memory_space<vmem>>, vector<1x1x16xf32>,
        %get3A_606 = arith.constant 0 : i32
        %get3A_607 = arith.index_cast %get3A_606 : i32 to index
        %get3A_608 = arith.index_cast %scan3A_347 : i32 to index
        %get3A_609 = arith.constant 320 : index
        %get3A_610 = tpu.vector_load %arg8[%get3A_607, %get3A_608, %get3A_609] {strides = array<i32>} : memref<4x8x1024xf32, #tpu.memory_space<vmem>>, vector<1x1x16xf32>,
        %get3A_611 = vector.shape_cast %get3A_610 : vector<1x1x16xf32> to vector<16xf32>
        %swap3A_612 = arith.constant 0 : i32
        %swap3A_613 = arith.index_cast %swap3A_612 : i32 to index
        %swap3A_614 = arith.index_cast %scan3A_347 : i32 to index
        %swap3A_615 = arith.constant 320 : index
        %swap3A_616 = tpu.vector_load %arg7[%swap3A_613, %swap3A_614, %swap3A_615] {strides = array<i32>} : memref<4x8x1024xf32, #tpu.memory_space<vmem>>, vector<1x1x16xf32>,
        %swap3A_617 = vector.shape_cast %swap3A_616 : vector<1x1x16xf32> to vector<16xf32>
        %swap3A_618 = vector.shape_cast %get3A_611 : vector<16xf32> to vector<1x1x16xf32>
        tpu.vector_store %arg7[%swap3A_613, %swap3A_614, %swap3A_615], %swap3A_618 {add = true, strides = array<i32>} : memref<4x8x1024xf32, #tpu.memory_space<vmem>>, vector<1x1x16xf32>,
        %get3A_619 = arith.constant 0 : i32
        %get3A_620 = arith.index_cast %get3A_619 : i32 to index
        %get3A_621 = arith.index_cast %scan3A_347 : i32 to index
        %get3A_622 = arith.constant 336 : index
        %get3A_623 = tpu.vector_load %arg8[%get3A_620, %get3A_621, %get3A_622] {strides = array<i32>} : memref<4x8x1024xf32, #tpu.memory_space<vmem>>, vector<1x1x16xf32>,
        %get3A_624 = vector.shape_cast %get3A_623 : vector<1x1x16xf32> to vector<16xf32>
        %swap3A_625 = arith.constant 0 : i32
        %swap3A_626 = arith.index_cast %swap3A_625 : i32 to index
        %swap3A_627 = arith.index_cast %scan3A_347 : i32 to index
        %swap3A_628 = arith.constant 336 : index
        %swap3A_629 = tpu.vector_load %arg7[%swap3A_626, %swap3A_627, %swap3A_628] {strides = array<i32>} : memref<4x8x1024xf32, #tpu.memory_space<vmem>>, vector<1x1x16xf32>,
        %swap3A_630 = vector.shape_cast %swap3A_629 : vector<1x1x16xf32> to vector<16xf32>
        %swap3A_631 = vector.shape_cast %get3A_624 : vector<16xf32> to vector<1x1x16xf32>
        tpu.vector_store %arg7[%swap3A_626, %swap3A_627, %swap3A_628], %swap3A_631 {add = true, strides = array<i32>} : memref<4x8x1024xf32, #tpu.memory_space<vmem>>, vector<1x1x16xf32>,
        %get3A_632 = arith.constant 0 : i32
        %get3A_633 = arith.index_cast %get3A_632 : i32 to index
        %get3A_634 = arith.index_cast %scan3A_347 : i32 to index
        %get3A_635 = arith.constant 352 : index
        %get3A_636 = tpu.vector_load %arg8[%get3A_633, %get3A_634, %get3A_635] {strides = array<i32>} : memref<4x8x1024xf32, #tpu.memory_space<vmem>>, vector<1x1x16xf32>,
        %get3A_637 = vector.shape_cast %get3A_636 : vector<1x1x16xf32> to vector<16xf32>
        %swap3A_638 = arith.constant 0 : i32
        %swap3A_639 = arith.index_cast %swap3A_638 : i32 to index
        %swap3A_640 = arith.index_cast %scan3A_347 : i32 to index
        %swap3A_641 = arith.constant 352 : index
        %swap3A_642 = tpu.vector_load %arg7[%swap3A_639, %swap3A_640, %swap3A_641] {strides = array<i32>} : memref<4x8x1024xf32, #tpu.memory_space<vmem>>, vector<1x1x16xf32>,
        %swap3A_643 = vector.shape_cast %swap3A_642 : vector<1x1x16xf32> to vector<16xf32>
        %swap3A_644 = vector.shape_cast %get3A_637 : vector<16xf32> to vector<1x1x16xf32>
        tpu.vector_store %arg7[%swap3A_639, %swap3A_640, %swap3A_641], %swap3A_644 {add = true, strides = array<i32>} : memref<4x8x1024xf32, #tpu.memory_space<vmem>>, vector<1x1x16xf32>,
        %get3A_645 = arith.constant 0 : i32
        %get3A_646 = arith.index_cast %get3A_645 : i32 to index
        %get3A_647 = arith.index_cast %scan3A_347 : i32 to index
        %get3A_648 = arith.constant 368 : index
        %get3A_649 = tpu.vector_load %arg8[%get3A_646, %get3A_647, %get3A_648] {strides = array<i32>} : memref<4x8x1024xf32, #tpu.memory_space<vmem>>, vector<1x1x16xf32>,
        %get3A_650 = vector.shape_cast %get3A_649 : vector<1x1x16xf32> to vector<16xf32>
        %swap3A_651 = arith.constant 0 : i32
        %swap3A_652 = arith.index_cast %swap3A_651 : i32 to index
        %swap3A_653 = arith.index_cast %scan3A_347 : i32 to index
        %swap3A_654 = arith.constant 368 : index
        %swap3A_655 = tpu.vector_load %arg7[%swap3A_652, %swap3A_653, %swap3A_654] {strides = array<i32>} : memref<4x8x1024xf32, #tpu.memory_space<vmem>>, vector<1x1x16xf32>,
        %swap3A_656 = vector.shape_cast %swap3A_655 : vector<1x1x16xf32> to vector<16xf32>
        %swap3A_657 = vector.shape_cast %get3A_650 : vector<16xf32> to vector<1x1x16xf32>
        tpu.vector_store %arg7[%swap3A_652, %swap3A_653, %swap3A_654], %swap3A_657 {add = true, strides = array<i32>} : memref<4x8x1024xf32, #tpu.memory_space<vmem>>, vector<1x1x16xf32>,
        %get3A_658 = arith.constant 0 : i32
        %get3A_659 = arith.index_cast %get3A_658 : i32 to index
        %get3A_660 = arith.index_cast %scan3A_347 : i32 to index
        %get3A_661 = arith.constant 384 : index
        %get3A_662 = tpu.vector_load %arg8[%get3A_659, %get3A_660, %get3A_661] {strides = array<i32>} : memref<4x8x1024xf32, #tpu.memory_space<vmem>>, vector<1x1x16xf32>,
        %get3A_663 = vector.shape_cast %get3A_662 : vector<1x1x16xf32> to vector<16xf32>
        %swap3A_664 = arith.constant 0 : i32
        %swap3A_665 = arith.index_cast %swap3A_664 : i32 to index
        %swap3A_666 = arith.index_cast %scan3A_347 : i32 to index
        %swap3A_667 = arith.constant 384 : index
        %swap3A_668 = tpu.vector_load %arg7[%swap3A_665, %swap3A_666, %swap3A_667] {strides = array<i32>} : memref<4x8x1024xf32, #tpu.memory_space<vmem>>, vector<1x1x16xf32>,
        %swap3A_669 = vector.shape_cast %swap3A_668 : vector<1x1x16xf32> to vector<16xf32>
        %swap3A_670 = vector.shape_cast %get3A_663 : vector<16xf32> to vector<1x1x16xf32>
        tpu.vector_store %arg7[%swap3A_665, %swap3A_666, %swap3A_667], %swap3A_670 {add = true, strides = array<i32>} : memref<4x8x1024xf32, #tpu.memory_space<vmem>>, vector<1x1x16xf32>,
        %get3A_671 = arith.constant 0 : i32
        %get3A_672 = arith.index_cast %get3A_671 : i32 to index
        %get3A_673 = arith.index_cast %scan3A_347 : i32 to index
        %get3A_674 = arith.constant 400 : index
        %get3A_675 = tpu.vector_load %arg8[%get3A_672, %get3A_673, %get3A_674] {strides = array<i32>} : memref<4x8x1024xf32, #tpu.memory_space<vmem>>, vector<1x1x16xf32>,
        %get3A_676 = vector.shape_cast %get3A_675 : vector<1x1x16xf32> to vector<16xf32>
        %swap3A_677 = arith.constant 0 : i32
        %swap3A_678 = arith.index_cast %swap3A_677 : i32 to index
        %swap3A_679 = arith.index_cast %scan3A_347 : i32 to index
        %swap3A_680 = arith.constant 400 : index
        %swap3A_681 = tpu.vector_load %arg7[%swap3A_678, %swap3A_679, %swap3A_680] {strides = array<i32>} : memref<4x8x1024xf32, #tpu.memory_space<vmem>>, vector<1x1x16xf32>,
        %swap3A_682 = vector.shape_cast %swap3A_681 : vector<1x1x16xf32> to vector<16xf32>
        %swap3A_683 = vector.shape_cast %get3A_676 : vector<16xf32> to vector<1x1x16xf32>
        tpu.vector_store %arg7[%swap3A_678, %swap3A_679, %swap3A_680], %swap3A_683 {add = true, strides = array<i32>} : memref<4x8x1024xf32, #tpu.memory_space<vmem>>, vector<1x1x16xf32>,
        %get3A_684 = arith.constant 0 : i32
        %get3A_685 = arith.index_cast %get3A_684 : i32 to index
        %get3A_686 = arith.index_cast %scan3A_347 : i32 to index
        %get3A_687 = arith.constant 416 : index
        %get3A_688 = tpu.vector_load %arg8[%get3A_685, %get3A_686, %get3A_687] {strides = array<i32>} : memref<4x8x1024xf32, #tpu.memory_space<vmem>>, vector<1x1x16xf32>,
        %get3A_689 = vector.shape_cast %get3A_688 : vector<1x1x16xf32> to vector<16xf32>
        %swap3A_690 = arith.constant 0 : i32
        %swap3A_691 = arith.index_cast %swap3A_690 : i32 to index
        %swap3A_692 = arith.index_cast %scan3A_347 : i32 to index
        %swap3A_693 = arith.constant 416 : index
        %swap3A_694 = tpu.vector_load %arg7[%swap3A_691, %swap3A_692, %swap3A_693] {strides = array<i32>} : memref<4x8x1024xf32, #tpu.memory_space<vmem>>, vector<1x1x16xf32>,
        %swap3A_695 = vector.shape_cast %swap3A_694 : vector<1x1x16xf32> to vector<16xf32>
        %swap3A_696 = vector.shape_cast %get3A_689 : vector<16xf32> to vector<1x1x16xf32>
        tpu.vector_store %arg7[%swap3A_691, %swap3A_692, %swap3A_693], %swap3A_696 {add = true, strides = array<i32>} : memref<4x8x1024xf32, #tpu.memory_space<vmem>>, vector<1x1x16xf32>,
        %get3A_697 = arith.constant 0 : i32
        %get3A_698 = arith.index_cast %get3A_697 : i32 to index
        %get3A_699 = arith.index_cast %scan3A_347 : i32 to index
        %get3A_700 = arith.constant 432 : index
        %get3A_701 = tpu.vector_load %arg8[%get3A_698, %get3A_699, %get3A_700] {strides = array<i32>} : memref<4x8x1024xf32, #tpu.memory_space<vmem>>, vector<1x1x16xf32>,
        %get3A_702 = vector.shape_cast %get3A_701 : vector<1x1x16xf32> to vector<16xf32>
        %swap3A_703 = arith.constant 0 : i32
        %swap3A_704 = arith.index_cast %swap3A_703 : i32 to index
        %swap3A_705 = arith.index_cast %scan3A_347 : i32 to index
        %swap3A_706 = arith.constant 432 : index
        %swap3A_707 = tpu.vector_load %arg7[%swap3A_704, %swap3A_705, %swap3A_706] {strides = array<i32>} : memref<4x8x1024xf32, #tpu.memory_space<vmem>>, vector<1x1x16xf32>,
        %swap3A_708 = vector.shape_cast %swap3A_707 : vector<1x1x16xf32> to vector<16xf32>
        %swap3A_709 = vector.shape_cast %get3A_702 : vector<16xf32> to vector<1x1x16xf32>
        tpu.vector_store %arg7[%swap3A_704, %swap3A_705, %swap3A_706], %swap3A_709 {add = true, strides = array<i32>} : memref<4x8x1024xf32, #tpu.memory_space<vmem>>, vector<1x1x16xf32>,
        %get3A_710 = arith.constant 0 : i32
        %get3A_711 = arith.index_cast %get3A_710 : i32 to index
        %get3A_712 = arith.index_cast %scan3A_347 : i32 to index
        %get3A_713 = arith.constant 448 : index
        %get3A_714 = tpu.vector_load %arg8[%get3A_711, %get3A_712, %get3A_713] {strides = array<i32>} : memref<4x8x1024xf32, #tpu.memory_space<vmem>>, vector<1x1x16xf32>,
        %get3A_715 = vector.shape_cast %get3A_714 : vector<1x1x16xf32> to vector<16xf32>
        %swap3A_716 = arith.constant 0 : i32
        %swap3A_717 = arith.index_cast %swap3A_716 : i32 to index
        %swap3A_718 = arith.index_cast %scan3A_347 : i32 to index
        %swap3A_719 = arith.constant 448 : index
        %swap3A_720 = tpu.vector_load %arg7[%swap3A_717, %swap3A_718, %swap3A_719] {strides = array<i32>} : memref<4x8x1024xf32, #tpu.memory_space<vmem>>, vector<1x1x16xf32>,
        %swap3A_721 = vector.shape_cast %swap3A_720 : vector<1x1x16xf32> to vector<16xf32>
        %swap3A_722 = vector.shape_cast %get3A_715 : vector<16xf32> to vector<1x1x16xf32>
        tpu.vector_store %arg7[%swap3A_717, %swap3A_718, %swap3A_719], %swap3A_722 {add = true, strides = array<i32>} : memref<4x8x1024xf32, #tpu.memory_space<vmem>>, vector<1x1x16xf32>,
        %get3A_723 = arith.constant 0 : i32
        %get3A_724 = arith.index_cast %get3A_723 : i32 to index
        %get3A_725 = arith.index_cast %scan3A_347 : i32 to index
        %get3A_726 = arith.constant 464 : index
        %get3A_727 = tpu.vector_load %arg8[%get3A_724, %get3A_725, %get3A_726] {strides = array<i32>} : memref<4x8x1024xf32, #tpu.memory_space<vmem>>, vector<1x1x16xf32>,
        %get3A_728 = vector.shape_cast %get3A_727 : vector<1x1x16xf32> to vector<16xf32>
        %swap3A_729 = arith.constant 0 : i32
        %swap3A_730 = arith.index_cast %swap3A_729 : i32 to index
        %swap3A_731 = arith.index_cast %scan3A_347 : i32 to index
        %swap3A_732 = arith.constant 464 : index
        %swap3A_733 = tpu.vector_load %arg7[%swap3A_730, %swap3A_731, %swap3A_732] {strides = array<i32>} : memref<4x8x1024xf32, #tpu.memory_space<vmem>>, vector<1x1x16xf32>,
        %swap3A_734 = vector.shape_cast %swap3A_733 : vector<1x1x16xf32> to vector<16xf32>
        %swap3A_735 = vector.shape_cast %get3A_728 : vector<16xf32> to vector<1x1x16xf32>
        tpu.vector_store %arg7[%swap3A_730, %swap3A_731, %swap3A_732], %swap3A_735 {add = true, strides = array<i32>} : memref<4x8x1024xf32, #tpu.memory_space<vmem>>, vector<1x1x16xf32>,
        %get3A_736 = arith.constant 0 : i32
        %get3A_737 = arith.index_cast %get3A_736 : i32 to index
        %get3A_738 = arith.index_cast %scan3A_347 : i32 to index
        %get3A_739 = arith.constant 480 : index
        %get3A_740 = tpu.vector_load %arg8[%get3A_737, %get3A_738, %get3A_739] {strides = array<i32>} : memref<4x8x1024xf32, #tpu.memory_space<vmem>>, vector<1x1x16xf32>,
        %get3A_741 = vector.shape_cast %get3A_740 : vector<1x1x16xf32> to vector<16xf32>
        %swap3A_742 = arith.constant 0 : i32
        %swap3A_743 = arith.index_cast %swap3A_742 : i32 to index
        %swap3A_744 = arith.index_cast %scan3A_347 : i32 to index
        %swap3A_745 = arith.constant 480 : index
        %swap3A_746 = tpu.vector_load %arg7[%swap3A_743, %swap3A_744, %swap3A_745] {strides = array<i32>} : memref<4x8x1024xf32, #tpu.memory_space<vmem>>, vector<1x1x16xf32>,
        %swap3A_747 = vector.shape_cast %swap3A_746 : vector<1x1x16xf32> to vector<16xf32>
        %swap3A_748 = vector.shape_cast %get3A_741 : vector<16xf32> to vector<1x1x16xf32>
        tpu.vector_store %arg7[%swap3A_743, %swap3A_744, %swap3A_745], %swap3A_748 {add = true, strides = array<i32>} : memref<4x8x1024xf32, #tpu.memory_space<vmem>>, vector<1x1x16xf32>,
        %get3A_749 = arith.constant 0 : i32
        %get3A_750 = arith.index_cast %get3A_749 : i32 to index
        %get3A_751 = arith.index_cast %scan3A_347 : i32 to index
        %get3A_752 = arith.constant 496 : index
        %get3A_753 = tpu.vector_load %arg8[%get3A_750, %get3A_751, %get3A_752] {strides = array<i32>} : memref<4x8x1024xf32, #tpu.memory_space<vmem>>, vector<1x1x16xf32>,
        %get3A_754 = vector.shape_cast %get3A_753 : vector<1x1x16xf32> to vector<16xf32>
        %swap3A_755 = arith.constant 0 : i32
        %swap3A_756 = arith.index_cast %swap3A_755 : i32 to index
        %swap3A_757 = arith.index_cast %scan3A_347 : i32 to index
        %swap3A_758 = arith.constant 496 : index
        %swap3A_759 = tpu.vector_load %arg7[%swap3A_756, %swap3A_757, %swap3A_758] {strides = array<i32>} : memref<4x8x1024xf32, #tpu.memory_space<vmem>>, vector<1x1x16xf32>,
        %swap3A_760 = vector.shape_cast %swap3A_759 : vector<1x1x16xf32> to vector<16xf32>
        %swap3A_761 = vector.shape_cast %get3A_754 : vector<16xf32> to vector<1x1x16xf32>
        tpu.vector_store %arg7[%swap3A_756, %swap3A_757, %swap3A_758], %swap3A_761 {add = true, strides = array<i32>} : memref<4x8x1024xf32, #tpu.memory_space<vmem>>, vector<1x1x16xf32>,
        %get3A_762 = arith.constant 0 : i32
        %get3A_763 = arith.index_cast %get3A_762 : i32 to index
        %get3A_764 = arith.index_cast %scan3A_347 : i32 to index
        %get3A_765 = arith.constant 512 : index
        %get3A_766 = tpu.vector_load %arg8[%get3A_763, %get3A_764, %get3A_765] {strides = array<i32>} : memref<4x8x1024xf32, #tpu.memory_space<vmem>>, vector<1x1x16xf32>,
        %get3A_767 = vector.shape_cast %get3A_766 : vector<1x1x16xf32> to vector<16xf32>
        %swap3A_768 = arith.constant 0 : i32
        %swap3A_769 = arith.index_cast %swap3A_768 : i32 to index
        %swap3A_770 = arith.index_cast %scan3A_347 : i32 to index
        %swap3A_771 = arith.constant 512 : index
        %swap3A_772 = tpu.vector_load %arg7[%swap3A_769, %swap3A_770, %swap3A_771] {strides = array<i32>} : memref<4x8x1024xf32, #tpu.memory_space<vmem>>, vector<1x1x16xf32>,
        %swap3A_773 = vector.shape_cast %swap3A_772 : vector<1x1x16xf32> to vector<16xf32>
        %swap3A_774 = vector.shape_cast %get3A_767 : vector<16xf32> to vector<1x1x16xf32>
        tpu.vector_store %arg7[%swap3A_769, %swap3A_770, %swap3A_771], %swap3A_774 {add = true, strides = array<i32>} : memref<4x8x1024xf32, #tpu.memory_space<vmem>>, vector<1x1x16xf32>,
        %get3A_775 = arith.constant 0 : i32
        %get3A_776 = arith.index_cast %get3A_775 : i32 to index
        %get3A_777 = arith.index_cast %scan3A_347 : i32 to index
        %get3A_778 = arith.constant 528 : index
        %get3A_779 = tpu.vector_load %arg8[%get3A_776, %get3A_777, %get3A_778] {strides = array<i32>} : memref<4x8x1024xf32, #tpu.memory_space<vmem>>, vector<1x1x16xf32>,
        %get3A_780 = vector.shape_cast %get3A_779 : vector<1x1x16xf32> to vector<16xf32>
        %swap3A_781 = arith.constant 0 : i32
        %swap3A_782 = arith.index_cast %swap3A_781 : i32 to index
        %swap3A_783 = arith.index_cast %scan3A_347 : i32 to index
        %swap3A_784 = arith.constant 528 : index
        %swap3A_785 = tpu.vector_load %arg7[%swap3A_782, %swap3A_783, %swap3A_784] {strides = array<i32>} : memref<4x8x1024xf32, #tpu.memory_space<vmem>>, vector<1x1x16xf32>,
        %swap3A_786 = vector.shape_cast %swap3A_785 : vector<1x1x16xf32> to vector<16xf32>
        %swap3A_787 = vector.shape_cast %get3A_780 : vector<16xf32> to vector<1x1x16xf32>
        tpu.vector_store %arg7[%swap3A_782, %swap3A_783, %swap3A_784], %swap3A_787 {add = true, strides = array<i32>} : memref<4x8x1024xf32, #tpu.memory_space<vmem>>, vector<1x1x16xf32>,
        %get3A_788 = arith.constant 0 : i32
        %get3A_789 = arith.index_cast %get3A_788 : i32 to index
        %get3A_790 = arith.index_cast %scan3A_347 : i32 to index
        %get3A_791 = arith.constant 544 : index
        %get3A_792 = tpu.vector_load %arg8[%get3A_789, %get3A_790, %get3A_791] {strides = array<i32>} : memref<4x8x1024xf32, #tpu.memory_space<vmem>>, vector<1x1x16xf32>,
        %get3A_793 = vector.shape_cast %get3A_792 : vector<1x1x16xf32> to vector<16xf32>
        %swap3A_794 = arith.constant 0 : i32
        %swap3A_795 = arith.index_cast %swap3A_794 : i32 to index
        %swap3A_796 = arith.index_cast %scan3A_347 : i32 to index
        %swap3A_797 = arith.constant 544 : index
        %swap3A_798 = tpu.vector_load %arg7[%swap3A_795, %swap3A_796, %swap3A_797] {strides = array<i32>} : memref<4x8x1024xf32, #tpu.memory_space<vmem>>, vector<1x1x16xf32>,
        %swap3A_799 = vector.shape_cast %swap3A_798 : vector<1x1x16xf32> to vector<16xf32>
        %swap3A_800 = vector.shape_cast %get3A_793 : vector<16xf32> to vector<1x1x16xf32>
        tpu.vector_store %arg7[%swap3A_795, %swap3A_796, %swap3A_797], %swap3A_800 {add = true, strides = array<i32>} : memref<4x8x1024xf32, #tpu.memory_space<vmem>>, vector<1x1x16xf32>,
        %get3A_801 = arith.constant 0 : i32
        %get3A_802 = arith.index_cast %get3A_801 : i32 to index
        %get3A_803 = arith.index_cast %scan3A_347 : i32 to index
        %get3A_804 = arith.constant 560 : index
        %get3A_805 = tpu.vector_load %arg8[%get3A_802, %get3A_803, %get3A_804] {strides = array<i32>} : memref<4x8x1024xf32, #tpu.memory_space<vmem>>, vector<1x1x16xf32>,
        %get3A_806 = vector.shape_cast %get3A_805 : vector<1x1x16xf32> to vector<16xf32>
        %swap3A_807 = arith.constant 0 : i32
        %swap3A_808 = arith.index_cast %swap3A_807 : i32 to index
        %swap3A_809 = arith.index_cast %scan3A_347 : i32 to index
        %swap3A_810 = arith.constant 560 : index
        %swap3A_811 = tpu.vector_load %arg7[%swap3A_808, %swap3A_809, %swap3A_810] {strides = array<i32>} : memref<4x8x1024xf32, #tpu.memory_space<vmem>>, vector<1x1x16xf32>,
        %swap3A_812 = vector.shape_cast %swap3A_811 : vector<1x1x16xf32> to vector<16xf32>
        %swap3A_813 = vector.shape_cast %get3A_806 : vector<16xf32> to vector<1x1x16xf32>
        tpu.vector_store %arg7[%swap3A_808, %swap3A_809, %swap3A_810], %swap3A_813 {add = true, strides = array<i32>} : memref<4x8x1024xf32, #tpu.memory_space<vmem>>, vector<1x1x16xf32>,
        %get3A_814 = arith.constant 0 : i32
        %get3A_815 = arith.index_cast %get3A_814 : i32 to index
        %get3A_816 = arith.index_cast %scan3A_347 : i32 to index
        %get3A_817 = arith.constant 576 : index
        %get3A_818 = tpu.vector_load %arg8[%get3A_815, %get3A_816, %get3A_817] {strides = array<i32>} : memref<4x8x1024xf32, #tpu.memory_space<vmem>>, vector<1x1x16xf32>,
        %get3A_819 = vector.shape_cast %get3A_818 : vector<1x1x16xf32> to vector<16xf32>
        %swap3A_820 = arith.constant 0 : i32
        %swap3A_821 = arith.index_cast %swap3A_820 : i32 to index
        %swap3A_822 = arith.index_cast %scan3A_347 : i32 to index
        %swap3A_823 = arith.constant 576 : index
        %swap3A_824 = tpu.vector_load %arg7[%swap3A_821, %swap3A_822, %swap3A_823] {strides = array<i32>} : memref<4x8x1024xf32, #tpu.memory_space<vmem>>, vector<1x1x16xf32>,
        %swap3A_825 = vector.shape_cast %swap3A_824 : vector<1x1x16xf32> to vector<16xf32>
        %swap3A_826 = vector.shape_cast %get3A_819 : vector<16xf32> to vector<1x1x16xf32>
        tpu.vector_store %arg7[%swap3A_821, %swap3A_822, %swap3A_823], %swap3A_826 {add = true, strides = array<i32>} : memref<4x8x1024xf32, #tpu.memory_space<vmem>>, vector<1x1x16xf32>,
        %get3A_827 = arith.constant 0 : i32
        %get3A_828 = arith.index_cast %get3A_827 : i32 to index
        %get3A_829 = arith.index_cast %scan3A_347 : i32 to index
        %get3A_830 = arith.constant 592 : index
        %get3A_831 = tpu.vector_load %arg8[%get3A_828, %get3A_829, %get3A_830] {strides = array<i32>} : memref<4x8x1024xf32, #tpu.memory_space<vmem>>, vector<1x1x16xf32>,
        %get3A_832 = vector.shape_cast %get3A_831 : vector<1x1x16xf32> to vector<16xf32>
        %swap3A_833 = arith.constant 0 : i32
        %swap3A_834 = arith.index_cast %swap3A_833 : i32 to index
        %swap3A_835 = arith.index_cast %scan3A_347 : i32 to index
        %swap3A_836 = arith.constant 592 : index
        %swap3A_837 = tpu.vector_load %arg7[%swap3A_834, %swap3A_835, %swap3A_836] {strides = array<i32>} : memref<4x8x1024xf32, #tpu.memory_space<vmem>>, vector<1x1x16xf32>,
        %swap3A_838 = vector.shape_cast %swap3A_837 : vector<1x1x16xf32> to vector<16xf32>
        %swap3A_839 = vector.shape_cast %get3A_832 : vector<16xf32> to vector<1x1x16xf32>
        tpu.vector_store %arg7[%swap3A_834, %swap3A_835, %swap3A_836], %swap3A_839 {add = true, strides = array<i32>} : memref<4x8x1024xf32, #tpu.memory_space<vmem>>, vector<1x1x16xf32>,
        %get3A_840 = arith.constant 0 : i32
        %get3A_841 = arith.index_cast %get3A_840 : i32 to index
        %get3A_842 = arith.index_cast %scan3A_347 : i32 to index
        %get3A_843 = arith.constant 608 : index
        %get3A_844 = tpu.vector_load %arg8[%get3A_841, %get3A_842, %get3A_843] {strides = array<i32>} : memref<4x8x1024xf32, #tpu.memory_space<vmem>>, vector<1x1x16xf32>,
        %get3A_845 = vector.shape_cast %get3A_844 : vector<1x1x16xf32> to vector<16xf32>
        %swap3A_846 = arith.constant 0 : i32
        %swap3A_847 = arith.index_cast %swap3A_846 : i32 to index
        %swap3A_848 = arith.index_cast %scan3A_347 : i32 to index
        %swap3A_849 = arith.constant 608 : index
        %swap3A_850 = tpu.vector_load %arg7[%swap3A_847, %swap3A_848, %swap3A_849] {strides = array<i32>} : memref<4x8x1024xf32, #tpu.memory_space<vmem>>, vector<1x1x16xf32>,
        %swap3A_851 = vector.shape_cast %swap3A_850 : vector<1x1x16xf32> to vector<16xf32>
        %swap3A_852 = vector.shape_cast %get3A_845 : vector<16xf32> to vector<1x1x16xf32>
        tpu.vector_store %arg7[%swap3A_847, %swap3A_848, %swap3A_849], %swap3A_852 {add = true, strides = array<i32>} : memref<4x8x1024xf32, #tpu.memory_space<vmem>>, vector<1x1x16xf32>,
        %get3A_853 = arith.constant 0 : i32
        %get3A_854 = arith.index_cast %get3A_853 : i32 to index
        %get3A_855 = arith.index_cast %scan3A_347 : i32 to index
        %get3A_856 = arith.constant 624 : index
        %get3A_857 = tpu.vector_load %arg8[%get3A_854, %get3A_855, %get3A_856] {strides = array<i32>} : memref<4x8x1024xf32, #tpu.memory_space<vmem>>, vector<1x1x16xf32>,
        %get3A_858 = vector.shape_cast %get3A_857 : vector<1x1x16xf32> to vector<16xf32>
        %swap3A_859 = arith.constant 0 : i32
        %swap3A_860 = arith.index_cast %swap3A_859 : i32 to index
        %swap3A_861 = arith.index_cast %scan3A_347 : i32 to index
        %swap3A_862 = arith.constant 624 : index
        %swap3A_863 = tpu.vector_load %arg7[%swap3A_860, %swap3A_861, %swap3A_862] {strides = array<i32>} : memref<4x8x1024xf32, #tpu.memory_space<vmem>>, vector<1x1x16xf32>,
        %swap3A_864 = vector.shape_cast %swap3A_863 : vector<1x1x16xf32> to vector<16xf32>
        %swap3A_865 = vector.shape_cast %get3A_858 : vector<16xf32> to vector<1x1x16xf32>
        tpu.vector_store %arg7[%swap3A_860, %swap3A_861, %swap3A_862], %swap3A_865 {add = true, strides = array<i32>} : memref<4x8x1024xf32, #tpu.memory_space<vmem>>, vector<1x1x16xf32>,
        %get3A_866 = arith.constant 0 : i32
        %get3A_867 = arith.index_cast %get3A_866 : i32 to index
        %get3A_868 = arith.index_cast %scan3A_347 : i32 to index
        %get3A_869 = arith.constant 640 : index
        %get3A_870 = tpu.vector_load %arg8[%get3A_867, %get3A_868, %get3A_869] {strides = array<i32>} : memref<4x8x1024xf32, #tpu.memory_space<vmem>>, vector<1x1x16xf32>,
        %get3A_871 = vector.shape_cast %get3A_870 : vector<1x1x16xf32> to vector<16xf32>
        %swap3A_872 = arith.constant 0 : i32
        %swap3A_873 = arith.index_cast %swap3A_872 : i32 to index
        %swap3A_874 = arith.index_cast %scan3A_347 : i32 to index
        %swap3A_875 = arith.constant 640 : index
        %swap3A_876 = tpu.vector_load %arg7[%swap3A_873, %swap3A_874, %swap3A_875] {strides = array<i32>} : memref<4x8x1024xf32, #tpu.memory_space<vmem>>, vector<1x1x16xf32>,
        %swap3A_877 = vector.shape_cast %swap3A_876 : vector<1x1x16xf32> to vector<16xf32>
        %swap3A_878 = vector.shape_cast %get3A_871 : vector<16xf32> to vector<1x1x16xf32>
        tpu.vector_store %arg7[%swap3A_873, %swap3A_874, %swap3A_875], %swap3A_878 {add = true, strides = array<i32>} : memref<4x8x1024xf32, #tpu.memory_space<vmem>>, vector<1x1x16xf32>,
        %get3A_879 = arith.constant 0 : i32
        %get3A_880 = arith.index_cast %get3A_879 : i32 to index
        %get3A_881 = arith.index_cast %scan3A_347 : i32 to index
        %get3A_882 = arith.constant 656 : index
        %get3A_883 = tpu.vector_load %arg8[%get3A_880, %get3A_881, %get3A_882] {strides = array<i32>} : memref<4x8x1024xf32, #tpu.memory_space<vmem>>, vector<1x1x16xf32>,
        %get3A_884 = vector.shape_cast %get3A_883 : vector<1x1x16xf32> to vector<16xf32>
        %swap3A_885 = arith.constant 0 : i32
        %swap3A_886 = arith.index_cast %swap3A_885 : i32 to index
        %swap3A_887 = arith.index_cast %scan3A_347 : i32 to index
        %swap3A_888 = arith.constant 656 : index
        %swap3A_889 = tpu.vector_load %arg7[%swap3A_886, %swap3A_887, %swap3A_888] {strides = array<i32>} : memref<4x8x1024xf32, #tpu.memory_space<vmem>>, vector<1x1x16xf32>,
        %swap3A_890 = vector.shape_cast %swap3A_889 : vector<1x1x16xf32> to vector<16xf32>
        %swap3A_891 = vector.shape_cast %get3A_884 : vector<16xf32> to vector<1x1x16xf32>
        tpu.vector_store %arg7[%swap3A_886, %swap3A_887, %swap3A_888], %swap3A_891 {add = true, strides = array<i32>} : memref<4x8x1024xf32, #tpu.memory_space<vmem>>, vector<1x1x16xf32>,
        %get3A_892 = arith.constant 0 : i32
        %get3A_893 = arith.index_cast %get3A_892 : i32 to index
        %get3A_894 = arith.index_cast %scan3A_347 : i32 to index
        %get3A_895 = arith.constant 672 : index
        %get3A_896 = tpu.vector_load %arg8[%get3A_893, %get3A_894, %get3A_895] {strides = array<i32>} : memref<4x8x1024xf32, #tpu.memory_space<vmem>>, vector<1x1x16xf32>,
        %get3A_897 = vector.shape_cast %get3A_896 : vector<1x1x16xf32> to vector<16xf32>
        %swap3A_898 = arith.constant 0 : i32
        %swap3A_899 = arith.index_cast %swap3A_898 : i32 to index
        %swap3A_900 = arith.index_cast %scan3A_347 : i32 to index
        %swap3A_901 = arith.constant 672 : index
        %swap3A_902 = tpu.vector_load %arg7[%swap3A_899, %swap3A_900, %swap3A_901] {strides = array<i32>} : memref<4x8x1024xf32, #tpu.memory_space<vmem>>, vector<1x1x16xf32>,
        %swap3A_903 = vector.shape_cast %swap3A_902 : vector<1x1x16xf32> to vector<16xf32>
        %swap3A_904 = vector.shape_cast %get3A_897 : vector<16xf32> to vector<1x1x16xf32>
        tpu.vector_store %arg7[%swap3A_899, %swap3A_900, %swap3A_901], %swap3A_904 {add = true, strides = array<i32>} : memref<4x8x1024xf32, #tpu.memory_space<vmem>>, vector<1x1x16xf32>,
        %get3A_905 = arith.constant 0 : i32
        %get3A_906 = arith.index_cast %get3A_905 : i32 to index
        %get3A_907 = arith.index_cast %scan3A_347 : i32 to index
        %get3A_908 = arith.constant 688 : index
        %get3A_909 = tpu.vector_load %arg8[%get3A_906, %get3A_907, %get3A_908] {strides = array<i32>} : memref<4x8x1024xf32, #tpu.memory_space<vmem>>, vector<1x1x16xf32>,
        %get3A_910 = vector.shape_cast %get3A_909 : vector<1x1x16xf32> to vector<16xf32>
        %swap3A_911 = arith.constant 0 : i32
        %swap3A_912 = arith.index_cast %swap3A_911 : i32 to index
        %swap3A_913 = arith.index_cast %scan3A_347 : i32 to index
        %swap3A_914 = arith.constant 688 : index
        %swap3A_915 = tpu.vector_load %arg7[%swap3A_912, %swap3A_913, %swap3A_914] {strides = array<i32>} : memref<4x8x1024xf32, #tpu.memory_space<vmem>>, vector<1x1x16xf32>,
        %swap3A_916 = vector.shape_cast %swap3A_915 : vector<1x1x16xf32> to vector<16xf32>
        %swap3A_917 = vector.shape_cast %get3A_910 : vector<16xf32> to vector<1x1x16xf32>
        tpu.vector_store %arg7[%swap3A_912, %swap3A_913, %swap3A_914], %swap3A_917 {add = true, strides = array<i32>} : memref<4x8x1024xf32, #tpu.memory_space<vmem>>, vector<1x1x16xf32>,
        %get3A_918 = arith.constant 0 : i32
        %get3A_919 = arith.index_cast %get3A_918 : i32 to index
        %get3A_920 = arith.index_cast %scan3A_347 : i32 to index
        %get3A_921 = arith.constant 704 : index
        %get3A_922 = tpu.vector_load %arg8[%get3A_919, %get3A_920, %get3A_921] {strides = array<i32>} : memref<4x8x1024xf32, #tpu.memory_space<vmem>>, vector<1x1x16xf32>,
        %get3A_923 = vector.shape_cast %get3A_922 : vector<1x1x16xf32> to vector<16xf32>
        %swap3A_924 = arith.constant 0 : i32
        %swap3A_925 = arith.index_cast %swap3A_924 : i32 to index
        %swap3A_926 = arith.index_cast %scan3A_347 : i32 to index
        %swap3A_927 = arith.constant 704 : index
        %swap3A_928 = tpu.vector_load %arg7[%swap3A_925, %swap3A_926, %swap3A_927] {strides = array<i32>} : memref<4x8x1024xf32, #tpu.memory_space<vmem>>, vector<1x1x16xf32>,
        %swap3A_929 = vector.shape_cast %swap3A_928 : vector<1x1x16xf32> to vector<16xf32>
        %swap3A_930 = vector.shape_cast %get3A_923 : vector<16xf32> to vector<1x1x16xf32>
        tpu.vector_store %arg7[%swap3A_925, %swap3A_926, %swap3A_927], %swap3A_930 {add = true, strides = array<i32>} : memref<4x8x1024xf32, #tpu.memory_space<vmem>>, vector<1x1x16xf32>,
        %get3A_931 = arith.constant 0 : i32
        %get3A_932 = arith.index_cast %get3A_931 : i32 to index
        %get3A_933 = arith.index_cast %scan3A_347 : i32 to index
        %get3A_934 = arith.constant 720 : index
        %get3A_935 = tpu.vector_load %arg8[%get3A_932, %get3A_933, %get3A_934] {strides = array<i32>} : memref<4x8x1024xf32, #tpu.memory_space<vmem>>, vector<1x1x16xf32>,
        %get3A_936 = vector.shape_cast %get3A_935 : vector<1x1x16xf32> to vector<16xf32>
        %swap3A_937 = arith.constant 0 : i32
        %swap3A_938 = arith.index_cast %swap3A_937 : i32 to index
        %swap3A_939 = arith.index_cast %scan3A_347 : i32 to index
        %swap3A_940 = arith.constant 720 : index
        %swap3A_941 = tpu.vector_load %arg7[%swap3A_938, %swap3A_939, %swap3A_940] {strides = array<i32>} : memref<4x8x1024xf32, #tpu.memory_space<vmem>>, vector<1x1x16xf32>,
        %swap3A_942 = vector.shape_cast %swap3A_941 : vector<1x1x16xf32> to vector<16xf32>
        %swap3A_943 = vector.shape_cast %get3A_936 : vector<16xf32> to vector<1x1x16xf32>
        tpu.vector_store %arg7[%swap3A_938, %swap3A_939, %swap3A_940], %swap3A_943 {add = true, strides = array<i32>} : memref<4x8x1024xf32, #tpu.memory_space<vmem>>, vector<1x1x16xf32>,
        %get3A_944 = arith.constant 0 : i32
        %get3A_945 = arith.index_cast %get3A_944 : i32 to index
        %get3A_946 = arith.index_cast %scan3A_347 : i32 to index
        %get3A_947 = arith.constant 736 : index
        %get3A_948 = tpu.vector_load %arg8[%get3A_945, %get3A_946, %get3A_947] {strides = array<i32>} : memref<4x8x1024xf32, #tpu.memory_space<vmem>>, vector<1x1x16xf32>,
        %get3A_949 = vector.shape_cast %get3A_948 : vector<1x1x16xf32> to vector<16xf32>
        %swap3A_950 = arith.constant 0 : i32
        %swap3A_951 = arith.index_cast %swap3A_950 : i32 to index
        %swap3A_952 = arith.index_cast %scan3A_347 : i32 to index
        %swap3A_953 = arith.constant 736 : index
        %swap3A_954 = tpu.vector_load %arg7[%swap3A_951, %swap3A_952, %swap3A_953] {strides = array<i32>} : memref<4x8x1024xf32, #tpu.memory_space<vmem>>, vector<1x1x16xf32>,
        %swap3A_955 = vector.shape_cast %swap3A_954 : vector<1x1x16xf32> to vector<16xf32>
        %swap3A_956 = vector.shape_cast %get3A_949 : vector<16xf32> to vector<1x1x16xf32>
        tpu.vector_store %arg7[%swap3A_951, %swap3A_952, %swap3A_953], %swap3A_956 {add = true, strides = array<i32>} : memref<4x8x1024xf32, #tpu.memory_space<vmem>>, vector<1x1x16xf32>,
        %get3A_957 = arith.constant 0 : i32
        %get3A_958 = arith.index_cast %get3A_957 : i32 to index
        %get3A_959 = arith.index_cast %scan3A_347 : i32 to index
        %get3A_960 = arith.constant 752 : index
        %get3A_961 = tpu.vector_load %arg8[%get3A_958, %get3A_959, %get3A_960] {strides = array<i32>} : memref<4x8x1024xf32, #tpu.memory_space<vmem>>, vector<1x1x16xf32>,
        %get3A_962 = vector.shape_cast %get3A_961 : vector<1x1x16xf32> to vector<16xf32>
        %swap3A_963 = arith.constant 0 : i32
        %swap3A_964 = arith.index_cast %swap3A_963 : i32 to index
        %swap3A_965 = arith.index_cast %scan3A_347 : i32 to index
        %swap3A_966 = arith.constant 752 : index
        %swap3A_967 = tpu.vector_load %arg7[%swap3A_964, %swap3A_965, %swap3A_966] {strides = array<i32>} : memref<4x8x1024xf32, #tpu.memory_space<vmem>>, vector<1x1x16xf32>,
        %swap3A_968 = vector.shape_cast %swap3A_967 : vector<1x1x16xf32> to vector<16xf32>
        %swap3A_969 = vector.shape_cast %get3A_962 : vector<16xf32> to vector<1x1x16xf32>
        tpu.vector_store %arg7[%swap3A_964, %swap3A_965, %swap3A_966], %swap3A_969 {add = true, strides = array<i32>} : memref<4x8x1024xf32, #tpu.memory_space<vmem>>, vector<1x1x16xf32>,
        %get3A_970 = arith.constant 0 : i32
        %get3A_971 = arith.index_cast %get3A_970 : i32 to index
        %get3A_972 = arith.index_cast %scan3A_347 : i32 to index
        %get3A_973 = arith.constant 768 : index
        %get3A_974 = tpu.vector_load %arg8[%get3A_971, %get3A_972, %get3A_973] {strides = array<i32>} : memref<4x8x1024xf32, #tpu.memory_space<vmem>>, vector<1x1x16xf32>,
        %get3A_975 = vector.shape_cast %get3A_974 : vector<1x1x16xf32> to vector<16xf32>
        %swap3A_976 = arith.constant 0 : i32
        %swap3A_977 = arith.index_cast %swap3A_976 : i32 to index
        %swap3A_978 = arith.index_cast %scan3A_347 : i32 to index
        %swap3A_979 = arith.constant 768 : index
        %swap3A_980 = tpu.vector_load %arg7[%swap3A_977, %swap3A_978, %swap3A_979] {strides = array<i32>} : memref<4x8x1024xf32, #tpu.memory_space<vmem>>, vector<1x1x16xf32>,
        %swap3A_981 = vector.shape_cast %swap3A_980 : vector<1x1x16xf32> to vector<16xf32>
        %swap3A_982 = vector.shape_cast %get3A_975 : vector<16xf32> to vector<1x1x16xf32>
        tpu.vector_store %arg7[%swap3A_977, %swap3A_978, %swap3A_979], %swap3A_982 {add = true, strides = array<i32>} : memref<4x8x1024xf32, #tpu.memory_space<vmem>>, vector<1x1x16xf32>,
        %get3A_983 = arith.constant 0 : i32
        %get3A_984 = arith.index_cast %get3A_983 : i32 to index
        %get3A_985 = arith.index_cast %scan3A_347 : i32 to index
        %get3A_986 = arith.constant 784 : index
        %get3A_987 = tpu.vector_load %arg8[%get3A_984, %get3A_985, %get3A_986] {strides = array<i32>} : memref<4x8x1024xf32, #tpu.memory_space<vmem>>, vector<1x1x16xf32>,
        %get3A_988 = vector.shape_cast %get3A_987 : vector<1x1x16xf32> to vector<16xf32>
        %swap3A_989 = arith.constant 0 : i32
        %swap3A_990 = arith.index_cast %swap3A_989 : i32 to index
        %swap3A_991 = arith.index_cast %scan3A_347 : i32 to index
        %swap3A_992 = arith.constant 784 : index
        %swap3A_993 = tpu.vector_load %arg7[%swap3A_990, %swap3A_991, %swap3A_992] {strides = array<i32>} : memref<4x8x1024xf32, #tpu.memory_space<vmem>>, vector<1x1x16xf32>,
        %swap3A_994 = vector.shape_cast %swap3A_993 : vector<1x1x16xf32> to vector<16xf32>
        %swap3A_995 = vector.shape_cast %get3A_988 : vector<16xf32> to vector<1x1x16xf32>
        tpu.vector_store %arg7[%swap3A_990, %swap3A_991, %swap3A_992], %swap3A_995 {add = true, strides = array<i32>} : memref<4x8x1024xf32, #tpu.memory_space<vmem>>, vector<1x1x16xf32>,
        %get3A_996 = arith.constant 0 : i32
        %get3A_997 = arith.index_cast %get3A_996 : i32 to index
        %get3A_998 = arith.index_cast %scan3A_347 : i32 to index
        %get3A_999 = arith.constant 800 : index
        %get3A_1000 = tpu.vector_load %arg8[%get3A_997, %get3A_998, %get3A_999] {strides = array<i32>} : memref<4x8x1024xf32, #tpu.memory_space<vmem>>, vector<1x1x16xf32>,
        %get3A_1001 = vector.shape_cast %get3A_1000 : vector<1x1x16xf32> to vector<16xf32>
        %swap3A_1002 = arith.constant 0 : i32
        %swap3A_1003 = arith.index_cast %swap3A_1002 : i32 to index
        %swap3A_1004 = arith.index_cast %scan3A_347 : i32 to index
        %swap3A_1005 = arith.constant 800 : index
        %swap3A_1006 = tpu.vector_load %arg7[%swap3A_1003, %swap3A_1004, %swap3A_1005] {strides = array<i32>} : memref<4x8x1024xf32, #tpu.memory_space<vmem>>, vector<1x1x16xf32>,
        %swap3A_1007 = vector.shape_cast %swap3A_1006 : vector<1x1x16xf32> to vector<16xf32>
        %swap3A_1008 = vector.shape_cast %get3A_1001 : vector<16xf32> to vector<1x1x16xf32>
        tpu.vector_store %arg7[%swap3A_1003, %swap3A_1004, %swap3A_1005], %swap3A_1008 {add = true, strides = array<i32>} : memref<4x8x1024xf32, #tpu.memory_space<vmem>>, vector<1x1x16xf32>,
        %get3A_1009 = arith.constant 0 : i32
        %get3A_1010 = arith.index_cast %get3A_1009 : i32 to index
        %get3A_1011 = arith.index_cast %scan3A_347 : i32 to index
        %get3A_1012 = arith.constant 816 : index
        %get3A_1013 = tpu.vector_load %arg8[%get3A_1010, %get3A_1011, %get3A_1012] {strides = array<i32>} : memref<4x8x1024xf32, #tpu.memory_space<vmem>>, vector<1x1x16xf32>,
        %get3A_1014 = vector.shape_cast %get3A_1013 : vector<1x1x16xf32> to vector<16xf32>
        %swap3A_1015 = arith.constant 0 : i32
        %swap3A_1016 = arith.index_cast %swap3A_1015 : i32 to index
        %swap3A_1017 = arith.index_cast %scan3A_347 : i32 to index
        %swap3A_1018 = arith.constant 816 : index
        %swap3A_1019 = tpu.vector_load %arg7[%swap3A_1016, %swap3A_1017, %swap3A_1018] {strides = array<i32>} : memref<4x8x1024xf32, #tpu.memory_space<vmem>>, vector<1x1x16xf32>,
        %swap3A_1020 = vector.shape_cast %swap3A_1019 : vector<1x1x16xf32> to vector<16xf32>
        %swap3A_1021 = vector.shape_cast %get3A_1014 : vector<16xf32> to vector<1x1x16xf32>
        tpu.vector_store %arg7[%swap3A_1016, %swap3A_1017, %swap3A_1018], %swap3A_1021 {add = true, strides = array<i32>} : memref<4x8x1024xf32, #tpu.memory_space<vmem>>, vector<1x1x16xf32>,
        %get3A_1022 = arith.constant 0 : i32
        %get3A_1023 = arith.index_cast %get3A_1022 : i32 to index
        %get3A_1024 = arith.index_cast %scan3A_347 : i32 to index
        %get3A_1025 = arith.constant 832 : index
        %get3A_1026 = tpu.vector_load %arg8[%get3A_1023, %get3A_1024, %get3A_1025] {strides = array<i32>} : memref<4x8x1024xf32, #tpu.memory_space<vmem>>, vector<1x1x16xf32>,
        %get3A_1027 = vector.shape_cast %get3A_1026 : vector<1x1x16xf32> to vector<16xf32>
        %swap3A_1028 = arith.constant 0 : i32
        %swap3A_1029 = arith.index_cast %swap3A_1028 : i32 to index
        %swap3A_1030 = arith.index_cast %scan3A_347 : i32 to index
        %swap3A_1031 = arith.constant 832 : index
        %swap3A_1032 = tpu.vector_load %arg7[%swap3A_1029, %swap3A_1030, %swap3A_1031] {strides = array<i32>} : memref<4x8x1024xf32, #tpu.memory_space<vmem>>, vector<1x1x16xf32>,
        %swap3A_1033 = vector.shape_cast %swap3A_1032 : vector<1x1x16xf32> to vector<16xf32>
        %swap3A_1034 = vector.shape_cast %get3A_1027 : vector<16xf32> to vector<1x1x16xf32>
        tpu.vector_store %arg7[%swap3A_1029, %swap3A_1030, %swap3A_1031], %swap3A_1034 {add = true, strides = array<i32>} : memref<4x8x1024xf32, #tpu.memory_space<vmem>>, vector<1x1x16xf32>,
        %get3A_1035 = arith.constant 0 : i32
        %get3A_1036 = arith.index_cast %get3A_1035 : i32 to index
        %get3A_1037 = arith.index_cast %scan3A_347 : i32 to index
        %get3A_1038 = arith.constant 848 : index
        %get3A_1039 = tpu.vector_load %arg8[%get3A_1036, %get3A_1037, %get3A_1038] {strides = array<i32>} : memref<4x8x1024xf32, #tpu.memory_space<vmem>>, vector<1x1x16xf32>,
        %get3A_1040 = vector.shape_cast %get3A_1039 : vector<1x1x16xf32> to vector<16xf32>
        %swap3A_1041 = arith.constant 0 : i32
        %swap3A_1042 = arith.index_cast %swap3A_1041 : i32 to index
        %swap3A_1043 = arith.index_cast %scan3A_347 : i32 to index
        %swap3A_1044 = arith.constant 848 : index
        %swap3A_1045 = tpu.vector_load %arg7[%swap3A_1042, %swap3A_1043, %swap3A_1044] {strides = array<i32>} : memref<4x8x1024xf32, #tpu.memory_space<vmem>>, vector<1x1x16xf32>,
        %swap3A_1046 = vector.shape_cast %swap3A_1045 : vector<1x1x16xf32> to vector<16xf32>
        %swap3A_1047 = vector.shape_cast %get3A_1040 : vector<16xf32> to vector<1x1x16xf32>
        tpu.vector_store %arg7[%swap3A_1042, %swap3A_1043, %swap3A_1044], %swap3A_1047 {add = true, strides = array<i32>} : memref<4x8x1024xf32, #tpu.memory_space<vmem>>, vector<1x1x16xf32>,
        %get3A_1048 = arith.constant 0 : i32
        %get3A_1049 = arith.index_cast %get3A_1048 : i32 to index
        %get3A_1050 = arith.index_cast %scan3A_347 : i32 to index
        %get3A_1051 = arith.constant 864 : index
        %get3A_1052 = tpu.vector_load %arg8[%get3A_1049, %get3A_1050, %get3A_1051] {strides = array<i32>} : memref<4x8x1024xf32, #tpu.memory_space<vmem>>, vector<1x1x16xf32>,
        %get3A_1053 = vector.shape_cast %get3A_1052 : vector<1x1x16xf32> to vector<16xf32>
        %swap3A_1054 = arith.constant 0 : i32
        %swap3A_1055 = arith.index_cast %swap3A_1054 : i32 to index
        %swap3A_1056 = arith.index_cast %scan3A_347 : i32 to index
        %swap3A_1057 = arith.constant 864 : index
        %swap3A_1058 = tpu.vector_load %arg7[%swap3A_1055, %swap3A_1056, %swap3A_1057] {strides = array<i32>} : memref<4x8x1024xf32, #tpu.memory_space<vmem>>, vector<1x1x16xf32>,
        %swap3A_1059 = vector.shape_cast %swap3A_1058 : vector<1x1x16xf32> to vector<16xf32>
        %swap3A_1060 = vector.shape_cast %get3A_1053 : vector<16xf32> to vector<1x1x16xf32>
        tpu.vector_store %arg7[%swap3A_1055, %swap3A_1056, %swap3A_1057], %swap3A_1060 {add = true, strides = array<i32>} : memref<4x8x1024xf32, #tpu.memory_space<vmem>>, vector<1x1x16xf32>,
        %get3A_1061 = arith.constant 0 : i32
        %get3A_1062 = arith.index_cast %get3A_1061 : i32 to index
        %get3A_1063 = arith.index_cast %scan3A_347 : i32 to index
        %get3A_1064 = arith.constant 880 : index
        %get3A_1065 = tpu.vector_load %arg8[%get3A_1062, %get3A_1063, %get3A_1064] {strides = array<i32>} : memref<4x8x1024xf32, #tpu.memory_space<vmem>>, vector<1x1x16xf32>,
        %get3A_1066 = vector.shape_cast %get3A_1065 : vector<1x1x16xf32> to vector<16xf32>
        %swap3A_1067 = arith.constant 0 : i32
        %swap3A_1068 = arith.index_cast %swap3A_1067 : i32 to index
        %swap3A_1069 = arith.index_cast %scan3A_347 : i32 to index
        %swap3A_1070 = arith.constant 880 : index
        %swap3A_1071 = tpu.vector_load %arg7[%swap3A_1068, %swap3A_1069, %swap3A_1070] {strides = array<i32>} : memref<4x8x1024xf32, #tpu.memory_space<vmem>>, vector<1x1x16xf32>,
        %swap3A_1072 = vector.shape_cast %swap3A_1071 : vector<1x1x16xf32> to vector<16xf32>
        %swap3A_1073 = vector.shape_cast %get3A_1066 : vector<16xf32> to vector<1x1x16xf32>
        tpu.vector_store %arg7[%swap3A_1068, %swap3A_1069, %swap3A_1070], %swap3A_1073 {add = true, strides = array<i32>} : memref<4x8x1024xf32, #tpu.memory_space<vmem>>, vector<1x1x16xf32>,
        %get3A_1074 = arith.constant 0 : i32
        %get3A_1075 = arith.index_cast %get3A_1074 : i32 to index
        %get3A_1076 = arith.index_cast %scan3A_347 : i32 to index
        %get3A_1077 = arith.constant 896 : index
        %get3A_1078 = tpu.vector_load %arg8[%get3A_1075, %get3A_1076, %get3A_1077] {strides = array<i32>} : memref<4x8x1024xf32, #tpu.memory_space<vmem>>, vector<1x1x16xf32>,
        %get3A_1079 = vector.shape_cast %get3A_1078 : vector<1x1x16xf32> to vector<16xf32>
        %swap3A_1080 = arith.constant 0 : i32
        %swap3A_1081 = arith.index_cast %swap3A_1080 : i32 to index
        %swap3A_1082 = arith.index_cast %scan3A_347 : i32 to index
        %swap3A_1083 = arith.constant 896 : index
        %swap3A_1084 = tpu.vector_load %arg7[%swap3A_1081, %swap3A_1082, %swap3A_1083] {strides = array<i32>} : memref<4x8x1024xf32, #tpu.memory_space<vmem>>, vector<1x1x16xf32>,
        %swap3A_1085 = vector.shape_cast %swap3A_1084 : vector<1x1x16xf32> to vector<16xf32>
        %swap3A_1086 = vector.shape_cast %get3A_1079 : vector<16xf32> to vector<1x1x16xf32>
        tpu.vector_store %arg7[%swap3A_1081, %swap3A_1082, %swap3A_1083], %swap3A_1086 {add = true, strides = array<i32>} : memref<4x8x1024xf32, #tpu.memory_space<vmem>>, vector<1x1x16xf32>,
        %get3A_1087 = arith.constant 0 : i32
        %get3A_1088 = arith.index_cast %get3A_1087 : i32 to index
        %get3A_1089 = arith.index_cast %scan3A_347 : i32 to index
        %get3A_1090 = arith.constant 912 : index
        %get3A_1091 = tpu.vector_load %arg8[%get3A_1088, %get3A_1089, %get3A_1090] {strides = array<i32>} : memref<4x8x1024xf32, #tpu.memory_space<vmem>>, vector<1x1x16xf32>,
        %get3A_1092 = vector.shape_cast %get3A_1091 : vector<1x1x16xf32> to vector<16xf32>
        %swap3A_1093 = arith.constant 0 : i32
        %swap3A_1094 = arith.index_cast %swap3A_1093 : i32 to index
        %swap3A_1095 = arith.index_cast %scan3A_347 : i32 to index
        %swap3A_1096 = arith.constant 912 : index
        %swap3A_1097 = tpu.vector_load %arg7[%swap3A_1094, %swap3A_1095, %swap3A_1096] {strides = array<i32>} : memref<4x8x1024xf32, #tpu.memory_space<vmem>>, vector<1x1x16xf32>,
        %swap3A_1098 = vector.shape_cast %swap3A_1097 : vector<1x1x16xf32> to vector<16xf32>
        %swap3A_1099 = vector.shape_cast %get3A_1092 : vector<16xf32> to vector<1x1x16xf32>
        tpu.vector_store %arg7[%swap3A_1094, %swap3A_1095, %swap3A_1096], %swap3A_1099 {add = true, strides = array<i32>} : memref<4x8x1024xf32, #tpu.memory_space<vmem>>, vector<1x1x16xf32>,
        %get3A_1100 = arith.constant 0 : i32
        %get3A_1101 = arith.index_cast %get3A_1100 : i32 to index
        %get3A_1102 = arith.index_cast %scan3A_347 : i32 to index
        %get3A_1103 = arith.constant 928 : index
        %get3A_1104 = tpu.vector_load %arg8[%get3A_1101, %get3A_1102, %get3A_1103] {strides = array<i32>} : memref<4x8x1024xf32, #tpu.memory_space<vmem>>, vector<1x1x16xf32>,
        %get3A_1105 = vector.shape_cast %get3A_1104 : vector<1x1x16xf32> to vector<16xf32>
        %swap3A_1106 = arith.constant 0 : i32
        %swap3A_1107 = arith.index_cast %swap3A_1106 : i32 to index
        %swap3A_1108 = arith.index_cast %scan3A_347 : i32 to index
        %swap3A_1109 = arith.constant 928 : index
        %swap3A_1110 = tpu.vector_load %arg7[%swap3A_1107, %swap3A_1108, %swap3A_1109] {strides = array<i32>} : memref<4x8x1024xf32, #tpu.memory_space<vmem>>, vector<1x1x16xf32>,
        %swap3A_1111 = vector.shape_cast %swap3A_1110 : vector<1x1x16xf32> to vector<16xf32>
        %swap3A_1112 = vector.shape_cast %get3A_1105 : vector<16xf32> to vector<1x1x16xf32>
        tpu.vector_store %arg7[%swap3A_1107, %swap3A_1108, %swap3A_1109], %swap3A_1112 {add = true, strides = array<i32>} : memref<4x8x1024xf32, #tpu.memory_space<vmem>>, vector<1x1x16xf32>,
        %get3A_1113 = arith.constant 0 : i32
        %get3A_1114 = arith.index_cast %get3A_1113 : i32 to index
        %get3A_1115 = arith.index_cast %scan3A_347 : i32 to index
        %get3A_1116 = arith.constant 944 : index
        %get3A_1117 = tpu.vector_load %arg8[%get3A_1114, %get3A_1115, %get3A_1116] {strides = array<i32>} : memref<4x8x1024xf32, #tpu.memory_space<vmem>>, vector<1x1x16xf32>,
        %get3A_1118 = vector.shape_cast %get3A_1117 : vector<1x1x16xf32> to vector<16xf32>
        %swap3A_1119 = arith.constant 0 : i32
        %swap3A_1120 = arith.index_cast %swap3A_1119 : i32 to index
        %swap3A_1121 = arith.index_cast %scan3A_347 : i32 to index
        %swap3A_1122 = arith.constant 944 : index
        %swap3A_1123 = tpu.vector_load %arg7[%swap3A_1120, %swap3A_1121, %swap3A_1122] {strides = array<i32>} : memref<4x8x1024xf32, #tpu.memory_space<vmem>>, vector<1x1x16xf32>,
        %swap3A_1124 = vector.shape_cast %swap3A_1123 : vector<1x1x16xf32> to vector<16xf32>
        %swap3A_1125 = vector.shape_cast %get3A_1118 : vector<16xf32> to vector<1x1x16xf32>
        tpu.vector_store %arg7[%swap3A_1120, %swap3A_1121, %swap3A_1122], %swap3A_1125 {add = true, strides = array<i32>} : memref<4x8x1024xf32, #tpu.memory_space<vmem>>, vector<1x1x16xf32>,
        %get3A_1126 = arith.constant 0 : i32
        %get3A_1127 = arith.index_cast %get3A_1126 : i32 to index
        %get3A_1128 = arith.index_cast %scan3A_347 : i32 to index
        %get3A_1129 = arith.constant 960 : index
        %get3A_1130 = tpu.vector_load %arg8[%get3A_1127, %get3A_1128, %get3A_1129] {strides = array<i32>} : memref<4x8x1024xf32, #tpu.memory_space<vmem>>, vector<1x1x16xf32>,
        %get3A_1131 = vector.shape_cast %get3A_1130 : vector<1x1x16xf32> to vector<16xf32>
        %swap3A_1132 = arith.constant 0 : i32
        %swap3A_1133 = arith.index_cast %swap3A_1132 : i32 to index
        %swap3A_1134 = arith.index_cast %scan3A_347 : i32 to index
        %swap3A_1135 = arith.constant 960 : index
        %swap3A_1136 = tpu.vector_load %arg7[%swap3A_1133, %swap3A_1134, %swap3A_1135] {strides = array<i32>} : memref<4x8x1024xf32, #tpu.memory_space<vmem>>, vector<1x1x16xf32>,
        %swap3A_1137 = vector.shape_cast %swap3A_1136 : vector<1x1x16xf32> to vector<16xf32>
        %swap3A_1138 = vector.shape_cast %get3A_1131 : vector<16xf32> to vector<1x1x16xf32>
        tpu.vector_store %arg7[%swap3A_1133, %swap3A_1134, %swap3A_1135], %swap3A_1138 {add = true, strides = array<i32>} : memref<4x8x1024xf32, #tpu.memory_space<vmem>>, vector<1x1x16xf32>,
        %get3A_1139 = arith.constant 0 : i32
        %get3A_1140 = arith.index_cast %get3A_1139 : i32 to index
        %get3A_1141 = arith.index_cast %scan3A_347 : i32 to index
        %get3A_1142 = arith.constant 976 : index
        %get3A_1143 = tpu.vector_load %arg8[%get3A_1140, %get3A_1141, %get3A_1142] {strides = array<i32>} : memref<4x8x1024xf32, #tpu.memory_space<vmem>>, vector<1x1x16xf32>,
        %get3A_1144 = vector.shape_cast %get3A_1143 : vector<1x1x16xf32> to vector<16xf32>
        %swap3A_1145 = arith.constant 0 : i32
        %swap3A_1146 = arith.index_cast %swap3A_1145 : i32 to index
        %swap3A_1147 = arith.index_cast %scan3A_347 : i32 to index
        %swap3A_1148 = arith.constant 976 : index
        %swap3A_1149 = tpu.vector_load %arg7[%swap3A_1146, %swap3A_1147, %swap3A_1148] {strides = array<i32>} : memref<4x8x1024xf32, #tpu.memory_space<vmem>>, vector<1x1x16xf32>,
        %swap3A_1150 = vector.shape_cast %swap3A_1149 : vector<1x1x16xf32> to vector<16xf32>
        %swap3A_1151 = vector.shape_cast %get3A_1144 : vector<16xf32> to vector<1x1x16xf32>
        tpu.vector_store %arg7[%swap3A_1146, %swap3A_1147, %swap3A_1148], %swap3A_1151 {add = true, strides = array<i32>} : memref<4x8x1024xf32, #tpu.memory_space<vmem>>, vector<1x1x16xf32>,
        %get3A_1152 = arith.constant 0 : i32
        %get3A_1153 = arith.index_cast %get3A_1152 : i32 to index
        %get3A_1154 = arith.index_cast %scan3A_347 : i32 to index
        %get3A_1155 = arith.constant 992 : index
        %get3A_1156 = tpu.vector_load %arg8[%get3A_1153, %get3A_1154, %get3A_1155] {strides = array<i32>} : memref<4x8x1024xf32, #tpu.memory_space<vmem>>, vector<1x1x16xf32>,
        %get3A_1157 = vector.shape_cast %get3A_1156 : vector<1x1x16xf32> to vector<16xf32>
        %swap3A_1158 = arith.constant 0 : i32
        %swap3A_1159 = arith.index_cast %swap3A_1158 : i32 to index
        %swap3A_1160 = arith.index_cast %scan3A_347 : i32 to index
        %swap3A_1161 = arith.constant 992 : index
        %swap3A_1162 = tpu.vector_load %arg7[%swap3A_1159, %swap3A_1160, %swap3A_1161] {strides = array<i32>} : memref<4x8x1024xf32, #tpu.memory_space<vmem>>, vector<1x1x16xf32>,
        %swap3A_1163 = vector.shape_cast %swap3A_1162 : vector<1x1x16xf32> to vector<16xf32>
        %swap3A_1164 = vector.shape_cast %get3A_1157 : vector<16xf32> to vector<1x1x16xf32>
        tpu.vector_store %arg7[%swap3A_1159, %swap3A_1160, %swap3A_1161], %swap3A_1164 {add = true, strides = array<i32>} : memref<4x8x1024xf32, #tpu.memory_space<vmem>>, vector<1x1x16xf32>,
        %get3A_1165 = arith.constant 0 : i32
        %get3A_1166 = arith.index_cast %get3A_1165 : i32 to index
        %get3A_1167 = arith.index_cast %scan3A_347 : i32 to index
        %get3A_1168 = arith.constant 1008 : index
        %get3A_1169 = tpu.vector_load %arg8[%get3A_1166, %get3A_1167, %get3A_1168] {strides = array<i32>} : memref<4x8x1024xf32, #tpu.memory_space<vmem>>, vector<1x1x16xf32>,
        %get3A_1170 = vector.shape_cast %get3A_1169 : vector<1x1x16xf32> to vector<16xf32>
        %swap3A_1171 = arith.constant 0 : i32
        %swap3A_1172 = arith.index_cast %swap3A_1171 : i32 to index
        %swap3A_1173 = arith.index_cast %scan3A_347 : i32 to index
        %swap3A_1174 = arith.constant 1008 : index
        %swap3A_1175 = tpu.vector_load %arg7[%swap3A_1172, %swap3A_1173, %swap3A_1174] {strides = array<i32>} : memref<4x8x1024xf32, #tpu.memory_space<vmem>>, vector<1x1x16xf32>,
        %swap3A_1176 = vector.shape_cast %swap3A_1175 : vector<1x1x16xf32> to vector<16xf32>
        %swap3A_1177 = vector.shape_cast %get3A_1170 : vector<16xf32> to vector<1x1x16xf32>
        tpu.vector_store %arg7[%swap3A_1172, %swap3A_1173, %swap3A_1174], %swap3A_1177 {add = true, strides = array<i32>} : memref<4x8x1024xf32, #tpu.memory_space<vmem>>, vector<1x1x16xf32>,
      }
      %scan3A_135 = arith.constant 8 : i32
      %mul3A_136 = arith.constant 8 : i32
      %mul3A_137 = arith.muli %add3A_94, %mul3A_136 : i32
      %add3A_138 = arith.addi %mul3A_2, %mul3A_137 : i32
      %dma_start3A_139 = arith.constant 0 : i32
      %dma_start3A_140 = arith.constant 0 : i32
      %dma_start3A_141 = arith.constant 0 : i32
      %dma_start3A_142 = tpu.memref_slice %arg7[%dma_start3A_139, %dma_start3A_140, %dma_start3A_141] : memref<4x8x1024xf32, #tpu.memory_space<vmem>> -> memref<1x8x1024xf32, #tpu.memory_space<vmem>>
      %dma_start3A_143 = tpu.memref_squeeze %dma_start3A_142 : memref<1x8x1024xf32, #tpu.memory_space<vmem>> -> memref<8x1024xf32, #tpu.memory_space<vmem>>
      %dma_start3A_144 = arith.constant 0 : i32
      %dma_start3A_145 = tpu.memref_slice %arg5[%add3A_138, %dma_start3A_144] : memref<32768x1024xf32, #tpu.memory_space<hbm>> -> memref<8x1024xf32, #tpu.memory_space<hbm>>
      %dma_start3A_146 = arith.constant 0 : i32
      %dma_start3A_147 = tpu.memref_slice %arg5[%add3A_138, %dma_start3A_146] : memref<32768x1024xf32, #tpu.memory_space<hbm>> -> memref<8x1024xf32, #tpu.memory_space<hbm>>
      %dma_start3A_148 = arith.constant 0 : i32
      %dma_start3A_149 = arith.constant 0 : i32
      %dma_start3A_150 = tpu.memref_slice %arg7[%dma_start3A_139, %dma_start3A_148, %dma_start3A_149] : memref<4x8x1024xf32, #tpu.memory_space<vmem>> -> memref<1x8x1024xf32, #tpu.memory_space<vmem>>
      %dma_start3A_151 = tpu.memref_squeeze %dma_start3A_150 : memref<1x8x1024xf32, #tpu.memory_space<vmem>> -> memref<8x1024xf32, #tpu.memory_space<vmem>>
      tpu.enqueue_dma source(%dma_start3A_151 : memref<8x1024xf32, #tpu.memory_space<vmem>>) target(%dma_start3A_147 : memref<8x1024xf32, #tpu.memory_space<hbm>>) target_semaphore(%arg17 : memref<!tpu.dma_semaphore, #tpu.memory_space<semaphore_mem>>)
      %mul3A_152 = arith.constant 4 : i32
      %mul3A_153 = arith.muli %mul3A_152, %scan3A_90 : i32
      %add3A_154 = arith.constant 1 : i32
      %add3A_155 = arith.addi %mul3A_153, %add3A_154 : i32
      %ge3A_156 = arith.constant 2 : i32
      %ge3A_157 = arith.cmpi sge, %add3A_155, %ge3A_156 : i32
      %convert_element_type3A_158 = arith.extui %ge3A_157 : i1 to i32
      %cond3A_159 = arith.constant 0 : i32
      %cond3A_160 = arith.cmpi ne, %convert_element_type3A_158, %cond3A_159 : i32
      scf.if %cond3A_160 {
        %sub3A = arith.constant 2 : i32
        %sub3A_347 = arith.subi %add3A_155, %sub3A : i32
        %mul3A_348 = arith.constant 8 : i32
        %mul3A_349 = arith.muli %sub3A_347, %mul3A_348 : i32
        %add3A_350 = arith.addi %mul3A_2, %mul3A_349 : i32
        %dma_wait3A_351 = arith.constant 3 : i32
        %dma_wait3A_352 = arith.constant 0 : i32
        %dma_wait3A_353 = arith.constant 0 : i32
        %dma_wait3A_354 = tpu.memref_slice %arg7[%dma_wait3A_351, %dma_wait3A_352, %dma_wait3A_353] : memref<4x8x1024xf32, #tpu.memory_space<vmem>> -> memref<1x8x1024xf32, #tpu.memory_space<vmem>>
        %dma_wait3A_355 = tpu.memref_squeeze %dma_wait3A_354 : memref<1x8x1024xf32, #tpu.memory_space<vmem>> -> memref<8x1024xf32, #tpu.memory_space<vmem>>
        %dma_wait3A_356 = arith.constant 0 : i32
        %dma_wait3A_357 = tpu.memref_slice %arg5[%add3A_350, %dma_wait3A_356] : memref<32768x1024xf32, #tpu.memory_space<hbm>> -> memref<8x1024xf32, #tpu.memory_space<hbm>>
        %dma_wait3A_358 = arith.constant 0 : i32
        %dma_wait3A_359 = tpu.memref_slice %arg5[%add3A_350, %dma_wait3A_358] : memref<32768x1024xf32, #tpu.memory_space<hbm>> -> memref<8x1024xf32, #tpu.memory_space<hbm>>
        %dma_wait3A_360 = arith.constant 0 : i32
        %dma_wait3A_361 = arith.constant 0 : i32
        %dma_wait3A_362 = tpu.memref_slice %arg7[%dma_wait3A_351, %dma_wait3A_360, %dma_wait3A_361] : memref<4x8x1024xf32, #tpu.memory_space<vmem>> -> memref<1x8x1024xf32, #tpu.memory_space<vmem>>
        %dma_wait3A_363 = tpu.memref_squeeze %dma_wait3A_362 : memref<1x8x1024xf32, #tpu.memory_space<vmem>> -> memref<8x1024xf32, #tpu.memory_space<vmem>>
        tpu.wait_dma2 semaphore(%arg20 : memref<!tpu.dma_semaphore, #tpu.memory_space<semaphore_mem>>) src(%dma_wait3A_363 : memref<8x1024xf32, #tpu.memory_space<vmem>>) dst(%dma_wait3A_359 : memref<8x1024xf32, #tpu.memory_space<hbm>>)
      } else {
      }
      %add3A_161 = arith.constant 2 : i32
      %add3A_162 = arith.addi %add3A_155, %add3A_161 : i32
      %lt3A_163 = arith.constant 128 : i32
      %lt3A_164 = arith.cmpi slt, %add3A_162, %lt3A_163 : i32
      %convert_element_type3A_165 = arith.extui %lt3A_164 : i1 to i32
      %cond3A_166 = arith.constant 0 : i32
      %cond3A_167 = arith.cmpi ne, %convert_element_type3A_165, %cond3A_166 : i32
      scf.if %cond3A_167 {
        %add3A_347 = arith.constant 2 : i32
        %add3A_348 = arith.addi %add3A_155, %add3A_347 : i32
        %mul3A_349 = arith.constant 8 : i32
        %mul3A_350 = arith.muli %add3A_348, %mul3A_349 : i32
        %add3A_351 = arith.addi %mul3A_2, %mul3A_350 : i32
        %mul3A_352 = arith.constant 8 : i32
        %mul3A_353 = arith.muli %add3A_348, %mul3A_352 : i32
        %dma_start3A_354 = arith.constant 3 : i32
        %dma_start3A_355 = arith.constant 0 : i32
        %dma_start3A_356 = arith.constant 0 : i32
        %dma_start3A_357 = tpu.memref_slice %arg8[%dma_start3A_354, %dma_start3A_355, %dma_start3A_356] : memref<4x8x1024xf32, #tpu.memory_space<vmem>> -> memref<1x8x1024xf32, #tpu.memory_space<vmem>>
        %dma_start3A_358 = tpu.memref_squeeze %dma_start3A_357 : memref<1x8x1024xf32, #tpu.memory_space<vmem>> -> memref<8x1024xf32, #tpu.memory_space<vmem>>
        %dma_start3A_359 = tpu.memref_slice %arg6[%mul3A_353] : memref<1024xi32, #tpu.memory_space<vmem>> -> memref<8xi32, #tpu.memory_space<vmem>>
        %dma_start3A_360 = arith.constant 0 : i32
        %dma_start3A_361 = arith.constant 0 : i32
        %dma_start3A_362 = tpu.memref_slice %arg4[%dma_start3A_360, %dma_start3A_361] : memref<8192x1024xf32, #tpu.memory_space<hbm>> -> memref<8192x1024xf32, #tpu.memory_space<hbm>>
        tpu.enqueue_indirect_dma source(%dma_start3A_362 : memref<8192x1024xf32, #tpu.memory_space<hbm>>) target(%dma_start3A_358 : memref<8x1024xf32, #tpu.memory_space<vmem>>) offsets(%dma_start3A_359 : memref<8xi32, #tpu.memory_space<vmem>>) semaphore(%arg16 : memref<!tpu.dma_semaphore, #tpu.memory_space<semaphore_mem>>)
        %dma_start3A_363 = arith.constant 3 : i32
        %dma_start3A_364 = arith.constant 0 : i32
        %dma_start3A_365 = arith.constant 0 : i32
        %dma_start3A_366 = tpu.memref_slice %arg7[%dma_start3A_363, %dma_start3A_364, %dma_start3A_365] : memref<4x8x1024xf32, #tpu.memory_space<vmem>> -> memref<1x8x1024xf32, #tpu.memory_space<vmem>>
        %dma_start3A_367 = tpu.memref_squeeze %dma_start3A_366 : memref<1x8x1024xf32, #tpu.memory_space<vmem>> -> memref<8x1024xf32, #tpu.memory_space<vmem>>
        %dma_start3A_368 = arith.constant 0 : i32
        %dma_start3A_369 = tpu.memref_slice %arg2[%add3A_351, %dma_start3A_368] : memref<32768x1024xf32, #tpu.memory_space<hbm>> -> memref<8x1024xf32, #tpu.memory_space<hbm>>
        %dma_start3A_370 = arith.constant 0 : i32
        %dma_start3A_371 = arith.constant 0 : i32
        %dma_start3A_372 = tpu.memref_slice %arg7[%dma_start3A_363, %dma_start3A_370, %dma_start3A_371] : memref<4x8x1024xf32, #tpu.memory_space<vmem>> -> memref<1x8x1024xf32, #tpu.memory_space<vmem>>
        %dma_start3A_373 = tpu.memref_squeeze %dma_start3A_372 : memref<1x8x1024xf32, #tpu.memory_space<vmem>> -> memref<8x1024xf32, #tpu.memory_space<vmem>>
        %dma_start3A_374 = arith.constant 0 : i32
        %dma_start3A_375 = tpu.memref_slice %arg2[%add3A_351, %dma_start3A_374] : memref<32768x1024xf32, #tpu.memory_space<hbm>> -> memref<8x1024xf32, #tpu.memory_space<hbm>>
        tpu.enqueue_dma source(%dma_start3A_375 : memref<8x1024xf32, #tpu.memory_space<hbm>>) target(%dma_start3A_373 : memref<8x1024xf32, #tpu.memory_space<vmem>>) target_semaphore(%arg12 : memref<!tpu.dma_semaphore, #tpu.memory_space<semaphore_mem>>)
      } else {
      }
      %mul3A_168 = arith.constant 8 : i32
      %mul3A_169 = arith.muli %add3A_155, %mul3A_168 : i32
      %add3A_170 = arith.addi %mul3A_2, %mul3A_169 : i32
      %dma_wait3A_171 = arith.constant 1 : i32
      %dma_wait3A_172 = arith.constant 0 : i32
      %dma_wait3A_173 = arith.constant 0 : i32
      %dma_wait3A_174 = tpu.memref_slice %arg7[%dma_wait3A_171, %dma_wait3A_172, %dma_wait3A_173] : memref<4x8x1024xf32, #tpu.memory_space<vmem>> -> memref<1x8x1024xf32, #tpu.memory_space<vmem>>
      %dma_wait3A_175 = tpu.memref_squeeze %dma_wait3A_174 : memref<1x8x1024xf32, #tpu.memory_space<vmem>> -> memref<8x1024xf32, #tpu.memory_space<vmem>>
      %dma_wait3A_176 = arith.constant 0 : i32
      %dma_wait3A_177 = tpu.memref_slice %arg2[%add3A_170, %dma_wait3A_176] : memref<32768x1024xf32, #tpu.memory_space<hbm>> -> memref<8x1024xf32, #tpu.memory_space<hbm>>
      %dma_wait3A_178 = arith.constant 0 : i32
      %dma_wait3A_179 = arith.constant 0 : i32
      %dma_wait3A_180 = tpu.memref_slice %arg7[%dma_wait3A_171, %dma_wait3A_178, %dma_wait3A_179] : memref<4x8x1024xf32, #tpu.memory_space<vmem>> -> memref<1x8x1024xf32, #tpu.memory_space<vmem>>
      %dma_wait3A_181 = tpu.memref_squeeze %dma_wait3A_180 : memref<1x8x1024xf32, #tpu.memory_space<vmem>> -> memref<8x1024xf32, #tpu.memory_space<vmem>>
      %dma_wait3A_182 = arith.constant 0 : i32
      %dma_wait3A_183 = tpu.memref_slice %arg2[%add3A_170, %dma_wait3A_182] : memref<32768x1024xf32, #tpu.memory_space<hbm>> -> memref<8x1024xf32, #tpu.memory_space<hbm>>
      tpu.wait_dma2 semaphore(%arg10 : memref<!tpu.dma_semaphore, #tpu.memory_space<semaphore_mem>>) src(%dma_wait3A_183 : memref<8x1024xf32, #tpu.memory_space<hbm>>) dst(%dma_wait3A_181 : memref<8x1024xf32, #tpu.memory_space<vmem>>)
      %mul3A_184 = arith.constant 8 : i32
      %mul3A_185 = arith.muli %add3A_155, %mul3A_184 : i32
      %dma_wait3A_186 = arith.constant 1 : i32
      %dma_wait3A_187 = arith.constant 0 : i32
      %dma_wait3A_188 = arith.constant 0 : i32
      %dma_wait3A_189 = tpu.memref_slice %arg8[%dma_wait3A_186, %dma_wait3A_187, %dma_wait3A_188] : memref<4x8x1024xf32, #tpu.memory_space<vmem>> -> memref<1x8x1024xf32, #tpu.memory_space<vmem>>
      %dma_wait3A_190 = tpu.memref_squeeze %dma_wait3A_189 : memref<1x8x1024xf32, #tpu.memory_space<vmem>> -> memref<8x1024xf32, #tpu.memory_space<vmem>>
      %dma_wait3A_191 = tpu.memref_slice %arg6[%mul3A_185] : memref<1024xi32, #tpu.memory_space<vmem>> -> memref<8xi32, #tpu.memory_space<vmem>>
      %dma_wait3A_192 = arith.constant 0 : i32
      %dma_wait3A_193 = arith.constant 0 : i32
      %dma_wait3A_194 = tpu.memref_slice %arg4[%dma_wait3A_192, %dma_wait3A_193] : memref<8192x1024xf32, #tpu.memory_space<hbm>> -> memref<8192x1024xf32, #tpu.memory_space<hbm>>
      tpu.wait_indirect_dma semaphore(%arg14 : memref<!tpu.dma_semaphore, #tpu.memory_space<semaphore_mem>>) src(%dma_wait3A_194 : memref<8192x1024xf32, #tpu.memory_space<hbm>>) dst(%dma_wait3A_190 : memref<8x1024xf32, #tpu.memory_space<vmem>>)
      %scan3A_195 = arith.constant 0 : i32
      %scan3A_196 = arith.constant 0 : i32
      %scan3A_197 = arith.constant 8 : i32
      %scan3A_198 = arith.addi %scan3A_196, %scan3A_197 : i32
      %scan3A_199 = arith.constant 1 : i32
      scf.for %scan3A_347 = %scan3A_196 to %scan3A_198 step %scan3A_199  : i32 {
        %get3A = arith.constant 1 : i32
        %get3A_348 = arith.index_cast %get3A : i32 to index
        %get3A_349 = arith.index_cast %scan3A_347 : i32 to index
        %get3A_350 = arith.constant 0 : index
        %get3A_351 = tpu.vector_load %arg8[%get3A_348, %get3A_349, %get3A_350] {strides = array<i32>} : memref<4x8x1024xf32, #tpu.memory_space<vmem>>, vector<1x1x16xf32>,
        %get3A_352 = vector.shape_cast %get3A_351 : vector<1x1x16xf32> to vector<16xf32>
        %swap3A = arith.constant 1 : i32
        %swap3A_353 = arith.index_cast %swap3A : i32 to index
        %swap3A_354 = arith.index_cast %scan3A_347 : i32 to index
        %swap3A_355 = arith.constant 0 : index
        %swap3A_356 = tpu.vector_load %arg7[%swap3A_353, %swap3A_354, %swap3A_355] {strides = array<i32>} : memref<4x8x1024xf32, #tpu.memory_space<vmem>>, vector<1x1x16xf32>,
        %swap3A_357 = vector.shape_cast %swap3A_356 : vector<1x1x16xf32> to vector<16xf32>
        %swap3A_358 = vector.shape_cast %get3A_352 : vector<16xf32> to vector<1x1x16xf32>
        tpu.vector_store %arg7[%swap3A_353, %swap3A_354, %swap3A_355], %swap3A_358 {add = true, strides = array<i32>} : memref<4x8x1024xf32, #tpu.memory_space<vmem>>, vector<1x1x16xf32>,
        %get3A_359 = arith.constant 1 : i32
        %get3A_360 = arith.index_cast %get3A_359 : i32 to index
        %get3A_361 = arith.index_cast %scan3A_347 : i32 to index
        %get3A_362 = arith.constant 16 : index
        %get3A_363 = tpu.vector_load %arg8[%get3A_360, %get3A_361, %get3A_362] {strides = array<i32>} : memref<4x8x1024xf32, #tpu.memory_space<vmem>>, vector<1x1x16xf32>,
        %get3A_364 = vector.shape_cast %get3A_363 : vector<1x1x16xf32> to vector<16xf32>
        %swap3A_365 = arith.constant 1 : i32
        %swap3A_366 = arith.index_cast %swap3A_365 : i32 to index
        %swap3A_367 = arith.index_cast %scan3A_347 : i32 to index
        %swap3A_368 = arith.constant 16 : index
        %swap3A_369 = tpu.vector_load %arg7[%swap3A_366, %swap3A_367, %swap3A_368] {strides = array<i32>} : memref<4x8x1024xf32, #tpu.memory_space<vmem>>, vector<1x1x16xf32>,
        %swap3A_370 = vector.shape_cast %swap3A_369 : vector<1x1x16xf32> to vector<16xf32>
        %swap3A_371 = vector.shape_cast %get3A_364 : vector<16xf32> to vector<1x1x16xf32>
        tpu.vector_store %arg7[%swap3A_366, %swap3A_367, %swap3A_368], %swap3A_371 {add = true, strides = array<i32>} : memref<4x8x1024xf32, #tpu.memory_space<vmem>>, vector<1x1x16xf32>,
        %get3A_372 = arith.constant 1 : i32
        %get3A_373 = arith.index_cast %get3A_372 : i32 to index
        %get3A_374 = arith.index_cast %scan3A_347 : i32 to index
        %get3A_375 = arith.constant 32 : index
        %get3A_376 = tpu.vector_load %arg8[%get3A_373, %get3A_374, %get3A_375] {strides = array<i32>} : memref<4x8x1024xf32, #tpu.memory_space<vmem>>, vector<1x1x16xf32>,
        %get3A_377 = vector.shape_cast %get3A_376 : vector<1x1x16xf32> to vector<16xf32>
        %swap3A_378 = arith.constant 1 : i32
        %swap3A_379 = arith.index_cast %swap3A_378 : i32 to index
        %swap3A_380 = arith.index_cast %scan3A_347 : i32 to index
        %swap3A_381 = arith.constant 32 : index
        %swap3A_382 = tpu.vector_load %arg7[%swap3A_379, %swap3A_380, %swap3A_381] {strides = array<i32>} : memref<4x8x1024xf32, #tpu.memory_space<vmem>>, vector<1x1x16xf32>,
        %swap3A_383 = vector.shape_cast %swap3A_382 : vector<1x1x16xf32> to vector<16xf32>
        %swap3A_384 = vector.shape_cast %get3A_377 : vector<16xf32> to vector<1x1x16xf32>
        tpu.vector_store %arg7[%swap3A_379, %swap3A_380, %swap3A_381], %swap3A_384 {add = true, strides = array<i32>} : memref<4x8x1024xf32, #tpu.memory_space<vmem>>, vector<1x1x16xf32>,
        %get3A_385 = arith.constant 1 : i32
        %get3A_386 = arith.index_cast %get3A_385 : i32 to index
        %get3A_387 = arith.index_cast %scan3A_347 : i32 to index
        %get3A_388 = arith.constant 48 : index
        %get3A_389 = tpu.vector_load %arg8[%get3A_386, %get3A_387, %get3A_388] {strides = array<i32>} : memref<4x8x1024xf32, #tpu.memory_space<vmem>>, vector<1x1x16xf32>,
        %get3A_390 = vector.shape_cast %get3A_389 : vector<1x1x16xf32> to vector<16xf32>
        %swap3A_391 = arith.constant 1 : i32
        %swap3A_392 = arith.index_cast %swap3A_391 : i32 to index
        %swap3A_393 = arith.index_cast %scan3A_347 : i32 to index
        %swap3A_394 = arith.constant 48 : index
        %swap3A_395 = tpu.vector_load %arg7[%swap3A_392, %swap3A_393, %swap3A_394] {strides = array<i32>} : memref<4x8x1024xf32, #tpu.memory_space<vmem>>, vector<1x1x16xf32>,
        %swap3A_396 = vector.shape_cast %swap3A_395 : vector<1x1x16xf32> to vector<16xf32>
        %swap3A_397 = vector.shape_cast %get3A_390 : vector<16xf32> to vector<1x1x16xf32>
        tpu.vector_store %arg7[%swap3A_392, %swap3A_393, %swap3A_394], %swap3A_397 {add = true, strides = array<i32>} : memref<4x8x1024xf32, #tpu.memory_space<vmem>>, vector<1x1x16xf32>,
        %get3A_398 = arith.constant 1 : i32
        %get3A_399 = arith.index_cast %get3A_398 : i32 to index
        %get3A_400 = arith.index_cast %scan3A_347 : i32 to index
        %get3A_401 = arith.constant 64 : index
        %get3A_402 = tpu.vector_load %arg8[%get3A_399, %get3A_400, %get3A_401] {strides = array<i32>} : memref<4x8x1024xf32, #tpu.memory_space<vmem>>, vector<1x1x16xf32>,
        %get3A_403 = vector.shape_cast %get3A_402 : vector<1x1x16xf32> to vector<16xf32>
        %swap3A_404 = arith.constant 1 : i32
        %swap3A_405 = arith.index_cast %swap3A_404 : i32 to index
        %swap3A_406 = arith.index_cast %scan3A_347 : i32 to index
        %swap3A_407 = arith.constant 64 : index
        %swap3A_408 = tpu.vector_load %arg7[%swap3A_405, %swap3A_406, %swap3A_407] {strides = array<i32>} : memref<4x8x1024xf32, #tpu.memory_space<vmem>>, vector<1x1x16xf32>,
        %swap3A_409 = vector.shape_cast %swap3A_408 : vector<1x1x16xf32> to vector<16xf32>
        %swap3A_410 = vector.shape_cast %get3A_403 : vector<16xf32> to vector<1x1x16xf32>
        tpu.vector_store %arg7[%swap3A_405, %swap3A_406, %swap3A_407], %swap3A_410 {add = true, strides = array<i32>} : memref<4x8x1024xf32, #tpu.memory_space<vmem>>, vector<1x1x16xf32>,
        %get3A_411 = arith.constant 1 : i32
        %get3A_412 = arith.index_cast %get3A_411 : i32 to index
        %get3A_413 = arith.index_cast %scan3A_347 : i32 to index
        %get3A_414 = arith.constant 80 : index
        %get3A_415 = tpu.vector_load %arg8[%get3A_412, %get3A_413, %get3A_414] {strides = array<i32>} : memref<4x8x1024xf32, #tpu.memory_space<vmem>>, vector<1x1x16xf32>,
        %get3A_416 = vector.shape_cast %get3A_415 : vector<1x1x16xf32> to vector<16xf32>
        %swap3A_417 = arith.constant 1 : i32
        %swap3A_418 = arith.index_cast %swap3A_417 : i32 to index
        %swap3A_419 = arith.index_cast %scan3A_347 : i32 to index
        %swap3A_420 = arith.constant 80 : index
        %swap3A_421 = tpu.vector_load %arg7[%swap3A_418, %swap3A_419, %swap3A_420] {strides = array<i32>} : memref<4x8x1024xf32, #tpu.memory_space<vmem>>, vector<1x1x16xf32>,
        %swap3A_422 = vector.shape_cast %swap3A_421 : vector<1x1x16xf32> to vector<16xf32>
        %swap3A_423 = vector.shape_cast %get3A_416 : vector<16xf32> to vector<1x1x16xf32>
        tpu.vector_store %arg7[%swap3A_418, %swap3A_419, %swap3A_420], %swap3A_423 {add = true, strides = array<i32>} : memref<4x8x1024xf32, #tpu.memory_space<vmem>>, vector<1x1x16xf32>,
        %get3A_424 = arith.constant 1 : i32
        %get3A_425 = arith.index_cast %get3A_424 : i32 to index
        %get3A_426 = arith.index_cast %scan3A_347 : i32 to index
        %get3A_427 = arith.constant 96 : index
        %get3A_428 = tpu.vector_load %arg8[%get3A_425, %get3A_426, %get3A_427] {strides = array<i32>} : memref<4x8x1024xf32, #tpu.memory_space<vmem>>, vector<1x1x16xf32>,
        %get3A_429 = vector.shape_cast %get3A_428 : vector<1x1x16xf32> to vector<16xf32>
        %swap3A_430 = arith.constant 1 : i32
        %swap3A_431 = arith.index_cast %swap3A_430 : i32 to index
        %swap3A_432 = arith.index_cast %scan3A_347 : i32 to index
        %swap3A_433 = arith.constant 96 : index
        %swap3A_434 = tpu.vector_load %arg7[%swap3A_431, %swap3A_432, %swap3A_433] {strides = array<i32>} : memref<4x8x1024xf32, #tpu.memory_space<vmem>>, vector<1x1x16xf32>,
        %swap3A_435 = vector.shape_cast %swap3A_434 : vector<1x1x16xf32> to vector<16xf32>
        %swap3A_436 = vector.shape_cast %get3A_429 : vector<16xf32> to vector<1x1x16xf32>
        tpu.vector_store %arg7[%swap3A_431, %swap3A_432, %swap3A_433], %swap3A_436 {add = true, strides = array<i32>} : memref<4x8x1024xf32, #tpu.memory_space<vmem>>, vector<1x1x16xf32>,
        %get3A_437 = arith.constant 1 : i32
        %get3A_438 = arith.index_cast %get3A_437 : i32 to index
        %get3A_439 = arith.index_cast %scan3A_347 : i32 to index
        %get3A_440 = arith.constant 112 : index
        %get3A_441 = tpu.vector_load %arg8[%get3A_438, %get3A_439, %get3A_440] {strides = array<i32>} : memref<4x8x1024xf32, #tpu.memory_space<vmem>>, vector<1x1x16xf32>,
        %get3A_442 = vector.shape_cast %get3A_441 : vector<1x1x16xf32> to vector<16xf32>
        %swap3A_443 = arith.constant 1 : i32
        %swap3A_444 = arith.index_cast %swap3A_443 : i32 to index
        %swap3A_445 = arith.index_cast %scan3A_347 : i32 to index
        %swap3A_446 = arith.constant 112 : index
        %swap3A_447 = tpu.vector_load %arg7[%swap3A_444, %swap3A_445, %swap3A_446] {strides = array<i32>} : memref<4x8x1024xf32, #tpu.memory_space<vmem>>, vector<1x1x16xf32>,
        %swap3A_448 = vector.shape_cast %swap3A_447 : vector<1x1x16xf32> to vector<16xf32>
        %swap3A_449 = vector.shape_cast %get3A_442 : vector<16xf32> to vector<1x1x16xf32>
        tpu.vector_store %arg7[%swap3A_444, %swap3A_445, %swap3A_446], %swap3A_449 {add = true, strides = array<i32>} : memref<4x8x1024xf32, #tpu.memory_space<vmem>>, vector<1x1x16xf32>,
        %get3A_450 = arith.constant 1 : i32
        %get3A_451 = arith.index_cast %get3A_450 : i32 to index
        %get3A_452 = arith.index_cast %scan3A_347 : i32 to index
        %get3A_453 = arith.constant 128 : index
        %get3A_454 = tpu.vector_load %arg8[%get3A_451, %get3A_452, %get3A_453] {strides = array<i32>} : memref<4x8x1024xf32, #tpu.memory_space<vmem>>, vector<1x1x16xf32>,
        %get3A_455 = vector.shape_cast %get3A_454 : vector<1x1x16xf32> to vector<16xf32>
        %swap3A_456 = arith.constant 1 : i32
        %swap3A_457 = arith.index_cast %swap3A_456 : i32 to index
        %swap3A_458 = arith.index_cast %scan3A_347 : i32 to index
        %swap3A_459 = arith.constant 128 : index
        %swap3A_460 = tpu.vector_load %arg7[%swap3A_457, %swap3A_458, %swap3A_459] {strides = array<i32>} : memref<4x8x1024xf32, #tpu.memory_space<vmem>>, vector<1x1x16xf32>,
        %swap3A_461 = vector.shape_cast %swap3A_460 : vector<1x1x16xf32> to vector<16xf32>
        %swap3A_462 = vector.shape_cast %get3A_455 : vector<16xf32> to vector<1x1x16xf32>
        tpu.vector_store %arg7[%swap3A_457, %swap3A_458, %swap3A_459], %swap3A_462 {add = true, strides = array<i32>} : memref<4x8x1024xf32, #tpu.memory_space<vmem>>, vector<1x1x16xf32>,
        %get3A_463 = arith.constant 1 : i32
        %get3A_464 = arith.index_cast %get3A_463 : i32 to index
        %get3A_465 = arith.index_cast %scan3A_347 : i32 to index
        %get3A_466 = arith.constant 144 : index
        %get3A_467 = tpu.vector_load %arg8[%get3A_464, %get3A_465, %get3A_466] {strides = array<i32>} : memref<4x8x1024xf32, #tpu.memory_space<vmem>>, vector<1x1x16xf32>,
        %get3A_468 = vector.shape_cast %get3A_467 : vector<1x1x16xf32> to vector<16xf32>
        %swap3A_469 = arith.constant 1 : i32
        %swap3A_470 = arith.index_cast %swap3A_469 : i32 to index
        %swap3A_471 = arith.index_cast %scan3A_347 : i32 to index
        %swap3A_472 = arith.constant 144 : index
        %swap3A_473 = tpu.vector_load %arg7[%swap3A_470, %swap3A_471, %swap3A_472] {strides = array<i32>} : memref<4x8x1024xf32, #tpu.memory_space<vmem>>, vector<1x1x16xf32>,
        %swap3A_474 = vector.shape_cast %swap3A_473 : vector<1x1x16xf32> to vector<16xf32>
        %swap3A_475 = vector.shape_cast %get3A_468 : vector<16xf32> to vector<1x1x16xf32>
        tpu.vector_store %arg7[%swap3A_470, %swap3A_471, %swap3A_472], %swap3A_475 {add = true, strides = array<i32>} : memref<4x8x1024xf32, #tpu.memory_space<vmem>>, vector<1x1x16xf32>,
        %get3A_476 = arith.constant 1 : i32
        %get3A_477 = arith.index_cast %get3A_476 : i32 to index
        %get3A_478 = arith.index_cast %scan3A_347 : i32 to index
        %get3A_479 = arith.constant 160 : index
        %get3A_480 = tpu.vector_load %arg8[%get3A_477, %get3A_478, %get3A_479] {strides = array<i32>} : memref<4x8x1024xf32, #tpu.memory_space<vmem>>, vector<1x1x16xf32>,
        %get3A_481 = vector.shape_cast %get3A_480 : vector<1x1x16xf32> to vector<16xf32>
        %swap3A_482 = arith.constant 1 : i32
        %swap3A_483 = arith.index_cast %swap3A_482 : i32 to index
        %swap3A_484 = arith.index_cast %scan3A_347 : i32 to index
        %swap3A_485 = arith.constant 160 : index
        %swap3A_486 = tpu.vector_load %arg7[%swap3A_483, %swap3A_484, %swap3A_485] {strides = array<i32>} : memref<4x8x1024xf32, #tpu.memory_space<vmem>>, vector<1x1x16xf32>,
        %swap3A_487 = vector.shape_cast %swap3A_486 : vector<1x1x16xf32> to vector<16xf32>
        %swap3A_488 = vector.shape_cast %get3A_481 : vector<16xf32> to vector<1x1x16xf32>
        tpu.vector_store %arg7[%swap3A_483, %swap3A_484, %swap3A_485], %swap3A_488 {add = true, strides = array<i32>} : memref<4x8x1024xf32, #tpu.memory_space<vmem>>, vector<1x1x16xf32>,
        %get3A_489 = arith.constant 1 : i32
        %get3A_490 = arith.index_cast %get3A_489 : i32 to index
        %get3A_491 = arith.index_cast %scan3A_347 : i32 to index
        %get3A_492 = arith.constant 176 : index
        %get3A_493 = tpu.vector_load %arg8[%get3A_490, %get3A_491, %get3A_492] {strides = array<i32>} : memref<4x8x1024xf32, #tpu.memory_space<vmem>>, vector<1x1x16xf32>,
        %get3A_494 = vector.shape_cast %get3A_493 : vector<1x1x16xf32> to vector<16xf32>
        %swap3A_495 = arith.constant 1 : i32
        %swap3A_496 = arith.index_cast %swap3A_495 : i32 to index
        %swap3A_497 = arith.index_cast %scan3A_347 : i32 to index
        %swap3A_498 = arith.constant 176 : index
        %swap3A_499 = tpu.vector_load %arg7[%swap3A_496, %swap3A_497, %swap3A_498] {strides = array<i32>} : memref<4x8x1024xf32, #tpu.memory_space<vmem>>, vector<1x1x16xf32>,
        %swap3A_500 = vector.shape_cast %swap3A_499 : vector<1x1x16xf32> to vector<16xf32>
        %swap3A_501 = vector.shape_cast %get3A_494 : vector<16xf32> to vector<1x1x16xf32>
        tpu.vector_store %arg7[%swap3A_496, %swap3A_497, %swap3A_498], %swap3A_501 {add = true, strides = array<i32>} : memref<4x8x1024xf32, #tpu.memory_space<vmem>>, vector<1x1x16xf32>,
        %get3A_502 = arith.constant 1 : i32
        %get3A_503 = arith.index_cast %get3A_502 : i32 to index
        %get3A_504 = arith.index_cast %scan3A_347 : i32 to index
        %get3A_505 = arith.constant 192 : index
        %get3A_506 = tpu.vector_load %arg8[%get3A_503, %get3A_504, %get3A_505] {strides = array<i32>} : memref<4x8x1024xf32, #tpu.memory_space<vmem>>, vector<1x1x16xf32>,
        %get3A_507 = vector.shape_cast %get3A_506 : vector<1x1x16xf32> to vector<16xf32>
        %swap3A_508 = arith.constant 1 : i32
        %swap3A_509 = arith.index_cast %swap3A_508 : i32 to index
        %swap3A_510 = arith.index_cast %scan3A_347 : i32 to index
        %swap3A_511 = arith.constant 192 : index
        %swap3A_512 = tpu.vector_load %arg7[%swap3A_509, %swap3A_510, %swap3A_511] {strides = array<i32>} : memref<4x8x1024xf32, #tpu.memory_space<vmem>>, vector<1x1x16xf32>,
        %swap3A_513 = vector.shape_cast %swap3A_512 : vector<1x1x16xf32> to vector<16xf32>
        %swap3A_514 = vector.shape_cast %get3A_507 : vector<16xf32> to vector<1x1x16xf32>
        tpu.vector_store %arg7[%swap3A_509, %swap3A_510, %swap3A_511], %swap3A_514 {add = true, strides = array<i32>} : memref<4x8x1024xf32, #tpu.memory_space<vmem>>, vector<1x1x16xf32>,
        %get3A_515 = arith.constant 1 : i32
        %get3A_516 = arith.index_cast %get3A_515 : i32 to index
        %get3A_517 = arith.index_cast %scan3A_347 : i32 to index
        %get3A_518 = arith.constant 208 : index
        %get3A_519 = tpu.vector_load %arg8[%get3A_516, %get3A_517, %get3A_518] {strides = array<i32>} : memref<4x8x1024xf32, #tpu.memory_space<vmem>>, vector<1x1x16xf32>,
        %get3A_520 = vector.shape_cast %get3A_519 : vector<1x1x16xf32> to vector<16xf32>
        %swap3A_521 = arith.constant 1 : i32
        %swap3A_522 = arith.index_cast %swap3A_521 : i32 to index
        %swap3A_523 = arith.index_cast %scan3A_347 : i32 to index
        %swap3A_524 = arith.constant 208 : index
        %swap3A_525 = tpu.vector_load %arg7[%swap3A_522, %swap3A_523, %swap3A_524] {strides = array<i32>} : memref<4x8x1024xf32, #tpu.memory_space<vmem>>, vector<1x1x16xf32>,
        %swap3A_526 = vector.shape_cast %swap3A_525 : vector<1x1x16xf32> to vector<16xf32>
        %swap3A_527 = vector.shape_cast %get3A_520 : vector<16xf32> to vector<1x1x16xf32>
        tpu.vector_store %arg7[%swap3A_522, %swap3A_523, %swap3A_524], %swap3A_527 {add = true, strides = array<i32>} : memref<4x8x1024xf32, #tpu.memory_space<vmem>>, vector<1x1x16xf32>,
        %get3A_528 = arith.constant 1 : i32
        %get3A_529 = arith.index_cast %get3A_528 : i32 to index
        %get3A_530 = arith.index_cast %scan3A_347 : i32 to index
        %get3A_531 = arith.constant 224 : index
        %get3A_532 = tpu.vector_load %arg8[%get3A_529, %get3A_530, %get3A_531] {strides = array<i32>} : memref<4x8x1024xf32, #tpu.memory_space<vmem>>, vector<1x1x16xf32>,
        %get3A_533 = vector.shape_cast %get3A_532 : vector<1x1x16xf32> to vector<16xf32>
        %swap3A_534 = arith.constant 1 : i32
        %swap3A_535 = arith.index_cast %swap3A_534 : i32 to index
        %swap3A_536 = arith.index_cast %scan3A_347 : i32 to index
        %swap3A_537 = arith.constant 224 : index
        %swap3A_538 = tpu.vector_load %arg7[%swap3A_535, %swap3A_536, %swap3A_537] {strides = array<i32>} : memref<4x8x1024xf32, #tpu.memory_space<vmem>>, vector<1x1x16xf32>,
        %swap3A_539 = vector.shape_cast %swap3A_538 : vector<1x1x16xf32> to vector<16xf32>
        %swap3A_540 = vector.shape_cast %get3A_533 : vector<16xf32> to vector<1x1x16xf32>
        tpu.vector_store %arg7[%swap3A_535, %swap3A_536, %swap3A_537], %swap3A_540 {add = true, strides = array<i32>} : memref<4x8x1024xf32, #tpu.memory_space<vmem>>, vector<1x1x16xf32>,
        %get3A_541 = arith.constant 1 : i32
        %get3A_542 = arith.index_cast %get3A_541 : i32 to index
        %get3A_543 = arith.index_cast %scan3A_347 : i32 to index
        %get3A_544 = arith.constant 240 : index
        %get3A_545 = tpu.vector_load %arg8[%get3A_542, %get3A_543, %get3A_544] {strides = array<i32>} : memref<4x8x1024xf32, #tpu.memory_space<vmem>>, vector<1x1x16xf32>,
        %get3A_546 = vector.shape_cast %get3A_545 : vector<1x1x16xf32> to vector<16xf32>
        %swap3A_547 = arith.constant 1 : i32
        %swap3A_548 = arith.index_cast %swap3A_547 : i32 to index
        %swap3A_549 = arith.index_cast %scan3A_347 : i32 to index
        %swap3A_550 = arith.constant 240 : index
        %swap3A_551 = tpu.vector_load %arg7[%swap3A_548, %swap3A_549, %swap3A_550] {strides = array<i32>} : memref<4x8x1024xf32, #tpu.memory_space<vmem>>, vector<1x1x16xf32>,
        %swap3A_552 = vector.shape_cast %swap3A_551 : vector<1x1x16xf32> to vector<16xf32>
        %swap3A_553 = vector.shape_cast %get3A_546 : vector<16xf32> to vector<1x1x16xf32>
        tpu.vector_store %arg7[%swap3A_548, %swap3A_549, %swap3A_550], %swap3A_553 {add = true, strides = array<i32>} : memref<4x8x1024xf32, #tpu.memory_space<vmem>>, vector<1x1x16xf32>,
        %get3A_554 = arith.constant 1 : i32
        %get3A_555 = arith.index_cast %get3A_554 : i32 to index
        %get3A_556 = arith.index_cast %scan3A_347 : i32 to index
        %get3A_557 = arith.constant 256 : index
        %get3A_558 = tpu.vector_load %arg8[%get3A_555, %get3A_556, %get3A_557] {strides = array<i32>} : memref<4x8x1024xf32, #tpu.memory_space<vmem>>, vector<1x1x16xf32>,
        %get3A_559 = vector.shape_cast %get3A_558 : vector<1x1x16xf32> to vector<16xf32>
        %swap3A_560 = arith.constant 1 : i32
        %swap3A_561 = arith.index_cast %swap3A_560 : i32 to index
        %swap3A_562 = arith.index_cast %scan3A_347 : i32 to index
        %swap3A_563 = arith.constant 256 : index
        %swap3A_564 = tpu.vector_load %arg7[%swap3A_561, %swap3A_562, %swap3A_563] {strides = array<i32>} : memref<4x8x1024xf32, #tpu.memory_space<vmem>>, vector<1x1x16xf32>,
        %swap3A_565 = vector.shape_cast %swap3A_564 : vector<1x1x16xf32> to vector<16xf32>
        %swap3A_566 = vector.shape_cast %get3A_559 : vector<16xf32> to vector<1x1x16xf32>
        tpu.vector_store %arg7[%swap3A_561, %swap3A_562, %swap3A_563], %swap3A_566 {add = true, strides = array<i32>} : memref<4x8x1024xf32, #tpu.memory_space<vmem>>, vector<1x1x16xf32>,
        %get3A_567 = arith.constant 1 : i32
        %get3A_568 = arith.index_cast %get3A_567 : i32 to index
        %get3A_569 = arith.index_cast %scan3A_347 : i32 to index
        %get3A_570 = arith.constant 272 : index
        %get3A_571 = tpu.vector_load %arg8[%get3A_568, %get3A_569, %get3A_570] {strides = array<i32>} : memref<4x8x1024xf32, #tpu.memory_space<vmem>>, vector<1x1x16xf32>,
        %get3A_572 = vector.shape_cast %get3A_571 : vector<1x1x16xf32> to vector<16xf32>
        %swap3A_573 = arith.constant 1 : i32
        %swap3A_574 = arith.index_cast %swap3A_573 : i32 to index
        %swap3A_575 = arith.index_cast %scan3A_347 : i32 to index
        %swap3A_576 = arith.constant 272 : index
        %swap3A_577 = tpu.vector_load %arg7[%swap3A_574, %swap3A_575, %swap3A_576] {strides = array<i32>} : memref<4x8x1024xf32, #tpu.memory_space<vmem>>, vector<1x1x16xf32>,
        %swap3A_578 = vector.shape_cast %swap3A_577 : vector<1x1x16xf32> to vector<16xf32>
        %swap3A_579 = vector.shape_cast %get3A_572 : vector<16xf32> to vector<1x1x16xf32>
        tpu.vector_store %arg7[%swap3A_574, %swap3A_575, %swap3A_576], %swap3A_579 {add = true, strides = array<i32>} : memref<4x8x1024xf32, #tpu.memory_space<vmem>>, vector<1x1x16xf32>,
        %get3A_580 = arith.constant 1 : i32
        %get3A_581 = arith.index_cast %get3A_580 : i32 to index
        %get3A_582 = arith.index_cast %scan3A_347 : i32 to index
        %get3A_583 = arith.constant 288 : index
        %get3A_584 = tpu.vector_load %arg8[%get3A_581, %get3A_582, %get3A_583] {strides = array<i32>} : memref<4x8x1024xf32, #tpu.memory_space<vmem>>, vector<1x1x16xf32>,
        %get3A_585 = vector.shape_cast %get3A_584 : vector<1x1x16xf32> to vector<16xf32>
        %swap3A_586 = arith.constant 1 : i32
        %swap3A_587 = arith.index_cast %swap3A_586 : i32 to index
        %swap3A_588 = arith.index_cast %scan3A_347 : i32 to index
        %swap3A_589 = arith.constant 288 : index
        %swap3A_590 = tpu.vector_load %arg7[%swap3A_587, %swap3A_588, %swap3A_589] {strides = array<i32>} : memref<4x8x1024xf32, #tpu.memory_space<vmem>>, vector<1x1x16xf32>,
        %swap3A_591 = vector.shape_cast %swap3A_590 : vector<1x1x16xf32> to vector<16xf32>
        %swap3A_592 = vector.shape_cast %get3A_585 : vector<16xf32> to vector<1x1x16xf32>
        tpu.vector_store %arg7[%swap3A_587, %swap3A_588, %swap3A_589], %swap3A_592 {add = true, strides = array<i32>} : memref<4x8x1024xf32, #tpu.memory_space<vmem>>, vector<1x1x16xf32>,
        %get3A_593 = arith.constant 1 : i32
        %get3A_594 = arith.index_cast %get3A_593 : i32 to index
        %get3A_595 = arith.index_cast %scan3A_347 : i32 to index
        %get3A_596 = arith.constant 304 : index
        %get3A_597 = tpu.vector_load %arg8[%get3A_594, %get3A_595, %get3A_596] {strides = array<i32>} : memref<4x8x1024xf32, #tpu.memory_space<vmem>>, vector<1x1x16xf32>,
        %get3A_598 = vector.shape_cast %get3A_597 : vector<1x1x16xf32> to vector<16xf32>
        %swap3A_599 = arith.constant 1 : i32
        %swap3A_600 = arith.index_cast %swap3A_599 : i32 to index
        %swap3A_601 = arith.index_cast %scan3A_347 : i32 to index
        %swap3A_602 = arith.constant 304 : index
        %swap3A_603 = tpu.vector_load %arg7[%swap3A_600, %swap3A_601, %swap3A_602] {strides = array<i32>} : memref<4x8x1024xf32, #tpu.memory_space<vmem>>, vector<1x1x16xf32>,
        %swap3A_604 = vector.shape_cast %swap3A_603 : vector<1x1x16xf32> to vector<16xf32>
        %swap3A_605 = vector.shape_cast %get3A_598 : vector<16xf32> to vector<1x1x16xf32>
        tpu.vector_store %arg7[%swap3A_600, %swap3A_601, %swap3A_602], %swap3A_605 {add = true, strides = array<i32>} : memref<4x8x1024xf32, #tpu.memory_space<vmem>>, vector<1x1x16xf32>,
        %get3A_606 = arith.constant 1 : i32
        %get3A_607 = arith.index_cast %get3A_606 : i32 to index
        %get3A_608 = arith.index_cast %scan3A_347 : i32 to index
        %get3A_609 = arith.constant 320 : index
        %get3A_610 = tpu.vector_load %arg8[%get3A_607, %get3A_608, %get3A_609] {strides = array<i32>} : memref<4x8x1024xf32, #tpu.memory_space<vmem>>, vector<1x1x16xf32>,
        %get3A_611 = vector.shape_cast %get3A_610 : vector<1x1x16xf32> to vector<16xf32>
        %swap3A_612 = arith.constant 1 : i32
        %swap3A_613 = arith.index_cast %swap3A_612 : i32 to index
        %swap3A_614 = arith.index_cast %scan3A_347 : i32 to index
        %swap3A_615 = arith.constant 320 : index
        %swap3A_616 = tpu.vector_load %arg7[%swap3A_613, %swap3A_614, %swap3A_615] {strides = array<i32>} : memref<4x8x1024xf32, #tpu.memory_space<vmem>>, vector<1x1x16xf32>,
        %swap3A_617 = vector.shape_cast %swap3A_616 : vector<1x1x16xf32> to vector<16xf32>
        %swap3A_618 = vector.shape_cast %get3A_611 : vector<16xf32> to vector<1x1x16xf32>
        tpu.vector_store %arg7[%swap3A_613, %swap3A_614, %swap3A_615], %swap3A_618 {add = true, strides = array<i32>} : memref<4x8x1024xf32, #tpu.memory_space<vmem>>, vector<1x1x16xf32>,
        %get3A_619 = arith.constant 1 : i32
        %get3A_620 = arith.index_cast %get3A_619 : i32 to index
        %get3A_621 = arith.index_cast %scan3A_347 : i32 to index
        %get3A_622 = arith.constant 336 : index
        %get3A_623 = tpu.vector_load %arg8[%get3A_620, %get3A_621, %get3A_622] {strides = array<i32>} : memref<4x8x1024xf32, #tpu.memory_space<vmem>>, vector<1x1x16xf32>,
        %get3A_624 = vector.shape_cast %get3A_623 : vector<1x1x16xf32> to vector<16xf32>
        %swap3A_625 = arith.constant 1 : i32
        %swap3A_626 = arith.index_cast %swap3A_625 : i32 to index
        %swap3A_627 = arith.index_cast %scan3A_347 : i32 to index
        %swap3A_628 = arith.constant 336 : index
        %swap3A_629 = tpu.vector_load %arg7[%swap3A_626, %swap3A_627, %swap3A_628] {strides = array<i32>} : memref<4x8x1024xf32, #tpu.memory_space<vmem>>, vector<1x1x16xf32>,
        %swap3A_630 = vector.shape_cast %swap3A_629 : vector<1x1x16xf32> to vector<16xf32>
        %swap3A_631 = vector.shape_cast %get3A_624 : vector<16xf32> to vector<1x1x16xf32>
        tpu.vector_store %arg7[%swap3A_626, %swap3A_627, %swap3A_628], %swap3A_631 {add = true, strides = array<i32>} : memref<4x8x1024xf32, #tpu.memory_space<vmem>>, vector<1x1x16xf32>,
        %get3A_632 = arith.constant 1 : i32
        %get3A_633 = arith.index_cast %get3A_632 : i32 to index
        %get3A_634 = arith.index_cast %scan3A_347 : i32 to index
        %get3A_635 = arith.constant 352 : index
        %get3A_636 = tpu.vector_load %arg8[%get3A_633, %get3A_634, %get3A_635] {strides = array<i32>} : memref<4x8x1024xf32, #tpu.memory_space<vmem>>, vector<1x1x16xf32>,
        %get3A_637 = vector.shape_cast %get3A_636 : vector<1x1x16xf32> to vector<16xf32>
        %swap3A_638 = arith.constant 1 : i32
        %swap3A_639 = arith.index_cast %swap3A_638 : i32 to index
        %swap3A_640 = arith.index_cast %scan3A_347 : i32 to index
        %swap3A_641 = arith.constant 352 : index
        %swap3A_642 = tpu.vector_load %arg7[%swap3A_639, %swap3A_640, %swap3A_641] {strides = array<i32>} : memref<4x8x1024xf32, #tpu.memory_space<vmem>>, vector<1x1x16xf32>,
        %swap3A_643 = vector.shape_cast %swap3A_642 : vector<1x1x16xf32> to vector<16xf32>
        %swap3A_644 = vector.shape_cast %get3A_637 : vector<16xf32> to vector<1x1x16xf32>
        tpu.vector_store %arg7[%swap3A_639, %swap3A_640, %swap3A_641], %swap3A_644 {add = true, strides = array<i32>} : memref<4x8x1024xf32, #tpu.memory_space<vmem>>, vector<1x1x16xf32>,
        %get3A_645 = arith.constant 1 : i32
        %get3A_646 = arith.index_cast %get3A_645 : i32 to index
        %get3A_647 = arith.index_cast %scan3A_347 : i32 to index
        %get3A_648 = arith.constant 368 : index
        %get3A_649 = tpu.vector_load %arg8[%get3A_646, %get3A_647, %get3A_648] {strides = array<i32>} : memref<4x8x1024xf32, #tpu.memory_space<vmem>>, vector<1x1x16xf32>,
        %get3A_650 = vector.shape_cast %get3A_649 : vector<1x1x16xf32> to vector<16xf32>
        %swap3A_651 = arith.constant 1 : i32
        %swap3A_652 = arith.index_cast %swap3A_651 : i32 to index
        %swap3A_653 = arith.index_cast %scan3A_347 : i32 to index
        %swap3A_654 = arith.constant 368 : index
        %swap3A_655 = tpu.vector_load %arg7[%swap3A_652, %swap3A_653, %swap3A_654] {strides = array<i32>} : memref<4x8x1024xf32, #tpu.memory_space<vmem>>, vector<1x1x16xf32>,
        %swap3A_656 = vector.shape_cast %swap3A_655 : vector<1x1x16xf32> to vector<16xf32>
        %swap3A_657 = vector.shape_cast %get3A_650 : vector<16xf32> to vector<1x1x16xf32>
        tpu.vector_store %arg7[%swap3A_652, %swap3A_653, %swap3A_654], %swap3A_657 {add = true, strides = array<i32>} : memref<4x8x1024xf32, #tpu.memory_space<vmem>>, vector<1x1x16xf32>,
        %get3A_658 = arith.constant 1 : i32
        %get3A_659 = arith.index_cast %get3A_658 : i32 to index
        %get3A_660 = arith.index_cast %scan3A_347 : i32 to index
        %get3A_661 = arith.constant 384 : index
        %get3A_662 = tpu.vector_load %arg8[%get3A_659, %get3A_660, %get3A_661] {strides = array<i32>} : memref<4x8x1024xf32, #tpu.memory_space<vmem>>, vector<1x1x16xf32>,
        %get3A_663 = vector.shape_cast %get3A_662 : vector<1x1x16xf32> to vector<16xf32>
        %swap3A_664 = arith.constant 1 : i32
        %swap3A_665 = arith.index_cast %swap3A_664 : i32 to index
        %swap3A_666 = arith.index_cast %scan3A_347 : i32 to index
        %swap3A_667 = arith.constant 384 : index
        %swap3A_668 = tpu.vector_load %arg7[%swap3A_665, %swap3A_666, %swap3A_667] {strides = array<i32>} : memref<4x8x1024xf32, #tpu.memory_space<vmem>>, vector<1x1x16xf32>,
        %swap3A_669 = vector.shape_cast %swap3A_668 : vector<1x1x16xf32> to vector<16xf32>
        %swap3A_670 = vector.shape_cast %get3A_663 : vector<16xf32> to vector<1x1x16xf32>
        tpu.vector_store %arg7[%swap3A_665, %swap3A_666, %swap3A_667], %swap3A_670 {add = true, strides = array<i32>} : memref<4x8x1024xf32, #tpu.memory_space<vmem>>, vector<1x1x16xf32>,
        %get3A_671 = arith.constant 1 : i32
        %get3A_672 = arith.index_cast %get3A_671 : i32 to index
        %get3A_673 = arith.index_cast %scan3A_347 : i32 to index
        %get3A_674 = arith.constant 400 : index
        %get3A_675 = tpu.vector_load %arg8[%get3A_672, %get3A_673, %get3A_674] {strides = array<i32>} : memref<4x8x1024xf32, #tpu.memory_space<vmem>>, vector<1x1x16xf32>,
        %get3A_676 = vector.shape_cast %get3A_675 : vector<1x1x16xf32> to vector<16xf32>
        %swap3A_677 = arith.constant 1 : i32
        %swap3A_678 = arith.index_cast %swap3A_677 : i32 to index
        %swap3A_679 = arith.index_cast %scan3A_347 : i32 to index
        %swap3A_680 = arith.constant 400 : index
        %swap3A_681 = tpu.vector_load %arg7[%swap3A_678, %swap3A_679, %swap3A_680] {strides = array<i32>} : memref<4x8x1024xf32, #tpu.memory_space<vmem>>, vector<1x1x16xf32>,
        %swap3A_682 = vector.shape_cast %swap3A_681 : vector<1x1x16xf32> to vector<16xf32>
        %swap3A_683 = vector.shape_cast %get3A_676 : vector<16xf32> to vector<1x1x16xf32>
        tpu.vector_store %arg7[%swap3A_678, %swap3A_679, %swap3A_680], %swap3A_683 {add = true, strides = array<i32>} : memref<4x8x1024xf32, #tpu.memory_space<vmem>>, vector<1x1x16xf32>,
        %get3A_684 = arith.constant 1 : i32
        %get3A_685 = arith.index_cast %get3A_684 : i32 to index
        %get3A_686 = arith.index_cast %scan3A_347 : i32 to index
        %get3A_687 = arith.constant 416 : index
        %get3A_688 = tpu.vector_load %arg8[%get3A_685, %get3A_686, %get3A_687] {strides = array<i32>} : memref<4x8x1024xf32, #tpu.memory_space<vmem>>, vector<1x1x16xf32>,
        %get3A_689 = vector.shape_cast %get3A_688 : vector<1x1x16xf32> to vector<16xf32>
        %swap3A_690 = arith.constant 1 : i32
        %swap3A_691 = arith.index_cast %swap3A_690 : i32 to index
        %swap3A_692 = arith.index_cast %scan3A_347 : i32 to index
        %swap3A_693 = arith.constant 416 : index
        %swap3A_694 = tpu.vector_load %arg7[%swap3A_691, %swap3A_692, %swap3A_693] {strides = array<i32>} : memref<4x8x1024xf32, #tpu.memory_space<vmem>>, vector<1x1x16xf32>,
        %swap3A_695 = vector.shape_cast %swap3A_694 : vector<1x1x16xf32> to vector<16xf32>
        %swap3A_696 = vector.shape_cast %get3A_689 : vector<16xf32> to vector<1x1x16xf32>
        tpu.vector_store %arg7[%swap3A_691, %swap3A_692, %swap3A_693], %swap3A_696 {add = true, strides = array<i32>} : memref<4x8x1024xf32, #tpu.memory_space<vmem>>, vector<1x1x16xf32>,
        %get3A_697 = arith.constant 1 : i32
        %get3A_698 = arith.index_cast %get3A_697 : i32 to index
        %get3A_699 = arith.index_cast %scan3A_347 : i32 to index
        %get3A_700 = arith.constant 432 : index
        %get3A_701 = tpu.vector_load %arg8[%get3A_698, %get3A_699, %get3A_700] {strides = array<i32>} : memref<4x8x1024xf32, #tpu.memory_space<vmem>>, vector<1x1x16xf32>,
        %get3A_702 = vector.shape_cast %get3A_701 : vector<1x1x16xf32> to vector<16xf32>
        %swap3A_703 = arith.constant 1 : i32
        %swap3A_704 = arith.index_cast %swap3A_703 : i32 to index
        %swap3A_705 = arith.index_cast %scan3A_347 : i32 to index
        %swap3A_706 = arith.constant 432 : index
        %swap3A_707 = tpu.vector_load %arg7[%swap3A_704, %swap3A_705, %swap3A_706] {strides = array<i32>} : memref<4x8x1024xf32, #tpu.memory_space<vmem>>, vector<1x1x16xf32>,
        %swap3A_708 = vector.shape_cast %swap3A_707 : vector<1x1x16xf32> to vector<16xf32>
        %swap3A_709 = vector.shape_cast %get3A_702 : vector<16xf32> to vector<1x1x16xf32>
        tpu.vector_store %arg7[%swap3A_704, %swap3A_705, %swap3A_706], %swap3A_709 {add = true, strides = array<i32>} : memref<4x8x1024xf32, #tpu.memory_space<vmem>>, vector<1x1x16xf32>,
        %get3A_710 = arith.constant 1 : i32
        %get3A_711 = arith.index_cast %get3A_710 : i32 to index
        %get3A_712 = arith.index_cast %scan3A_347 : i32 to index
        %get3A_713 = arith.constant 448 : index
        %get3A_714 = tpu.vector_load %arg8[%get3A_711, %get3A_712, %get3A_713] {strides = array<i32>} : memref<4x8x1024xf32, #tpu.memory_space<vmem>>, vector<1x1x16xf32>,
        %get3A_715 = vector.shape_cast %get3A_714 : vector<1x1x16xf32> to vector<16xf32>
        %swap3A_716 = arith.constant 1 : i32
        %swap3A_717 = arith.index_cast %swap3A_716 : i32 to index
        %swap3A_718 = arith.index_cast %scan3A_347 : i32 to index
        %swap3A_719 = arith.constant 448 : index
        %swap3A_720 = tpu.vector_load %arg7[%swap3A_717, %swap3A_718, %swap3A_719] {strides = array<i32>} : memref<4x8x1024xf32, #tpu.memory_space<vmem>>, vector<1x1x16xf32>,
        %swap3A_721 = vector.shape_cast %swap3A_720 : vector<1x1x16xf32> to vector<16xf32>
        %swap3A_722 = vector.shape_cast %get3A_715 : vector<16xf32> to vector<1x1x16xf32>
        tpu.vector_store %arg7[%swap3A_717, %swap3A_718, %swap3A_719], %swap3A_722 {add = true, strides = array<i32>} : memref<4x8x1024xf32, #tpu.memory_space<vmem>>, vector<1x1x16xf32>,
        %get3A_723 = arith.constant 1 : i32
        %get3A_724 = arith.index_cast %get3A_723 : i32 to index
        %get3A_725 = arith.index_cast %scan3A_347 : i32 to index
        %get3A_726 = arith.constant 464 : index
        %get3A_727 = tpu.vector_load %arg8[%get3A_724, %get3A_725, %get3A_726] {strides = array<i32>} : memref<4x8x1024xf32, #tpu.memory_space<vmem>>, vector<1x1x16xf32>,
        %get3A_728 = vector.shape_cast %get3A_727 : vector<1x1x16xf32> to vector<16xf32>
        %swap3A_729 = arith.constant 1 : i32
        %swap3A_730 = arith.index_cast %swap3A_729 : i32 to index
        %swap3A_731 = arith.index_cast %scan3A_347 : i32 to index
        %swap3A_732 = arith.constant 464 : index
        %swap3A_733 = tpu.vector_load %arg7[%swap3A_730, %swap3A_731, %swap3A_732] {strides = array<i32>} : memref<4x8x1024xf32, #tpu.memory_space<vmem>>, vector<1x1x16xf32>,
        %swap3A_734 = vector.shape_cast %swap3A_733 : vector<1x1x16xf32> to vector<16xf32>
        %swap3A_735 = vector.shape_cast %get3A_728 : vector<16xf32> to vector<1x1x16xf32>
        tpu.vector_store %arg7[%swap3A_730, %swap3A_731, %swap3A_732], %swap3A_735 {add = true, strides = array<i32>} : memref<4x8x1024xf32, #tpu.memory_space<vmem>>, vector<1x1x16xf32>,
        %get3A_736 = arith.constant 1 : i32
        %get3A_737 = arith.index_cast %get3A_736 : i32 to index
        %get3A_738 = arith.index_cast %scan3A_347 : i32 to index
        %get3A_739 = arith.constant 480 : index
        %get3A_740 = tpu.vector_load %arg8[%get3A_737, %get3A_738, %get3A_739] {strides = array<i32>} : memref<4x8x1024xf32, #tpu.memory_space<vmem>>, vector<1x1x16xf32>,
        %get3A_741 = vector.shape_cast %get3A_740 : vector<1x1x16xf32> to vector<16xf32>
        %swap3A_742 = arith.constant 1 : i32
        %swap3A_743 = arith.index_cast %swap3A_742 : i32 to index
        %swap3A_744 = arith.index_cast %scan3A_347 : i32 to index
        %swap3A_745 = arith.constant 480 : index
        %swap3A_746 = tpu.vector_load %arg7[%swap3A_743, %swap3A_744, %swap3A_745] {strides = array<i32>} : memref<4x8x1024xf32, #tpu.memory_space<vmem>>, vector<1x1x16xf32>,
        %swap3A_747 = vector.shape_cast %swap3A_746 : vector<1x1x16xf32> to vector<16xf32>
        %swap3A_748 = vector.shape_cast %get3A_741 : vector<16xf32> to vector<1x1x16xf32>
        tpu.vector_store %arg7[%swap3A_743, %swap3A_744, %swap3A_745], %swap3A_748 {add = true, strides = array<i32>} : memref<4x8x1024xf32, #tpu.memory_space<vmem>>, vector<1x1x16xf32>,
        %get3A_749 = arith.constant 1 : i32
        %get3A_750 = arith.index_cast %get3A_749 : i32 to index
        %get3A_751 = arith.index_cast %scan3A_347 : i32 to index
        %get3A_752 = arith.constant 496 : index
        %get3A_753 = tpu.vector_load %arg8[%get3A_750, %get3A_751, %get3A_752] {strides = array<i32>} : memref<4x8x1024xf32, #tpu.memory_space<vmem>>, vector<1x1x16xf32>,
        %get3A_754 = vector.shape_cast %get3A_753 : vector<1x1x16xf32> to vector<16xf32>
        %swap3A_755 = arith.constant 1 : i32
        %swap3A_756 = arith.index_cast %swap3A_755 : i32 to index
        %swap3A_757 = arith.index_cast %scan3A_347 : i32 to index
        %swap3A_758 = arith.constant 496 : index
        %swap3A_759 = tpu.vector_load %arg7[%swap3A_756, %swap3A_757, %swap3A_758] {strides = array<i32>} : memref<4x8x1024xf32, #tpu.memory_space<vmem>>, vector<1x1x16xf32>,
        %swap3A_760 = vector.shape_cast %swap3A_759 : vector<1x1x16xf32> to vector<16xf32>
        %swap3A_761 = vector.shape_cast %get3A_754 : vector<16xf32> to vector<1x1x16xf32>
        tpu.vector_store %arg7[%swap3A_756, %swap3A_757, %swap3A_758], %swap3A_761 {add = true, strides = array<i32>} : memref<4x8x1024xf32, #tpu.memory_space<vmem>>, vector<1x1x16xf32>,
        %get3A_762 = arith.constant 1 : i32
        %get3A_763 = arith.index_cast %get3A_762 : i32 to index
        %get3A_764 = arith.index_cast %scan3A_347 : i32 to index
        %get3A_765 = arith.constant 512 : index
        %get3A_766 = tpu.vector_load %arg8[%get3A_763, %get3A_764, %get3A_765] {strides = array<i32>} : memref<4x8x1024xf32, #tpu.memory_space<vmem>>, vector<1x1x16xf32>,
        %get3A_767 = vector.shape_cast %get3A_766 : vector<1x1x16xf32> to vector<16xf32>
        %swap3A_768 = arith.constant 1 : i32
        %swap3A_769 = arith.index_cast %swap3A_768 : i32 to index
        %swap3A_770 = arith.index_cast %scan3A_347 : i32 to index
        %swap3A_771 = arith.constant 512 : index
        %swap3A_772 = tpu.vector_load %arg7[%swap3A_769, %swap3A_770, %swap3A_771] {strides = array<i32>} : memref<4x8x1024xf32, #tpu.memory_space<vmem>>, vector<1x1x16xf32>,
        %swap3A_773 = vector.shape_cast %swap3A_772 : vector<1x1x16xf32> to vector<16xf32>
        %swap3A_774 = vector.shape_cast %get3A_767 : vector<16xf32> to vector<1x1x16xf32>
        tpu.vector_store %arg7[%swap3A_769, %swap3A_770, %swap3A_771], %swap3A_774 {add = true, strides = array<i32>} : memref<4x8x1024xf32, #tpu.memory_space<vmem>>, vector<1x1x16xf32>,
        %get3A_775 = arith.constant 1 : i32
        %get3A_776 = arith.index_cast %get3A_775 : i32 to index
        %get3A_777 = arith.index_cast %scan3A_347 : i32 to index
        %get3A_778 = arith.constant 528 : index
        %get3A_779 = tpu.vector_load %arg8[%get3A_776, %get3A_777, %get3A_778] {strides = array<i32>} : memref<4x8x1024xf32, #tpu.memory_space<vmem>>, vector<1x1x16xf32>,
        %get3A_780 = vector.shape_cast %get3A_779 : vector<1x1x16xf32> to vector<16xf32>
        %swap3A_781 = arith.constant 1 : i32
        %swap3A_782 = arith.index_cast %swap3A_781 : i32 to index
        %swap3A_783 = arith.index_cast %scan3A_347 : i32 to index
        %swap3A_784 = arith.constant 528 : index
        %swap3A_785 = tpu.vector_load %arg7[%swap3A_782, %swap3A_783, %swap3A_784] {strides = array<i32>} : memref<4x8x1024xf32, #tpu.memory_space<vmem>>, vector<1x1x16xf32>,
        %swap3A_786 = vector.shape_cast %swap3A_785 : vector<1x1x16xf32> to vector<16xf32>
        %swap3A_787 = vector.shape_cast %get3A_780 : vector<16xf32> to vector<1x1x16xf32>
        tpu.vector_store %arg7[%swap3A_782, %swap3A_783, %swap3A_784], %swap3A_787 {add = true, strides = array<i32>} : memref<4x8x1024xf32, #tpu.memory_space<vmem>>, vector<1x1x16xf32>,
        %get3A_788 = arith.constant 1 : i32
        %get3A_789 = arith.index_cast %get3A_788 : i32 to index
        %get3A_790 = arith.index_cast %scan3A_347 : i32 to index
        %get3A_791 = arith.constant 544 : index
        %get3A_792 = tpu.vector_load %arg8[%get3A_789, %get3A_790, %get3A_791] {strides = array<i32>} : memref<4x8x1024xf32, #tpu.memory_space<vmem>>, vector<1x1x16xf32>,
        %get3A_793 = vector.shape_cast %get3A_792 : vector<1x1x16xf32> to vector<16xf32>
        %swap3A_794 = arith.constant 1 : i32
        %swap3A_795 = arith.index_cast %swap3A_794 : i32 to index
        %swap3A_796 = arith.index_cast %scan3A_347 : i32 to index
        %swap3A_797 = arith.constant 544 : index
        %swap3A_798 = tpu.vector_load %arg7[%swap3A_795, %swap3A_796, %swap3A_797] {strides = array<i32>} : memref<4x8x1024xf32, #tpu.memory_space<vmem>>, vector<1x1x16xf32>,
        %swap3A_799 = vector.shape_cast %swap3A_798 : vector<1x1x16xf32> to vector<16xf32>
        %swap3A_800 = vector.shape_cast %get3A_793 : vector<16xf32> to vector<1x1x16xf32>
        tpu.vector_store %arg7[%swap3A_795, %swap3A_796, %swap3A_797], %swap3A_800 {add = true, strides = array<i32>} : memref<4x8x1024xf32, #tpu.memory_space<vmem>>, vector<1x1x16xf32>,
        %get3A_801 = arith.constant 1 : i32
        %get3A_802 = arith.index_cast %get3A_801 : i32 to index
        %get3A_803 = arith.index_cast %scan3A_347 : i32 to index
        %get3A_804 = arith.constant 560 : index
        %get3A_805 = tpu.vector_load %arg8[%get3A_802, %get3A_803, %get3A_804] {strides = array<i32>} : memref<4x8x1024xf32, #tpu.memory_space<vmem>>, vector<1x1x16xf32>,
        %get3A_806 = vector.shape_cast %get3A_805 : vector<1x1x16xf32> to vector<16xf32>
        %swap3A_807 = arith.constant 1 : i32
        %swap3A_808 = arith.index_cast %swap3A_807 : i32 to index
        %swap3A_809 = arith.index_cast %scan3A_347 : i32 to index
        %swap3A_810 = arith.constant 560 : index
        %swap3A_811 = tpu.vector_load %arg7[%swap3A_808, %swap3A_809, %swap3A_810] {strides = array<i32>} : memref<4x8x1024xf32, #tpu.memory_space<vmem>>, vector<1x1x16xf32>,
        %swap3A_812 = vector.shape_cast %swap3A_811 : vector<1x1x16xf32> to vector<16xf32>
        %swap3A_813 = vector.shape_cast %get3A_806 : vector<16xf32> to vector<1x1x16xf32>
        tpu.vector_store %arg7[%swap3A_808, %swap3A_809, %swap3A_810], %swap3A_813 {add = true, strides = array<i32>} : memref<4x8x1024xf32, #tpu.memory_space<vmem>>, vector<1x1x16xf32>,
        %get3A_814 = arith.constant 1 : i32
        %get3A_815 = arith.index_cast %get3A_814 : i32 to index
        %get3A_816 = arith.index_cast %scan3A_347 : i32 to index
        %get3A_817 = arith.constant 576 : index
        %get3A_818 = tpu.vector_load %arg8[%get3A_815, %get3A_816, %get3A_817] {strides = array<i32>} : memref<4x8x1024xf32, #tpu.memory_space<vmem>>, vector<1x1x16xf32>,
        %get3A_819 = vector.shape_cast %get3A_818 : vector<1x1x16xf32> to vector<16xf32>
        %swap3A_820 = arith.constant 1 : i32
        %swap3A_821 = arith.index_cast %swap3A_820 : i32 to index
        %swap3A_822 = arith.index_cast %scan3A_347 : i32 to index
        %swap3A_823 = arith.constant 576 : index
        %swap3A_824 = tpu.vector_load %arg7[%swap3A_821, %swap3A_822, %swap3A_823] {strides = array<i32>} : memref<4x8x1024xf32, #tpu.memory_space<vmem>>, vector<1x1x16xf32>,
        %swap3A_825 = vector.shape_cast %swap3A_824 : vector<1x1x16xf32> to vector<16xf32>
        %swap3A_826 = vector.shape_cast %get3A_819 : vector<16xf32> to vector<1x1x16xf32>
        tpu.vector_store %arg7[%swap3A_821, %swap3A_822, %swap3A_823], %swap3A_826 {add = true, strides = array<i32>} : memref<4x8x1024xf32, #tpu.memory_space<vmem>>, vector<1x1x16xf32>,
        %get3A_827 = arith.constant 1 : i32
        %get3A_828 = arith.index_cast %get3A_827 : i32 to index
        %get3A_829 = arith.index_cast %scan3A_347 : i32 to index
        %get3A_830 = arith.constant 592 : index
        %get3A_831 = tpu.vector_load %arg8[%get3A_828, %get3A_829, %get3A_830] {strides = array<i32>} : memref<4x8x1024xf32, #tpu.memory_space<vmem>>, vector<1x1x16xf32>,
        %get3A_832 = vector.shape_cast %get3A_831 : vector<1x1x16xf32> to vector<16xf32>
        %swap3A_833 = arith.constant 1 : i32
        %swap3A_834 = arith.index_cast %swap3A_833 : i32 to index
        %swap3A_835 = arith.index_cast %scan3A_347 : i32 to index
        %swap3A_836 = arith.constant 592 : index
        %swap3A_837 = tpu.vector_load %arg7[%swap3A_834, %swap3A_835, %swap3A_836] {strides = array<i32>} : memref<4x8x1024xf32, #tpu.memory_space<vmem>>, vector<1x1x16xf32>,
        %swap3A_838 = vector.shape_cast %swap3A_837 : vector<1x1x16xf32> to vector<16xf32>
        %swap3A_839 = vector.shape_cast %get3A_832 : vector<16xf32> to vector<1x1x16xf32>
        tpu.vector_store %arg7[%swap3A_834, %swap3A_835, %swap3A_836], %swap3A_839 {add = true, strides = array<i32>} : memref<4x8x1024xf32, #tpu.memory_space<vmem>>, vector<1x1x16xf32>,
        %get3A_840 = arith.constant 1 : i32
        %get3A_841 = arith.index_cast %get3A_840 : i32 to index
        %get3A_842 = arith.index_cast %scan3A_347 : i32 to index
        %get3A_843 = arith.constant 608 : index
        %get3A_844 = tpu.vector_load %arg8[%get3A_841, %get3A_842, %get3A_843] {strides = array<i32>} : memref<4x8x1024xf32, #tpu.memory_space<vmem>>, vector<1x1x16xf32>,
        %get3A_845 = vector.shape_cast %get3A_844 : vector<1x1x16xf32> to vector<16xf32>
        %swap3A_846 = arith.constant 1 : i32
        %swap3A_847 = arith.index_cast %swap3A_846 : i32 to index
        %swap3A_848 = arith.index_cast %scan3A_347 : i32 to index
        %swap3A_849 = arith.constant 608 : index
        %swap3A_850 = tpu.vector_load %arg7[%swap3A_847, %swap3A_848, %swap3A_849] {strides = array<i32>} : memref<4x8x1024xf32, #tpu.memory_space<vmem>>, vector<1x1x16xf32>,
        %swap3A_851 = vector.shape_cast %swap3A_850 : vector<1x1x16xf32> to vector<16xf32>
        %swap3A_852 = vector.shape_cast %get3A_845 : vector<16xf32> to vector<1x1x16xf32>
        tpu.vector_store %arg7[%swap3A_847, %swap3A_848, %swap3A_849], %swap3A_852 {add = true, strides = array<i32>} : memref<4x8x1024xf32, #tpu.memory_space<vmem>>, vector<1x1x16xf32>,
        %get3A_853 = arith.constant 1 : i32
        %get3A_854 = arith.index_cast %get3A_853 : i32 to index
        %get3A_855 = arith.index_cast %scan3A_347 : i32 to index
        %get3A_856 = arith.constant 624 : index
        %get3A_857 = tpu.vector_load %arg8[%get3A_854, %get3A_855, %get3A_856] {strides = array<i32>} : memref<4x8x1024xf32, #tpu.memory_space<vmem>>, vector<1x1x16xf32>,
        %get3A_858 = vector.shape_cast %get3A_857 : vector<1x1x16xf32> to vector<16xf32>
        %swap3A_859 = arith.constant 1 : i32
        %swap3A_860 = arith.index_cast %swap3A_859 : i32 to index
        %swap3A_861 = arith.index_cast %scan3A_347 : i32 to index
        %swap3A_862 = arith.constant 624 : index
        %swap3A_863 = tpu.vector_load %arg7[%swap3A_860, %swap3A_861, %swap3A_862] {strides = array<i32>} : memref<4x8x1024xf32, #tpu.memory_space<vmem>>, vector<1x1x16xf32>,
        %swap3A_864 = vector.shape_cast %swap3A_863 : vector<1x1x16xf32> to vector<16xf32>
        %swap3A_865 = vector.shape_cast %get3A_858 : vector<16xf32> to vector<1x1x16xf32>
        tpu.vector_store %arg7[%swap3A_860, %swap3A_861, %swap3A_862], %swap3A_865 {add = true, strides = array<i32>} : memref<4x8x1024xf32, #tpu.memory_space<vmem>>, vector<1x1x16xf32>,
        %get3A_866 = arith.constant 1 : i32
        %get3A_867 = arith.index_cast %get3A_866 : i32 to index
        %get3A_868 = arith.index_cast %scan3A_347 : i32 to index
        %get3A_869 = arith.constant 640 : index
        %get3A_870 = tpu.vector_load %arg8[%get3A_867, %get3A_868, %get3A_869] {strides = array<i32>} : memref<4x8x1024xf32, #tpu.memory_space<vmem>>, vector<1x1x16xf32>,
        %get3A_871 = vector.shape_cast %get3A_870 : vector<1x1x16xf32> to vector<16xf32>
        %swap3A_872 = arith.constant 1 : i32
        %swap3A_873 = arith.index_cast %swap3A_872 : i32 to index
        %swap3A_874 = arith.index_cast %scan3A_347 : i32 to index
        %swap3A_875 = arith.constant 640 : index
        %swap3A_876 = tpu.vector_load %arg7[%swap3A_873, %swap3A_874, %swap3A_875] {strides = array<i32>} : memref<4x8x1024xf32, #tpu.memory_space<vmem>>, vector<1x1x16xf32>,
        %swap3A_877 = vector.shape_cast %swap3A_876 : vector<1x1x16xf32> to vector<16xf32>
        %swap3A_878 = vector.shape_cast %get3A_871 : vector<16xf32> to vector<1x1x16xf32>
        tpu.vector_store %arg7[%swap3A_873, %swap3A_874, %swap3A_875], %swap3A_878 {add = true, strides = array<i32>} : memref<4x8x1024xf32, #tpu.memory_space<vmem>>, vector<1x1x16xf32>,
        %get3A_879 = arith.constant 1 : i32
        %get3A_880 = arith.index_cast %get3A_879 : i32 to index
        %get3A_881 = arith.index_cast %scan3A_347 : i32 to index
        %get3A_882 = arith.constant 656 : index
        %get3A_883 = tpu.vector_load %arg8[%get3A_880, %get3A_881, %get3A_882] {strides = array<i32>} : memref<4x8x1024xf32, #tpu.memory_space<vmem>>, vector<1x1x16xf32>,
        %get3A_884 = vector.shape_cast %get3A_883 : vector<1x1x16xf32> to vector<16xf32>
        %swap3A_885 = arith.constant 1 : i32
        %swap3A_886 = arith.index_cast %swap3A_885 : i32 to index
        %swap3A_887 = arith.index_cast %scan3A_347 : i32 to index
        %swap3A_888 = arith.constant 656 : index
        %swap3A_889 = tpu.vector_load %arg7[%swap3A_886, %swap3A_887, %swap3A_888] {strides = array<i32>} : memref<4x8x1024xf32, #tpu.memory_space<vmem>>, vector<1x1x16xf32>,
        %swap3A_890 = vector.shape_cast %swap3A_889 : vector<1x1x16xf32> to vector<16xf32>
        %swap3A_891 = vector.shape_cast %get3A_884 : vector<16xf32> to vector<1x1x16xf32>
        tpu.vector_store %arg7[%swap3A_886, %swap3A_887, %swap3A_888], %swap3A_891 {add = true, strides = array<i32>} : memref<4x8x1024xf32, #tpu.memory_space<vmem>>, vector<1x1x16xf32>,
        %get3A_892 = arith.constant 1 : i32
        %get3A_893 = arith.index_cast %get3A_892 : i32 to index
        %get3A_894 = arith.index_cast %scan3A_347 : i32 to index
        %get3A_895 = arith.constant 672 : index
        %get3A_896 = tpu.vector_load %arg8[%get3A_893, %get3A_894, %get3A_895] {strides = array<i32>} : memref<4x8x1024xf32, #tpu.memory_space<vmem>>, vector<1x1x16xf32>,
        %get3A_897 = vector.shape_cast %get3A_896 : vector<1x1x16xf32> to vector<16xf32>
        %swap3A_898 = arith.constant 1 : i32
        %swap3A_899 = arith.index_cast %swap3A_898 : i32 to index
        %swap3A_900 = arith.index_cast %scan3A_347 : i32 to index
        %swap3A_901 = arith.constant 672 : index
        %swap3A_902 = tpu.vector_load %arg7[%swap3A_899, %swap3A_900, %swap3A_901] {strides = array<i32>} : memref<4x8x1024xf32, #tpu.memory_space<vmem>>, vector<1x1x16xf32>,
        %swap3A_903 = vector.shape_cast %swap3A_902 : vector<1x1x16xf32> to vector<16xf32>
        %swap3A_904 = vector.shape_cast %get3A_897 : vector<16xf32> to vector<1x1x16xf32>
        tpu.vector_store %arg7[%swap3A_899, %swap3A_900, %swap3A_901], %swap3A_904 {add = true, strides = array<i32>} : memref<4x8x1024xf32, #tpu.memory_space<vmem>>, vector<1x1x16xf32>,
        %get3A_905 = arith.constant 1 : i32
        %get3A_906 = arith.index_cast %get3A_905 : i32 to index
        %get3A_907 = arith.index_cast %scan3A_347 : i32 to index
        %get3A_908 = arith.constant 688 : index
        %get3A_909 = tpu.vector_load %arg8[%get3A_906, %get3A_907, %get3A_908] {strides = array<i32>} : memref<4x8x1024xf32, #tpu.memory_space<vmem>>, vector<1x1x16xf32>,
        %get3A_910 = vector.shape_cast %get3A_909 : vector<1x1x16xf32> to vector<16xf32>
        %swap3A_911 = arith.constant 1 : i32
        %swap3A_912 = arith.index_cast %swap3A_911 : i32 to index
        %swap3A_913 = arith.index_cast %scan3A_347 : i32 to index
        %swap3A_914 = arith.constant 688 : index
        %swap3A_915 = tpu.vector_load %arg7[%swap3A_912, %swap3A_913, %swap3A_914] {strides = array<i32>} : memref<4x8x1024xf32, #tpu.memory_space<vmem>>, vector<1x1x16xf32>,
        %swap3A_916 = vector.shape_cast %swap3A_915 : vector<1x1x16xf32> to vector<16xf32>
        %swap3A_917 = vector.shape_cast %get3A_910 : vector<16xf32> to vector<1x1x16xf32>
        tpu.vector_store %arg7[%swap3A_912, %swap3A_913, %swap3A_914], %swap3A_917 {add = true, strides = array<i32>} : memref<4x8x1024xf32, #tpu.memory_space<vmem>>, vector<1x1x16xf32>,
        %get3A_918 = arith.constant 1 : i32
        %get3A_919 = arith.index_cast %get3A_918 : i32 to index
        %get3A_920 = arith.index_cast %scan3A_347 : i32 to index
        %get3A_921 = arith.constant 704 : index
        %get3A_922 = tpu.vector_load %arg8[%get3A_919, %get3A_920, %get3A_921] {strides = array<i32>} : memref<4x8x1024xf32, #tpu.memory_space<vmem>>, vector<1x1x16xf32>,
        %get3A_923 = vector.shape_cast %get3A_922 : vector<1x1x16xf32> to vector<16xf32>
        %swap3A_924 = arith.constant 1 : i32
        %swap3A_925 = arith.index_cast %swap3A_924 : i32 to index
        %swap3A_926 = arith.index_cast %scan3A_347 : i32 to index
        %swap3A_927 = arith.constant 704 : index
        %swap3A_928 = tpu.vector_load %arg7[%swap3A_925, %swap3A_926, %swap3A_927] {strides = array<i32>} : memref<4x8x1024xf32, #tpu.memory_space<vmem>>, vector<1x1x16xf32>,
        %swap3A_929 = vector.shape_cast %swap3A_928 : vector<1x1x16xf32> to vector<16xf32>
        %swap3A_930 = vector.shape_cast %get3A_923 : vector<16xf32> to vector<1x1x16xf32>
        tpu.vector_store %arg7[%swap3A_925, %swap3A_926, %swap3A_927], %swap3A_930 {add = true, strides = array<i32>} : memref<4x8x1024xf32, #tpu.memory_space<vmem>>, vector<1x1x16xf32>,
        %get3A_931 = arith.constant 1 : i32
        %get3A_932 = arith.index_cast %get3A_931 : i32 to index
        %get3A_933 = arith.index_cast %scan3A_347 : i32 to index
        %get3A_934 = arith.constant 720 : index
        %get3A_935 = tpu.vector_load %arg8[%get3A_932, %get3A_933, %get3A_934] {strides = array<i32>} : memref<4x8x1024xf32, #tpu.memory_space<vmem>>, vector<1x1x16xf32>,
        %get3A_936 = vector.shape_cast %get3A_935 : vector<1x1x16xf32> to vector<16xf32>
        %swap3A_937 = arith.constant 1 : i32
        %swap3A_938 = arith.index_cast %swap3A_937 : i32 to index
        %swap3A_939 = arith.index_cast %scan3A_347 : i32 to index
        %swap3A_940 = arith.constant 720 : index
        %swap3A_941 = tpu.vector_load %arg7[%swap3A_938, %swap3A_939, %swap3A_940] {strides = array<i32>} : memref<4x8x1024xf32, #tpu.memory_space<vmem>>, vector<1x1x16xf32>,
        %swap3A_942 = vector.shape_cast %swap3A_941 : vector<1x1x16xf32> to vector<16xf32>
        %swap3A_943 = vector.shape_cast %get3A_936 : vector<16xf32> to vector<1x1x16xf32>
        tpu.vector_store %arg7[%swap3A_938, %swap3A_939, %swap3A_940], %swap3A_943 {add = true, strides = array<i32>} : memref<4x8x1024xf32, #tpu.memory_space<vmem>>, vector<1x1x16xf32>,
        %get3A_944 = arith.constant 1 : i32
        %get3A_945 = arith.index_cast %get3A_944 : i32 to index
        %get3A_946 = arith.index_cast %scan3A_347 : i32 to index
        %get3A_947 = arith.constant 736 : index
        %get3A_948 = tpu.vector_load %arg8[%get3A_945, %get3A_946, %get3A_947] {strides = array<i32>} : memref<4x8x1024xf32, #tpu.memory_space<vmem>>, vector<1x1x16xf32>,
        %get3A_949 = vector.shape_cast %get3A_948 : vector<1x1x16xf32> to vector<16xf32>
        %swap3A_950 = arith.constant 1 : i32
        %swap3A_951 = arith.index_cast %swap3A_950 : i32 to index
        %swap3A_952 = arith.index_cast %scan3A_347 : i32 to index
        %swap3A_953 = arith.constant 736 : index
        %swap3A_954 = tpu.vector_load %arg7[%swap3A_951, %swap3A_952, %swap3A_953] {strides = array<i32>} : memref<4x8x1024xf32, #tpu.memory_space<vmem>>, vector<1x1x16xf32>,
        %swap3A_955 = vector.shape_cast %swap3A_954 : vector<1x1x16xf32> to vector<16xf32>
        %swap3A_956 = vector.shape_cast %get3A_949 : vector<16xf32> to vector<1x1x16xf32>
        tpu.vector_store %arg7[%swap3A_951, %swap3A_952, %swap3A_953], %swap3A_956 {add = true, strides = array<i32>} : memref<4x8x1024xf32, #tpu.memory_space<vmem>>, vector<1x1x16xf32>,
        %get3A_957 = arith.constant 1 : i32
        %get3A_958 = arith.index_cast %get3A_957 : i32 to index
        %get3A_959 = arith.index_cast %scan3A_347 : i32 to index
        %get3A_960 = arith.constant 752 : index
        %get3A_961 = tpu.vector_load %arg8[%get3A_958, %get3A_959, %get3A_960] {strides = array<i32>} : memref<4x8x1024xf32, #tpu.memory_space<vmem>>, vector<1x1x16xf32>,
        %get3A_962 = vector.shape_cast %get3A_961 : vector<1x1x16xf32> to vector<16xf32>
        %swap3A_963 = arith.constant 1 : i32
        %swap3A_964 = arith.index_cast %swap3A_963 : i32 to index
        %swap3A_965 = arith.index_cast %scan3A_347 : i32 to index
        %swap3A_966 = arith.constant 752 : index
        %swap3A_967 = tpu.vector_load %arg7[%swap3A_964, %swap3A_965, %swap3A_966] {strides = array<i32>} : memref<4x8x1024xf32, #tpu.memory_space<vmem>>, vector<1x1x16xf32>,
        %swap3A_968 = vector.shape_cast %swap3A_967 : vector<1x1x16xf32> to vector<16xf32>
        %swap3A_969 = vector.shape_cast %get3A_962 : vector<16xf32> to vector<1x1x16xf32>
        tpu.vector_store %arg7[%swap3A_964, %swap3A_965, %swap3A_966], %swap3A_969 {add = true, strides = array<i32>} : memref<4x8x1024xf32, #tpu.memory_space<vmem>>, vector<1x1x16xf32>,
        %get3A_970 = arith.constant 1 : i32
        %get3A_971 = arith.index_cast %get3A_970 : i32 to index
        %get3A_972 = arith.index_cast %scan3A_347 : i32 to index
        %get3A_973 = arith.constant 768 : index
        %get3A_974 = tpu.vector_load %arg8[%get3A_971, %get3A_972, %get3A_973] {strides = array<i32>} : memref<4x8x1024xf32, #tpu.memory_space<vmem>>, vector<1x1x16xf32>,
        %get3A_975 = vector.shape_cast %get3A_974 : vector<1x1x16xf32> to vector<16xf32>
        %swap3A_976 = arith.constant 1 : i32
        %swap3A_977 = arith.index_cast %swap3A_976 : i32 to index
        %swap3A_978 = arith.index_cast %scan3A_347 : i32 to index
        %swap3A_979 = arith.constant 768 : index
        %swap3A_980 = tpu.vector_load %arg7[%swap3A_977, %swap3A_978, %swap3A_979] {strides = array<i32>} : memref<4x8x1024xf32, #tpu.memory_space<vmem>>, vector<1x1x16xf32>,
        %swap3A_981 = vector.shape_cast %swap3A_980 : vector<1x1x16xf32> to vector<16xf32>
        %swap3A_982 = vector.shape_cast %get3A_975 : vector<16xf32> to vector<1x1x16xf32>
        tpu.vector_store %arg7[%swap3A_977, %swap3A_978, %swap3A_979], %swap3A_982 {add = true, strides = array<i32>} : memref<4x8x1024xf32, #tpu.memory_space<vmem>>, vector<1x1x16xf32>,
        %get3A_983 = arith.constant 1 : i32
        %get3A_984 = arith.index_cast %get3A_983 : i32 to index
        %get3A_985 = arith.index_cast %scan3A_347 : i32 to index
        %get3A_986 = arith.constant 784 : index
        %get3A_987 = tpu.vector_load %arg8[%get3A_984, %get3A_985, %get3A_986] {strides = array<i32>} : memref<4x8x1024xf32, #tpu.memory_space<vmem>>, vector<1x1x16xf32>,
        %get3A_988 = vector.shape_cast %get3A_987 : vector<1x1x16xf32> to vector<16xf32>
        %swap3A_989 = arith.constant 1 : i32
        %swap3A_990 = arith.index_cast %swap3A_989 : i32 to index
        %swap3A_991 = arith.index_cast %scan3A_347 : i32 to index
        %swap3A_992 = arith.constant 784 : index
        %swap3A_993 = tpu.vector_load %arg7[%swap3A_990, %swap3A_991, %swap3A_992] {strides = array<i32>} : memref<4x8x1024xf32, #tpu.memory_space<vmem>>, vector<1x1x16xf32>,
        %swap3A_994 = vector.shape_cast %swap3A_993 : vector<1x1x16xf32> to vector<16xf32>
        %swap3A_995 = vector.shape_cast %get3A_988 : vector<16xf32> to vector<1x1x16xf32>
        tpu.vector_store %arg7[%swap3A_990, %swap3A_991, %swap3A_992], %swap3A_995 {add = true, strides = array<i32>} : memref<4x8x1024xf32, #tpu.memory_space<vmem>>, vector<1x1x16xf32>,
        %get3A_996 = arith.constant 1 : i32
        %get3A_997 = arith.index_cast %get3A_996 : i32 to index
        %get3A_998 = arith.index_cast %scan3A_347 : i32 to index
        %get3A_999 = arith.constant 800 : index
        %get3A_1000 = tpu.vector_load %arg8[%get3A_997, %get3A_998, %get3A_999] {strides = array<i32>} : memref<4x8x1024xf32, #tpu.memory_space<vmem>>, vector<1x1x16xf32>,
        %get3A_1001 = vector.shape_cast %get3A_1000 : vector<1x1x16xf32> to vector<16xf32>
        %swap3A_1002 = arith.constant 1 : i32
        %swap3A_1003 = arith.index_cast %swap3A_1002 : i32 to index
        %swap3A_1004 = arith.index_cast %scan3A_347 : i32 to index
        %swap3A_1005 = arith.constant 800 : index
        %swap3A_1006 = tpu.vector_load %arg7[%swap3A_1003, %swap3A_1004, %swap3A_1005] {strides = array<i32>} : memref<4x8x1024xf32, #tpu.memory_space<vmem>>, vector<1x1x16xf32>,
        %swap3A_1007 = vector.shape_cast %swap3A_1006 : vector<1x1x16xf32> to vector<16xf32>
        %swap3A_1008 = vector.shape_cast %get3A_1001 : vector<16xf32> to vector<1x1x16xf32>
        tpu.vector_store %arg7[%swap3A_1003, %swap3A_1004, %swap3A_1005], %swap3A_1008 {add = true, strides = array<i32>} : memref<4x8x1024xf32, #tpu.memory_space<vmem>>, vector<1x1x16xf32>,
        %get3A_1009 = arith.constant 1 : i32
        %get3A_1010 = arith.index_cast %get3A_1009 : i32 to index
        %get3A_1011 = arith.index_cast %scan3A_347 : i32 to index
        %get3A_1012 = arith.constant 816 : index
        %get3A_1013 = tpu.vector_load %arg8[%get3A_1010, %get3A_1011, %get3A_1012] {strides = array<i32>} : memref<4x8x1024xf32, #tpu.memory_space<vmem>>, vector<1x1x16xf32>,
        %get3A_1014 = vector.shape_cast %get3A_1013 : vector<1x1x16xf32> to vector<16xf32>
        %swap3A_1015 = arith.constant 1 : i32
        %swap3A_1016 = arith.index_cast %swap3A_1015 : i32 to index
        %swap3A_1017 = arith.index_cast %scan3A_347 : i32 to index
        %swap3A_1018 = arith.constant 816 : index
        %swap3A_1019 = tpu.vector_load %arg7[%swap3A_1016, %swap3A_1017, %swap3A_1018] {strides = array<i32>} : memref<4x8x1024xf32, #tpu.memory_space<vmem>>, vector<1x1x16xf32>,
        %swap3A_1020 = vector.shape_cast %swap3A_1019 : vector<1x1x16xf32> to vector<16xf32>
        %swap3A_1021 = vector.shape_cast %get3A_1014 : vector<16xf32> to vector<1x1x16xf32>
        tpu.vector_store %arg7[%swap3A_1016, %swap3A_1017, %swap3A_1018], %swap3A_1021 {add = true, strides = array<i32>} : memref<4x8x1024xf32, #tpu.memory_space<vmem>>, vector<1x1x16xf32>,
        %get3A_1022 = arith.constant 1 : i32
        %get3A_1023 = arith.index_cast %get3A_1022 : i32 to index
        %get3A_1024 = arith.index_cast %scan3A_347 : i32 to index
        %get3A_1025 = arith.constant 832 : index
        %get3A_1026 = tpu.vector_load %arg8[%get3A_1023, %get3A_1024, %get3A_1025] {strides = array<i32>} : memref<4x8x1024xf32, #tpu.memory_space<vmem>>, vector<1x1x16xf32>,
        %get3A_1027 = vector.shape_cast %get3A_1026 : vector<1x1x16xf32> to vector<16xf32>
        %swap3A_1028 = arith.constant 1 : i32
        %swap3A_1029 = arith.index_cast %swap3A_1028 : i32 to index
        %swap3A_1030 = arith.index_cast %scan3A_347 : i32 to index
        %swap3A_1031 = arith.constant 832 : index
        %swap3A_1032 = tpu.vector_load %arg7[%swap3A_1029, %swap3A_1030, %swap3A_1031] {strides = array<i32>} : memref<4x8x1024xf32, #tpu.memory_space<vmem>>, vector<1x1x16xf32>,
        %swap3A_1033 = vector.shape_cast %swap3A_1032 : vector<1x1x16xf32> to vector<16xf32>
        %swap3A_1034 = vector.shape_cast %get3A_1027 : vector<16xf32> to vector<1x1x16xf32>
        tpu.vector_store %arg7[%swap3A_1029, %swap3A_1030, %swap3A_1031], %swap3A_1034 {add = true, strides = array<i32>} : memref<4x8x1024xf32, #tpu.memory_space<vmem>>, vector<1x1x16xf32>,
        %get3A_1035 = arith.constant 1 : i32
        %get3A_1036 = arith.index_cast %get3A_1035 : i32 to index
        %get3A_1037 = arith.index_cast %scan3A_347 : i32 to index
        %get3A_1038 = arith.constant 848 : index
        %get3A_1039 = tpu.vector_load %arg8[%get3A_1036, %get3A_1037, %get3A_1038] {strides = array<i32>} : memref<4x8x1024xf32, #tpu.memory_space<vmem>>, vector<1x1x16xf32>,
        %get3A_1040 = vector.shape_cast %get3A_1039 : vector<1x1x16xf32> to vector<16xf32>
        %swap3A_1041 = arith.constant 1 : i32
        %swap3A_1042 = arith.index_cast %swap3A_1041 : i32 to index
        %swap3A_1043 = arith.index_cast %scan3A_347 : i32 to index
        %swap3A_1044 = arith.constant 848 : index
        %swap3A_1045 = tpu.vector_load %arg7[%swap3A_1042, %swap3A_1043, %swap3A_1044] {strides = array<i32>} : memref<4x8x1024xf32, #tpu.memory_space<vmem>>, vector<1x1x16xf32>,
        %swap3A_1046 = vector.shape_cast %swap3A_1045 : vector<1x1x16xf32> to vector<16xf32>
        %swap3A_1047 = vector.shape_cast %get3A_1040 : vector<16xf32> to vector<1x1x16xf32>
        tpu.vector_store %arg7[%swap3A_1042, %swap3A_1043, %swap3A_1044], %swap3A_1047 {add = true, strides = array<i32>} : memref<4x8x1024xf32, #tpu.memory_space<vmem>>, vector<1x1x16xf32>,
        %get3A_1048 = arith.constant 1 : i32
        %get3A_1049 = arith.index_cast %get3A_1048 : i32 to index
        %get3A_1050 = arith.index_cast %scan3A_347 : i32 to index
        %get3A_1051 = arith.constant 864 : index
        %get3A_1052 = tpu.vector_load %arg8[%get3A_1049, %get3A_1050, %get3A_1051] {strides = array<i32>} : memref<4x8x1024xf32, #tpu.memory_space<vmem>>, vector<1x1x16xf32>,
        %get3A_1053 = vector.shape_cast %get3A_1052 : vector<1x1x16xf32> to vector<16xf32>
        %swap3A_1054 = arith.constant 1 : i32
        %swap3A_1055 = arith.index_cast %swap3A_1054 : i32 to index
        %swap3A_1056 = arith.index_cast %scan3A_347 : i32 to index
        %swap3A_1057 = arith.constant 864 : index
        %swap3A_1058 = tpu.vector_load %arg7[%swap3A_1055, %swap3A_1056, %swap3A_1057] {strides = array<i32>} : memref<4x8x1024xf32, #tpu.memory_space<vmem>>, vector<1x1x16xf32>,
        %swap3A_1059 = vector.shape_cast %swap3A_1058 : vector<1x1x16xf32> to vector<16xf32>
        %swap3A_1060 = vector.shape_cast %get3A_1053 : vector<16xf32> to vector<1x1x16xf32>
        tpu.vector_store %arg7[%swap3A_1055, %swap3A_1056, %swap3A_1057], %swap3A_1060 {add = true, strides = array<i32>} : memref<4x8x1024xf32, #tpu.memory_space<vmem>>, vector<1x1x16xf32>,
        %get3A_1061 = arith.constant 1 : i32
        %get3A_1062 = arith.index_cast %get3A_1061 : i32 to index
        %get3A_1063 = arith.index_cast %scan3A_347 : i32 to index
        %get3A_1064 = arith.constant 880 : index
        %get3A_1065 = tpu.vector_load %arg8[%get3A_1062, %get3A_1063, %get3A_1064] {strides = array<i32>} : memref<4x8x1024xf32, #tpu.memory_space<vmem>>, vector<1x1x16xf32>,
        %get3A_1066 = vector.shape_cast %get3A_1065 : vector<1x1x16xf32> to vector<16xf32>
        %swap3A_1067 = arith.constant 1 : i32
        %swap3A_1068 = arith.index_cast %swap3A_1067 : i32 to index
        %swap3A_1069 = arith.index_cast %scan3A_347 : i32 to index
        %swap3A_1070 = arith.constant 880 : index
        %swap3A_1071 = tpu.vector_load %arg7[%swap3A_1068, %swap3A_1069, %swap3A_1070] {strides = array<i32>} : memref<4x8x1024xf32, #tpu.memory_space<vmem>>, vector<1x1x16xf32>,
        %swap3A_1072 = vector.shape_cast %swap3A_1071 : vector<1x1x16xf32> to vector<16xf32>
        %swap3A_1073 = vector.shape_cast %get3A_1066 : vector<16xf32> to vector<1x1x16xf32>
        tpu.vector_store %arg7[%swap3A_1068, %swap3A_1069, %swap3A_1070], %swap3A_1073 {add = true, strides = array<i32>} : memref<4x8x1024xf32, #tpu.memory_space<vmem>>, vector<1x1x16xf32>,
        %get3A_1074 = arith.constant 1 : i32
        %get3A_1075 = arith.index_cast %get3A_1074 : i32 to index
        %get3A_1076 = arith.index_cast %scan3A_347 : i32 to index
        %get3A_1077 = arith.constant 896 : index
        %get3A_1078 = tpu.vector_load %arg8[%get3A_1075, %get3A_1076, %get3A_1077] {strides = array<i32>} : memref<4x8x1024xf32, #tpu.memory_space<vmem>>, vector<1x1x16xf32>,
        %get3A_1079 = vector.shape_cast %get3A_1078 : vector<1x1x16xf32> to vector<16xf32>
        %swap3A_1080 = arith.constant 1 : i32
        %swap3A_1081 = arith.index_cast %swap3A_1080 : i32 to index
        %swap3A_1082 = arith.index_cast %scan3A_347 : i32 to index
        %swap3A_1083 = arith.constant 896 : index
        %swap3A_1084 = tpu.vector_load %arg7[%swap3A_1081, %swap3A_1082, %swap3A_1083] {strides = array<i32>} : memref<4x8x1024xf32, #tpu.memory_space<vmem>>, vector<1x1x16xf32>,
        %swap3A_1085 = vector.shape_cast %swap3A_1084 : vector<1x1x16xf32> to vector<16xf32>
        %swap3A_1086 = vector.shape_cast %get3A_1079 : vector<16xf32> to vector<1x1x16xf32>
        tpu.vector_store %arg7[%swap3A_1081, %swap3A_1082, %swap3A_1083], %swap3A_1086 {add = true, strides = array<i32>} : memref<4x8x1024xf32, #tpu.memory_space<vmem>>, vector<1x1x16xf32>,
        %get3A_1087 = arith.constant 1 : i32
        %get3A_1088 = arith.index_cast %get3A_1087 : i32 to index
        %get3A_1089 = arith.index_cast %scan3A_347 : i32 to index
        %get3A_1090 = arith.constant 912 : index
        %get3A_1091 = tpu.vector_load %arg8[%get3A_1088, %get3A_1089, %get3A_1090] {strides = array<i32>} : memref<4x8x1024xf32, #tpu.memory_space<vmem>>, vector<1x1x16xf32>,
        %get3A_1092 = vector.shape_cast %get3A_1091 : vector<1x1x16xf32> to vector<16xf32>
        %swap3A_1093 = arith.constant 1 : i32
        %swap3A_1094 = arith.index_cast %swap3A_1093 : i32 to index
        %swap3A_1095 = arith.index_cast %scan3A_347 : i32 to index
        %swap3A_1096 = arith.constant 912 : index
        %swap3A_1097 = tpu.vector_load %arg7[%swap3A_1094, %swap3A_1095, %swap3A_1096] {strides = array<i32>} : memref<4x8x1024xf32, #tpu.memory_space<vmem>>, vector<1x1x16xf32>,
        %swap3A_1098 = vector.shape_cast %swap3A_1097 : vector<1x1x16xf32> to vector<16xf32>
        %swap3A_1099 = vector.shape_cast %get3A_1092 : vector<16xf32> to vector<1x1x16xf32>
        tpu.vector_store %arg7[%swap3A_1094, %swap3A_1095, %swap3A_1096], %swap3A_1099 {add = true, strides = array<i32>} : memref<4x8x1024xf32, #tpu.memory_space<vmem>>, vector<1x1x16xf32>,
        %get3A_1100 = arith.constant 1 : i32
        %get3A_1101 = arith.index_cast %get3A_1100 : i32 to index
        %get3A_1102 = arith.index_cast %scan3A_347 : i32 to index
        %get3A_1103 = arith.constant 928 : index
        %get3A_1104 = tpu.vector_load %arg8[%get3A_1101, %get3A_1102, %get3A_1103] {strides = array<i32>} : memref<4x8x1024xf32, #tpu.memory_space<vmem>>, vector<1x1x16xf32>,
        %get3A_1105 = vector.shape_cast %get3A_1104 : vector<1x1x16xf32> to vector<16xf32>
        %swap3A_1106 = arith.constant 1 : i32
        %swap3A_1107 = arith.index_cast %swap3A_1106 : i32 to index
        %swap3A_1108 = arith.index_cast %scan3A_347 : i32 to index
        %swap3A_1109 = arith.constant 928 : index
        %swap3A_1110 = tpu.vector_load %arg7[%swap3A_1107, %swap3A_1108, %swap3A_1109] {strides = array<i32>} : memref<4x8x1024xf32, #tpu.memory_space<vmem>>, vector<1x1x16xf32>,
        %swap3A_1111 = vector.shape_cast %swap3A_1110 : vector<1x1x16xf32> to vector<16xf32>
        %swap3A_1112 = vector.shape_cast %get3A_1105 : vector<16xf32> to vector<1x1x16xf32>
        tpu.vector_store %arg7[%swap3A_1107, %swap3A_1108, %swap3A_1109], %swap3A_1112 {add = true, strides = array<i32>} : memref<4x8x1024xf32, #tpu.memory_space<vmem>>, vector<1x1x16xf32>,
        %get3A_1113 = arith.constant 1 : i32
        %get3A_1114 = arith.index_cast %get3A_1113 : i32 to index
        %get3A_1115 = arith.index_cast %scan3A_347 : i32 to index
        %get3A_1116 = arith.constant 944 : index
        %get3A_1117 = tpu.vector_load %arg8[%get3A_1114, %get3A_1115, %get3A_1116] {strides = array<i32>} : memref<4x8x1024xf32, #tpu.memory_space<vmem>>, vector<1x1x16xf32>,
        %get3A_1118 = vector.shape_cast %get3A_1117 : vector<1x1x16xf32> to vector<16xf32>
        %swap3A_1119 = arith.constant 1 : i32
        %swap3A_1120 = arith.index_cast %swap3A_1119 : i32 to index
        %swap3A_1121 = arith.index_cast %scan3A_347 : i32 to index
        %swap3A_1122 = arith.constant 944 : index
        %swap3A_1123 = tpu.vector_load %arg7[%swap3A_1120, %swap3A_1121, %swap3A_1122] {strides = array<i32>} : memref<4x8x1024xf32, #tpu.memory_space<vmem>>, vector<1x1x16xf32>,
        %swap3A_1124 = vector.shape_cast %swap3A_1123 : vector<1x1x16xf32> to vector<16xf32>
        %swap3A_1125 = vector.shape_cast %get3A_1118 : vector<16xf32> to vector<1x1x16xf32>
        tpu.vector_store %arg7[%swap3A_1120, %swap3A_1121, %swap3A_1122], %swap3A_1125 {add = true, strides = array<i32>} : memref<4x8x1024xf32, #tpu.memory_space<vmem>>, vector<1x1x16xf32>,
        %get3A_1126 = arith.constant 1 : i32
        %get3A_1127 = arith.index_cast %get3A_1126 : i32 to index
        %get3A_1128 = arith.index_cast %scan3A_347 : i32 to index
        %get3A_1129 = arith.constant 960 : index
        %get3A_1130 = tpu.vector_load %arg8[%get3A_1127, %get3A_1128, %get3A_1129] {strides = array<i32>} : memref<4x8x1024xf32, #tpu.memory_space<vmem>>, vector<1x1x16xf32>,
        %get3A_1131 = vector.shape_cast %get3A_1130 : vector<1x1x16xf32> to vector<16xf32>
        %swap3A_1132 = arith.constant 1 : i32
        %swap3A_1133 = arith.index_cast %swap3A_1132 : i32 to index
        %swap3A_1134 = arith.index_cast %scan3A_347 : i32 to index
        %swap3A_1135 = arith.constant 960 : index
        %swap3A_1136 = tpu.vector_load %arg7[%swap3A_1133, %swap3A_1134, %swap3A_1135] {strides = array<i32>} : memref<4x8x1024xf32, #tpu.memory_space<vmem>>, vector<1x1x16xf32>,
        %swap3A_1137 = vector.shape_cast %swap3A_1136 : vector<1x1x16xf32> to vector<16xf32>
        %swap3A_1138 = vector.shape_cast %get3A_1131 : vector<16xf32> to vector<1x1x16xf32>
        tpu.vector_store %arg7[%swap3A_1133, %swap3A_1134, %swap3A_1135], %swap3A_1138 {add = true, strides = array<i32>} : memref<4x8x1024xf32, #tpu.memory_space<vmem>>, vector<1x1x16xf32>,
        %get3A_1139 = arith.constant 1 : i32
        %get3A_1140 = arith.index_cast %get3A_1139 : i32 to index
        %get3A_1141 = arith.index_cast %scan3A_347 : i32 to index
        %get3A_1142 = arith.constant 976 : index
        %get3A_1143 = tpu.vector_load %arg8[%get3A_1140, %get3A_1141, %get3A_1142] {strides = array<i32>} : memref<4x8x1024xf32, #tpu.memory_space<vmem>>, vector<1x1x16xf32>,
        %get3A_1144 = vector.shape_cast %get3A_1143 : vector<1x1x16xf32> to vector<16xf32>
        %swap3A_1145 = arith.constant 1 : i32
        %swap3A_1146 = arith.index_cast %swap3A_1145 : i32 to index
        %swap3A_1147 = arith.index_cast %scan3A_347 : i32 to index
        %swap3A_1148 = arith.constant 976 : index
        %swap3A_1149 = tpu.vector_load %arg7[%swap3A_1146, %swap3A_1147, %swap3A_1148] {strides = array<i32>} : memref<4x8x1024xf32, #tpu.memory_space<vmem>>, vector<1x1x16xf32>,
        %swap3A_1150 = vector.shape_cast %swap3A_1149 : vector<1x1x16xf32> to vector<16xf32>
        %swap3A_1151 = vector.shape_cast %get3A_1144 : vector<16xf32> to vector<1x1x16xf32>
        tpu.vector_store %arg7[%swap3A_1146, %swap3A_1147, %swap3A_1148], %swap3A_1151 {add = true, strides = array<i32>} : memref<4x8x1024xf32, #tpu.memory_space<vmem>>, vector<1x1x16xf32>,
        %get3A_1152 = arith.constant 1 : i32
        %get3A_1153 = arith.index_cast %get3A_1152 : i32 to index
        %get3A_1154 = arith.index_cast %scan3A_347 : i32 to index
        %get3A_1155 = arith.constant 992 : index
        %get3A_1156 = tpu.vector_load %arg8[%get3A_1153, %get3A_1154, %get3A_1155] {strides = array<i32>} : memref<4x8x1024xf32, #tpu.memory_space<vmem>>, vector<1x1x16xf32>,
        %get3A_1157 = vector.shape_cast %get3A_1156 : vector<1x1x16xf32> to vector<16xf32>
        %swap3A_1158 = arith.constant 1 : i32
        %swap3A_1159 = arith.index_cast %swap3A_1158 : i32 to index
        %swap3A_1160 = arith.index_cast %scan3A_347 : i32 to index
        %swap3A_1161 = arith.constant 992 : index
        %swap3A_1162 = tpu.vector_load %arg7[%swap3A_1159, %swap3A_1160, %swap3A_1161] {strides = array<i32>} : memref<4x8x1024xf32, #tpu.memory_space<vmem>>, vector<1x1x16xf32>,
        %swap3A_1163 = vector.shape_cast %swap3A_1162 : vector<1x1x16xf32> to vector<16xf32>
        %swap3A_1164 = vector.shape_cast %get3A_1157 : vector<16xf32> to vector<1x1x16xf32>
        tpu.vector_store %arg7[%swap3A_1159, %swap3A_1160, %swap3A_1161], %swap3A_1164 {add = true, strides = array<i32>} : memref<4x8x1024xf32, #tpu.memory_space<vmem>>, vector<1x1x16xf32>,
        %get3A_1165 = arith.constant 1 : i32
        %get3A_1166 = arith.index_cast %get3A_1165 : i32 to index
        %get3A_1167 = arith.index_cast %scan3A_347 : i32 to index
        %get3A_1168 = arith.constant 1008 : index
        %get3A_1169 = tpu.vector_load %arg8[%get3A_1166, %get3A_1167, %get3A_1168] {strides = array<i32>} : memref<4x8x1024xf32, #tpu.memory_space<vmem>>, vector<1x1x16xf32>,
        %get3A_1170 = vector.shape_cast %get3A_1169 : vector<1x1x16xf32> to vector<16xf32>
        %swap3A_1171 = arith.constant 1 : i32
        %swap3A_1172 = arith.index_cast %swap3A_1171 : i32 to index
        %swap3A_1173 = arith.index_cast %scan3A_347 : i32 to index
        %swap3A_1174 = arith.constant 1008 : index
        %swap3A_1175 = tpu.vector_load %arg7[%swap3A_1172, %swap3A_1173, %swap3A_1174] {strides = array<i32>} : memref<4x8x1024xf32, #tpu.memory_space<vmem>>, vector<1x1x16xf32>,
        %swap3A_1176 = vector.shape_cast %swap3A_1175 : vector<1x1x16xf32> to vector<16xf32>
        %swap3A_1177 = vector.shape_cast %get3A_1170 : vector<16xf32> to vector<1x1x16xf32>
        tpu.vector_store %arg7[%swap3A_1172, %swap3A_1173, %swap3A_1174], %swap3A_1177 {add = true, strides = array<i32>} : memref<4x8x1024xf32, #tpu.memory_space<vmem>>, vector<1x1x16xf32>,
      }
      %scan3A_200 = arith.constant 8 : i32
      %mul3A_201 = arith.constant 8 : i32
      %mul3A_202 = arith.muli %add3A_155, %mul3A_201 : i32
      %add3A_203 = arith.addi %mul3A_2, %mul3A_202 : i32
      %dma_start3A_204 = arith.constant 1 : i32
      %dma_start3A_205 = arith.constant 0 : i32
      %dma_start3A_206 = arith.constant 0 : i32
      %dma_start3A_207 = tpu.memref_slice %arg7[%dma_start3A_204, %dma_start3A_205, %dma_start3A_206] : memref<4x8x1024xf32, #tpu.memory_space<vmem>> -> memref<1x8x1024xf32, #tpu.memory_space<vmem>>
      %dma_start3A_208 = tpu.memref_squeeze %dma_start3A_207 : memref<1x8x1024xf32, #tpu.memory_space<vmem>> -> memref<8x1024xf32, #tpu.memory_space<vmem>>
      %dma_start3A_209 = arith.constant 0 : i32
      %dma_start3A_210 = tpu.memref_slice %arg5[%add3A_203, %dma_start3A_209] : memref<32768x1024xf32, #tpu.memory_space<hbm>> -> memref<8x1024xf32, #tpu.memory_space<hbm>>
      %dma_start3A_211 = arith.constant 0 : i32
      %dma_start3A_212 = tpu.memref_slice %arg5[%add3A_203, %dma_start3A_211] : memref<32768x1024xf32, #tpu.memory_space<hbm>> -> memref<8x1024xf32, #tpu.memory_space<hbm>>
      %dma_start3A_213 = arith.constant 0 : i32
      %dma_start3A_214 = arith.constant 0 : i32
      %dma_start3A_215 = tpu.memref_slice %arg7[%dma_start3A_204, %dma_start3A_213, %dma_start3A_214] : memref<4x8x1024xf32, #tpu.memory_space<vmem>> -> memref<1x8x1024xf32, #tpu.memory_space<vmem>>
      %dma_start3A_216 = tpu.memref_squeeze %dma_start3A_215 : memref<1x8x1024xf32, #tpu.memory_space<vmem>> -> memref<8x1024xf32, #tpu.memory_space<vmem>>
      tpu.enqueue_dma source(%dma_start3A_216 : memref<8x1024xf32, #tpu.memory_space<vmem>>) target(%dma_start3A_212 : memref<8x1024xf32, #tpu.memory_space<hbm>>) target_semaphore(%arg18 : memref<!tpu.dma_semaphore, #tpu.memory_space<semaphore_mem>>)
      %mul3A_217 = arith.constant 4 : i32
      %mul3A_218 = arith.muli %mul3A_217, %scan3A_90 : i32
      %add3A_219 = arith.constant 2 : i32
      %add3A_220 = arith.addi %mul3A_218, %add3A_219 : i32
      %ge3A_221 = arith.constant 2 : i32
      %ge3A_222 = arith.cmpi sge, %add3A_220, %ge3A_221 : i32
      %convert_element_type3A_223 = arith.extui %ge3A_222 : i1 to i32
      %cond3A_224 = arith.constant 0 : i32
      %cond3A_225 = arith.cmpi ne, %convert_element_type3A_223, %cond3A_224 : i32
      scf.if %cond3A_225 {
        %sub3A = arith.constant 2 : i32
        %sub3A_347 = arith.subi %add3A_220, %sub3A : i32
        %mul3A_348 = arith.constant 8 : i32
        %mul3A_349 = arith.muli %sub3A_347, %mul3A_348 : i32
        %add3A_350 = arith.addi %mul3A_2, %mul3A_349 : i32
        %dma_wait3A_351 = arith.constant 0 : i32
        %dma_wait3A_352 = arith.constant 0 : i32
        %dma_wait3A_353 = arith.constant 0 : i32
        %dma_wait3A_354 = tpu.memref_slice %arg7[%dma_wait3A_351, %dma_wait3A_352, %dma_wait3A_353] : memref<4x8x1024xf32, #tpu.memory_space<vmem>> -> memref<1x8x1024xf32, #tpu.memory_space<vmem>>
        %dma_wait3A_355 = tpu.memref_squeeze %dma_wait3A_354 : memref<1x8x1024xf32, #tpu.memory_space<vmem>> -> memref<8x1024xf32, #tpu.memory_space<vmem>>
        %dma_wait3A_356 = arith.constant 0 : i32
        %dma_wait3A_357 = tpu.memref_slice %arg5[%add3A_350, %dma_wait3A_356] : memref<32768x1024xf32, #tpu.memory_space<hbm>> -> memref<8x1024xf32, #tpu.memory_space<hbm>>
        %dma_wait3A_358 = arith.constant 0 : i32
        %dma_wait3A_359 = tpu.memref_slice %arg5[%add3A_350, %dma_wait3A_358] : memref<32768x1024xf32, #tpu.memory_space<hbm>> -> memref<8x1024xf32, #tpu.memory_space<hbm>>
        %dma_wait3A_360 = arith.constant 0 : i32
        %dma_wait3A_361 = arith.constant 0 : i32
        %dma_wait3A_362 = tpu.memref_slice %arg7[%dma_wait3A_351, %dma_wait3A_360, %dma_wait3A_361] : memref<4x8x1024xf32, #tpu.memory_space<vmem>> -> memref<1x8x1024xf32, #tpu.memory_space<vmem>>
        %dma_wait3A_363 = tpu.memref_squeeze %dma_wait3A_362 : memref<1x8x1024xf32, #tpu.memory_space<vmem>> -> memref<8x1024xf32, #tpu.memory_space<vmem>>
        tpu.wait_dma2 semaphore(%arg17 : memref<!tpu.dma_semaphore, #tpu.memory_space<semaphore_mem>>) src(%dma_wait3A_363 : memref<8x1024xf32, #tpu.memory_space<vmem>>) dst(%dma_wait3A_359 : memref<8x1024xf32, #tpu.memory_space<hbm>>)
      } else {
      }
      %add3A_226 = arith.constant 2 : i32
      %add3A_227 = arith.addi %add3A_220, %add3A_226 : i32
      %lt3A_228 = arith.constant 128 : i32
      %lt3A_229 = arith.cmpi slt, %add3A_227, %lt3A_228 : i32
      %convert_element_type3A_230 = arith.extui %lt3A_229 : i1 to i32
      %cond3A_231 = arith.constant 0 : i32
      %cond3A_232 = arith.cmpi ne, %convert_element_type3A_230, %cond3A_231 : i32
      scf.if %cond3A_232 {
        %add3A_347 = arith.constant 2 : i32
        %add3A_348 = arith.addi %add3A_220, %add3A_347 : i32
        %mul3A_349 = arith.constant 8 : i32
        %mul3A_350 = arith.muli %add3A_348, %mul3A_349 : i32
        %add3A_351 = arith.addi %mul3A_2, %mul3A_350 : i32
        %mul3A_352 = arith.constant 8 : i32
        %mul3A_353 = arith.muli %add3A_348, %mul3A_352 : i32
        %dma_start3A_354 = arith.constant 0 : i32
        %dma_start3A_355 = arith.constant 0 : i32
        %dma_start3A_356 = arith.constant 0 : i32
        %dma_start3A_357 = tpu.memref_slice %arg8[%dma_start3A_354, %dma_start3A_355, %dma_start3A_356] : memref<4x8x1024xf32, #tpu.memory_space<vmem>> -> memref<1x8x1024xf32, #tpu.memory_space<vmem>>
        %dma_start3A_358 = tpu.memref_squeeze %dma_start3A_357 : memref<1x8x1024xf32, #tpu.memory_space<vmem>> -> memref<8x1024xf32, #tpu.memory_space<vmem>>
        %dma_start3A_359 = tpu.memref_slice %arg6[%mul3A_353] : memref<1024xi32, #tpu.memory_space<vmem>> -> memref<8xi32, #tpu.memory_space<vmem>>
        %dma_start3A_360 = arith.constant 0 : i32
        %dma_start3A_361 = arith.constant 0 : i32
        %dma_start3A_362 = tpu.memref_slice %arg4[%dma_start3A_360, %dma_start3A_361] : memref<8192x1024xf32, #tpu.memory_space<hbm>> -> memref<8192x1024xf32, #tpu.memory_space<hbm>>
        tpu.enqueue_indirect_dma source(%dma_start3A_362 : memref<8192x1024xf32, #tpu.memory_space<hbm>>) target(%dma_start3A_358 : memref<8x1024xf32, #tpu.memory_space<vmem>>) offsets(%dma_start3A_359 : memref<8xi32, #tpu.memory_space<vmem>>) semaphore(%arg13 : memref<!tpu.dma_semaphore, #tpu.memory_space<semaphore_mem>>)
        %dma_start3A_363 = arith.constant 0 : i32
        %dma_start3A_364 = arith.constant 0 : i32
        %dma_start3A_365 = arith.constant 0 : i32
        %dma_start3A_366 = tpu.memref_slice %arg7[%dma_start3A_363, %dma_start3A_364, %dma_start3A_365] : memref<4x8x1024xf32, #tpu.memory_space<vmem>> -> memref<1x8x1024xf32, #tpu.memory_space<vmem>>
        %dma_start3A_367 = tpu.memref_squeeze %dma_start3A_366 : memref<1x8x1024xf32, #tpu.memory_space<vmem>> -> memref<8x1024xf32, #tpu.memory_space<vmem>>
        %dma_start3A_368 = arith.constant 0 : i32
        %dma_start3A_369 = tpu.memref_slice %arg2[%add3A_351, %dma_start3A_368] : memref<32768x1024xf32, #tpu.memory_space<hbm>> -> memref<8x1024xf32, #tpu.memory_space<hbm>>
        %dma_start3A_370 = arith.constant 0 : i32
        %dma_start3A_371 = arith.constant 0 : i32
        %dma_start3A_372 = tpu.memref_slice %arg7[%dma_start3A_363, %dma_start3A_370, %dma_start3A_371] : memref<4x8x1024xf32, #tpu.memory_space<vmem>> -> memref<1x8x1024xf32, #tpu.memory_space<vmem>>
        %dma_start3A_373 = tpu.memref_squeeze %dma_start3A_372 : memref<1x8x1024xf32, #tpu.memory_space<vmem>> -> memref<8x1024xf32, #tpu.memory_space<vmem>>
        %dma_start3A_374 = arith.constant 0 : i32
        %dma_start3A_375 = tpu.memref_slice %arg2[%add3A_351, %dma_start3A_374] : memref<32768x1024xf32, #tpu.memory_space<hbm>> -> memref<8x1024xf32, #tpu.memory_space<hbm>>
        tpu.enqueue_dma source(%dma_start3A_375 : memref<8x1024xf32, #tpu.memory_space<hbm>>) target(%dma_start3A_373 : memref<8x1024xf32, #tpu.memory_space<vmem>>) target_semaphore(%arg9 : memref<!tpu.dma_semaphore, #tpu.memory_space<semaphore_mem>>)
      } else {
      }
      %mul3A_233 = arith.constant 8 : i32
      %mul3A_234 = arith.muli %add3A_220, %mul3A_233 : i32
      %add3A_235 = arith.addi %mul3A_2, %mul3A_234 : i32
      %dma_wait3A_236 = arith.constant 2 : i32
      %dma_wait3A_237 = arith.constant 0 : i32
      %dma_wait3A_238 = arith.constant 0 : i32
      %dma_wait3A_239 = tpu.memref_slice %arg7[%dma_wait3A_236, %dma_wait3A_237, %dma_wait3A_238] : memref<4x8x1024xf32, #tpu.memory_space<vmem>> -> memref<1x8x1024xf32, #tpu.memory_space<vmem>>
      %dma_wait3A_240 = tpu.memref_squeeze %dma_wait3A_239 : memref<1x8x1024xf32, #tpu.memory_space<vmem>> -> memref<8x1024xf32, #tpu.memory_space<vmem>>
      %dma_wait3A_241 = arith.constant 0 : i32
      %dma_wait3A_242 = tpu.memref_slice %arg2[%add3A_235, %dma_wait3A_241] : memref<32768x1024xf32, #tpu.memory_space<hbm>> -> memref<8x1024xf32, #tpu.memory_space<hbm>>
      %dma_wait3A_243 = arith.constant 0 : i32
      %dma_wait3A_244 = arith.constant 0 : i32
      %dma_wait3A_245 = tpu.memref_slice %arg7[%dma_wait3A_236, %dma_wait3A_243, %dma_wait3A_244] : memref<4x8x1024xf32, #tpu.memory_space<vmem>> -> memref<1x8x1024xf32, #tpu.memory_space<vmem>>
      %dma_wait3A_246 = tpu.memref_squeeze %dma_wait3A_245 : memref<1x8x1024xf32, #tpu.memory_space<vmem>> -> memref<8x1024xf32, #tpu.memory_space<vmem>>
      %dma_wait3A_247 = arith.constant 0 : i32
      %dma_wait3A_248 = tpu.memref_slice %arg2[%add3A_235, %dma_wait3A_247] : memref<32768x1024xf32, #tpu.memory_space<hbm>> -> memref<8x1024xf32, #tpu.memory_space<hbm>>
      tpu.wait_dma2 semaphore(%arg11 : memref<!tpu.dma_semaphore, #tpu.memory_space<semaphore_mem>>) src(%dma_wait3A_248 : memref<8x1024xf32, #tpu.memory_space<hbm>>) dst(%dma_wait3A_246 : memref<8x1024xf32, #tpu.memory_space<vmem>>)
      %mul3A_249 = arith.constant 8 : i32
      %mul3A_250 = arith.muli %add3A_220, %mul3A_249 : i32
      %dma_wait3A_251 = arith.constant 2 : i32
      %dma_wait3A_252 = arith.constant 0 : i32
      %dma_wait3A_253 = arith.constant 0 : i32
      %dma_wait3A_254 = tpu.memref_slice %arg8[%dma_wait3A_251, %dma_wait3A_252, %dma_wait3A_253] : memref<4x8x1024xf32, #tpu.memory_space<vmem>> -> memref<1x8x1024xf32, #tpu.memory_space<vmem>>
      %dma_wait3A_255 = tpu.memref_squeeze %dma_wait3A_254 : memref<1x8x1024xf32, #tpu.memory_space<vmem>> -> memref<8x1024xf32, #tpu.memory_space<vmem>>
      %dma_wait3A_256 = tpu.memref_slice %arg6[%mul3A_250] : memref<1024xi32, #tpu.memory_space<vmem>> -> memref<8xi32, #tpu.memory_space<vmem>>
      %dma_wait3A_257 = arith.constant 0 : i32
      %dma_wait3A_258 = arith.constant 0 : i32
      %dma_wait3A_259 = tpu.memref_slice %arg4[%dma_wait3A_257, %dma_wait3A_258] : memref<8192x1024xf32, #tpu.memory_space<hbm>> -> memref<8192x1024xf32, #tpu.memory_space<hbm>>
      tpu.wait_indirect_dma semaphore(%arg15 : memref<!tpu.dma_semaphore, #tpu.memory_space<semaphore_mem>>) src(%dma_wait3A_259 : memref<8192x1024xf32, #tpu.memory_space<hbm>>) dst(%dma_wait3A_255 : memref<8x1024xf32, #tpu.memory_space<vmem>>)
      %scan3A_260 = arith.constant 0 : i32
      %scan3A_261 = arith.constant 0 : i32
      %scan3A_262 = arith.constant 8 : i32
      %scan3A_263 = arith.addi %scan3A_261, %scan3A_262 : i32
      %scan3A_264 = arith.constant 1 : i32
      scf.for %scan3A_347 = %scan3A_261 to %scan3A_263 step %scan3A_264  : i32 {
        %get3A = arith.constant 2 : i32
        %get3A_348 = arith.index_cast %get3A : i32 to index
        %get3A_349 = arith.index_cast %scan3A_347 : i32 to index
        %get3A_350 = arith.constant 0 : index
        %get3A_351 = tpu.vector_load %arg8[%get3A_348, %get3A_349, %get3A_350] {strides = array<i32>} : memref<4x8x1024xf32, #tpu.memory_space<vmem>>, vector<1x1x16xf32>,
        %get3A_352 = vector.shape_cast %get3A_351 : vector<1x1x16xf32> to vector<16xf32>
        %swap3A = arith.constant 2 : i32
        %swap3A_353 = arith.index_cast %swap3A : i32 to index
        %swap3A_354 = arith.index_cast %scan3A_347 : i32 to index
        %swap3A_355 = arith.constant 0 : index
        %swap3A_356 = tpu.vector_load %arg7[%swap3A_353, %swap3A_354, %swap3A_355] {strides = array<i32>} : memref<4x8x1024xf32, #tpu.memory_space<vmem>>, vector<1x1x16xf32>,
        %swap3A_357 = vector.shape_cast %swap3A_356 : vector<1x1x16xf32> to vector<16xf32>
        %swap3A_358 = vector.shape_cast %get3A_352 : vector<16xf32> to vector<1x1x16xf32>
        tpu.vector_store %arg7[%swap3A_353, %swap3A_354, %swap3A_355], %swap3A_358 {add = true, strides = array<i32>} : memref<4x8x1024xf32, #tpu.memory_space<vmem>>, vector<1x1x16xf32>,
        %get3A_359 = arith.constant 2 : i32
        %get3A_360 = arith.index_cast %get3A_359 : i32 to index
        %get3A_361 = arith.index_cast %scan3A_347 : i32 to index
        %get3A_362 = arith.constant 16 : index
        %get3A_363 = tpu.vector_load %arg8[%get3A_360, %get3A_361, %get3A_362] {strides = array<i32>} : memref<4x8x1024xf32, #tpu.memory_space<vmem>>, vector<1x1x16xf32>,
        %get3A_364 = vector.shape_cast %get3A_363 : vector<1x1x16xf32> to vector<16xf32>
        %swap3A_365 = arith.constant 2 : i32
        %swap3A_366 = arith.index_cast %swap3A_365 : i32 to index
        %swap3A_367 = arith.index_cast %scan3A_347 : i32 to index
        %swap3A_368 = arith.constant 16 : index
        %swap3A_369 = tpu.vector_load %arg7[%swap3A_366, %swap3A_367, %swap3A_368] {strides = array<i32>} : memref<4x8x1024xf32, #tpu.memory_space<vmem>>, vector<1x1x16xf32>,
        %swap3A_370 = vector.shape_cast %swap3A_369 : vector<1x1x16xf32> to vector<16xf32>
        %swap3A_371 = vector.shape_cast %get3A_364 : vector<16xf32> to vector<1x1x16xf32>
        tpu.vector_store %arg7[%swap3A_366, %swap3A_367, %swap3A_368], %swap3A_371 {add = true, strides = array<i32>} : memref<4x8x1024xf32, #tpu.memory_space<vmem>>, vector<1x1x16xf32>,
        %get3A_372 = arith.constant 2 : i32
        %get3A_373 = arith.index_cast %get3A_372 : i32 to index
        %get3A_374 = arith.index_cast %scan3A_347 : i32 to index
        %get3A_375 = arith.constant 32 : index
        %get3A_376 = tpu.vector_load %arg8[%get3A_373, %get3A_374, %get3A_375] {strides = array<i32>} : memref<4x8x1024xf32, #tpu.memory_space<vmem>>, vector<1x1x16xf32>,
        %get3A_377 = vector.shape_cast %get3A_376 : vector<1x1x16xf32> to vector<16xf32>
        %swap3A_378 = arith.constant 2 : i32
        %swap3A_379 = arith.index_cast %swap3A_378 : i32 to index
        %swap3A_380 = arith.index_cast %scan3A_347 : i32 to index
        %swap3A_381 = arith.constant 32 : index
        %swap3A_382 = tpu.vector_load %arg7[%swap3A_379, %swap3A_380, %swap3A_381] {strides = array<i32>} : memref<4x8x1024xf32, #tpu.memory_space<vmem>>, vector<1x1x16xf32>,
        %swap3A_383 = vector.shape_cast %swap3A_382 : vector<1x1x16xf32> to vector<16xf32>
        %swap3A_384 = vector.shape_cast %get3A_377 : vector<16xf32> to vector<1x1x16xf32>
        tpu.vector_store %arg7[%swap3A_379, %swap3A_380, %swap3A_381], %swap3A_384 {add = true, strides = array<i32>} : memref<4x8x1024xf32, #tpu.memory_space<vmem>>, vector<1x1x16xf32>,
        %get3A_385 = arith.constant 2 : i32
        %get3A_386 = arith.index_cast %get3A_385 : i32 to index
        %get3A_387 = arith.index_cast %scan3A_347 : i32 to index
        %get3A_388 = arith.constant 48 : index
        %get3A_389 = tpu.vector_load %arg8[%get3A_386, %get3A_387, %get3A_388] {strides = array<i32>} : memref<4x8x1024xf32, #tpu.memory_space<vmem>>, vector<1x1x16xf32>,
        %get3A_390 = vector.shape_cast %get3A_389 : vector<1x1x16xf32> to vector<16xf32>
        %swap3A_391 = arith.constant 2 : i32
        %swap3A_392 = arith.index_cast %swap3A_391 : i32 to index
        %swap3A_393 = arith.index_cast %scan3A_347 : i32 to index
        %swap3A_394 = arith.constant 48 : index
        %swap3A_395 = tpu.vector_load %arg7[%swap3A_392, %swap3A_393, %swap3A_394] {strides = array<i32>} : memref<4x8x1024xf32, #tpu.memory_space<vmem>>, vector<1x1x16xf32>,
        %swap3A_396 = vector.shape_cast %swap3A_395 : vector<1x1x16xf32> to vector<16xf32>
        %swap3A_397 = vector.shape_cast %get3A_390 : vector<16xf32> to vector<1x1x16xf32>
        tpu.vector_store %arg7[%swap3A_392, %swap3A_393, %swap3A_394], %swap3A_397 {add = true, strides = array<i32>} : memref<4x8x1024xf32, #tpu.memory_space<vmem>>, vector<1x1x16xf32>,
        %get3A_398 = arith.constant 2 : i32
        %get3A_399 = arith.index_cast %get3A_398 : i32 to index
        %get3A_400 = arith.index_cast %scan3A_347 : i32 to index
        %get3A_401 = arith.constant 64 : index
        %get3A_402 = tpu.vector_load %arg8[%get3A_399, %get3A_400, %get3A_401] {strides = array<i32>} : memref<4x8x1024xf32, #tpu.memory_space<vmem>>, vector<1x1x16xf32>,
        %get3A_403 = vector.shape_cast %get3A_402 : vector<1x1x16xf32> to vector<16xf32>
        %swap3A_404 = arith.constant 2 : i32
        %swap3A_405 = arith.index_cast %swap3A_404 : i32 to index
        %swap3A_406 = arith.index_cast %scan3A_347 : i32 to index
        %swap3A_407 = arith.constant 64 : index
        %swap3A_408 = tpu.vector_load %arg7[%swap3A_405, %swap3A_406, %swap3A_407] {strides = array<i32>} : memref<4x8x1024xf32, #tpu.memory_space<vmem>>, vector<1x1x16xf32>,
        %swap3A_409 = vector.shape_cast %swap3A_408 : vector<1x1x16xf32> to vector<16xf32>
        %swap3A_410 = vector.shape_cast %get3A_403 : vector<16xf32> to vector<1x1x16xf32>
        tpu.vector_store %arg7[%swap3A_405, %swap3A_406, %swap3A_407], %swap3A_410 {add = true, strides = array<i32>} : memref<4x8x1024xf32, #tpu.memory_space<vmem>>, vector<1x1x16xf32>,
        %get3A_411 = arith.constant 2 : i32
        %get3A_412 = arith.index_cast %get3A_411 : i32 to index
        %get3A_413 = arith.index_cast %scan3A_347 : i32 to index
        %get3A_414 = arith.constant 80 : index
        %get3A_415 = tpu.vector_load %arg8[%get3A_412, %get3A_413, %get3A_414] {strides = array<i32>} : memref<4x8x1024xf32, #tpu.memory_space<vmem>>, vector<1x1x16xf32>,
        %get3A_416 = vector.shape_cast %get3A_415 : vector<1x1x16xf32> to vector<16xf32>
        %swap3A_417 = arith.constant 2 : i32
        %swap3A_418 = arith.index_cast %swap3A_417 : i32 to index
        %swap3A_419 = arith.index_cast %scan3A_347 : i32 to index
        %swap3A_420 = arith.constant 80 : index
        %swap3A_421 = tpu.vector_load %arg7[%swap3A_418, %swap3A_419, %swap3A_420] {strides = array<i32>} : memref<4x8x1024xf32, #tpu.memory_space<vmem>>, vector<1x1x16xf32>,
        %swap3A_422 = vector.shape_cast %swap3A_421 : vector<1x1x16xf32> to vector<16xf32>
        %swap3A_423 = vector.shape_cast %get3A_416 : vector<16xf32> to vector<1x1x16xf32>
        tpu.vector_store %arg7[%swap3A_418, %swap3A_419, %swap3A_420], %swap3A_423 {add = true, strides = array<i32>} : memref<4x8x1024xf32, #tpu.memory_space<vmem>>, vector<1x1x16xf32>,
        %get3A_424 = arith.constant 2 : i32
        %get3A_425 = arith.index_cast %get3A_424 : i32 to index
        %get3A_426 = arith.index_cast %scan3A_347 : i32 to index
        %get3A_427 = arith.constant 96 : index
        %get3A_428 = tpu.vector_load %arg8[%get3A_425, %get3A_426, %get3A_427] {strides = array<i32>} : memref<4x8x1024xf32, #tpu.memory_space<vmem>>, vector<1x1x16xf32>,
        %get3A_429 = vector.shape_cast %get3A_428 : vector<1x1x16xf32> to vector<16xf32>
        %swap3A_430 = arith.constant 2 : i32
        %swap3A_431 = arith.index_cast %swap3A_430 : i32 to index
        %swap3A_432 = arith.index_cast %scan3A_347 : i32 to index
        %swap3A_433 = arith.constant 96 : index
        %swap3A_434 = tpu.vector_load %arg7[%swap3A_431, %swap3A_432, %swap3A_433] {strides = array<i32>} : memref<4x8x1024xf32, #tpu.memory_space<vmem>>, vector<1x1x16xf32>,
        %swap3A_435 = vector.shape_cast %swap3A_434 : vector<1x1x16xf32> to vector<16xf32>
        %swap3A_436 = vector.shape_cast %get3A_429 : vector<16xf32> to vector<1x1x16xf32>
        tpu.vector_store %arg7[%swap3A_431, %swap3A_432, %swap3A_433], %swap3A_436 {add = true, strides = array<i32>} : memref<4x8x1024xf32, #tpu.memory_space<vmem>>, vector<1x1x16xf32>,
        %get3A_437 = arith.constant 2 : i32
        %get3A_438 = arith.index_cast %get3A_437 : i32 to index
        %get3A_439 = arith.index_cast %scan3A_347 : i32 to index
        %get3A_440 = arith.constant 112 : index
        %get3A_441 = tpu.vector_load %arg8[%get3A_438, %get3A_439, %get3A_440] {strides = array<i32>} : memref<4x8x1024xf32, #tpu.memory_space<vmem>>, vector<1x1x16xf32>,
        %get3A_442 = vector.shape_cast %get3A_441 : vector<1x1x16xf32> to vector<16xf32>
        %swap3A_443 = arith.constant 2 : i32
        %swap3A_444 = arith.index_cast %swap3A_443 : i32 to index
        %swap3A_445 = arith.index_cast %scan3A_347 : i32 to index
        %swap3A_446 = arith.constant 112 : index
        %swap3A_447 = tpu.vector_load %arg7[%swap3A_444, %swap3A_445, %swap3A_446] {strides = array<i32>} : memref<4x8x1024xf32, #tpu.memory_space<vmem>>, vector<1x1x16xf32>,
        %swap3A_448 = vector.shape_cast %swap3A_447 : vector<1x1x16xf32> to vector<16xf32>
        %swap3A_449 = vector.shape_cast %get3A_442 : vector<16xf32> to vector<1x1x16xf32>
        tpu.vector_store %arg7[%swap3A_444, %swap3A_445, %swap3A_446], %swap3A_449 {add = true, strides = array<i32>} : memref<4x8x1024xf32, #tpu.memory_space<vmem>>, vector<1x1x16xf32>,
        %get3A_450 = arith.constant 2 : i32
        %get3A_451 = arith.index_cast %get3A_450 : i32 to index
        %get3A_452 = arith.index_cast %scan3A_347 : i32 to index
        %get3A_453 = arith.constant 128 : index
        %get3A_454 = tpu.vector_load %arg8[%get3A_451, %get3A_452, %get3A_453] {strides = array<i32>} : memref<4x8x1024xf32, #tpu.memory_space<vmem>>, vector<1x1x16xf32>,
        %get3A_455 = vector.shape_cast %get3A_454 : vector<1x1x16xf32> to vector<16xf32>
        %swap3A_456 = arith.constant 2 : i32
        %swap3A_457 = arith.index_cast %swap3A_456 : i32 to index
        %swap3A_458 = arith.index_cast %scan3A_347 : i32 to index
        %swap3A_459 = arith.constant 128 : index
        %swap3A_460 = tpu.vector_load %arg7[%swap3A_457, %swap3A_458, %swap3A_459] {strides = array<i32>} : memref<4x8x1024xf32, #tpu.memory_space<vmem>>, vector<1x1x16xf32>,
        %swap3A_461 = vector.shape_cast %swap3A_460 : vector<1x1x16xf32> to vector<16xf32>
        %swap3A_462 = vector.shape_cast %get3A_455 : vector<16xf32> to vector<1x1x16xf32>
        tpu.vector_store %arg7[%swap3A_457, %swap3A_458, %swap3A_459], %swap3A_462 {add = true, strides = array<i32>} : memref<4x8x1024xf32, #tpu.memory_space<vmem>>, vector<1x1x16xf32>,
        %get3A_463 = arith.constant 2 : i32
        %get3A_464 = arith.index_cast %get3A_463 : i32 to index
        %get3A_465 = arith.index_cast %scan3A_347 : i32 to index
        %get3A_466 = arith.constant 144 : index
        %get3A_467 = tpu.vector_load %arg8[%get3A_464, %get3A_465, %get3A_466] {strides = array<i32>} : memref<4x8x1024xf32, #tpu.memory_space<vmem>>, vector<1x1x16xf32>,
        %get3A_468 = vector.shape_cast %get3A_467 : vector<1x1x16xf32> to vector<16xf32>
        %swap3A_469 = arith.constant 2 : i32
        %swap3A_470 = arith.index_cast %swap3A_469 : i32 to index
        %swap3A_471 = arith.index_cast %scan3A_347 : i32 to index
        %swap3A_472 = arith.constant 144 : index
        %swap3A_473 = tpu.vector_load %arg7[%swap3A_470, %swap3A_471, %swap3A_472] {strides = array<i32>} : memref<4x8x1024xf32, #tpu.memory_space<vmem>>, vector<1x1x16xf32>,
        %swap3A_474 = vector.shape_cast %swap3A_473 : vector<1x1x16xf32> to vector<16xf32>
        %swap3A_475 = vector.shape_cast %get3A_468 : vector<16xf32> to vector<1x1x16xf32>
        tpu.vector_store %arg7[%swap3A_470, %swap3A_471, %swap3A_472], %swap3A_475 {add = true, strides = array<i32>} : memref<4x8x1024xf32, #tpu.memory_space<vmem>>, vector<1x1x16xf32>,
        %get3A_476 = arith.constant 2 : i32
        %get3A_477 = arith.index_cast %get3A_476 : i32 to index
        %get3A_478 = arith.index_cast %scan3A_347 : i32 to index
        %get3A_479 = arith.constant 160 : index
        %get3A_480 = tpu.vector_load %arg8[%get3A_477, %get3A_478, %get3A_479] {strides = array<i32>} : memref<4x8x1024xf32, #tpu.memory_space<vmem>>, vector<1x1x16xf32>,
        %get3A_481 = vector.shape_cast %get3A_480 : vector<1x1x16xf32> to vector<16xf32>
        %swap3A_482 = arith.constant 2 : i32
        %swap3A_483 = arith.index_cast %swap3A_482 : i32 to index
        %swap3A_484 = arith.index_cast %scan3A_347 : i32 to index
        %swap3A_485 = arith.constant 160 : index
        %swap3A_486 = tpu.vector_load %arg7[%swap3A_483, %swap3A_484, %swap3A_485] {strides = array<i32>} : memref<4x8x1024xf32, #tpu.memory_space<vmem>>, vector<1x1x16xf32>,
        %swap3A_487 = vector.shape_cast %swap3A_486 : vector<1x1x16xf32> to vector<16xf32>
        %swap3A_488 = vector.shape_cast %get3A_481 : vector<16xf32> to vector<1x1x16xf32>
        tpu.vector_store %arg7[%swap3A_483, %swap3A_484, %swap3A_485], %swap3A_488 {add = true, strides = array<i32>} : memref<4x8x1024xf32, #tpu.memory_space<vmem>>, vector<1x1x16xf32>,
        %get3A_489 = arith.constant 2 : i32
        %get3A_490 = arith.index_cast %get3A_489 : i32 to index
        %get3A_491 = arith.index_cast %scan3A_347 : i32 to index
        %get3A_492 = arith.constant 176 : index
        %get3A_493 = tpu.vector_load %arg8[%get3A_490, %get3A_491, %get3A_492] {strides = array<i32>} : memref<4x8x1024xf32, #tpu.memory_space<vmem>>, vector<1x1x16xf32>,
        %get3A_494 = vector.shape_cast %get3A_493 : vector<1x1x16xf32> to vector<16xf32>
        %swap3A_495 = arith.constant 2 : i32
        %swap3A_496 = arith.index_cast %swap3A_495 : i32 to index
        %swap3A_497 = arith.index_cast %scan3A_347 : i32 to index
        %swap3A_498 = arith.constant 176 : index
        %swap3A_499 = tpu.vector_load %arg7[%swap3A_496, %swap3A_497, %swap3A_498] {strides = array<i32>} : memref<4x8x1024xf32, #tpu.memory_space<vmem>>, vector<1x1x16xf32>,
        %swap3A_500 = vector.shape_cast %swap3A_499 : vector<1x1x16xf32> to vector<16xf32>
        %swap3A_501 = vector.shape_cast %get3A_494 : vector<16xf32> to vector<1x1x16xf32>
        tpu.vector_store %arg7[%swap3A_496, %swap3A_497, %swap3A_498], %swap3A_501 {add = true, strides = array<i32>} : memref<4x8x1024xf32, #tpu.memory_space<vmem>>, vector<1x1x16xf32>,
        %get3A_502 = arith.constant 2 : i32
        %get3A_503 = arith.index_cast %get3A_502 : i32 to index
        %get3A_504 = arith.index_cast %scan3A_347 : i32 to index
        %get3A_505 = arith.constant 192 : index
        %get3A_506 = tpu.vector_load %arg8[%get3A_503, %get3A_504, %get3A_505] {strides = array<i32>} : memref<4x8x1024xf32, #tpu.memory_space<vmem>>, vector<1x1x16xf32>,
        %get3A_507 = vector.shape_cast %get3A_506 : vector<1x1x16xf32> to vector<16xf32>
        %swap3A_508 = arith.constant 2 : i32
        %swap3A_509 = arith.index_cast %swap3A_508 : i32 to index
        %swap3A_510 = arith.index_cast %scan3A_347 : i32 to index
        %swap3A_511 = arith.constant 192 : index
        %swap3A_512 = tpu.vector_load %arg7[%swap3A_509, %swap3A_510, %swap3A_511] {strides = array<i32>} : memref<4x8x1024xf32, #tpu.memory_space<vmem>>, vector<1x1x16xf32>,
        %swap3A_513 = vector.shape_cast %swap3A_512 : vector<1x1x16xf32> to vector<16xf32>
        %swap3A_514 = vector.shape_cast %get3A_507 : vector<16xf32> to vector<1x1x16xf32>
        tpu.vector_store %arg7[%swap3A_509, %swap3A_510, %swap3A_511], %swap3A_514 {add = true, strides = array<i32>} : memref<4x8x1024xf32, #tpu.memory_space<vmem>>, vector<1x1x16xf32>,
        %get3A_515 = arith.constant 2 : i32
        %get3A_516 = arith.index_cast %get3A_515 : i32 to index
        %get3A_517 = arith.index_cast %scan3A_347 : i32 to index
        %get3A_518 = arith.constant 208 : index
        %get3A_519 = tpu.vector_load %arg8[%get3A_516, %get3A_517, %get3A_518] {strides = array<i32>} : memref<4x8x1024xf32, #tpu.memory_space<vmem>>, vector<1x1x16xf32>,
        %get3A_520 = vector.shape_cast %get3A_519 : vector<1x1x16xf32> to vector<16xf32>
        %swap3A_521 = arith.constant 2 : i32
        %swap3A_522 = arith.index_cast %swap3A_521 : i32 to index
        %swap3A_523 = arith.index_cast %scan3A_347 : i32 to index
        %swap3A_524 = arith.constant 208 : index
        %swap3A_525 = tpu.vector_load %arg7[%swap3A_522, %swap3A_523, %swap3A_524] {strides = array<i32>} : memref<4x8x1024xf32, #tpu.memory_space<vmem>>, vector<1x1x16xf32>,
        %swap3A_526 = vector.shape_cast %swap3A_525 : vector<1x1x16xf32> to vector<16xf32>
        %swap3A_527 = vector.shape_cast %get3A_520 : vector<16xf32> to vector<1x1x16xf32>
        tpu.vector_store %arg7[%swap3A_522, %swap3A_523, %swap3A_524], %swap3A_527 {add = true, strides = array<i32>} : memref<4x8x1024xf32, #tpu.memory_space<vmem>>, vector<1x1x16xf32>,
        %get3A_528 = arith.constant 2 : i32
        %get3A_529 = arith.index_cast %get3A_528 : i32 to index
        %get3A_530 = arith.index_cast %scan3A_347 : i32 to index
        %get3A_531 = arith.constant 224 : index
        %get3A_532 = tpu.vector_load %arg8[%get3A_529, %get3A_530, %get3A_531] {strides = array<i32>} : memref<4x8x1024xf32, #tpu.memory_space<vmem>>, vector<1x1x16xf32>,
        %get3A_533 = vector.shape_cast %get3A_532 : vector<1x1x16xf32> to vector<16xf32>
        %swap3A_534 = arith.constant 2 : i32
        %swap3A_535 = arith.index_cast %swap3A_534 : i32 to index
        %swap3A_536 = arith.index_cast %scan3A_347 : i32 to index
        %swap3A_537 = arith.constant 224 : index
        %swap3A_538 = tpu.vector_load %arg7[%swap3A_535, %swap3A_536, %swap3A_537] {strides = array<i32>} : memref<4x8x1024xf32, #tpu.memory_space<vmem>>, vector<1x1x16xf32>,
        %swap3A_539 = vector.shape_cast %swap3A_538 : vector<1x1x16xf32> to vector<16xf32>
        %swap3A_540 = vector.shape_cast %get3A_533 : vector<16xf32> to vector<1x1x16xf32>
        tpu.vector_store %arg7[%swap3A_535, %swap3A_536, %swap3A_537], %swap3A_540 {add = true, strides = array<i32>} : memref<4x8x1024xf32, #tpu.memory_space<vmem>>, vector<1x1x16xf32>,
        %get3A_541 = arith.constant 2 : i32
        %get3A_542 = arith.index_cast %get3A_541 : i32 to index
        %get3A_543 = arith.index_cast %scan3A_347 : i32 to index
        %get3A_544 = arith.constant 240 : index
        %get3A_545 = tpu.vector_load %arg8[%get3A_542, %get3A_543, %get3A_544] {strides = array<i32>} : memref<4x8x1024xf32, #tpu.memory_space<vmem>>, vector<1x1x16xf32>,
        %get3A_546 = vector.shape_cast %get3A_545 : vector<1x1x16xf32> to vector<16xf32>
        %swap3A_547 = arith.constant 2 : i32
        %swap3A_548 = arith.index_cast %swap3A_547 : i32 to index
        %swap3A_549 = arith.index_cast %scan3A_347 : i32 to index
        %swap3A_550 = arith.constant 240 : index
        %swap3A_551 = tpu.vector_load %arg7[%swap3A_548, %swap3A_549, %swap3A_550] {strides = array<i32>} : memref<4x8x1024xf32, #tpu.memory_space<vmem>>, vector<1x1x16xf32>,
        %swap3A_552 = vector.shape_cast %swap3A_551 : vector<1x1x16xf32> to vector<16xf32>
        %swap3A_553 = vector.shape_cast %get3A_546 : vector<16xf32> to vector<1x1x16xf32>
        tpu.vector_store %arg7[%swap3A_548, %swap3A_549, %swap3A_550], %swap3A_553 {add = true, strides = array<i32>} : memref<4x8x1024xf32, #tpu.memory_space<vmem>>, vector<1x1x16xf32>,
        %get3A_554 = arith.constant 2 : i32
        %get3A_555 = arith.index_cast %get3A_554 : i32 to index
        %get3A_556 = arith.index_cast %scan3A_347 : i32 to index
        %get3A_557 = arith.constant 256 : index
        %get3A_558 = tpu.vector_load %arg8[%get3A_555, %get3A_556, %get3A_557] {strides = array<i32>} : memref<4x8x1024xf32, #tpu.memory_space<vmem>>, vector<1x1x16xf32>,
        %get3A_559 = vector.shape_cast %get3A_558 : vector<1x1x16xf32> to vector<16xf32>
        %swap3A_560 = arith.constant 2 : i32
        %swap3A_561 = arith.index_cast %swap3A_560 : i32 to index
        %swap3A_562 = arith.index_cast %scan3A_347 : i32 to index
        %swap3A_563 = arith.constant 256 : index
        %swap3A_564 = tpu.vector_load %arg7[%swap3A_561, %swap3A_562, %swap3A_563] {strides = array<i32>} : memref<4x8x1024xf32, #tpu.memory_space<vmem>>, vector<1x1x16xf32>,
        %swap3A_565 = vector.shape_cast %swap3A_564 : vector<1x1x16xf32> to vector<16xf32>
        %swap3A_566 = vector.shape_cast %get3A_559 : vector<16xf32> to vector<1x1x16xf32>
        tpu.vector_store %arg7[%swap3A_561, %swap3A_562, %swap3A_563], %swap3A_566 {add = true, strides = array<i32>} : memref<4x8x1024xf32, #tpu.memory_space<vmem>>, vector<1x1x16xf32>,
        %get3A_567 = arith.constant 2 : i32
        %get3A_568 = arith.index_cast %get3A_567 : i32 to index
        %get3A_569 = arith.index_cast %scan3A_347 : i32 to index
        %get3A_570 = arith.constant 272 : index
        %get3A_571 = tpu.vector_load %arg8[%get3A_568, %get3A_569, %get3A_570] {strides = array<i32>} : memref<4x8x1024xf32, #tpu.memory_space<vmem>>, vector<1x1x16xf32>,
        %get3A_572 = vector.shape_cast %get3A_571 : vector<1x1x16xf32> to vector<16xf32>
        %swap3A_573 = arith.constant 2 : i32
        %swap3A_574 = arith.index_cast %swap3A_573 : i32 to index
        %swap3A_575 = arith.index_cast %scan3A_347 : i32 to index
        %swap3A_576 = arith.constant 272 : index
        %swap3A_577 = tpu.vector_load %arg7[%swap3A_574, %swap3A_575, %swap3A_576] {strides = array<i32>} : memref<4x8x1024xf32, #tpu.memory_space<vmem>>, vector<1x1x16xf32>,
        %swap3A_578 = vector.shape_cast %swap3A_577 : vector<1x1x16xf32> to vector<16xf32>
        %swap3A_579 = vector.shape_cast %get3A_572 : vector<16xf32> to vector<1x1x16xf32>
        tpu.vector_store %arg7[%swap3A_574, %swap3A_575, %swap3A_576], %swap3A_579 {add = true, strides = array<i32>} : memref<4x8x1024xf32, #tpu.memory_space<vmem>>, vector<1x1x16xf32>,
        %get3A_580 = arith.constant 2 : i32
        %get3A_581 = arith.index_cast %get3A_580 : i32 to index
        %get3A_582 = arith.index_cast %scan3A_347 : i32 to index
        %get3A_583 = arith.constant 288 : index
        %get3A_584 = tpu.vector_load %arg8[%get3A_581, %get3A_582, %get3A_583] {strides = array<i32>} : memref<4x8x1024xf32, #tpu.memory_space<vmem>>, vector<1x1x16xf32>,
        %get3A_585 = vector.shape_cast %get3A_584 : vector<1x1x16xf32> to vector<16xf32>
        %swap3A_586 = arith.constant 2 : i32
        %swap3A_587 = arith.index_cast %swap3A_586 : i32 to index
        %swap3A_588 = arith.index_cast %scan3A_347 : i32 to index
        %swap3A_589 = arith.constant 288 : index
        %swap3A_590 = tpu.vector_load %arg7[%swap3A_587, %swap3A_588, %swap3A_589] {strides = array<i32>} : memref<4x8x1024xf32, #tpu.memory_space<vmem>>, vector<1x1x16xf32>,
        %swap3A_591 = vector.shape_cast %swap3A_590 : vector<1x1x16xf32> to vector<16xf32>
        %swap3A_592 = vector.shape_cast %get3A_585 : vector<16xf32> to vector<1x1x16xf32>
        tpu.vector_store %arg7[%swap3A_587, %swap3A_588, %swap3A_589], %swap3A_592 {add = true, strides = array<i32>} : memref<4x8x1024xf32, #tpu.memory_space<vmem>>, vector<1x1x16xf32>,
        %get3A_593 = arith.constant 2 : i32
        %get3A_594 = arith.index_cast %get3A_593 : i32 to index
        %get3A_595 = arith.index_cast %scan3A_347 : i32 to index
        %get3A_596 = arith.constant 304 : index
        %get3A_597 = tpu.vector_load %arg8[%get3A_594, %get3A_595, %get3A_596] {strides = array<i32>} : memref<4x8x1024xf32, #tpu.memory_space<vmem>>, vector<1x1x16xf32>,
        %get3A_598 = vector.shape_cast %get3A_597 : vector<1x1x16xf32> to vector<16xf32>
        %swap3A_599 = arith.constant 2 : i32
        %swap3A_600 = arith.index_cast %swap3A_599 : i32 to index
        %swap3A_601 = arith.index_cast %scan3A_347 : i32 to index
        %swap3A_602 = arith.constant 304 : index
        %swap3A_603 = tpu.vector_load %arg7[%swap3A_600, %swap3A_601, %swap3A_602] {strides = array<i32>} : memref<4x8x1024xf32, #tpu.memory_space<vmem>>, vector<1x1x16xf32>,
        %swap3A_604 = vector.shape_cast %swap3A_603 : vector<1x1x16xf32> to vector<16xf32>
        %swap3A_605 = vector.shape_cast %get3A_598 : vector<16xf32> to vector<1x1x16xf32>
        tpu.vector_store %arg7[%swap3A_600, %swap3A_601, %swap3A_602], %swap3A_605 {add = true, strides = array<i32>} : memref<4x8x1024xf32, #tpu.memory_space<vmem>>, vector<1x1x16xf32>,
        %get3A_606 = arith.constant 2 : i32
        %get3A_607 = arith.index_cast %get3A_606 : i32 to index
        %get3A_608 = arith.index_cast %scan3A_347 : i32 to index
        %get3A_609 = arith.constant 320 : index
        %get3A_610 = tpu.vector_load %arg8[%get3A_607, %get3A_608, %get3A_609] {strides = array<i32>} : memref<4x8x1024xf32, #tpu.memory_space<vmem>>, vector<1x1x16xf32>,
        %get3A_611 = vector.shape_cast %get3A_610 : vector<1x1x16xf32> to vector<16xf32>
        %swap3A_612 = arith.constant 2 : i32
        %swap3A_613 = arith.index_cast %swap3A_612 : i32 to index
        %swap3A_614 = arith.index_cast %scan3A_347 : i32 to index
        %swap3A_615 = arith.constant 320 : index
        %swap3A_616 = tpu.vector_load %arg7[%swap3A_613, %swap3A_614, %swap3A_615] {strides = array<i32>} : memref<4x8x1024xf32, #tpu.memory_space<vmem>>, vector<1x1x16xf32>,
        %swap3A_617 = vector.shape_cast %swap3A_616 : vector<1x1x16xf32> to vector<16xf32>
        %swap3A_618 = vector.shape_cast %get3A_611 : vector<16xf32> to vector<1x1x16xf32>
        tpu.vector_store %arg7[%swap3A_613, %swap3A_614, %swap3A_615], %swap3A_618 {add = true, strides = array<i32>} : memref<4x8x1024xf32, #tpu.memory_space<vmem>>, vector<1x1x16xf32>,
        %get3A_619 = arith.constant 2 : i32
        %get3A_620 = arith.index_cast %get3A_619 : i32 to index
        %get3A_621 = arith.index_cast %scan3A_347 : i32 to index
        %get3A_622 = arith.constant 336 : index
        %get3A_623 = tpu.vector_load %arg8[%get3A_620, %get3A_621, %get3A_622] {strides = array<i32>} : memref<4x8x1024xf32, #tpu.memory_space<vmem>>, vector<1x1x16xf32>,
        %get3A_624 = vector.shape_cast %get3A_623 : vector<1x1x16xf32> to vector<16xf32>
        %swap3A_625 = arith.constant 2 : i32
        %swap3A_626 = arith.index_cast %swap3A_625 : i32 to index
        %swap3A_627 = arith.index_cast %scan3A_347 : i32 to index
        %swap3A_628 = arith.constant 336 : index
        %swap3A_629 = tpu.vector_load %arg7[%swap3A_626, %swap3A_627, %swap3A_628] {strides = array<i32>} : memref<4x8x1024xf32, #tpu.memory_space<vmem>>, vector<1x1x16xf32>,
        %swap3A_630 = vector.shape_cast %swap3A_629 : vector<1x1x16xf32> to vector<16xf32>
        %swap3A_631 = vector.shape_cast %get3A_624 : vector<16xf32> to vector<1x1x16xf32>
        tpu.vector_store %arg7[%swap3A_626, %swap3A_627, %swap3A_628], %swap3A_631 {add = true, strides = array<i32>} : memref<4x8x1024xf32, #tpu.memory_space<vmem>>, vector<1x1x16xf32>,
        %get3A_632 = arith.constant 2 : i32
        %get3A_633 = arith.index_cast %get3A_632 : i32 to index
        %get3A_634 = arith.index_cast %scan3A_347 : i32 to index
        %get3A_635 = arith.constant 352 : index
        %get3A_636 = tpu.vector_load %arg8[%get3A_633, %get3A_634, %get3A_635] {strides = array<i32>} : memref<4x8x1024xf32, #tpu.memory_space<vmem>>, vector<1x1x16xf32>,
        %get3A_637 = vector.shape_cast %get3A_636 : vector<1x1x16xf32> to vector<16xf32>
        %swap3A_638 = arith.constant 2 : i32
        %swap3A_639 = arith.index_cast %swap3A_638 : i32 to index
        %swap3A_640 = arith.index_cast %scan3A_347 : i32 to index
        %swap3A_641 = arith.constant 352 : index
        %swap3A_642 = tpu.vector_load %arg7[%swap3A_639, %swap3A_640, %swap3A_641] {strides = array<i32>} : memref<4x8x1024xf32, #tpu.memory_space<vmem>>, vector<1x1x16xf32>,
        %swap3A_643 = vector.shape_cast %swap3A_642 : vector<1x1x16xf32> to vector<16xf32>
        %swap3A_644 = vector.shape_cast %get3A_637 : vector<16xf32> to vector<1x1x16xf32>
        tpu.vector_store %arg7[%swap3A_639, %swap3A_640, %swap3A_641], %swap3A_644 {add = true, strides = array<i32>} : memref<4x8x1024xf32, #tpu.memory_space<vmem>>, vector<1x1x16xf32>,
        %get3A_645 = arith.constant 2 : i32
        %get3A_646 = arith.index_cast %get3A_645 : i32 to index
        %get3A_647 = arith.index_cast %scan3A_347 : i32 to index
        %get3A_648 = arith.constant 368 : index
        %get3A_649 = tpu.vector_load %arg8[%get3A_646, %get3A_647, %get3A_648] {strides = array<i32>} : memref<4x8x1024xf32, #tpu.memory_space<vmem>>, vector<1x1x16xf32>,
        %get3A_650 = vector.shape_cast %get3A_649 : vector<1x1x16xf32> to vector<16xf32>
        %swap3A_651 = arith.constant 2 : i32
        %swap3A_652 = arith.index_cast %swap3A_651 : i32 to index
        %swap3A_653 = arith.index_cast %scan3A_347 : i32 to index
        %swap3A_654 = arith.constant 368 : index
        %swap3A_655 = tpu.vector_load %arg7[%swap3A_652, %swap3A_653, %swap3A_654] {strides = array<i32>} : memref<4x8x1024xf32, #tpu.memory_space<vmem>>, vector<1x1x16xf32>,
        %swap3A_656 = vector.shape_cast %swap3A_655 : vector<1x1x16xf32> to vector<16xf32>
        %swap3A_657 = vector.shape_cast %get3A_650 : vector<16xf32> to vector<1x1x16xf32>
        tpu.vector_store %arg7[%swap3A_652, %swap3A_653, %swap3A_654], %swap3A_657 {add = true, strides = array<i32>} : memref<4x8x1024xf32, #tpu.memory_space<vmem>>, vector<1x1x16xf32>,
        %get3A_658 = arith.constant 2 : i32
        %get3A_659 = arith.index_cast %get3A_658 : i32 to index
        %get3A_660 = arith.index_cast %scan3A_347 : i32 to index
        %get3A_661 = arith.constant 384 : index
        %get3A_662 = tpu.vector_load %arg8[%get3A_659, %get3A_660, %get3A_661] {strides = array<i32>} : memref<4x8x1024xf32, #tpu.memory_space<vmem>>, vector<1x1x16xf32>,
        %get3A_663 = vector.shape_cast %get3A_662 : vector<1x1x16xf32> to vector<16xf32>
        %swap3A_664 = arith.constant 2 : i32
        %swap3A_665 = arith.index_cast %swap3A_664 : i32 to index
        %swap3A_666 = arith.index_cast %scan3A_347 : i32 to index
        %swap3A_667 = arith.constant 384 : index
        %swap3A_668 = tpu.vector_load %arg7[%swap3A_665, %swap3A_666, %swap3A_667] {strides = array<i32>} : memref<4x8x1024xf32, #tpu.memory_space<vmem>>, vector<1x1x16xf32>,
        %swap3A_669 = vector.shape_cast %swap3A_668 : vector<1x1x16xf32> to vector<16xf32>
        %swap3A_670 = vector.shape_cast %get3A_663 : vector<16xf32> to vector<1x1x16xf32>
        tpu.vector_store %arg7[%swap3A_665, %swap3A_666, %swap3A_667], %swap3A_670 {add = true, strides = array<i32>} : memref<4x8x1024xf32, #tpu.memory_space<vmem>>, vector<1x1x16xf32>,
        %get3A_671 = arith.constant 2 : i32
        %get3A_672 = arith.index_cast %get3A_671 : i32 to index
        %get3A_673 = arith.index_cast %scan3A_347 : i32 to index
        %get3A_674 = arith.constant 400 : index
        %get3A_675 = tpu.vector_load %arg8[%get3A_672, %get3A_673, %get3A_674] {strides = array<i32>} : memref<4x8x1024xf32, #tpu.memory_space<vmem>>, vector<1x1x16xf32>,
        %get3A_676 = vector.shape_cast %get3A_675 : vector<1x1x16xf32> to vector<16xf32>
        %swap3A_677 = arith.constant 2 : i32
        %swap3A_678 = arith.index_cast %swap3A_677 : i32 to index
        %swap3A_679 = arith.index_cast %scan3A_347 : i32 to index
        %swap3A_680 = arith.constant 400 : index
        %swap3A_681 = tpu.vector_load %arg7[%swap3A_678, %swap3A_679, %swap3A_680] {strides = array<i32>} : memref<4x8x1024xf32, #tpu.memory_space<vmem>>, vector<1x1x16xf32>,
        %swap3A_682 = vector.shape_cast %swap3A_681 : vector<1x1x16xf32> to vector<16xf32>
        %swap3A_683 = vector.shape_cast %get3A_676 : vector<16xf32> to vector<1x1x16xf32>
        tpu.vector_store %arg7[%swap3A_678, %swap3A_679, %swap3A_680], %swap3A_683 {add = true, strides = array<i32>} : memref<4x8x1024xf32, #tpu.memory_space<vmem>>, vector<1x1x16xf32>,
        %get3A_684 = arith.constant 2 : i32
        %get3A_685 = arith.index_cast %get3A_684 : i32 to index
        %get3A_686 = arith.index_cast %scan3A_347 : i32 to index
        %get3A_687 = arith.constant 416 : index
        %get3A_688 = tpu.vector_load %arg8[%get3A_685, %get3A_686, %get3A_687] {strides = array<i32>} : memref<4x8x1024xf32, #tpu.memory_space<vmem>>, vector<1x1x16xf32>,
        %get3A_689 = vector.shape_cast %get3A_688 : vector<1x1x16xf32> to vector<16xf32>
        %swap3A_690 = arith.constant 2 : i32
        %swap3A_691 = arith.index_cast %swap3A_690 : i32 to index
        %swap3A_692 = arith.index_cast %scan3A_347 : i32 to index
        %swap3A_693 = arith.constant 416 : index
        %swap3A_694 = tpu.vector_load %arg7[%swap3A_691, %swap3A_692, %swap3A_693] {strides = array<i32>} : memref<4x8x1024xf32, #tpu.memory_space<vmem>>, vector<1x1x16xf32>,
        %swap3A_695 = vector.shape_cast %swap3A_694 : vector<1x1x16xf32> to vector<16xf32>
        %swap3A_696 = vector.shape_cast %get3A_689 : vector<16xf32> to vector<1x1x16xf32>
        tpu.vector_store %arg7[%swap3A_691, %swap3A_692, %swap3A_693], %swap3A_696 {add = true, strides = array<i32>} : memref<4x8x1024xf32, #tpu.memory_space<vmem>>, vector<1x1x16xf32>,
        %get3A_697 = arith.constant 2 : i32
        %get3A_698 = arith.index_cast %get3A_697 : i32 to index
        %get3A_699 = arith.index_cast %scan3A_347 : i32 to index
        %get3A_700 = arith.constant 432 : index
        %get3A_701 = tpu.vector_load %arg8[%get3A_698, %get3A_699, %get3A_700] {strides = array<i32>} : memref<4x8x1024xf32, #tpu.memory_space<vmem>>, vector<1x1x16xf32>,
        %get3A_702 = vector.shape_cast %get3A_701 : vector<1x1x16xf32> to vector<16xf32>
        %swap3A_703 = arith.constant 2 : i32
        %swap3A_704 = arith.index_cast %swap3A_703 : i32 to index
        %swap3A_705 = arith.index_cast %scan3A_347 : i32 to index
        %swap3A_706 = arith.constant 432 : index
        %swap3A_707 = tpu.vector_load %arg7[%swap3A_704, %swap3A_705, %swap3A_706] {strides = array<i32>} : memref<4x8x1024xf32, #tpu.memory_space<vmem>>, vector<1x1x16xf32>,
        %swap3A_708 = vector.shape_cast %swap3A_707 : vector<1x1x16xf32> to vector<16xf32>
        %swap3A_709 = vector.shape_cast %get3A_702 : vector<16xf32> to vector<1x1x16xf32>
        tpu.vector_store %arg7[%swap3A_704, %swap3A_705, %swap3A_706], %swap3A_709 {add = true, strides = array<i32>} : memref<4x8x1024xf32, #tpu.memory_space<vmem>>, vector<1x1x16xf32>,
        %get3A_710 = arith.constant 2 : i32
        %get3A_711 = arith.index_cast %get3A_710 : i32 to index
        %get3A_712 = arith.index_cast %scan3A_347 : i32 to index
        %get3A_713 = arith.constant 448 : index
        %get3A_714 = tpu.vector_load %arg8[%get3A_711, %get3A_712, %get3A_713] {strides = array<i32>} : memref<4x8x1024xf32, #tpu.memory_space<vmem>>, vector<1x1x16xf32>,
        %get3A_715 = vector.shape_cast %get3A_714 : vector<1x1x16xf32> to vector<16xf32>
        %swap3A_716 = arith.constant 2 : i32
        %swap3A_717 = arith.index_cast %swap3A_716 : i32 to index
        %swap3A_718 = arith.index_cast %scan3A_347 : i32 to index
        %swap3A_719 = arith.constant 448 : index
        %swap3A_720 = tpu.vector_load %arg7[%swap3A_717, %swap3A_718, %swap3A_719] {strides = array<i32>} : memref<4x8x1024xf32, #tpu.memory_space<vmem>>, vector<1x1x16xf32>,
        %swap3A_721 = vector.shape_cast %swap3A_720 : vector<1x1x16xf32> to vector<16xf32>
        %swap3A_722 = vector.shape_cast %get3A_715 : vector<16xf32> to vector<1x1x16xf32>
        tpu.vector_store %arg7[%swap3A_717, %swap3A_718, %swap3A_719], %swap3A_722 {add = true, strides = array<i32>} : memref<4x8x1024xf32, #tpu.memory_space<vmem>>, vector<1x1x16xf32>,
        %get3A_723 = arith.constant 2 : i32
        %get3A_724 = arith.index_cast %get3A_723 : i32 to index
        %get3A_725 = arith.index_cast %scan3A_347 : i32 to index
        %get3A_726 = arith.constant 464 : index
        %get3A_727 = tpu.vector_load %arg8[%get3A_724, %get3A_725, %get3A_726] {strides = array<i32>} : memref<4x8x1024xf32, #tpu.memory_space<vmem>>, vector<1x1x16xf32>,
        %get3A_728 = vector.shape_cast %get3A_727 : vector<1x1x16xf32> to vector<16xf32>
        %swap3A_729 = arith.constant 2 : i32
        %swap3A_730 = arith.index_cast %swap3A_729 : i32 to index
        %swap3A_731 = arith.index_cast %scan3A_347 : i32 to index
        %swap3A_732 = arith.constant 464 : index
        %swap3A_733 = tpu.vector_load %arg7[%swap3A_730, %swap3A_731, %swap3A_732] {strides = array<i32>} : memref<4x8x1024xf32, #tpu.memory_space<vmem>>, vector<1x1x16xf32>,
        %swap3A_734 = vector.shape_cast %swap3A_733 : vector<1x1x16xf32> to vector<16xf32>
        %swap3A_735 = vector.shape_cast %get3A_728 : vector<16xf32> to vector<1x1x16xf32>
        tpu.vector_store %arg7[%swap3A_730, %swap3A_731, %swap3A_732], %swap3A_735 {add = true, strides = array<i32>} : memref<4x8x1024xf32, #tpu.memory_space<vmem>>, vector<1x1x16xf32>,
        %get3A_736 = arith.constant 2 : i32
        %get3A_737 = arith.index_cast %get3A_736 : i32 to index
        %get3A_738 = arith.index_cast %scan3A_347 : i32 to index
        %get3A_739 = arith.constant 480 : index
        %get3A_740 = tpu.vector_load %arg8[%get3A_737, %get3A_738, %get3A_739] {strides = array<i32>} : memref<4x8x1024xf32, #tpu.memory_space<vmem>>, vector<1x1x16xf32>,
        %get3A_741 = vector.shape_cast %get3A_740 : vector<1x1x16xf32> to vector<16xf32>
        %swap3A_742 = arith.constant 2 : i32
        %swap3A_743 = arith.index_cast %swap3A_742 : i32 to index
        %swap3A_744 = arith.index_cast %scan3A_347 : i32 to index
        %swap3A_745 = arith.constant 480 : index
        %swap3A_746 = tpu.vector_load %arg7[%swap3A_743, %swap3A_744, %swap3A_745] {strides = array<i32>} : memref<4x8x1024xf32, #tpu.memory_space<vmem>>, vector<1x1x16xf32>,
        %swap3A_747 = vector.shape_cast %swap3A_746 : vector<1x1x16xf32> to vector<16xf32>
        %swap3A_748 = vector.shape_cast %get3A_741 : vector<16xf32> to vector<1x1x16xf32>
        tpu.vector_store %arg7[%swap3A_743, %swap3A_744, %swap3A_745], %swap3A_748 {add = true, strides = array<i32>} : memref<4x8x1024xf32, #tpu.memory_space<vmem>>, vector<1x1x16xf32>,
        %get3A_749 = arith.constant 2 : i32
        %get3A_750 = arith.index_cast %get3A_749 : i32 to index
        %get3A_751 = arith.index_cast %scan3A_347 : i32 to index
        %get3A_752 = arith.constant 496 : index
        %get3A_753 = tpu.vector_load %arg8[%get3A_750, %get3A_751, %get3A_752] {strides = array<i32>} : memref<4x8x1024xf32, #tpu.memory_space<vmem>>, vector<1x1x16xf32>,
        %get3A_754 = vector.shape_cast %get3A_753 : vector<1x1x16xf32> to vector<16xf32>
        %swap3A_755 = arith.constant 2 : i32
        %swap3A_756 = arith.index_cast %swap3A_755 : i32 to index
        %swap3A_757 = arith.index_cast %scan3A_347 : i32 to index
        %swap3A_758 = arith.constant 496 : index
        %swap3A_759 = tpu.vector_load %arg7[%swap3A_756, %swap3A_757, %swap3A_758] {strides = array<i32>} : memref<4x8x1024xf32, #tpu.memory_space<vmem>>, vector<1x1x16xf32>,
        %swap3A_760 = vector.shape_cast %swap3A_759 : vector<1x1x16xf32> to vector<16xf32>
        %swap3A_761 = vector.shape_cast %get3A_754 : vector<16xf32> to vector<1x1x16xf32>
        tpu.vector_store %arg7[%swap3A_756, %swap3A_757, %swap3A_758], %swap3A_761 {add = true, strides = array<i32>} : memref<4x8x1024xf32, #tpu.memory_space<vmem>>, vector<1x1x16xf32>,
        %get3A_762 = arith.constant 2 : i32
        %get3A_763 = arith.index_cast %get3A_762 : i32 to index
        %get3A_764 = arith.index_cast %scan3A_347 : i32 to index
        %get3A_765 = arith.constant 512 : index
        %get3A_766 = tpu.vector_load %arg8[%get3A_763, %get3A_764, %get3A_765] {strides = array<i32>} : memref<4x8x1024xf32, #tpu.memory_space<vmem>>, vector<1x1x16xf32>,
        %get3A_767 = vector.shape_cast %get3A_766 : vector<1x1x16xf32> to vector<16xf32>
        %swap3A_768 = arith.constant 2 : i32
        %swap3A_769 = arith.index_cast %swap3A_768 : i32 to index
        %swap3A_770 = arith.index_cast %scan3A_347 : i32 to index
        %swap3A_771 = arith.constant 512 : index
        %swap3A_772 = tpu.vector_load %arg7[%swap3A_769, %swap3A_770, %swap3A_771] {strides = array<i32>} : memref<4x8x1024xf32, #tpu.memory_space<vmem>>, vector<1x1x16xf32>,
        %swap3A_773 = vector.shape_cast %swap3A_772 : vector<1x1x16xf32> to vector<16xf32>
        %swap3A_774 = vector.shape_cast %get3A_767 : vector<16xf32> to vector<1x1x16xf32>
        tpu.vector_store %arg7[%swap3A_769, %swap3A_770, %swap3A_771], %swap3A_774 {add = true, strides = array<i32>} : memref<4x8x1024xf32, #tpu.memory_space<vmem>>, vector<1x1x16xf32>,
        %get3A_775 = arith.constant 2 : i32
        %get3A_776 = arith.index_cast %get3A_775 : i32 to index
        %get3A_777 = arith.index_cast %scan3A_347 : i32 to index
        %get3A_778 = arith.constant 528 : index
        %get3A_779 = tpu.vector_load %arg8[%get3A_776, %get3A_777, %get3A_778] {strides = array<i32>} : memref<4x8x1024xf32, #tpu.memory_space<vmem>>, vector<1x1x16xf32>,
        %get3A_780 = vector.shape_cast %get3A_779 : vector<1x1x16xf32> to vector<16xf32>
        %swap3A_781 = arith.constant 2 : i32
        %swap3A_782 = arith.index_cast %swap3A_781 : i32 to index
        %swap3A_783 = arith.index_cast %scan3A_347 : i32 to index
        %swap3A_784 = arith.constant 528 : index
        %swap3A_785 = tpu.vector_load %arg7[%swap3A_782, %swap3A_783, %swap3A_784] {strides = array<i32>} : memref<4x8x1024xf32, #tpu.memory_space<vmem>>, vector<1x1x16xf32>,
        %swap3A_786 = vector.shape_cast %swap3A_785 : vector<1x1x16xf32> to vector<16xf32>
        %swap3A_787 = vector.shape_cast %get3A_780 : vector<16xf32> to vector<1x1x16xf32>
        tpu.vector_store %arg7[%swap3A_782, %swap3A_783, %swap3A_784], %swap3A_787 {add = true, strides = array<i32>} : memref<4x8x1024xf32, #tpu.memory_space<vmem>>, vector<1x1x16xf32>,
        %get3A_788 = arith.constant 2 : i32
        %get3A_789 = arith.index_cast %get3A_788 : i32 to index
        %get3A_790 = arith.index_cast %scan3A_347 : i32 to index
        %get3A_791 = arith.constant 544 : index
        %get3A_792 = tpu.vector_load %arg8[%get3A_789, %get3A_790, %get3A_791] {strides = array<i32>} : memref<4x8x1024xf32, #tpu.memory_space<vmem>>, vector<1x1x16xf32>,
        %get3A_793 = vector.shape_cast %get3A_792 : vector<1x1x16xf32> to vector<16xf32>
        %swap3A_794 = arith.constant 2 : i32
        %swap3A_795 = arith.index_cast %swap3A_794 : i32 to index
        %swap3A_796 = arith.index_cast %scan3A_347 : i32 to index
        %swap3A_797 = arith.constant 544 : index
        %swap3A_798 = tpu.vector_load %arg7[%swap3A_795, %swap3A_796, %swap3A_797] {strides = array<i32>} : memref<4x8x1024xf32, #tpu.memory_space<vmem>>, vector<1x1x16xf32>,
        %swap3A_799 = vector.shape_cast %swap3A_798 : vector<1x1x16xf32> to vector<16xf32>
        %swap3A_800 = vector.shape_cast %get3A_793 : vector<16xf32> to vector<1x1x16xf32>
        tpu.vector_store %arg7[%swap3A_795, %swap3A_796, %swap3A_797], %swap3A_800 {add = true, strides = array<i32>} : memref<4x8x1024xf32, #tpu.memory_space<vmem>>, vector<1x1x16xf32>,
        %get3A_801 = arith.constant 2 : i32
        %get3A_802 = arith.index_cast %get3A_801 : i32 to index
        %get3A_803 = arith.index_cast %scan3A_347 : i32 to index
        %get3A_804 = arith.constant 560 : index
        %get3A_805 = tpu.vector_load %arg8[%get3A_802, %get3A_803, %get3A_804] {strides = array<i32>} : memref<4x8x1024xf32, #tpu.memory_space<vmem>>, vector<1x1x16xf32>,
        %get3A_806 = vector.shape_cast %get3A_805 : vector<1x1x16xf32> to vector<16xf32>
        %swap3A_807 = arith.constant 2 : i32
        %swap3A_808 = arith.index_cast %swap3A_807 : i32 to index
        %swap3A_809 = arith.index_cast %scan3A_347 : i32 to index
        %swap3A_810 = arith.constant 560 : index
        %swap3A_811 = tpu.vector_load %arg7[%swap3A_808, %swap3A_809, %swap3A_810] {strides = array<i32>} : memref<4x8x1024xf32, #tpu.memory_space<vmem>>, vector<1x1x16xf32>,
        %swap3A_812 = vector.shape_cast %swap3A_811 : vector<1x1x16xf32> to vector<16xf32>
        %swap3A_813 = vector.shape_cast %get3A_806 : vector<16xf32> to vector<1x1x16xf32>
        tpu.vector_store %arg7[%swap3A_808, %swap3A_809, %swap3A_810], %swap3A_813 {add = true, strides = array<i32>} : memref<4x8x1024xf32, #tpu.memory_space<vmem>>, vector<1x1x16xf32>,
        %get3A_814 = arith.constant 2 : i32
        %get3A_815 = arith.index_cast %get3A_814 : i32 to index
        %get3A_816 = arith.index_cast %scan3A_347 : i32 to index
        %get3A_817 = arith.constant 576 : index
        %get3A_818 = tpu.vector_load %arg8[%get3A_815, %get3A_816, %get3A_817] {strides = array<i32>} : memref<4x8x1024xf32, #tpu.memory_space<vmem>>, vector<1x1x16xf32>,
        %get3A_819 = vector.shape_cast %get3A_818 : vector<1x1x16xf32> to vector<16xf32>
        %swap3A_820 = arith.constant 2 : i32
        %swap3A_821 = arith.index_cast %swap3A_820 : i32 to index
        %swap3A_822 = arith.index_cast %scan3A_347 : i32 to index
        %swap3A_823 = arith.constant 576 : index
        %swap3A_824 = tpu.vector_load %arg7[%swap3A_821, %swap3A_822, %swap3A_823] {strides = array<i32>} : memref<4x8x1024xf32, #tpu.memory_space<vmem>>, vector<1x1x16xf32>,
        %swap3A_825 = vector.shape_cast %swap3A_824 : vector<1x1x16xf32> to vector<16xf32>
        %swap3A_826 = vector.shape_cast %get3A_819 : vector<16xf32> to vector<1x1x16xf32>
        tpu.vector_store %arg7[%swap3A_821, %swap3A_822, %swap3A_823], %swap3A_826 {add = true, strides = array<i32>} : memref<4x8x1024xf32, #tpu.memory_space<vmem>>, vector<1x1x16xf32>,
        %get3A_827 = arith.constant 2 : i32
        %get3A_828 = arith.index_cast %get3A_827 : i32 to index
        %get3A_829 = arith.index_cast %scan3A_347 : i32 to index
        %get3A_830 = arith.constant 592 : index
        %get3A_831 = tpu.vector_load %arg8[%get3A_828, %get3A_829, %get3A_830] {strides = array<i32>} : memref<4x8x1024xf32, #tpu.memory_space<vmem>>, vector<1x1x16xf32>,
        %get3A_832 = vector.shape_cast %get3A_831 : vector<1x1x16xf32> to vector<16xf32>
        %swap3A_833 = arith.constant 2 : i32
        %swap3A_834 = arith.index_cast %swap3A_833 : i32 to index
        %swap3A_835 = arith.index_cast %scan3A_347 : i32 to index
        %swap3A_836 = arith.constant 592 : index
        %swap3A_837 = tpu.vector_load %arg7[%swap3A_834, %swap3A_835, %swap3A_836] {strides = array<i32>} : memref<4x8x1024xf32, #tpu.memory_space<vmem>>, vector<1x1x16xf32>,
        %swap3A_838 = vector.shape_cast %swap3A_837 : vector<1x1x16xf32> to vector<16xf32>
        %swap3A_839 = vector.shape_cast %get3A_832 : vector<16xf32> to vector<1x1x16xf32>
        tpu.vector_store %arg7[%swap3A_834, %swap3A_835, %swap3A_836], %swap3A_839 {add = true, strides = array<i32>} : memref<4x8x1024xf32, #tpu.memory_space<vmem>>, vector<1x1x16xf32>,
        %get3A_840 = arith.constant 2 : i32
        %get3A_841 = arith.index_cast %get3A_840 : i32 to index
        %get3A_842 = arith.index_cast %scan3A_347 : i32 to index
        %get3A_843 = arith.constant 608 : index
        %get3A_844 = tpu.vector_load %arg8[%get3A_841, %get3A_842, %get3A_843] {strides = array<i32>} : memref<4x8x1024xf32, #tpu.memory_space<vmem>>, vector<1x1x16xf32>,
        %get3A_845 = vector.shape_cast %get3A_844 : vector<1x1x16xf32> to vector<16xf32>
        %swap3A_846 = arith.constant 2 : i32
        %swap3A_847 = arith.index_cast %swap3A_846 : i32 to index
        %swap3A_848 = arith.index_cast %scan3A_347 : i32 to index
        %swap3A_849 = arith.constant 608 : index
        %swap3A_850 = tpu.vector_load %arg7[%swap3A_847, %swap3A_848, %swap3A_849] {strides = array<i32>} : memref<4x8x1024xf32, #tpu.memory_space<vmem>>, vector<1x1x16xf32>,
        %swap3A_851 = vector.shape_cast %swap3A_850 : vector<1x1x16xf32> to vector<16xf32>
        %swap3A_852 = vector.shape_cast %get3A_845 : vector<16xf32> to vector<1x1x16xf32>
        tpu.vector_store %arg7[%swap3A_847, %swap3A_848, %swap3A_849], %swap3A_852 {add = true, strides = array<i32>} : memref<4x8x1024xf32, #tpu.memory_space<vmem>>, vector<1x1x16xf32>,
        %get3A_853 = arith.constant 2 : i32
        %get3A_854 = arith.index_cast %get3A_853 : i32 to index
        %get3A_855 = arith.index_cast %scan3A_347 : i32 to index
        %get3A_856 = arith.constant 624 : index
        %get3A_857 = tpu.vector_load %arg8[%get3A_854, %get3A_855, %get3A_856] {strides = array<i32>} : memref<4x8x1024xf32, #tpu.memory_space<vmem>>, vector<1x1x16xf32>,
        %get3A_858 = vector.shape_cast %get3A_857 : vector<1x1x16xf32> to vector<16xf32>
        %swap3A_859 = arith.constant 2 : i32
        %swap3A_860 = arith.index_cast %swap3A_859 : i32 to index
        %swap3A_861 = arith.index_cast %scan3A_347 : i32 to index
        %swap3A_862 = arith.constant 624 : index
        %swap3A_863 = tpu.vector_load %arg7[%swap3A_860, %swap3A_861, %swap3A_862] {strides = array<i32>} : memref<4x8x1024xf32, #tpu.memory_space<vmem>>, vector<1x1x16xf32>,
        %swap3A_864 = vector.shape_cast %swap3A_863 : vector<1x1x16xf32> to vector<16xf32>
        %swap3A_865 = vector.shape_cast %get3A_858 : vector<16xf32> to vector<1x1x16xf32>
        tpu.vector_store %arg7[%swap3A_860, %swap3A_861, %swap3A_862], %swap3A_865 {add = true, strides = array<i32>} : memref<4x8x1024xf32, #tpu.memory_space<vmem>>, vector<1x1x16xf32>,
        %get3A_866 = arith.constant 2 : i32
        %get3A_867 = arith.index_cast %get3A_866 : i32 to index
        %get3A_868 = arith.index_cast %scan3A_347 : i32 to index
        %get3A_869 = arith.constant 640 : index
        %get3A_870 = tpu.vector_load %arg8[%get3A_867, %get3A_868, %get3A_869] {strides = array<i32>} : memref<4x8x1024xf32, #tpu.memory_space<vmem>>, vector<1x1x16xf32>,
        %get3A_871 = vector.shape_cast %get3A_870 : vector<1x1x16xf32> to vector<16xf32>
        %swap3A_872 = arith.constant 2 : i32
        %swap3A_873 = arith.index_cast %swap3A_872 : i32 to index
        %swap3A_874 = arith.index_cast %scan3A_347 : i32 to index
        %swap3A_875 = arith.constant 640 : index
        %swap3A_876 = tpu.vector_load %arg7[%swap3A_873, %swap3A_874, %swap3A_875] {strides = array<i32>} : memref<4x8x1024xf32, #tpu.memory_space<vmem>>, vector<1x1x16xf32>,
        %swap3A_877 = vector.shape_cast %swap3A_876 : vector<1x1x16xf32> to vector<16xf32>
        %swap3A_878 = vector.shape_cast %get3A_871 : vector<16xf32> to vector<1x1x16xf32>
        tpu.vector_store %arg7[%swap3A_873, %swap3A_874, %swap3A_875], %swap3A_878 {add = true, strides = array<i32>} : memref<4x8x1024xf32, #tpu.memory_space<vmem>>, vector<1x1x16xf32>,
        %get3A_879 = arith.constant 2 : i32
        %get3A_880 = arith.index_cast %get3A_879 : i32 to index
        %get3A_881 = arith.index_cast %scan3A_347 : i32 to index
        %get3A_882 = arith.constant 656 : index
        %get3A_883 = tpu.vector_load %arg8[%get3A_880, %get3A_881, %get3A_882] {strides = array<i32>} : memref<4x8x1024xf32, #tpu.memory_space<vmem>>, vector<1x1x16xf32>,
        %get3A_884 = vector.shape_cast %get3A_883 : vector<1x1x16xf32> to vector<16xf32>
        %swap3A_885 = arith.constant 2 : i32
        %swap3A_886 = arith.index_cast %swap3A_885 : i32 to index
        %swap3A_887 = arith.index_cast %scan3A_347 : i32 to index
        %swap3A_888 = arith.constant 656 : index
        %swap3A_889 = tpu.vector_load %arg7[%swap3A_886, %swap3A_887, %swap3A_888] {strides = array<i32>} : memref<4x8x1024xf32, #tpu.memory_space<vmem>>, vector<1x1x16xf32>,
        %swap3A_890 = vector.shape_cast %swap3A_889 : vector<1x1x16xf32> to vector<16xf32>
        %swap3A_891 = vector.shape_cast %get3A_884 : vector<16xf32> to vector<1x1x16xf32>
        tpu.vector_store %arg7[%swap3A_886, %swap3A_887, %swap3A_888], %swap3A_891 {add = true, strides = array<i32>} : memref<4x8x1024xf32, #tpu.memory_space<vmem>>, vector<1x1x16xf32>,
        %get3A_892 = arith.constant 2 : i32
        %get3A_893 = arith.index_cast %get3A_892 : i32 to index
        %get3A_894 = arith.index_cast %scan3A_347 : i32 to index
        %get3A_895 = arith.constant 672 : index
        %get3A_896 = tpu.vector_load %arg8[%get3A_893, %get3A_894, %get3A_895] {strides = array<i32>} : memref<4x8x1024xf32, #tpu.memory_space<vmem>>, vector<1x1x16xf32>,
        %get3A_897 = vector.shape_cast %get3A_896 : vector<1x1x16xf32> to vector<16xf32>
        %swap3A_898 = arith.constant 2 : i32
        %swap3A_899 = arith.index_cast %swap3A_898 : i32 to index
        %swap3A_900 = arith.index_cast %scan3A_347 : i32 to index
        %swap3A_901 = arith.constant 672 : index
        %swap3A_902 = tpu.vector_load %arg7[%swap3A_899, %swap3A_900, %swap3A_901] {strides = array<i32>} : memref<4x8x1024xf32, #tpu.memory_space<vmem>>, vector<1x1x16xf32>,
        %swap3A_903 = vector.shape_cast %swap3A_902 : vector<1x1x16xf32> to vector<16xf32>
        %swap3A_904 = vector.shape_cast %get3A_897 : vector<16xf32> to vector<1x1x16xf32>
        tpu.vector_store %arg7[%swap3A_899, %swap3A_900, %swap3A_901], %swap3A_904 {add = true, strides = array<i32>} : memref<4x8x1024xf32, #tpu.memory_space<vmem>>, vector<1x1x16xf32>,
        %get3A_905 = arith.constant 2 : i32
        %get3A_906 = arith.index_cast %get3A_905 : i32 to index
        %get3A_907 = arith.index_cast %scan3A_347 : i32 to index
        %get3A_908 = arith.constant 688 : index
        %get3A_909 = tpu.vector_load %arg8[%get3A_906, %get3A_907, %get3A_908] {strides = array<i32>} : memref<4x8x1024xf32, #tpu.memory_space<vmem>>, vector<1x1x16xf32>,
        %get3A_910 = vector.shape_cast %get3A_909 : vector<1x1x16xf32> to vector<16xf32>
        %swap3A_911 = arith.constant 2 : i32
        %swap3A_912 = arith.index_cast %swap3A_911 : i32 to index
        %swap3A_913 = arith.index_cast %scan3A_347 : i32 to index
        %swap3A_914 = arith.constant 688 : index
        %swap3A_915 = tpu.vector_load %arg7[%swap3A_912, %swap3A_913, %swap3A_914] {strides = array<i32>} : memref<4x8x1024xf32, #tpu.memory_space<vmem>>, vector<1x1x16xf32>,
        %swap3A_916 = vector.shape_cast %swap3A_915 : vector<1x1x16xf32> to vector<16xf32>
        %swap3A_917 = vector.shape_cast %get3A_910 : vector<16xf32> to vector<1x1x16xf32>
        tpu.vector_store %arg7[%swap3A_912, %swap3A_913, %swap3A_914], %swap3A_917 {add = true, strides = array<i32>} : memref<4x8x1024xf32, #tpu.memory_space<vmem>>, vector<1x1x16xf32>,
        %get3A_918 = arith.constant 2 : i32
        %get3A_919 = arith.index_cast %get3A_918 : i32 to index
        %get3A_920 = arith.index_cast %scan3A_347 : i32 to index
        %get3A_921 = arith.constant 704 : index
        %get3A_922 = tpu.vector_load %arg8[%get3A_919, %get3A_920, %get3A_921] {strides = array<i32>} : memref<4x8x1024xf32, #tpu.memory_space<vmem>>, vector<1x1x16xf32>,
        %get3A_923 = vector.shape_cast %get3A_922 : vector<1x1x16xf32> to vector<16xf32>
        %swap3A_924 = arith.constant 2 : i32
        %swap3A_925 = arith.index_cast %swap3A_924 : i32 to index
        %swap3A_926 = arith.index_cast %scan3A_347 : i32 to index
        %swap3A_927 = arith.constant 704 : index
        %swap3A_928 = tpu.vector_load %arg7[%swap3A_925, %swap3A_926, %swap3A_927] {strides = array<i32>} : memref<4x8x1024xf32, #tpu.memory_space<vmem>>, vector<1x1x16xf32>,
        %swap3A_929 = vector.shape_cast %swap3A_928 : vector<1x1x16xf32> to vector<16xf32>
        %swap3A_930 = vector.shape_cast %get3A_923 : vector<16xf32> to vector<1x1x16xf32>
        tpu.vector_store %arg7[%swap3A_925, %swap3A_926, %swap3A_927], %swap3A_930 {add = true, strides = array<i32>} : memref<4x8x1024xf32, #tpu.memory_space<vmem>>, vector<1x1x16xf32>,
        %get3A_931 = arith.constant 2 : i32
        %get3A_932 = arith.index_cast %get3A_931 : i32 to index
        %get3A_933 = arith.index_cast %scan3A_347 : i32 to index
        %get3A_934 = arith.constant 720 : index
        %get3A_935 = tpu.vector_load %arg8[%get3A_932, %get3A_933, %get3A_934] {strides = array<i32>} : memref<4x8x1024xf32, #tpu.memory_space<vmem>>, vector<1x1x16xf32>,
        %get3A_936 = vector.shape_cast %get3A_935 : vector<1x1x16xf32> to vector<16xf32>
        %swap3A_937 = arith.constant 2 : i32
        %swap3A_938 = arith.index_cast %swap3A_937 : i32 to index
        %swap3A_939 = arith.index_cast %scan3A_347 : i32 to index
        %swap3A_940 = arith.constant 720 : index
        %swap3A_941 = tpu.vector_load %arg7[%swap3A_938, %swap3A_939, %swap3A_940] {strides = array<i32>} : memref<4x8x1024xf32, #tpu.memory_space<vmem>>, vector<1x1x16xf32>,
        %swap3A_942 = vector.shape_cast %swap3A_941 : vector<1x1x16xf32> to vector<16xf32>
        %swap3A_943 = vector.shape_cast %get3A_936 : vector<16xf32> to vector<1x1x16xf32>
        tpu.vector_store %arg7[%swap3A_938, %swap3A_939, %swap3A_940], %swap3A_943 {add = true, strides = array<i32>} : memref<4x8x1024xf32, #tpu.memory_space<vmem>>, vector<1x1x16xf32>,
        %get3A_944 = arith.constant 2 : i32
        %get3A_945 = arith.index_cast %get3A_944 : i32 to index
        %get3A_946 = arith.index_cast %scan3A_347 : i32 to index
        %get3A_947 = arith.constant 736 : index
        %get3A_948 = tpu.vector_load %arg8[%get3A_945, %get3A_946, %get3A_947] {strides = array<i32>} : memref<4x8x1024xf32, #tpu.memory_space<vmem>>, vector<1x1x16xf32>,
        %get3A_949 = vector.shape_cast %get3A_948 : vector<1x1x16xf32> to vector<16xf32>
        %swap3A_950 = arith.constant 2 : i32
        %swap3A_951 = arith.index_cast %swap3A_950 : i32 to index
        %swap3A_952 = arith.index_cast %scan3A_347 : i32 to index
        %swap3A_953 = arith.constant 736 : index
        %swap3A_954 = tpu.vector_load %arg7[%swap3A_951, %swap3A_952, %swap3A_953] {strides = array<i32>} : memref<4x8x1024xf32, #tpu.memory_space<vmem>>, vector<1x1x16xf32>,
        %swap3A_955 = vector.shape_cast %swap3A_954 : vector<1x1x16xf32> to vector<16xf32>
        %swap3A_956 = vector.shape_cast %get3A_949 : vector<16xf32> to vector<1x1x16xf32>
        tpu.vector_store %arg7[%swap3A_951, %swap3A_952, %swap3A_953], %swap3A_956 {add = true, strides = array<i32>} : memref<4x8x1024xf32, #tpu.memory_space<vmem>>, vector<1x1x16xf32>,
        %get3A_957 = arith.constant 2 : i32
        %get3A_958 = arith.index_cast %get3A_957 : i32 to index
        %get3A_959 = arith.index_cast %scan3A_347 : i32 to index
        %get3A_960 = arith.constant 752 : index
        %get3A_961 = tpu.vector_load %arg8[%get3A_958, %get3A_959, %get3A_960] {strides = array<i32>} : memref<4x8x1024xf32, #tpu.memory_space<vmem>>, vector<1x1x16xf32>,
        %get3A_962 = vector.shape_cast %get3A_961 : vector<1x1x16xf32> to vector<16xf32>
        %swap3A_963 = arith.constant 2 : i32
        %swap3A_964 = arith.index_cast %swap3A_963 : i32 to index
        %swap3A_965 = arith.index_cast %scan3A_347 : i32 to index
        %swap3A_966 = arith.constant 752 : index
        %swap3A_967 = tpu.vector_load %arg7[%swap3A_964, %swap3A_965, %swap3A_966] {strides = array<i32>} : memref<4x8x1024xf32, #tpu.memory_space<vmem>>, vector<1x1x16xf32>,
        %swap3A_968 = vector.shape_cast %swap3A_967 : vector<1x1x16xf32> to vector<16xf32>
        %swap3A_969 = vector.shape_cast %get3A_962 : vector<16xf32> to vector<1x1x16xf32>
        tpu.vector_store %arg7[%swap3A_964, %swap3A_965, %swap3A_966], %swap3A_969 {add = true, strides = array<i32>} : memref<4x8x1024xf32, #tpu.memory_space<vmem>>, vector<1x1x16xf32>,
        %get3A_970 = arith.constant 2 : i32
        %get3A_971 = arith.index_cast %get3A_970 : i32 to index
        %get3A_972 = arith.index_cast %scan3A_347 : i32 to index
        %get3A_973 = arith.constant 768 : index
        %get3A_974 = tpu.vector_load %arg8[%get3A_971, %get3A_972, %get3A_973] {strides = array<i32>} : memref<4x8x1024xf32, #tpu.memory_space<vmem>>, vector<1x1x16xf32>,
        %get3A_975 = vector.shape_cast %get3A_974 : vector<1x1x16xf32> to vector<16xf32>
        %swap3A_976 = arith.constant 2 : i32
        %swap3A_977 = arith.index_cast %swap3A_976 : i32 to index
        %swap3A_978 = arith.index_cast %scan3A_347 : i32 to index
        %swap3A_979 = arith.constant 768 : index
        %swap3A_980 = tpu.vector_load %arg7[%swap3A_977, %swap3A_978, %swap3A_979] {strides = array<i32>} : memref<4x8x1024xf32, #tpu.memory_space<vmem>>, vector<1x1x16xf32>,
        %swap3A_981 = vector.shape_cast %swap3A_980 : vector<1x1x16xf32> to vector<16xf32>
        %swap3A_982 = vector.shape_cast %get3A_975 : vector<16xf32> to vector<1x1x16xf32>
        tpu.vector_store %arg7[%swap3A_977, %swap3A_978, %swap3A_979], %swap3A_982 {add = true, strides = array<i32>} : memref<4x8x1024xf32, #tpu.memory_space<vmem>>, vector<1x1x16xf32>,
        %get3A_983 = arith.constant 2 : i32
        %get3A_984 = arith.index_cast %get3A_983 : i32 to index
        %get3A_985 = arith.index_cast %scan3A_347 : i32 to index
        %get3A_986 = arith.constant 784 : index
        %get3A_987 = tpu.vector_load %arg8[%get3A_984, %get3A_985, %get3A_986] {strides = array<i32>} : memref<4x8x1024xf32, #tpu.memory_space<vmem>>, vector<1x1x16xf32>,
        %get3A_988 = vector.shape_cast %get3A_987 : vector<1x1x16xf32> to vector<16xf32>
        %swap3A_989 = arith.constant 2 : i32
        %swap3A_990 = arith.index_cast %swap3A_989 : i32 to index
        %swap3A_991 = arith.index_cast %scan3A_347 : i32 to index
        %swap3A_992 = arith.constant 784 : index
        %swap3A_993 = tpu.vector_load %arg7[%swap3A_990, %swap3A_991, %swap3A_992] {strides = array<i32>} : memref<4x8x1024xf32, #tpu.memory_space<vmem>>, vector<1x1x16xf32>,
        %swap3A_994 = vector.shape_cast %swap3A_993 : vector<1x1x16xf32> to vector<16xf32>
        %swap3A_995 = vector.shape_cast %get3A_988 : vector<16xf32> to vector<1x1x16xf32>
        tpu.vector_store %arg7[%swap3A_990, %swap3A_991, %swap3A_992], %swap3A_995 {add = true, strides = array<i32>} : memref<4x8x1024xf32, #tpu.memory_space<vmem>>, vector<1x1x16xf32>,
        %get3A_996 = arith.constant 2 : i32
        %get3A_997 = arith.index_cast %get3A_996 : i32 to index
        %get3A_998 = arith.index_cast %scan3A_347 : i32 to index
        %get3A_999 = arith.constant 800 : index
        %get3A_1000 = tpu.vector_load %arg8[%get3A_997, %get3A_998, %get3A_999] {strides = array<i32>} : memref<4x8x1024xf32, #tpu.memory_space<vmem>>, vector<1x1x16xf32>,
        %get3A_1001 = vector.shape_cast %get3A_1000 : vector<1x1x16xf32> to vector<16xf32>
        %swap3A_1002 = arith.constant 2 : i32
        %swap3A_1003 = arith.index_cast %swap3A_1002 : i32 to index
        %swap3A_1004 = arith.index_cast %scan3A_347 : i32 to index
        %swap3A_1005 = arith.constant 800 : index
        %swap3A_1006 = tpu.vector_load %arg7[%swap3A_1003, %swap3A_1004, %swap3A_1005] {strides = array<i32>} : memref<4x8x1024xf32, #tpu.memory_space<vmem>>, vector<1x1x16xf32>,
        %swap3A_1007 = vector.shape_cast %swap3A_1006 : vector<1x1x16xf32> to vector<16xf32>
        %swap3A_1008 = vector.shape_cast %get3A_1001 : vector<16xf32> to vector<1x1x16xf32>
        tpu.vector_store %arg7[%swap3A_1003, %swap3A_1004, %swap3A_1005], %swap3A_1008 {add = true, strides = array<i32>} : memref<4x8x1024xf32, #tpu.memory_space<vmem>>, vector<1x1x16xf32>,
        %get3A_1009 = arith.constant 2 : i32
        %get3A_1010 = arith.index_cast %get3A_1009 : i32 to index
        %get3A_1011 = arith.index_cast %scan3A_347 : i32 to index
        %get3A_1012 = arith.constant 816 : index
        %get3A_1013 = tpu.vector_load %arg8[%get3A_1010, %get3A_1011, %get3A_1012] {strides = array<i32>} : memref<4x8x1024xf32, #tpu.memory_space<vmem>>, vector<1x1x16xf32>,
        %get3A_1014 = vector.shape_cast %get3A_1013 : vector<1x1x16xf32> to vector<16xf32>
        %swap3A_1015 = arith.constant 2 : i32
        %swap3A_1016 = arith.index_cast %swap3A_1015 : i32 to index
        %swap3A_1017 = arith.index_cast %scan3A_347 : i32 to index
        %swap3A_1018 = arith.constant 816 : index
        %swap3A_1019 = tpu.vector_load %arg7[%swap3A_1016, %swap3A_1017, %swap3A_1018] {strides = array<i32>} : memref<4x8x1024xf32, #tpu.memory_space<vmem>>, vector<1x1x16xf32>,
        %swap3A_1020 = vector.shape_cast %swap3A_1019 : vector<1x1x16xf32> to vector<16xf32>
        %swap3A_1021 = vector.shape_cast %get3A_1014 : vector<16xf32> to vector<1x1x16xf32>
        tpu.vector_store %arg7[%swap3A_1016, %swap3A_1017, %swap3A_1018], %swap3A_1021 {add = true, strides = array<i32>} : memref<4x8x1024xf32, #tpu.memory_space<vmem>>, vector<1x1x16xf32>,
        %get3A_1022 = arith.constant 2 : i32
        %get3A_1023 = arith.index_cast %get3A_1022 : i32 to index
        %get3A_1024 = arith.index_cast %scan3A_347 : i32 to index
        %get3A_1025 = arith.constant 832 : index
        %get3A_1026 = tpu.vector_load %arg8[%get3A_1023, %get3A_1024, %get3A_1025] {strides = array<i32>} : memref<4x8x1024xf32, #tpu.memory_space<vmem>>, vector<1x1x16xf32>,
        %get3A_1027 = vector.shape_cast %get3A_1026 : vector<1x1x16xf32> to vector<16xf32>
        %swap3A_1028 = arith.constant 2 : i32
        %swap3A_1029 = arith.index_cast %swap3A_1028 : i32 to index
        %swap3A_1030 = arith.index_cast %scan3A_347 : i32 to index
        %swap3A_1031 = arith.constant 832 : index
        %swap3A_1032 = tpu.vector_load %arg7[%swap3A_1029, %swap3A_1030, %swap3A_1031] {strides = array<i32>} : memref<4x8x1024xf32, #tpu.memory_space<vmem>>, vector<1x1x16xf32>,
        %swap3A_1033 = vector.shape_cast %swap3A_1032 : vector<1x1x16xf32> to vector<16xf32>
        %swap3A_1034 = vector.shape_cast %get3A_1027 : vector<16xf32> to vector<1x1x16xf32>
        tpu.vector_store %arg7[%swap3A_1029, %swap3A_1030, %swap3A_1031], %swap3A_1034 {add = true, strides = array<i32>} : memref<4x8x1024xf32, #tpu.memory_space<vmem>>, vector<1x1x16xf32>,
        %get3A_1035 = arith.constant 2 : i32
        %get3A_1036 = arith.index_cast %get3A_1035 : i32 to index
        %get3A_1037 = arith.index_cast %scan3A_347 : i32 to index
        %get3A_1038 = arith.constant 848 : index
        %get3A_1039 = tpu.vector_load %arg8[%get3A_1036, %get3A_1037, %get3A_1038] {strides = array<i32>} : memref<4x8x1024xf32, #tpu.memory_space<vmem>>, vector<1x1x16xf32>,
        %get3A_1040 = vector.shape_cast %get3A_1039 : vector<1x1x16xf32> to vector<16xf32>
        %swap3A_1041 = arith.constant 2 : i32
        %swap3A_1042 = arith.index_cast %swap3A_1041 : i32 to index
        %swap3A_1043 = arith.index_cast %scan3A_347 : i32 to index
        %swap3A_1044 = arith.constant 848 : index
        %swap3A_1045 = tpu.vector_load %arg7[%swap3A_1042, %swap3A_1043, %swap3A_1044] {strides = array<i32>} : memref<4x8x1024xf32, #tpu.memory_space<vmem>>, vector<1x1x16xf32>,
        %swap3A_1046 = vector.shape_cast %swap3A_1045 : vector<1x1x16xf32> to vector<16xf32>
        %swap3A_1047 = vector.shape_cast %get3A_1040 : vector<16xf32> to vector<1x1x16xf32>
        tpu.vector_store %arg7[%swap3A_1042, %swap3A_1043, %swap3A_1044], %swap3A_1047 {add = true, strides = array<i32>} : memref<4x8x1024xf32, #tpu.memory_space<vmem>>, vector<1x1x16xf32>,
        %get3A_1048 = arith.constant 2 : i32
        %get3A_1049 = arith.index_cast %get3A_1048 : i32 to index
        %get3A_1050 = arith.index_cast %scan3A_347 : i32 to index
        %get3A_1051 = arith.constant 864 : index
        %get3A_1052 = tpu.vector_load %arg8[%get3A_1049, %get3A_1050, %get3A_1051] {strides = array<i32>} : memref<4x8x1024xf32, #tpu.memory_space<vmem>>, vector<1x1x16xf32>,
        %get3A_1053 = vector.shape_cast %get3A_1052 : vector<1x1x16xf32> to vector<16xf32>
        %swap3A_1054 = arith.constant 2 : i32
        %swap3A_1055 = arith.index_cast %swap3A_1054 : i32 to index
        %swap3A_1056 = arith.index_cast %scan3A_347 : i32 to index
        %swap3A_1057 = arith.constant 864 : index
        %swap3A_1058 = tpu.vector_load %arg7[%swap3A_1055, %swap3A_1056, %swap3A_1057] {strides = array<i32>} : memref<4x8x1024xf32, #tpu.memory_space<vmem>>, vector<1x1x16xf32>,
        %swap3A_1059 = vector.shape_cast %swap3A_1058 : vector<1x1x16xf32> to vector<16xf32>
        %swap3A_1060 = vector.shape_cast %get3A_1053 : vector<16xf32> to vector<1x1x16xf32>
        tpu.vector_store %arg7[%swap3A_1055, %swap3A_1056, %swap3A_1057], %swap3A_1060 {add = true, strides = array<i32>} : memref<4x8x1024xf32, #tpu.memory_space<vmem>>, vector<1x1x16xf32>,
        %get3A_1061 = arith.constant 2 : i32
        %get3A_1062 = arith.index_cast %get3A_1061 : i32 to index
        %get3A_1063 = arith.index_cast %scan3A_347 : i32 to index
        %get3A_1064 = arith.constant 880 : index
        %get3A_1065 = tpu.vector_load %arg8[%get3A_1062, %get3A_1063, %get3A_1064] {strides = array<i32>} : memref<4x8x1024xf32, #tpu.memory_space<vmem>>, vector<1x1x16xf32>,
        %get3A_1066 = vector.shape_cast %get3A_1065 : vector<1x1x16xf32> to vector<16xf32>
        %swap3A_1067 = arith.constant 2 : i32
        %swap3A_1068 = arith.index_cast %swap3A_1067 : i32 to index
        %swap3A_1069 = arith.index_cast %scan3A_347 : i32 to index
        %swap3A_1070 = arith.constant 880 : index
        %swap3A_1071 = tpu.vector_load %arg7[%swap3A_1068, %swap3A_1069, %swap3A_1070] {strides = array<i32>} : memref<4x8x1024xf32, #tpu.memory_space<vmem>>, vector<1x1x16xf32>,
        %swap3A_1072 = vector.shape_cast %swap3A_1071 : vector<1x1x16xf32> to vector<16xf32>
        %swap3A_1073 = vector.shape_cast %get3A_1066 : vector<16xf32> to vector<1x1x16xf32>
        tpu.vector_store %arg7[%swap3A_1068, %swap3A_1069, %swap3A_1070], %swap3A_1073 {add = true, strides = array<i32>} : memref<4x8x1024xf32, #tpu.memory_space<vmem>>, vector<1x1x16xf32>,
        %get3A_1074 = arith.constant 2 : i32
        %get3A_1075 = arith.index_cast %get3A_1074 : i32 to index
        %get3A_1076 = arith.index_cast %scan3A_347 : i32 to index
        %get3A_1077 = arith.constant 896 : index
        %get3A_1078 = tpu.vector_load %arg8[%get3A_1075, %get3A_1076, %get3A_1077] {strides = array<i32>} : memref<4x8x1024xf32, #tpu.memory_space<vmem>>, vector<1x1x16xf32>,
        %get3A_1079 = vector.shape_cast %get3A_1078 : vector<1x1x16xf32> to vector<16xf32>
        %swap3A_1080 = arith.constant 2 : i32
        %swap3A_1081 = arith.index_cast %swap3A_1080 : i32 to index
        %swap3A_1082 = arith.index_cast %scan3A_347 : i32 to index
        %swap3A_1083 = arith.constant 896 : index
        %swap3A_1084 = tpu.vector_load %arg7[%swap3A_1081, %swap3A_1082, %swap3A_1083] {strides = array<i32>} : memref<4x8x1024xf32, #tpu.memory_space<vmem>>, vector<1x1x16xf32>,
        %swap3A_1085 = vector.shape_cast %swap3A_1084 : vector<1x1x16xf32> to vector<16xf32>
        %swap3A_1086 = vector.shape_cast %get3A_1079 : vector<16xf32> to vector<1x1x16xf32>
        tpu.vector_store %arg7[%swap3A_1081, %swap3A_1082, %swap3A_1083], %swap3A_1086 {add = true, strides = array<i32>} : memref<4x8x1024xf32, #tpu.memory_space<vmem>>, vector<1x1x16xf32>,
        %get3A_1087 = arith.constant 2 : i32
        %get3A_1088 = arith.index_cast %get3A_1087 : i32 to index
        %get3A_1089 = arith.index_cast %scan3A_347 : i32 to index
        %get3A_1090 = arith.constant 912 : index
        %get3A_1091 = tpu.vector_load %arg8[%get3A_1088, %get3A_1089, %get3A_1090] {strides = array<i32>} : memref<4x8x1024xf32, #tpu.memory_space<vmem>>, vector<1x1x16xf32>,
        %get3A_1092 = vector.shape_cast %get3A_1091 : vector<1x1x16xf32> to vector<16xf32>
        %swap3A_1093 = arith.constant 2 : i32
        %swap3A_1094 = arith.index_cast %swap3A_1093 : i32 to index
        %swap3A_1095 = arith.index_cast %scan3A_347 : i32 to index
        %swap3A_1096 = arith.constant 912 : index
        %swap3A_1097 = tpu.vector_load %arg7[%swap3A_1094, %swap3A_1095, %swap3A_1096] {strides = array<i32>} : memref<4x8x1024xf32, #tpu.memory_space<vmem>>, vector<1x1x16xf32>,
        %swap3A_1098 = vector.shape_cast %swap3A_1097 : vector<1x1x16xf32> to vector<16xf32>
        %swap3A_1099 = vector.shape_cast %get3A_1092 : vector<16xf32> to vector<1x1x16xf32>
        tpu.vector_store %arg7[%swap3A_1094, %swap3A_1095, %swap3A_1096], %swap3A_1099 {add = true, strides = array<i32>} : memref<4x8x1024xf32, #tpu.memory_space<vmem>>, vector<1x1x16xf32>,
        %get3A_1100 = arith.constant 2 : i32
        %get3A_1101 = arith.index_cast %get3A_1100 : i32 to index
        %get3A_1102 = arith.index_cast %scan3A_347 : i32 to index
        %get3A_1103 = arith.constant 928 : index
        %get3A_1104 = tpu.vector_load %arg8[%get3A_1101, %get3A_1102, %get3A_1103] {strides = array<i32>} : memref<4x8x1024xf32, #tpu.memory_space<vmem>>, vector<1x1x16xf32>,
        %get3A_1105 = vector.shape_cast %get3A_1104 : vector<1x1x16xf32> to vector<16xf32>
        %swap3A_1106 = arith.constant 2 : i32
        %swap3A_1107 = arith.index_cast %swap3A_1106 : i32 to index
        %swap3A_1108 = arith.index_cast %scan3A_347 : i32 to index
        %swap3A_1109 = arith.constant 928 : index
        %swap3A_1110 = tpu.vector_load %arg7[%swap3A_1107, %swap3A_1108, %swap3A_1109] {strides = array<i32>} : memref<4x8x1024xf32, #tpu.memory_space<vmem>>, vector<1x1x16xf32>,
        %swap3A_1111 = vector.shape_cast %swap3A_1110 : vector<1x1x16xf32> to vector<16xf32>
        %swap3A_1112 = vector.shape_cast %get3A_1105 : vector<16xf32> to vector<1x1x16xf32>
        tpu.vector_store %arg7[%swap3A_1107, %swap3A_1108, %swap3A_1109], %swap3A_1112 {add = true, strides = array<i32>} : memref<4x8x1024xf32, #tpu.memory_space<vmem>>, vector<1x1x16xf32>,
        %get3A_1113 = arith.constant 2 : i32
        %get3A_1114 = arith.index_cast %get3A_1113 : i32 to index
        %get3A_1115 = arith.index_cast %scan3A_347 : i32 to index
        %get3A_1116 = arith.constant 944 : index
        %get3A_1117 = tpu.vector_load %arg8[%get3A_1114, %get3A_1115, %get3A_1116] {strides = array<i32>} : memref<4x8x1024xf32, #tpu.memory_space<vmem>>, vector<1x1x16xf32>,
        %get3A_1118 = vector.shape_cast %get3A_1117 : vector<1x1x16xf32> to vector<16xf32>
        %swap3A_1119 = arith.constant 2 : i32
        %swap3A_1120 = arith.index_cast %swap3A_1119 : i32 to index
        %swap3A_1121 = arith.index_cast %scan3A_347 : i32 to index
        %swap3A_1122 = arith.constant 944 : index
        %swap3A_1123 = tpu.vector_load %arg7[%swap3A_1120, %swap3A_1121, %swap3A_1122] {strides = array<i32>} : memref<4x8x1024xf32, #tpu.memory_space<vmem>>, vector<1x1x16xf32>,
        %swap3A_1124 = vector.shape_cast %swap3A_1123 : vector<1x1x16xf32> to vector<16xf32>
        %swap3A_1125 = vector.shape_cast %get3A_1118 : vector<16xf32> to vector<1x1x16xf32>
        tpu.vector_store %arg7[%swap3A_1120, %swap3A_1121, %swap3A_1122], %swap3A_1125 {add = true, strides = array<i32>} : memref<4x8x1024xf32, #tpu.memory_space<vmem>>, vector<1x1x16xf32>,
        %get3A_1126 = arith.constant 2 : i32
        %get3A_1127 = arith.index_cast %get3A_1126 : i32 to index
        %get3A_1128 = arith.index_cast %scan3A_347 : i32 to index
        %get3A_1129 = arith.constant 960 : index
        %get3A_1130 = tpu.vector_load %arg8[%get3A_1127, %get3A_1128, %get3A_1129] {strides = array<i32>} : memref<4x8x1024xf32, #tpu.memory_space<vmem>>, vector<1x1x16xf32>,
        %get3A_1131 = vector.shape_cast %get3A_1130 : vector<1x1x16xf32> to vector<16xf32>
        %swap3A_1132 = arith.constant 2 : i32
        %swap3A_1133 = arith.index_cast %swap3A_1132 : i32 to index
        %swap3A_1134 = arith.index_cast %scan3A_347 : i32 to index
        %swap3A_1135 = arith.constant 960 : index
        %swap3A_1136 = tpu.vector_load %arg7[%swap3A_1133, %swap3A_1134, %swap3A_1135] {strides = array<i32>} : memref<4x8x1024xf32, #tpu.memory_space<vmem>>, vector<1x1x16xf32>,
        %swap3A_1137 = vector.shape_cast %swap3A_1136 : vector<1x1x16xf32> to vector<16xf32>
        %swap3A_1138 = vector.shape_cast %get3A_1131 : vector<16xf32> to vector<1x1x16xf32>
        tpu.vector_store %arg7[%swap3A_1133, %swap3A_1134, %swap3A_1135], %swap3A_1138 {add = true, strides = array<i32>} : memref<4x8x1024xf32, #tpu.memory_space<vmem>>, vector<1x1x16xf32>,
        %get3A_1139 = arith.constant 2 : i32
        %get3A_1140 = arith.index_cast %get3A_1139 : i32 to index
        %get3A_1141 = arith.index_cast %scan3A_347 : i32 to index
        %get3A_1142 = arith.constant 976 : index
        %get3A_1143 = tpu.vector_load %arg8[%get3A_1140, %get3A_1141, %get3A_1142] {strides = array<i32>} : memref<4x8x1024xf32, #tpu.memory_space<vmem>>, vector<1x1x16xf32>,
        %get3A_1144 = vector.shape_cast %get3A_1143 : vector<1x1x16xf32> to vector<16xf32>
        %swap3A_1145 = arith.constant 2 : i32
        %swap3A_1146 = arith.index_cast %swap3A_1145 : i32 to index
        %swap3A_1147 = arith.index_cast %scan3A_347 : i32 to index
        %swap3A_1148 = arith.constant 976 : index
        %swap3A_1149 = tpu.vector_load %arg7[%swap3A_1146, %swap3A_1147, %swap3A_1148] {strides = array<i32>} : memref<4x8x1024xf32, #tpu.memory_space<vmem>>, vector<1x1x16xf32>,
        %swap3A_1150 = vector.shape_cast %swap3A_1149 : vector<1x1x16xf32> to vector<16xf32>
        %swap3A_1151 = vector.shape_cast %get3A_1144 : vector<16xf32> to vector<1x1x16xf32>
        tpu.vector_store %arg7[%swap3A_1146, %swap3A_1147, %swap3A_1148], %swap3A_1151 {add = true, strides = array<i32>} : memref<4x8x1024xf32, #tpu.memory_space<vmem>>, vector<1x1x16xf32>,
        %get3A_1152 = arith.constant 2 : i32
        %get3A_1153 = arith.index_cast %get3A_1152 : i32 to index
        %get3A_1154 = arith.index_cast %scan3A_347 : i32 to index
        %get3A_1155 = arith.constant 992 : index
        %get3A_1156 = tpu.vector_load %arg8[%get3A_1153, %get3A_1154, %get3A_1155] {strides = array<i32>} : memref<4x8x1024xf32, #tpu.memory_space<vmem>>, vector<1x1x16xf32>,
        %get3A_1157 = vector.shape_cast %get3A_1156 : vector<1x1x16xf32> to vector<16xf32>
        %swap3A_1158 = arith.constant 2 : i32
        %swap3A_1159 = arith.index_cast %swap3A_1158 : i32 to index
        %swap3A_1160 = arith.index_cast %scan3A_347 : i32 to index
        %swap3A_1161 = arith.constant 992 : index
        %swap3A_1162 = tpu.vector_load %arg7[%swap3A_1159, %swap3A_1160, %swap3A_1161] {strides = array<i32>} : memref<4x8x1024xf32, #tpu.memory_space<vmem>>, vector<1x1x16xf32>,
        %swap3A_1163 = vector.shape_cast %swap3A_1162 : vector<1x1x16xf32> to vector<16xf32>
        %swap3A_1164 = vector.shape_cast %get3A_1157 : vector<16xf32> to vector<1x1x16xf32>
        tpu.vector_store %arg7[%swap3A_1159, %swap3A_1160, %swap3A_1161], %swap3A_1164 {add = true, strides = array<i32>} : memref<4x8x1024xf32, #tpu.memory_space<vmem>>, vector<1x1x16xf32>,
        %get3A_1165 = arith.constant 2 : i32
        %get3A_1166 = arith.index_cast %get3A_1165 : i32 to index
        %get3A_1167 = arith.index_cast %scan3A_347 : i32 to index
        %get3A_1168 = arith.constant 1008 : index
        %get3A_1169 = tpu.vector_load %arg8[%get3A_1166, %get3A_1167, %get3A_1168] {strides = array<i32>} : memref<4x8x1024xf32, #tpu.memory_space<vmem>>, vector<1x1x16xf32>,
        %get3A_1170 = vector.shape_cast %get3A_1169 : vector<1x1x16xf32> to vector<16xf32>
        %swap3A_1171 = arith.constant 2 : i32
        %swap3A_1172 = arith.index_cast %swap3A_1171 : i32 to index
        %swap3A_1173 = arith.index_cast %scan3A_347 : i32 to index
        %swap3A_1174 = arith.constant 1008 : index
        %swap3A_1175 = tpu.vector_load %arg7[%swap3A_1172, %swap3A_1173, %swap3A_1174] {strides = array<i32>} : memref<4x8x1024xf32, #tpu.memory_space<vmem>>, vector<1x1x16xf32>,
        %swap3A_1176 = vector.shape_cast %swap3A_1175 : vector<1x1x16xf32> to vector<16xf32>
        %swap3A_1177 = vector.shape_cast %get3A_1170 : vector<16xf32> to vector<1x1x16xf32>
        tpu.vector_store %arg7[%swap3A_1172, %swap3A_1173, %swap3A_1174], %swap3A_1177 {add = true, strides = array<i32>} : memref<4x8x1024xf32, #tpu.memory_space<vmem>>, vector<1x1x16xf32>,
      }
      %scan3A_265 = arith.constant 8 : i32
      %mul3A_266 = arith.constant 8 : i32
      %mul3A_267 = arith.muli %add3A_220, %mul3A_266 : i32
      %add3A_268 = arith.addi %mul3A_2, %mul3A_267 : i32
      %dma_start3A_269 = arith.constant 2 : i32
      %dma_start3A_270 = arith.constant 0 : i32
      %dma_start3A_271 = arith.constant 0 : i32
      %dma_start3A_272 = tpu.memref_slice %arg7[%dma_start3A_269, %dma_start3A_270, %dma_start3A_271] : memref<4x8x1024xf32, #tpu.memory_space<vmem>> -> memref<1x8x1024xf32, #tpu.memory_space<vmem>>
      %dma_start3A_273 = tpu.memref_squeeze %dma_start3A_272 : memref<1x8x1024xf32, #tpu.memory_space<vmem>> -> memref<8x1024xf32, #tpu.memory_space<vmem>>
      %dma_start3A_274 = arith.constant 0 : i32
      %dma_start3A_275 = tpu.memref_slice %arg5[%add3A_268, %dma_start3A_274] : memref<32768x1024xf32, #tpu.memory_space<hbm>> -> memref<8x1024xf32, #tpu.memory_space<hbm>>
      %dma_start3A_276 = arith.constant 0 : i32
      %dma_start3A_277 = tpu.memref_slice %arg5[%add3A_268, %dma_start3A_276] : memref<32768x1024xf32, #tpu.memory_space<hbm>> -> memref<8x1024xf32, #tpu.memory_space<hbm>>
      %dma_start3A_278 = arith.constant 0 : i32
      %dma_start3A_279 = arith.constant 0 : i32
      %dma_start3A_280 = tpu.memref_slice %arg7[%dma_start3A_269, %dma_start3A_278, %dma_start3A_279] : memref<4x8x1024xf32, #tpu.memory_space<vmem>> -> memref<1x8x1024xf32, #tpu.memory_space<vmem>>
      %dma_start3A_281 = tpu.memref_squeeze %dma_start3A_280 : memref<1x8x1024xf32, #tpu.memory_space<vmem>> -> memref<8x1024xf32, #tpu.memory_space<vmem>>
      tpu.enqueue_dma source(%dma_start3A_281 : memref<8x1024xf32, #tpu.memory_space<vmem>>) target(%dma_start3A_277 : memref<8x1024xf32, #tpu.memory_space<hbm>>) target_semaphore(%arg19 : memref<!tpu.dma_semaphore, #tpu.memory_space<semaphore_mem>>)
      %mul3A_282 = arith.constant 4 : i32
      %mul3A_283 = arith.muli %mul3A_282, %scan3A_90 : i32
      %add3A_284 = arith.constant 3 : i32
      %add3A_285 = arith.addi %mul3A_283, %add3A_284 : i32
      %ge3A_286 = arith.constant 2 : i32
      %ge3A_287 = arith.cmpi sge, %add3A_285, %ge3A_286 : i32
      %convert_element_type3A_288 = arith.extui %ge3A_287 : i1 to i32
      %cond3A_289 = arith.constant 0 : i32
      %cond3A_290 = arith.cmpi ne, %convert_element_type3A_288, %cond3A_289 : i32
      scf.if %cond3A_290 {
        %sub3A = arith.constant 2 : i32
        %sub3A_347 = arith.subi %add3A_285, %sub3A : i32
        %mul3A_348 = arith.constant 8 : i32
        %mul3A_349 = arith.muli %sub3A_347, %mul3A_348 : i32
        %add3A_350 = arith.addi %mul3A_2, %mul3A_349 : i32
        %dma_wait3A_351 = arith.constant 1 : i32
        %dma_wait3A_352 = arith.constant 0 : i32
        %dma_wait3A_353 = arith.constant 0 : i32
        %dma_wait3A_354 = tpu.memref_slice %arg7[%dma_wait3A_351, %dma_wait3A_352, %dma_wait3A_353] : memref<4x8x1024xf32, #tpu.memory_space<vmem>> -> memref<1x8x1024xf32, #tpu.memory_space<vmem>>
        %dma_wait3A_355 = tpu.memref_squeeze %dma_wait3A_354 : memref<1x8x1024xf32, #tpu.memory_space<vmem>> -> memref<8x1024xf32, #tpu.memory_space<vmem>>
        %dma_wait3A_356 = arith.constant 0 : i32
        %dma_wait3A_357 = tpu.memref_slice %arg5[%add3A_350, %dma_wait3A_356] : memref<32768x1024xf32, #tpu.memory_space<hbm>> -> memref<8x1024xf32, #tpu.memory_space<hbm>>
        %dma_wait3A_358 = arith.constant 0 : i32
        %dma_wait3A_359 = tpu.memref_slice %arg5[%add3A_350, %dma_wait3A_358] : memref<32768x1024xf32, #tpu.memory_space<hbm>> -> memref<8x1024xf32, #tpu.memory_space<hbm>>
        %dma_wait3A_360 = arith.constant 0 : i32
        %dma_wait3A_361 = arith.constant 0 : i32
        %dma_wait3A_362 = tpu.memref_slice %arg7[%dma_wait3A_351, %dma_wait3A_360, %dma_wait3A_361] : memref<4x8x1024xf32, #tpu.memory_space<vmem>> -> memref<1x8x1024xf32, #tpu.memory_space<vmem>>
        %dma_wait3A_363 = tpu.memref_squeeze %dma_wait3A_362 : memref<1x8x1024xf32, #tpu.memory_space<vmem>> -> memref<8x1024xf32, #tpu.memory_space<vmem>>
        tpu.wait_dma2 semaphore(%arg18 : memref<!tpu.dma_semaphore, #tpu.memory_space<semaphore_mem>>) src(%dma_wait3A_363 : memref<8x1024xf32, #tpu.memory_space<vmem>>) dst(%dma_wait3A_359 : memref<8x1024xf32, #tpu.memory_space<hbm>>)
      } else {
      }
      %add3A_291 = arith.constant 2 : i32
      %add3A_292 = arith.addi %add3A_285, %add3A_291 : i32
      %lt3A_293 = arith.constant 128 : i32
      %lt3A_294 = arith.cmpi slt, %add3A_292, %lt3A_293 : i32
      %convert_element_type3A_295 = arith.extui %lt3A_294 : i1 to i32
      %cond3A_296 = arith.constant 0 : i32
      %cond3A_297 = arith.cmpi ne, %convert_element_type3A_295, %cond3A_296 : i32
      scf.if %cond3A_297 {
        %add3A_347 = arith.constant 2 : i32
        %add3A_348 = arith.addi %add3A_285, %add3A_347 : i32
        %mul3A_349 = arith.constant 8 : i32
        %mul3A_350 = arith.muli %add3A_348, %mul3A_349 : i32
        %add3A_351 = arith.addi %mul3A_2, %mul3A_350 : i32
        %mul3A_352 = arith.constant 8 : i32
        %mul3A_353 = arith.muli %add3A_348, %mul3A_352 : i32
        %dma_start3A_354 = arith.constant 1 : i32
        %dma_start3A_355 = arith.constant 0 : i32
        %dma_start3A_356 = arith.constant 0 : i32
        %dma_start3A_357 = tpu.memref_slice %arg8[%dma_start3A_354, %dma_start3A_355, %dma_start3A_356] : memref<4x8x1024xf32, #tpu.memory_space<vmem>> -> memref<1x8x1024xf32, #tpu.memory_space<vmem>>
        %dma_start3A_358 = tpu.memref_squeeze %dma_start3A_357 : memref<1x8x1024xf32, #tpu.memory_space<vmem>> -> memref<8x1024xf32, #tpu.memory_space<vmem>>
        %dma_start3A_359 = tpu.memref_slice %arg6[%mul3A_353] : memref<1024xi32, #tpu.memory_space<vmem>> -> memref<8xi32, #tpu.memory_space<vmem>>
        %dma_start3A_360 = arith.constant 0 : i32
        %dma_start3A_361 = arith.constant 0 : i32
        %dma_start3A_362 = tpu.memref_slice %arg4[%dma_start3A_360, %dma_start3A_361] : memref<8192x1024xf32, #tpu.memory_space<hbm>> -> memref<8192x1024xf32, #tpu.memory_space<hbm>>
        tpu.enqueue_indirect_dma source(%dma_start3A_362 : memref<8192x1024xf32, #tpu.memory_space<hbm>>) target(%dma_start3A_358 : memref<8x1024xf32, #tpu.memory_space<vmem>>) offsets(%dma_start3A_359 : memref<8xi32, #tpu.memory_space<vmem>>) semaphore(%arg14 : memref<!tpu.dma_semaphore, #tpu.memory_space<semaphore_mem>>)
        %dma_start3A_363 = arith.constant 1 : i32
        %dma_start3A_364 = arith.constant 0 : i32
        %dma_start3A_365 = arith.constant 0 : i32
        %dma_start3A_366 = tpu.memref_slice %arg7[%dma_start3A_363, %dma_start3A_364, %dma_start3A_365] : memref<4x8x1024xf32, #tpu.memory_space<vmem>> -> memref<1x8x1024xf32, #tpu.memory_space<vmem>>
        %dma_start3A_367 = tpu.memref_squeeze %dma_start3A_366 : memref<1x8x1024xf32, #tpu.memory_space<vmem>> -> memref<8x1024xf32, #tpu.memory_space<vmem>>
        %dma_start3A_368 = arith.constant 0 : i32
        %dma_start3A_369 = tpu.memref_slice %arg2[%add3A_351, %dma_start3A_368] : memref<32768x1024xf32, #tpu.memory_space<hbm>> -> memref<8x1024xf32, #tpu.memory_space<hbm>>
        %dma_start3A_370 = arith.constant 0 : i32
        %dma_start3A_371 = arith.constant 0 : i32
        %dma_start3A_372 = tpu.memref_slice %arg7[%dma_start3A_363, %dma_start3A_370, %dma_start3A_371] : memref<4x8x1024xf32, #tpu.memory_space<vmem>> -> memref<1x8x1024xf32, #tpu.memory_space<vmem>>
        %dma_start3A_373 = tpu.memref_squeeze %dma_start3A_372 : memref<1x8x1024xf32, #tpu.memory_space<vmem>> -> memref<8x1024xf32, #tpu.memory_space<vmem>>
        %dma_start3A_374 = arith.constant 0 : i32
        %dma_start3A_375 = tpu.memref_slice %arg2[%add3A_351, %dma_start3A_374] : memref<32768x1024xf32, #tpu.memory_space<hbm>> -> memref<8x1024xf32, #tpu.memory_space<hbm>>
        tpu.enqueue_dma source(%dma_start3A_375 : memref<8x1024xf32, #tpu.memory_space<hbm>>) target(%dma_start3A_373 : memref<8x1024xf32, #tpu.memory_space<vmem>>) target_semaphore(%arg10 : memref<!tpu.dma_semaphore, #tpu.memory_space<semaphore_mem>>)
      } else {
      }
      %mul3A_298 = arith.constant 8 : i32
      %mul3A_299 = arith.muli %add3A_285, %mul3A_298 : i32
      %add3A_300 = arith.addi %mul3A_2, %mul3A_299 : i32
      %dma_wait3A_301 = arith.constant 3 : i32
      %dma_wait3A_302 = arith.constant 0 : i32
      %dma_wait3A_303 = arith.constant 0 : i32
      %dma_wait3A_304 = tpu.memref_slice %arg7[%dma_wait3A_301, %dma_wait3A_302, %dma_wait3A_303] : memref<4x8x1024xf32, #tpu.memory_space<vmem>> -> memref<1x8x1024xf32, #tpu.memory_space<vmem>>
      %dma_wait3A_305 = tpu.memref_squeeze %dma_wait3A_304 : memref<1x8x1024xf32, #tpu.memory_space<vmem>> -> memref<8x1024xf32, #tpu.memory_space<vmem>>
      %dma_wait3A_306 = arith.constant 0 : i32
      %dma_wait3A_307 = tpu.memref_slice %arg2[%add3A_300, %dma_wait3A_306] : memref<32768x1024xf32, #tpu.memory_space<hbm>> -> memref<8x1024xf32, #tpu.memory_space<hbm>>
      %dma_wait3A_308 = arith.constant 0 : i32
      %dma_wait3A_309 = arith.constant 0 : i32
      %dma_wait3A_310 = tpu.memref_slice %arg7[%dma_wait3A_301, %dma_wait3A_308, %dma_wait3A_309] : memref<4x8x1024xf32, #tpu.memory_space<vmem>> -> memref<1x8x1024xf32, #tpu.memory_space<vmem>>
      %dma_wait3A_311 = tpu.memref_squeeze %dma_wait3A_310 : memref<1x8x1024xf32, #tpu.memory_space<vmem>> -> memref<8x1024xf32, #tpu.memory_space<vmem>>
      %dma_wait3A_312 = arith.constant 0 : i32
      %dma_wait3A_313 = tpu.memref_slice %arg2[%add3A_300, %dma_wait3A_312] : memref<32768x1024xf32, #tpu.memory_space<hbm>> -> memref<8x1024xf32, #tpu.memory_space<hbm>>
      tpu.wait_dma2 semaphore(%arg12 : memref<!tpu.dma_semaphore, #tpu.memory_space<semaphore_mem>>) src(%dma_wait3A_313 : memref<8x1024xf32, #tpu.memory_space<hbm>>) dst(%dma_wait3A_311 : memref<8x1024xf32, #tpu.memory_space<vmem>>)
      %mul3A_314 = arith.constant 8 : i32
      %mul3A_315 = arith.muli %add3A_285, %mul3A_314 : i32
      %dma_wait3A_316 = arith.constant 3 : i32
      %dma_wait3A_317 = arith.constant 0 : i32
      %dma_wait3A_318 = arith.constant 0 : i32
      %dma_wait3A_319 = tpu.memref_slice %arg8[%dma_wait3A_316, %dma_wait3A_317, %dma_wait3A_318] : memref<4x8x1024xf32, #tpu.memory_space<vmem>> -> memref<1x8x1024xf32, #tpu.memory_space<vmem>>
      %dma_wait3A_320 = tpu.memref_squeeze %dma_wait3A_319 : memref<1x8x1024xf32, #tpu.memory_space<vmem>> -> memref<8x1024xf32, #tpu.memory_space<vmem>>
      %dma_wait3A_321 = tpu.memref_slice %arg6[%mul3A_315] : memref<1024xi32, #tpu.memory_space<vmem>> -> memref<8xi32, #tpu.memory_space<vmem>>
      %dma_wait3A_322 = arith.constant 0 : i32
      %dma_wait3A_323 = arith.constant 0 : i32
      %dma_wait3A_324 = tpu.memref_slice %arg4[%dma_wait3A_322, %dma_wait3A_323] : memref<8192x1024xf32, #tpu.memory_space<hbm>> -> memref<8192x1024xf32, #tpu.memory_space<hbm>>
      tpu.wait_indirect_dma semaphore(%arg16 : memref<!tpu.dma_semaphore, #tpu.memory_space<semaphore_mem>>) src(%dma_wait3A_324 : memref<8192x1024xf32, #tpu.memory_space<hbm>>) dst(%dma_wait3A_320 : memref<8x1024xf32, #tpu.memory_space<vmem>>)
      %scan3A_325 = arith.constant 0 : i32
      %scan3A_326 = arith.constant 0 : i32
      %scan3A_327 = arith.constant 8 : i32
      %scan3A_328 = arith.addi %scan3A_326, %scan3A_327 : i32
      %scan3A_329 = arith.constant 1 : i32
      scf.for %scan3A_347 = %scan3A_326 to %scan3A_328 step %scan3A_329  : i32 {
        %get3A = arith.constant 3 : i32
        %get3A_348 = arith.index_cast %get3A : i32 to index
        %get3A_349 = arith.index_cast %scan3A_347 : i32 to index
        %get3A_350 = arith.constant 0 : index
        %get3A_351 = tpu.vector_load %arg8[%get3A_348, %get3A_349, %get3A_350] {strides = array<i32>} : memref<4x8x1024xf32, #tpu.memory_space<vmem>>, vector<1x1x16xf32>,
        %get3A_352 = vector.shape_cast %get3A_351 : vector<1x1x16xf32> to vector<16xf32>
        %swap3A = arith.constant 3 : i32
        %swap3A_353 = arith.index_cast %swap3A : i32 to index
        %swap3A_354 = arith.index_cast %scan3A_347 : i32 to index
        %swap3A_355 = arith.constant 0 : index
        %swap3A_356 = tpu.vector_load %arg7[%swap3A_353, %swap3A_354, %swap3A_355] {strides = array<i32>} : memref<4x8x1024xf32, #tpu.memory_space<vmem>>, vector<1x1x16xf32>,
        %swap3A_357 = vector.shape_cast %swap3A_356 : vector<1x1x16xf32> to vector<16xf32>
        %swap3A_358 = vector.shape_cast %get3A_352 : vector<16xf32> to vector<1x1x16xf32>
        tpu.vector_store %arg7[%swap3A_353, %swap3A_354, %swap3A_355], %swap3A_358 {add = true, strides = array<i32>} : memref<4x8x1024xf32, #tpu.memory_space<vmem>>, vector<1x1x16xf32>,
        %get3A_359 = arith.constant 3 : i32
        %get3A_360 = arith.index_cast %get3A_359 : i32 to index
        %get3A_361 = arith.index_cast %scan3A_347 : i32 to index
        %get3A_362 = arith.constant 16 : index
        %get3A_363 = tpu.vector_load %arg8[%get3A_360, %get3A_361, %get3A_362] {strides = array<i32>} : memref<4x8x1024xf32, #tpu.memory_space<vmem>>, vector<1x1x16xf32>,
        %get3A_364 = vector.shape_cast %get3A_363 : vector<1x1x16xf32> to vector<16xf32>
        %swap3A_365 = arith.constant 3 : i32
        %swap3A_366 = arith.index_cast %swap3A_365 : i32 to index
        %swap3A_367 = arith.index_cast %scan3A_347 : i32 to index
        %swap3A_368 = arith.constant 16 : index
        %swap3A_369 = tpu.vector_load %arg7[%swap3A_366, %swap3A_367, %swap3A_368] {strides = array<i32>} : memref<4x8x1024xf32, #tpu.memory_space<vmem>>, vector<1x1x16xf32>,
        %swap3A_370 = vector.shape_cast %swap3A_369 : vector<1x1x16xf32> to vector<16xf32>
        %swap3A_371 = vector.shape_cast %get3A_364 : vector<16xf32> to vector<1x1x16xf32>
        tpu.vector_store %arg7[%swap3A_366, %swap3A_367, %swap3A_368], %swap3A_371 {add = true, strides = array<i32>} : memref<4x8x1024xf32, #tpu.memory_space<vmem>>, vector<1x1x16xf32>,
        %get3A_372 = arith.constant 3 : i32
        %get3A_373 = arith.index_cast %get3A_372 : i32 to index
        %get3A_374 = arith.index_cast %scan3A_347 : i32 to index
        %get3A_375 = arith.constant 32 : index
        %get3A_376 = tpu.vector_load %arg8[%get3A_373, %get3A_374, %get3A_375] {strides = array<i32>} : memref<4x8x1024xf32, #tpu.memory_space<vmem>>, vector<1x1x16xf32>,
        %get3A_377 = vector.shape_cast %get3A_376 : vector<1x1x16xf32> to vector<16xf32>
        %swap3A_378 = arith.constant 3 : i32
        %swap3A_379 = arith.index_cast %swap3A_378 : i32 to index
        %swap3A_380 = arith.index_cast %scan3A_347 : i32 to index
        %swap3A_381 = arith.constant 32 : index
        %swap3A_382 = tpu.vector_load %arg7[%swap3A_379, %swap3A_380, %swap3A_381] {strides = array<i32>} : memref<4x8x1024xf32, #tpu.memory_space<vmem>>, vector<1x1x16xf32>,
        %swap3A_383 = vector.shape_cast %swap3A_382 : vector<1x1x16xf32> to vector<16xf32>
        %swap3A_384 = vector.shape_cast %get3A_377 : vector<16xf32> to vector<1x1x16xf32>
        tpu.vector_store %arg7[%swap3A_379, %swap3A_380, %swap3A_381], %swap3A_384 {add = true, strides = array<i32>} : memref<4x8x1024xf32, #tpu.memory_space<vmem>>, vector<1x1x16xf32>,
        %get3A_385 = arith.constant 3 : i32
        %get3A_386 = arith.index_cast %get3A_385 : i32 to index
        %get3A_387 = arith.index_cast %scan3A_347 : i32 to index
        %get3A_388 = arith.constant 48 : index
        %get3A_389 = tpu.vector_load %arg8[%get3A_386, %get3A_387, %get3A_388] {strides = array<i32>} : memref<4x8x1024xf32, #tpu.memory_space<vmem>>, vector<1x1x16xf32>,
        %get3A_390 = vector.shape_cast %get3A_389 : vector<1x1x16xf32> to vector<16xf32>
        %swap3A_391 = arith.constant 3 : i32
        %swap3A_392 = arith.index_cast %swap3A_391 : i32 to index
        %swap3A_393 = arith.index_cast %scan3A_347 : i32 to index
        %swap3A_394 = arith.constant 48 : index
        %swap3A_395 = tpu.vector_load %arg7[%swap3A_392, %swap3A_393, %swap3A_394] {strides = array<i32>} : memref<4x8x1024xf32, #tpu.memory_space<vmem>>, vector<1x1x16xf32>,
        %swap3A_396 = vector.shape_cast %swap3A_395 : vector<1x1x16xf32> to vector<16xf32>
        %swap3A_397 = vector.shape_cast %get3A_390 : vector<16xf32> to vector<1x1x16xf32>
        tpu.vector_store %arg7[%swap3A_392, %swap3A_393, %swap3A_394], %swap3A_397 {add = true, strides = array<i32>} : memref<4x8x1024xf32, #tpu.memory_space<vmem>>, vector<1x1x16xf32>,
        %get3A_398 = arith.constant 3 : i32
        %get3A_399 = arith.index_cast %get3A_398 : i32 to index
        %get3A_400 = arith.index_cast %scan3A_347 : i32 to index
        %get3A_401 = arith.constant 64 : index
        %get3A_402 = tpu.vector_load %arg8[%get3A_399, %get3A_400, %get3A_401] {strides = array<i32>} : memref<4x8x1024xf32, #tpu.memory_space<vmem>>, vector<1x1x16xf32>,
        %get3A_403 = vector.shape_cast %get3A_402 : vector<1x1x16xf32> to vector<16xf32>
        %swap3A_404 = arith.constant 3 : i32
        %swap3A_405 = arith.index_cast %swap3A_404 : i32 to index
        %swap3A_406 = arith.index_cast %scan3A_347 : i32 to index
        %swap3A_407 = arith.constant 64 : index
        %swap3A_408 = tpu.vector_load %arg7[%swap3A_405, %swap3A_406, %swap3A_407] {strides = array<i32>} : memref<4x8x1024xf32, #tpu.memory_space<vmem>>, vector<1x1x16xf32>,
        %swap3A_409 = vector.shape_cast %swap3A_408 : vector<1x1x16xf32> to vector<16xf32>
        %swap3A_410 = vector.shape_cast %get3A_403 : vector<16xf32> to vector<1x1x16xf32>
        tpu.vector_store %arg7[%swap3A_405, %swap3A_406, %swap3A_407], %swap3A_410 {add = true, strides = array<i32>} : memref<4x8x1024xf32, #tpu.memory_space<vmem>>, vector<1x1x16xf32>,
        %get3A_411 = arith.constant 3 : i32
        %get3A_412 = arith.index_cast %get3A_411 : i32 to index
        %get3A_413 = arith.index_cast %scan3A_347 : i32 to index
        %get3A_414 = arith.constant 80 : index
        %get3A_415 = tpu.vector_load %arg8[%get3A_412, %get3A_413, %get3A_414] {strides = array<i32>} : memref<4x8x1024xf32, #tpu.memory_space<vmem>>, vector<1x1x16xf32>,
        %get3A_416 = vector.shape_cast %get3A_415 : vector<1x1x16xf32> to vector<16xf32>
        %swap3A_417 = arith.constant 3 : i32
        %swap3A_418 = arith.index_cast %swap3A_417 : i32 to index
        %swap3A_419 = arith.index_cast %scan3A_347 : i32 to index
        %swap3A_420 = arith.constant 80 : index
        %swap3A_421 = tpu.vector_load %arg7[%swap3A_418, %swap3A_419, %swap3A_420] {strides = array<i32>} : memref<4x8x1024xf32, #tpu.memory_space<vmem>>, vector<1x1x16xf32>,
        %swap3A_422 = vector.shape_cast %swap3A_421 : vector<1x1x16xf32> to vector<16xf32>
        %swap3A_423 = vector.shape_cast %get3A_416 : vector<16xf32> to vector<1x1x16xf32>
        tpu.vector_store %arg7[%swap3A_418, %swap3A_419, %swap3A_420], %swap3A_423 {add = true, strides = array<i32>} : memref<4x8x1024xf32, #tpu.memory_space<vmem>>, vector<1x1x16xf32>,
        %get3A_424 = arith.constant 3 : i32
        %get3A_425 = arith.index_cast %get3A_424 : i32 to index
        %get3A_426 = arith.index_cast %scan3A_347 : i32 to index
        %get3A_427 = arith.constant 96 : index
        %get3A_428 = tpu.vector_load %arg8[%get3A_425, %get3A_426, %get3A_427] {strides = array<i32>} : memref<4x8x1024xf32, #tpu.memory_space<vmem>>, vector<1x1x16xf32>,
        %get3A_429 = vector.shape_cast %get3A_428 : vector<1x1x16xf32> to vector<16xf32>
        %swap3A_430 = arith.constant 3 : i32
        %swap3A_431 = arith.index_cast %swap3A_430 : i32 to index
        %swap3A_432 = arith.index_cast %scan3A_347 : i32 to index
        %swap3A_433 = arith.constant 96 : index
        %swap3A_434 = tpu.vector_load %arg7[%swap3A_431, %swap3A_432, %swap3A_433] {strides = array<i32>} : memref<4x8x1024xf32, #tpu.memory_space<vmem>>, vector<1x1x16xf32>,
        %swap3A_435 = vector.shape_cast %swap3A_434 : vector<1x1x16xf32> to vector<16xf32>
        %swap3A_436 = vector.shape_cast %get3A_429 : vector<16xf32> to vector<1x1x16xf32>
        tpu.vector_store %arg7[%swap3A_431, %swap3A_432, %swap3A_433], %swap3A_436 {add = true, strides = array<i32>} : memref<4x8x1024xf32, #tpu.memory_space<vmem>>, vector<1x1x16xf32>,
        %get3A_437 = arith.constant 3 : i32
        %get3A_438 = arith.index_cast %get3A_437 : i32 to index
        %get3A_439 = arith.index_cast %scan3A_347 : i32 to index
        %get3A_440 = arith.constant 112 : index
        %get3A_441 = tpu.vector_load %arg8[%get3A_438, %get3A_439, %get3A_440] {strides = array<i32>} : memref<4x8x1024xf32, #tpu.memory_space<vmem>>, vector<1x1x16xf32>,
        %get3A_442 = vector.shape_cast %get3A_441 : vector<1x1x16xf32> to vector<16xf32>
        %swap3A_443 = arith.constant 3 : i32
        %swap3A_444 = arith.index_cast %swap3A_443 : i32 to index
        %swap3A_445 = arith.index_cast %scan3A_347 : i32 to index
        %swap3A_446 = arith.constant 112 : index
        %swap3A_447 = tpu.vector_load %arg7[%swap3A_444, %swap3A_445, %swap3A_446] {strides = array<i32>} : memref<4x8x1024xf32, #tpu.memory_space<vmem>>, vector<1x1x16xf32>,
        %swap3A_448 = vector.shape_cast %swap3A_447 : vector<1x1x16xf32> to vector<16xf32>
        %swap3A_449 = vector.shape_cast %get3A_442 : vector<16xf32> to vector<1x1x16xf32>
        tpu.vector_store %arg7[%swap3A_444, %swap3A_445, %swap3A_446], %swap3A_449 {add = true, strides = array<i32>} : memref<4x8x1024xf32, #tpu.memory_space<vmem>>, vector<1x1x16xf32>,
        %get3A_450 = arith.constant 3 : i32
        %get3A_451 = arith.index_cast %get3A_450 : i32 to index
        %get3A_452 = arith.index_cast %scan3A_347 : i32 to index
        %get3A_453 = arith.constant 128 : index
        %get3A_454 = tpu.vector_load %arg8[%get3A_451, %get3A_452, %get3A_453] {strides = array<i32>} : memref<4x8x1024xf32, #tpu.memory_space<vmem>>, vector<1x1x16xf32>,
        %get3A_455 = vector.shape_cast %get3A_454 : vector<1x1x16xf32> to vector<16xf32>
        %swap3A_456 = arith.constant 3 : i32
        %swap3A_457 = arith.index_cast %swap3A_456 : i32 to index
        %swap3A_458 = arith.index_cast %scan3A_347 : i32 to index
        %swap3A_459 = arith.constant 128 : index
        %swap3A_460 = tpu.vector_load %arg7[%swap3A_457, %swap3A_458, %swap3A_459] {strides = array<i32>} : memref<4x8x1024xf32, #tpu.memory_space<vmem>>, vector<1x1x16xf32>,
        %swap3A_461 = vector.shape_cast %swap3A_460 : vector<1x1x16xf32> to vector<16xf32>
        %swap3A_462 = vector.shape_cast %get3A_455 : vector<16xf32> to vector<1x1x16xf32>
        tpu.vector_store %arg7[%swap3A_457, %swap3A_458, %swap3A_459], %swap3A_462 {add = true, strides = array<i32>} : memref<4x8x1024xf32, #tpu.memory_space<vmem>>, vector<1x1x16xf32>,
        %get3A_463 = arith.constant 3 : i32
        %get3A_464 = arith.index_cast %get3A_463 : i32 to index
        %get3A_465 = arith.index_cast %scan3A_347 : i32 to index
        %get3A_466 = arith.constant 144 : index
        %get3A_467 = tpu.vector_load %arg8[%get3A_464, %get3A_465, %get3A_466] {strides = array<i32>} : memref<4x8x1024xf32, #tpu.memory_space<vmem>>, vector<1x1x16xf32>,
        %get3A_468 = vector.shape_cast %get3A_467 : vector<1x1x16xf32> to vector<16xf32>
        %swap3A_469 = arith.constant 3 : i32
        %swap3A_470 = arith.index_cast %swap3A_469 : i32 to index
        %swap3A_471 = arith.index_cast %scan3A_347 : i32 to index
        %swap3A_472 = arith.constant 144 : index
        %swap3A_473 = tpu.vector_load %arg7[%swap3A_470, %swap3A_471, %swap3A_472] {strides = array<i32>} : memref<4x8x1024xf32, #tpu.memory_space<vmem>>, vector<1x1x16xf32>,
        %swap3A_474 = vector.shape_cast %swap3A_473 : vector<1x1x16xf32> to vector<16xf32>
        %swap3A_475 = vector.shape_cast %get3A_468 : vector<16xf32> to vector<1x1x16xf32>
        tpu.vector_store %arg7[%swap3A_470, %swap3A_471, %swap3A_472], %swap3A_475 {add = true, strides = array<i32>} : memref<4x8x1024xf32, #tpu.memory_space<vmem>>, vector<1x1x16xf32>,
        %get3A_476 = arith.constant 3 : i32
        %get3A_477 = arith.index_cast %get3A_476 : i32 to index
        %get3A_478 = arith.index_cast %scan3A_347 : i32 to index
        %get3A_479 = arith.constant 160 : index
        %get3A_480 = tpu.vector_load %arg8[%get3A_477, %get3A_478, %get3A_479] {strides = array<i32>} : memref<4x8x1024xf32, #tpu.memory_space<vmem>>, vector<1x1x16xf32>,
        %get3A_481 = vector.shape_cast %get3A_480 : vector<1x1x16xf32> to vector<16xf32>
        %swap3A_482 = arith.constant 3 : i32
        %swap3A_483 = arith.index_cast %swap3A_482 : i32 to index
        %swap3A_484 = arith.index_cast %scan3A_347 : i32 to index
        %swap3A_485 = arith.constant 160 : index
        %swap3A_486 = tpu.vector_load %arg7[%swap3A_483, %swap3A_484, %swap3A_485] {strides = array<i32>} : memref<4x8x1024xf32, #tpu.memory_space<vmem>>, vector<1x1x16xf32>,
        %swap3A_487 = vector.shape_cast %swap3A_486 : vector<1x1x16xf32> to vector<16xf32>
        %swap3A_488 = vector.shape_cast %get3A_481 : vector<16xf32> to vector<1x1x16xf32>
        tpu.vector_store %arg7[%swap3A_483, %swap3A_484, %swap3A_485], %swap3A_488 {add = true, strides = array<i32>} : memref<4x8x1024xf32, #tpu.memory_space<vmem>>, vector<1x1x16xf32>,
        %get3A_489 = arith.constant 3 : i32
        %get3A_490 = arith.index_cast %get3A_489 : i32 to index
        %get3A_491 = arith.index_cast %scan3A_347 : i32 to index
        %get3A_492 = arith.constant 176 : index
        %get3A_493 = tpu.vector_load %arg8[%get3A_490, %get3A_491, %get3A_492] {strides = array<i32>} : memref<4x8x1024xf32, #tpu.memory_space<vmem>>, vector<1x1x16xf32>,
        %get3A_494 = vector.shape_cast %get3A_493 : vector<1x1x16xf32> to vector<16xf32>
        %swap3A_495 = arith.constant 3 : i32
        %swap3A_496 = arith.index_cast %swap3A_495 : i32 to index
        %swap3A_497 = arith.index_cast %scan3A_347 : i32 to index
        %swap3A_498 = arith.constant 176 : index
        %swap3A_499 = tpu.vector_load %arg7[%swap3A_496, %swap3A_497, %swap3A_498] {strides = array<i32>} : memref<4x8x1024xf32, #tpu.memory_space<vmem>>, vector<1x1x16xf32>,
        %swap3A_500 = vector.shape_cast %swap3A_499 : vector<1x1x16xf32> to vector<16xf32>
        %swap3A_501 = vector.shape_cast %get3A_494 : vector<16xf32> to vector<1x1x16xf32>
        tpu.vector_store %arg7[%swap3A_496, %swap3A_497, %swap3A_498], %swap3A_501 {add = true, strides = array<i32>} : memref<4x8x1024xf32, #tpu.memory_space<vmem>>, vector<1x1x16xf32>,
        %get3A_502 = arith.constant 3 : i32
        %get3A_503 = arith.index_cast %get3A_502 : i32 to index
        %get3A_504 = arith.index_cast %scan3A_347 : i32 to index
        %get3A_505 = arith.constant 192 : index
        %get3A_506 = tpu.vector_load %arg8[%get3A_503, %get3A_504, %get3A_505] {strides = array<i32>} : memref<4x8x1024xf32, #tpu.memory_space<vmem>>, vector<1x1x16xf32>,
        %get3A_507 = vector.shape_cast %get3A_506 : vector<1x1x16xf32> to vector<16xf32>
        %swap3A_508 = arith.constant 3 : i32
        %swap3A_509 = arith.index_cast %swap3A_508 : i32 to index
        %swap3A_510 = arith.index_cast %scan3A_347 : i32 to index
        %swap3A_511 = arith.constant 192 : index
        %swap3A_512 = tpu.vector_load %arg7[%swap3A_509, %swap3A_510, %swap3A_511] {strides = array<i32>} : memref<4x8x1024xf32, #tpu.memory_space<vmem>>, vector<1x1x16xf32>,
        %swap3A_513 = vector.shape_cast %swap3A_512 : vector<1x1x16xf32> to vector<16xf32>
        %swap3A_514 = vector.shape_cast %get3A_507 : vector<16xf32> to vector<1x1x16xf32>
        tpu.vector_store %arg7[%swap3A_509, %swap3A_510, %swap3A_511], %swap3A_514 {add = true, strides = array<i32>} : memref<4x8x1024xf32, #tpu.memory_space<vmem>>, vector<1x1x16xf32>,
        %get3A_515 = arith.constant 3 : i32
        %get3A_516 = arith.index_cast %get3A_515 : i32 to index
        %get3A_517 = arith.index_cast %scan3A_347 : i32 to index
        %get3A_518 = arith.constant 208 : index
        %get3A_519 = tpu.vector_load %arg8[%get3A_516, %get3A_517, %get3A_518] {strides = array<i32>} : memref<4x8x1024xf32, #tpu.memory_space<vmem>>, vector<1x1x16xf32>,
        %get3A_520 = vector.shape_cast %get3A_519 : vector<1x1x16xf32> to vector<16xf32>
        %swap3A_521 = arith.constant 3 : i32
        %swap3A_522 = arith.index_cast %swap3A_521 : i32 to index
        %swap3A_523 = arith.index_cast %scan3A_347 : i32 to index
        %swap3A_524 = arith.constant 208 : index
        %swap3A_525 = tpu.vector_load %arg7[%swap3A_522, %swap3A_523, %swap3A_524] {strides = array<i32>} : memref<4x8x1024xf32, #tpu.memory_space<vmem>>, vector<1x1x16xf32>,
        %swap3A_526 = vector.shape_cast %swap3A_525 : vector<1x1x16xf32> to vector<16xf32>
        %swap3A_527 = vector.shape_cast %get3A_520 : vector<16xf32> to vector<1x1x16xf32>
        tpu.vector_store %arg7[%swap3A_522, %swap3A_523, %swap3A_524], %swap3A_527 {add = true, strides = array<i32>} : memref<4x8x1024xf32, #tpu.memory_space<vmem>>, vector<1x1x16xf32>,
        %get3A_528 = arith.constant 3 : i32
        %get3A_529 = arith.index_cast %get3A_528 : i32 to index
        %get3A_530 = arith.index_cast %scan3A_347 : i32 to index
        %get3A_531 = arith.constant 224 : index
        %get3A_532 = tpu.vector_load %arg8[%get3A_529, %get3A_530, %get3A_531] {strides = array<i32>} : memref<4x8x1024xf32, #tpu.memory_space<vmem>>, vector<1x1x16xf32>,
        %get3A_533 = vector.shape_cast %get3A_532 : vector<1x1x16xf32> to vector<16xf32>
        %swap3A_534 = arith.constant 3 : i32
        %swap3A_535 = arith.index_cast %swap3A_534 : i32 to index
        %swap3A_536 = arith.index_cast %scan3A_347 : i32 to index
        %swap3A_537 = arith.constant 224 : index
        %swap3A_538 = tpu.vector_load %arg7[%swap3A_535, %swap3A_536, %swap3A_537] {strides = array<i32>} : memref<4x8x1024xf32, #tpu.memory_space<vmem>>, vector<1x1x16xf32>,
        %swap3A_539 = vector.shape_cast %swap3A_538 : vector<1x1x16xf32> to vector<16xf32>
        %swap3A_540 = vector.shape_cast %get3A_533 : vector<16xf32> to vector<1x1x16xf32>
        tpu.vector_store %arg7[%swap3A_535, %swap3A_536, %swap3A_537], %swap3A_540 {add = true, strides = array<i32>} : memref<4x8x1024xf32, #tpu.memory_space<vmem>>, vector<1x1x16xf32>,
        %get3A_541 = arith.constant 3 : i32
        %get3A_542 = arith.index_cast %get3A_541 : i32 to index
        %get3A_543 = arith.index_cast %scan3A_347 : i32 to index
        %get3A_544 = arith.constant 240 : index
        %get3A_545 = tpu.vector_load %arg8[%get3A_542, %get3A_543, %get3A_544] {strides = array<i32>} : memref<4x8x1024xf32, #tpu.memory_space<vmem>>, vector<1x1x16xf32>,
        %get3A_546 = vector.shape_cast %get3A_545 : vector<1x1x16xf32> to vector<16xf32>
        %swap3A_547 = arith.constant 3 : i32
        %swap3A_548 = arith.index_cast %swap3A_547 : i32 to index
        %swap3A_549 = arith.index_cast %scan3A_347 : i32 to index
        %swap3A_550 = arith.constant 240 : index
        %swap3A_551 = tpu.vector_load %arg7[%swap3A_548, %swap3A_549, %swap3A_550] {strides = array<i32>} : memref<4x8x1024xf32, #tpu.memory_space<vmem>>, vector<1x1x16xf32>,
        %swap3A_552 = vector.shape_cast %swap3A_551 : vector<1x1x16xf32> to vector<16xf32>
        %swap3A_553 = vector.shape_cast %get3A_546 : vector<16xf32> to vector<1x1x16xf32>
        tpu.vector_store %arg7[%swap3A_548, %swap3A_549, %swap3A_550], %swap3A_553 {add = true, strides = array<i32>} : memref<4x8x1024xf32, #tpu.memory_space<vmem>>, vector<1x1x16xf32>,
        %get3A_554 = arith.constant 3 : i32
        %get3A_555 = arith.index_cast %get3A_554 : i32 to index
        %get3A_556 = arith.index_cast %scan3A_347 : i32 to index
        %get3A_557 = arith.constant 256 : index
        %get3A_558 = tpu.vector_load %arg8[%get3A_555, %get3A_556, %get3A_557] {strides = array<i32>} : memref<4x8x1024xf32, #tpu.memory_space<vmem>>, vector<1x1x16xf32>,
        %get3A_559 = vector.shape_cast %get3A_558 : vector<1x1x16xf32> to vector<16xf32>
        %swap3A_560 = arith.constant 3 : i32
        %swap3A_561 = arith.index_cast %swap3A_560 : i32 to index
        %swap3A_562 = arith.index_cast %scan3A_347 : i32 to index
        %swap3A_563 = arith.constant 256 : index
        %swap3A_564 = tpu.vector_load %arg7[%swap3A_561, %swap3A_562, %swap3A_563] {strides = array<i32>} : memref<4x8x1024xf32, #tpu.memory_space<vmem>>, vector<1x1x16xf32>,
        %swap3A_565 = vector.shape_cast %swap3A_564 : vector<1x1x16xf32> to vector<16xf32>
        %swap3A_566 = vector.shape_cast %get3A_559 : vector<16xf32> to vector<1x1x16xf32>
        tpu.vector_store %arg7[%swap3A_561, %swap3A_562, %swap3A_563], %swap3A_566 {add = true, strides = array<i32>} : memref<4x8x1024xf32, #tpu.memory_space<vmem>>, vector<1x1x16xf32>,
        %get3A_567 = arith.constant 3 : i32
        %get3A_568 = arith.index_cast %get3A_567 : i32 to index
        %get3A_569 = arith.index_cast %scan3A_347 : i32 to index
        %get3A_570 = arith.constant 272 : index
        %get3A_571 = tpu.vector_load %arg8[%get3A_568, %get3A_569, %get3A_570] {strides = array<i32>} : memref<4x8x1024xf32, #tpu.memory_space<vmem>>, vector<1x1x16xf32>,
        %get3A_572 = vector.shape_cast %get3A_571 : vector<1x1x16xf32> to vector<16xf32>
        %swap3A_573 = arith.constant 3 : i32
        %swap3A_574 = arith.index_cast %swap3A_573 : i32 to index
        %swap3A_575 = arith.index_cast %scan3A_347 : i32 to index
        %swap3A_576 = arith.constant 272 : index
        %swap3A_577 = tpu.vector_load %arg7[%swap3A_574, %swap3A_575, %swap3A_576] {strides = array<i32>} : memref<4x8x1024xf32, #tpu.memory_space<vmem>>, vector<1x1x16xf32>,
        %swap3A_578 = vector.shape_cast %swap3A_577 : vector<1x1x16xf32> to vector<16xf32>
        %swap3A_579 = vector.shape_cast %get3A_572 : vector<16xf32> to vector<1x1x16xf32>
        tpu.vector_store %arg7[%swap3A_574, %swap3A_575, %swap3A_576], %swap3A_579 {add = true, strides = array<i32>} : memref<4x8x1024xf32, #tpu.memory_space<vmem>>, vector<1x1x16xf32>,
        %get3A_580 = arith.constant 3 : i32
        %get3A_581 = arith.index_cast %get3A_580 : i32 to index
        %get3A_582 = arith.index_cast %scan3A_347 : i32 to index
        %get3A_583 = arith.constant 288 : index
        %get3A_584 = tpu.vector_load %arg8[%get3A_581, %get3A_582, %get3A_583] {strides = array<i32>} : memref<4x8x1024xf32, #tpu.memory_space<vmem>>, vector<1x1x16xf32>,
        %get3A_585 = vector.shape_cast %get3A_584 : vector<1x1x16xf32> to vector<16xf32>
        %swap3A_586 = arith.constant 3 : i32
        %swap3A_587 = arith.index_cast %swap3A_586 : i32 to index
        %swap3A_588 = arith.index_cast %scan3A_347 : i32 to index
        %swap3A_589 = arith.constant 288 : index
        %swap3A_590 = tpu.vector_load %arg7[%swap3A_587, %swap3A_588, %swap3A_589] {strides = array<i32>} : memref<4x8x1024xf32, #tpu.memory_space<vmem>>, vector<1x1x16xf32>,
        %swap3A_591 = vector.shape_cast %swap3A_590 : vector<1x1x16xf32> to vector<16xf32>
        %swap3A_592 = vector.shape_cast %get3A_585 : vector<16xf32> to vector<1x1x16xf32>
        tpu.vector_store %arg7[%swap3A_587, %swap3A_588, %swap3A_589], %swap3A_592 {add = true, strides = array<i32>} : memref<4x8x1024xf32, #tpu.memory_space<vmem>>, vector<1x1x16xf32>,
        %get3A_593 = arith.constant 3 : i32
        %get3A_594 = arith.index_cast %get3A_593 : i32 to index
        %get3A_595 = arith.index_cast %scan3A_347 : i32 to index
        %get3A_596 = arith.constant 304 : index
        %get3A_597 = tpu.vector_load %arg8[%get3A_594, %get3A_595, %get3A_596] {strides = array<i32>} : memref<4x8x1024xf32, #tpu.memory_space<vmem>>, vector<1x1x16xf32>,
        %get3A_598 = vector.shape_cast %get3A_597 : vector<1x1x16xf32> to vector<16xf32>
        %swap3A_599 = arith.constant 3 : i32
        %swap3A_600 = arith.index_cast %swap3A_599 : i32 to index
        %swap3A_601 = arith.index_cast %scan3A_347 : i32 to index
        %swap3A_602 = arith.constant 304 : index
        %swap3A_603 = tpu.vector_load %arg7[%swap3A_600, %swap3A_601, %swap3A_602] {strides = array<i32>} : memref<4x8x1024xf32, #tpu.memory_space<vmem>>, vector<1x1x16xf32>,
        %swap3A_604 = vector.shape_cast %swap3A_603 : vector<1x1x16xf32> to vector<16xf32>
        %swap3A_605 = vector.shape_cast %get3A_598 : vector<16xf32> to vector<1x1x16xf32>
        tpu.vector_store %arg7[%swap3A_600, %swap3A_601, %swap3A_602], %swap3A_605 {add = true, strides = array<i32>} : memref<4x8x1024xf32, #tpu.memory_space<vmem>>, vector<1x1x16xf32>,
        %get3A_606 = arith.constant 3 : i32
        %get3A_607 = arith.index_cast %get3A_606 : i32 to index
        %get3A_608 = arith.index_cast %scan3A_347 : i32 to index
        %get3A_609 = arith.constant 320 : index
        %get3A_610 = tpu.vector_load %arg8[%get3A_607, %get3A_608, %get3A_609] {strides = array<i32>} : memref<4x8x1024xf32, #tpu.memory_space<vmem>>, vector<1x1x16xf32>,
        %get3A_611 = vector.shape_cast %get3A_610 : vector<1x1x16xf32> to vector<16xf32>
        %swap3A_612 = arith.constant 3 : i32
        %swap3A_613 = arith.index_cast %swap3A_612 : i32 to index
        %swap3A_614 = arith.index_cast %scan3A_347 : i32 to index
        %swap3A_615 = arith.constant 320 : index
        %swap3A_616 = tpu.vector_load %arg7[%swap3A_613, %swap3A_614, %swap3A_615] {strides = array<i32>} : memref<4x8x1024xf32, #tpu.memory_space<vmem>>, vector<1x1x16xf32>,
        %swap3A_617 = vector.shape_cast %swap3A_616 : vector<1x1x16xf32> to vector<16xf32>
        %swap3A_618 = vector.shape_cast %get3A_611 : vector<16xf32> to vector<1x1x16xf32>
        tpu.vector_store %arg7[%swap3A_613, %swap3A_614, %swap3A_615], %swap3A_618 {add = true, strides = array<i32>} : memref<4x8x1024xf32, #tpu.memory_space<vmem>>, vector<1x1x16xf32>,
        %get3A_619 = arith.constant 3 : i32
        %get3A_620 = arith.index_cast %get3A_619 : i32 to index
        %get3A_621 = arith.index_cast %scan3A_347 : i32 to index
        %get3A_622 = arith.constant 336 : index
        %get3A_623 = tpu.vector_load %arg8[%get3A_620, %get3A_621, %get3A_622] {strides = array<i32>} : memref<4x8x1024xf32, #tpu.memory_space<vmem>>, vector<1x1x16xf32>,
        %get3A_624 = vector.shape_cast %get3A_623 : vector<1x1x16xf32> to vector<16xf32>
        %swap3A_625 = arith.constant 3 : i32
        %swap3A_626 = arith.index_cast %swap3A_625 : i32 to index
        %swap3A_627 = arith.index_cast %scan3A_347 : i32 to index
        %swap3A_628 = arith.constant 336 : index
        %swap3A_629 = tpu.vector_load %arg7[%swap3A_626, %swap3A_627, %swap3A_628] {strides = array<i32>} : memref<4x8x1024xf32, #tpu.memory_space<vmem>>, vector<1x1x16xf32>,
        %swap3A_630 = vector.shape_cast %swap3A_629 : vector<1x1x16xf32> to vector<16xf32>
        %swap3A_631 = vector.shape_cast %get3A_624 : vector<16xf32> to vector<1x1x16xf32>
        tpu.vector_store %arg7[%swap3A_626, %swap3A_627, %swap3A_628], %swap3A_631 {add = true, strides = array<i32>} : memref<4x8x1024xf32, #tpu.memory_space<vmem>>, vector<1x1x16xf32>,
        %get3A_632 = arith.constant 3 : i32
        %get3A_633 = arith.index_cast %get3A_632 : i32 to index
        %get3A_634 = arith.index_cast %scan3A_347 : i32 to index
        %get3A_635 = arith.constant 352 : index
        %get3A_636 = tpu.vector_load %arg8[%get3A_633, %get3A_634, %get3A_635] {strides = array<i32>} : memref<4x8x1024xf32, #tpu.memory_space<vmem>>, vector<1x1x16xf32>,
        %get3A_637 = vector.shape_cast %get3A_636 : vector<1x1x16xf32> to vector<16xf32>
        %swap3A_638 = arith.constant 3 : i32
        %swap3A_639 = arith.index_cast %swap3A_638 : i32 to index
        %swap3A_640 = arith.index_cast %scan3A_347 : i32 to index
        %swap3A_641 = arith.constant 352 : index
        %swap3A_642 = tpu.vector_load %arg7[%swap3A_639, %swap3A_640, %swap3A_641] {strides = array<i32>} : memref<4x8x1024xf32, #tpu.memory_space<vmem>>, vector<1x1x16xf32>,
        %swap3A_643 = vector.shape_cast %swap3A_642 : vector<1x1x16xf32> to vector<16xf32>
        %swap3A_644 = vector.shape_cast %get3A_637 : vector<16xf32> to vector<1x1x16xf32>
        tpu.vector_store %arg7[%swap3A_639, %swap3A_640, %swap3A_641], %swap3A_644 {add = true, strides = array<i32>} : memref<4x8x1024xf32, #tpu.memory_space<vmem>>, vector<1x1x16xf32>,
        %get3A_645 = arith.constant 3 : i32
        %get3A_646 = arith.index_cast %get3A_645 : i32 to index
        %get3A_647 = arith.index_cast %scan3A_347 : i32 to index
        %get3A_648 = arith.constant 368 : index
        %get3A_649 = tpu.vector_load %arg8[%get3A_646, %get3A_647, %get3A_648] {strides = array<i32>} : memref<4x8x1024xf32, #tpu.memory_space<vmem>>, vector<1x1x16xf32>,
        %get3A_650 = vector.shape_cast %get3A_649 : vector<1x1x16xf32> to vector<16xf32>
        %swap3A_651 = arith.constant 3 : i32
        %swap3A_652 = arith.index_cast %swap3A_651 : i32 to index
        %swap3A_653 = arith.index_cast %scan3A_347 : i32 to index
        %swap3A_654 = arith.constant 368 : index
        %swap3A_655 = tpu.vector_load %arg7[%swap3A_652, %swap3A_653, %swap3A_654] {strides = array<i32>} : memref<4x8x1024xf32, #tpu.memory_space<vmem>>, vector<1x1x16xf32>,
        %swap3A_656 = vector.shape_cast %swap3A_655 : vector<1x1x16xf32> to vector<16xf32>
        %swap3A_657 = vector.shape_cast %get3A_650 : vector<16xf32> to vector<1x1x16xf32>
        tpu.vector_store %arg7[%swap3A_652, %swap3A_653, %swap3A_654], %swap3A_657 {add = true, strides = array<i32>} : memref<4x8x1024xf32, #tpu.memory_space<vmem>>, vector<1x1x16xf32>,
        %get3A_658 = arith.constant 3 : i32
        %get3A_659 = arith.index_cast %get3A_658 : i32 to index
        %get3A_660 = arith.index_cast %scan3A_347 : i32 to index
        %get3A_661 = arith.constant 384 : index
        %get3A_662 = tpu.vector_load %arg8[%get3A_659, %get3A_660, %get3A_661] {strides = array<i32>} : memref<4x8x1024xf32, #tpu.memory_space<vmem>>, vector<1x1x16xf32>,
        %get3A_663 = vector.shape_cast %get3A_662 : vector<1x1x16xf32> to vector<16xf32>
        %swap3A_664 = arith.constant 3 : i32
        %swap3A_665 = arith.index_cast %swap3A_664 : i32 to index
        %swap3A_666 = arith.index_cast %scan3A_347 : i32 to index
        %swap3A_667 = arith.constant 384 : index
        %swap3A_668 = tpu.vector_load %arg7[%swap3A_665, %swap3A_666, %swap3A_667] {strides = array<i32>} : memref<4x8x1024xf32, #tpu.memory_space<vmem>>, vector<1x1x16xf32>,
        %swap3A_669 = vector.shape_cast %swap3A_668 : vector<1x1x16xf32> to vector<16xf32>
        %swap3A_670 = vector.shape_cast %get3A_663 : vector<16xf32> to vector<1x1x16xf32>
        tpu.vector_store %arg7[%swap3A_665, %swap3A_666, %swap3A_667], %swap3A_670 {add = true, strides = array<i32>} : memref<4x8x1024xf32, #tpu.memory_space<vmem>>, vector<1x1x16xf32>,
        %get3A_671 = arith.constant 3 : i32
        %get3A_672 = arith.index_cast %get3A_671 : i32 to index
        %get3A_673 = arith.index_cast %scan3A_347 : i32 to index
        %get3A_674 = arith.constant 400 : index
        %get3A_675 = tpu.vector_load %arg8[%get3A_672, %get3A_673, %get3A_674] {strides = array<i32>} : memref<4x8x1024xf32, #tpu.memory_space<vmem>>, vector<1x1x16xf32>,
        %get3A_676 = vector.shape_cast %get3A_675 : vector<1x1x16xf32> to vector<16xf32>
        %swap3A_677 = arith.constant 3 : i32
        %swap3A_678 = arith.index_cast %swap3A_677 : i32 to index
        %swap3A_679 = arith.index_cast %scan3A_347 : i32 to index
        %swap3A_680 = arith.constant 400 : index
        %swap3A_681 = tpu.vector_load %arg7[%swap3A_678, %swap3A_679, %swap3A_680] {strides = array<i32>} : memref<4x8x1024xf32, #tpu.memory_space<vmem>>, vector<1x1x16xf32>,
        %swap3A_682 = vector.shape_cast %swap3A_681 : vector<1x1x16xf32> to vector<16xf32>
        %swap3A_683 = vector.shape_cast %get3A_676 : vector<16xf32> to vector<1x1x16xf32>
        tpu.vector_store %arg7[%swap3A_678, %swap3A_679, %swap3A_680], %swap3A_683 {add = true, strides = array<i32>} : memref<4x8x1024xf32, #tpu.memory_space<vmem>>, vector<1x1x16xf32>,
        %get3A_684 = arith.constant 3 : i32
        %get3A_685 = arith.index_cast %get3A_684 : i32 to index
        %get3A_686 = arith.index_cast %scan3A_347 : i32 to index
        %get3A_687 = arith.constant 416 : index
        %get3A_688 = tpu.vector_load %arg8[%get3A_685, %get3A_686, %get3A_687] {strides = array<i32>} : memref<4x8x1024xf32, #tpu.memory_space<vmem>>, vector<1x1x16xf32>,
        %get3A_689 = vector.shape_cast %get3A_688 : vector<1x1x16xf32> to vector<16xf32>
        %swap3A_690 = arith.constant 3 : i32
        %swap3A_691 = arith.index_cast %swap3A_690 : i32 to index
        %swap3A_692 = arith.index_cast %scan3A_347 : i32 to index
        %swap3A_693 = arith.constant 416 : index
        %swap3A_694 = tpu.vector_load %arg7[%swap3A_691, %swap3A_692, %swap3A_693] {strides = array<i32>} : memref<4x8x1024xf32, #tpu.memory_space<vmem>>, vector<1x1x16xf32>,
        %swap3A_695 = vector.shape_cast %swap3A_694 : vector<1x1x16xf32> to vector<16xf32>
        %swap3A_696 = vector.shape_cast %get3A_689 : vector<16xf32> to vector<1x1x16xf32>
        tpu.vector_store %arg7[%swap3A_691, %swap3A_692, %swap3A_693], %swap3A_696 {add = true, strides = array<i32>} : memref<4x8x1024xf32, #tpu.memory_space<vmem>>, vector<1x1x16xf32>,
        %get3A_697 = arith.constant 3 : i32
        %get3A_698 = arith.index_cast %get3A_697 : i32 to index
        %get3A_699 = arith.index_cast %scan3A_347 : i32 to index
        %get3A_700 = arith.constant 432 : index
        %get3A_701 = tpu.vector_load %arg8[%get3A_698, %get3A_699, %get3A_700] {strides = array<i32>} : memref<4x8x1024xf32, #tpu.memory_space<vmem>>, vector<1x1x16xf32>,
        %get3A_702 = vector.shape_cast %get3A_701 : vector<1x1x16xf32> to vector<16xf32>
        %swap3A_703 = arith.constant 3 : i32
        %swap3A_704 = arith.index_cast %swap3A_703 : i32 to index
        %swap3A_705 = arith.index_cast %scan3A_347 : i32 to index
        %swap3A_706 = arith.constant 432 : index
        %swap3A_707 = tpu.vector_load %arg7[%swap3A_704, %swap3A_705, %swap3A_706] {strides = array<i32>} : memref<4x8x1024xf32, #tpu.memory_space<vmem>>, vector<1x1x16xf32>,
        %swap3A_708 = vector.shape_cast %swap3A_707 : vector<1x1x16xf32> to vector<16xf32>
        %swap3A_709 = vector.shape_cast %get3A_702 : vector<16xf32> to vector<1x1x16xf32>
        tpu.vector_store %arg7[%swap3A_704, %swap3A_705, %swap3A_706], %swap3A_709 {add = true, strides = array<i32>} : memref<4x8x1024xf32, #tpu.memory_space<vmem>>, vector<1x1x16xf32>,
        %get3A_710 = arith.constant 3 : i32
        %get3A_711 = arith.index_cast %get3A_710 : i32 to index
        %get3A_712 = arith.index_cast %scan3A_347 : i32 to index
        %get3A_713 = arith.constant 448 : index
        %get3A_714 = tpu.vector_load %arg8[%get3A_711, %get3A_712, %get3A_713] {strides = array<i32>} : memref<4x8x1024xf32, #tpu.memory_space<vmem>>, vector<1x1x16xf32>,
        %get3A_715 = vector.shape_cast %get3A_714 : vector<1x1x16xf32> to vector<16xf32>
        %swap3A_716 = arith.constant 3 : i32
        %swap3A_717 = arith.index_cast %swap3A_716 : i32 to index
        %swap3A_718 = arith.index_cast %scan3A_347 : i32 to index
        %swap3A_719 = arith.constant 448 : index
        %swap3A_720 = tpu.vector_load %arg7[%swap3A_717, %swap3A_718, %swap3A_719] {strides = array<i32>} : memref<4x8x1024xf32, #tpu.memory_space<vmem>>, vector<1x1x16xf32>,
        %swap3A_721 = vector.shape_cast %swap3A_720 : vector<1x1x16xf32> to vector<16xf32>
        %swap3A_722 = vector.shape_cast %get3A_715 : vector<16xf32> to vector<1x1x16xf32>
        tpu.vector_store %arg7[%swap3A_717, %swap3A_718, %swap3A_719], %swap3A_722 {add = true, strides = array<i32>} : memref<4x8x1024xf32, #tpu.memory_space<vmem>>, vector<1x1x16xf32>,
        %get3A_723 = arith.constant 3 : i32
        %get3A_724 = arith.index_cast %get3A_723 : i32 to index
        %get3A_725 = arith.index_cast %scan3A_347 : i32 to index
        %get3A_726 = arith.constant 464 : index
        %get3A_727 = tpu.vector_load %arg8[%get3A_724, %get3A_725, %get3A_726] {strides = array<i32>} : memref<4x8x1024xf32, #tpu.memory_space<vmem>>, vector<1x1x16xf32>,
        %get3A_728 = vector.shape_cast %get3A_727 : vector<1x1x16xf32> to vector<16xf32>
        %swap3A_729 = arith.constant 3 : i32
        %swap3A_730 = arith.index_cast %swap3A_729 : i32 to index
        %swap3A_731 = arith.index_cast %scan3A_347 : i32 to index
        %swap3A_732 = arith.constant 464 : index
        %swap3A_733 = tpu.vector_load %arg7[%swap3A_730, %swap3A_731, %swap3A_732] {strides = array<i32>} : memref<4x8x1024xf32, #tpu.memory_space<vmem>>, vector<1x1x16xf32>,
        %swap3A_734 = vector.shape_cast %swap3A_733 : vector<1x1x16xf32> to vector<16xf32>
        %swap3A_735 = vector.shape_cast %get3A_728 : vector<16xf32> to vector<1x1x16xf32>
        tpu.vector_store %arg7[%swap3A_730, %swap3A_731, %swap3A_732], %swap3A_735 {add = true, strides = array<i32>} : memref<4x8x1024xf32, #tpu.memory_space<vmem>>, vector<1x1x16xf32>,
        %get3A_736 = arith.constant 3 : i32
        %get3A_737 = arith.index_cast %get3A_736 : i32 to index
        %get3A_738 = arith.index_cast %scan3A_347 : i32 to index
        %get3A_739 = arith.constant 480 : index
        %get3A_740 = tpu.vector_load %arg8[%get3A_737, %get3A_738, %get3A_739] {strides = array<i32>} : memref<4x8x1024xf32, #tpu.memory_space<vmem>>, vector<1x1x16xf32>,
        %get3A_741 = vector.shape_cast %get3A_740 : vector<1x1x16xf32> to vector<16xf32>
        %swap3A_742 = arith.constant 3 : i32
        %swap3A_743 = arith.index_cast %swap3A_742 : i32 to index
        %swap3A_744 = arith.index_cast %scan3A_347 : i32 to index
        %swap3A_745 = arith.constant 480 : index
        %swap3A_746 = tpu.vector_load %arg7[%swap3A_743, %swap3A_744, %swap3A_745] {strides = array<i32>} : memref<4x8x1024xf32, #tpu.memory_space<vmem>>, vector<1x1x16xf32>,
        %swap3A_747 = vector.shape_cast %swap3A_746 : vector<1x1x16xf32> to vector<16xf32>
        %swap3A_748 = vector.shape_cast %get3A_741 : vector<16xf32> to vector<1x1x16xf32>
        tpu.vector_store %arg7[%swap3A_743, %swap3A_744, %swap3A_745], %swap3A_748 {add = true, strides = array<i32>} : memref<4x8x1024xf32, #tpu.memory_space<vmem>>, vector<1x1x16xf32>,
        %get3A_749 = arith.constant 3 : i32
        %get3A_750 = arith.index_cast %get3A_749 : i32 to index
        %get3A_751 = arith.index_cast %scan3A_347 : i32 to index
        %get3A_752 = arith.constant 496 : index
        %get3A_753 = tpu.vector_load %arg8[%get3A_750, %get3A_751, %get3A_752] {strides = array<i32>} : memref<4x8x1024xf32, #tpu.memory_space<vmem>>, vector<1x1x16xf32>,
        %get3A_754 = vector.shape_cast %get3A_753 : vector<1x1x16xf32> to vector<16xf32>
        %swap3A_755 = arith.constant 3 : i32
        %swap3A_756 = arith.index_cast %swap3A_755 : i32 to index
        %swap3A_757 = arith.index_cast %scan3A_347 : i32 to index
        %swap3A_758 = arith.constant 496 : index
        %swap3A_759 = tpu.vector_load %arg7[%swap3A_756, %swap3A_757, %swap3A_758] {strides = array<i32>} : memref<4x8x1024xf32, #tpu.memory_space<vmem>>, vector<1x1x16xf32>,
        %swap3A_760 = vector.shape_cast %swap3A_759 : vector<1x1x16xf32> to vector<16xf32>
        %swap3A_761 = vector.shape_cast %get3A_754 : vector<16xf32> to vector<1x1x16xf32>
        tpu.vector_store %arg7[%swap3A_756, %swap3A_757, %swap3A_758], %swap3A_761 {add = true, strides = array<i32>} : memref<4x8x1024xf32, #tpu.memory_space<vmem>>, vector<1x1x16xf32>,
        %get3A_762 = arith.constant 3 : i32
        %get3A_763 = arith.index_cast %get3A_762 : i32 to index
        %get3A_764 = arith.index_cast %scan3A_347 : i32 to index
        %get3A_765 = arith.constant 512 : index
        %get3A_766 = tpu.vector_load %arg8[%get3A_763, %get3A_764, %get3A_765] {strides = array<i32>} : memref<4x8x1024xf32, #tpu.memory_space<vmem>>, vector<1x1x16xf32>,
        %get3A_767 = vector.shape_cast %get3A_766 : vector<1x1x16xf32> to vector<16xf32>
        %swap3A_768 = arith.constant 3 : i32
        %swap3A_769 = arith.index_cast %swap3A_768 : i32 to index
        %swap3A_770 = arith.index_cast %scan3A_347 : i32 to index
        %swap3A_771 = arith.constant 512 : index
        %swap3A_772 = tpu.vector_load %arg7[%swap3A_769, %swap3A_770, %swap3A_771] {strides = array<i32>} : memref<4x8x1024xf32, #tpu.memory_space<vmem>>, vector<1x1x16xf32>,
        %swap3A_773 = vector.shape_cast %swap3A_772 : vector<1x1x16xf32> to vector<16xf32>
        %swap3A_774 = vector.shape_cast %get3A_767 : vector<16xf32> to vector<1x1x16xf32>
        tpu.vector_store %arg7[%swap3A_769, %swap3A_770, %swap3A_771], %swap3A_774 {add = true, strides = array<i32>} : memref<4x8x1024xf32, #tpu.memory_space<vmem>>, vector<1x1x16xf32>,
        %get3A_775 = arith.constant 3 : i32
        %get3A_776 = arith.index_cast %get3A_775 : i32 to index
        %get3A_777 = arith.index_cast %scan3A_347 : i32 to index
        %get3A_778 = arith.constant 528 : index
        %get3A_779 = tpu.vector_load %arg8[%get3A_776, %get3A_777, %get3A_778] {strides = array<i32>} : memref<4x8x1024xf32, #tpu.memory_space<vmem>>, vector<1x1x16xf32>,
        %get3A_780 = vector.shape_cast %get3A_779 : vector<1x1x16xf32> to vector<16xf32>
        %swap3A_781 = arith.constant 3 : i32
        %swap3A_782 = arith.index_cast %swap3A_781 : i32 to index
        %swap3A_783 = arith.index_cast %scan3A_347 : i32 to index
        %swap3A_784 = arith.constant 528 : index
        %swap3A_785 = tpu.vector_load %arg7[%swap3A_782, %swap3A_783, %swap3A_784] {strides = array<i32>} : memref<4x8x1024xf32, #tpu.memory_space<vmem>>, vector<1x1x16xf32>,
        %swap3A_786 = vector.shape_cast %swap3A_785 : vector<1x1x16xf32> to vector<16xf32>
        %swap3A_787 = vector.shape_cast %get3A_780 : vector<16xf32> to vector<1x1x16xf32>
        tpu.vector_store %arg7[%swap3A_782, %swap3A_783, %swap3A_784], %swap3A_787 {add = true, strides = array<i32>} : memref<4x8x1024xf32, #tpu.memory_space<vmem>>, vector<1x1x16xf32>,
        %get3A_788 = arith.constant 3 : i32
        %get3A_789 = arith.index_cast %get3A_788 : i32 to index
        %get3A_790 = arith.index_cast %scan3A_347 : i32 to index
        %get3A_791 = arith.constant 544 : index
        %get3A_792 = tpu.vector_load %arg8[%get3A_789, %get3A_790, %get3A_791] {strides = array<i32>} : memref<4x8x1024xf32, #tpu.memory_space<vmem>>, vector<1x1x16xf32>,
        %get3A_793 = vector.shape_cast %get3A_792 : vector<1x1x16xf32> to vector<16xf32>
        %swap3A_794 = arith.constant 3 : i32
        %swap3A_795 = arith.index_cast %swap3A_794 : i32 to index
        %swap3A_796 = arith.index_cast %scan3A_347 : i32 to index
        %swap3A_797 = arith.constant 544 : index
        %swap3A_798 = tpu.vector_load %arg7[%swap3A_795, %swap3A_796, %swap3A_797] {strides = array<i32>} : memref<4x8x1024xf32, #tpu.memory_space<vmem>>, vector<1x1x16xf32>,
        %swap3A_799 = vector.shape_cast %swap3A_798 : vector<1x1x16xf32> to vector<16xf32>
        %swap3A_800 = vector.shape_cast %get3A_793 : vector<16xf32> to vector<1x1x16xf32>
        tpu.vector_store %arg7[%swap3A_795, %swap3A_796, %swap3A_797], %swap3A_800 {add = true, strides = array<i32>} : memref<4x8x1024xf32, #tpu.memory_space<vmem>>, vector<1x1x16xf32>,
        %get3A_801 = arith.constant 3 : i32
        %get3A_802 = arith.index_cast %get3A_801 : i32 to index
        %get3A_803 = arith.index_cast %scan3A_347 : i32 to index
        %get3A_804 = arith.constant 560 : index
        %get3A_805 = tpu.vector_load %arg8[%get3A_802, %get3A_803, %get3A_804] {strides = array<i32>} : memref<4x8x1024xf32, #tpu.memory_space<vmem>>, vector<1x1x16xf32>,
        %get3A_806 = vector.shape_cast %get3A_805 : vector<1x1x16xf32> to vector<16xf32>
        %swap3A_807 = arith.constant 3 : i32
        %swap3A_808 = arith.index_cast %swap3A_807 : i32 to index
        %swap3A_809 = arith.index_cast %scan3A_347 : i32 to index
        %swap3A_810 = arith.constant 560 : index
        %swap3A_811 = tpu.vector_load %arg7[%swap3A_808, %swap3A_809, %swap3A_810] {strides = array<i32>} : memref<4x8x1024xf32, #tpu.memory_space<vmem>>, vector<1x1x16xf32>,
        %swap3A_812 = vector.shape_cast %swap3A_811 : vector<1x1x16xf32> to vector<16xf32>
        %swap3A_813 = vector.shape_cast %get3A_806 : vector<16xf32> to vector<1x1x16xf32>
        tpu.vector_store %arg7[%swap3A_808, %swap3A_809, %swap3A_810], %swap3A_813 {add = true, strides = array<i32>} : memref<4x8x1024xf32, #tpu.memory_space<vmem>>, vector<1x1x16xf32>,
        %get3A_814 = arith.constant 3 : i32
        %get3A_815 = arith.index_cast %get3A_814 : i32 to index
        %get3A_816 = arith.index_cast %scan3A_347 : i32 to index
        %get3A_817 = arith.constant 576 : index
        %get3A_818 = tpu.vector_load %arg8[%get3A_815, %get3A_816, %get3A_817] {strides = array<i32>} : memref<4x8x1024xf32, #tpu.memory_space<vmem>>, vector<1x1x16xf32>,
        %get3A_819 = vector.shape_cast %get3A_818 : vector<1x1x16xf32> to vector<16xf32>
        %swap3A_820 = arith.constant 3 : i32
        %swap3A_821 = arith.index_cast %swap3A_820 : i32 to index
        %swap3A_822 = arith.index_cast %scan3A_347 : i32 to index
        %swap3A_823 = arith.constant 576 : index
        %swap3A_824 = tpu.vector_load %arg7[%swap3A_821, %swap3A_822, %swap3A_823] {strides = array<i32>} : memref<4x8x1024xf32, #tpu.memory_space<vmem>>, vector<1x1x16xf32>,
        %swap3A_825 = vector.shape_cast %swap3A_824 : vector<1x1x16xf32> to vector<16xf32>
        %swap3A_826 = vector.shape_cast %get3A_819 : vector<16xf32> to vector<1x1x16xf32>
        tpu.vector_store %arg7[%swap3A_821, %swap3A_822, %swap3A_823], %swap3A_826 {add = true, strides = array<i32>} : memref<4x8x1024xf32, #tpu.memory_space<vmem>>, vector<1x1x16xf32>,
        %get3A_827 = arith.constant 3 : i32
        %get3A_828 = arith.index_cast %get3A_827 : i32 to index
        %get3A_829 = arith.index_cast %scan3A_347 : i32 to index
        %get3A_830 = arith.constant 592 : index
        %get3A_831 = tpu.vector_load %arg8[%get3A_828, %get3A_829, %get3A_830] {strides = array<i32>} : memref<4x8x1024xf32, #tpu.memory_space<vmem>>, vector<1x1x16xf32>,
        %get3A_832 = vector.shape_cast %get3A_831 : vector<1x1x16xf32> to vector<16xf32>
        %swap3A_833 = arith.constant 3 : i32
        %swap3A_834 = arith.index_cast %swap3A_833 : i32 to index
        %swap3A_835 = arith.index_cast %scan3A_347 : i32 to index
        %swap3A_836 = arith.constant 592 : index
        %swap3A_837 = tpu.vector_load %arg7[%swap3A_834, %swap3A_835, %swap3A_836] {strides = array<i32>} : memref<4x8x1024xf32, #tpu.memory_space<vmem>>, vector<1x1x16xf32>,
        %swap3A_838 = vector.shape_cast %swap3A_837 : vector<1x1x16xf32> to vector<16xf32>
        %swap3A_839 = vector.shape_cast %get3A_832 : vector<16xf32> to vector<1x1x16xf32>
        tpu.vector_store %arg7[%swap3A_834, %swap3A_835, %swap3A_836], %swap3A_839 {add = true, strides = array<i32>} : memref<4x8x1024xf32, #tpu.memory_space<vmem>>, vector<1x1x16xf32>,
        %get3A_840 = arith.constant 3 : i32
        %get3A_841 = arith.index_cast %get3A_840 : i32 to index
        %get3A_842 = arith.index_cast %scan3A_347 : i32 to index
        %get3A_843 = arith.constant 608 : index
        %get3A_844 = tpu.vector_load %arg8[%get3A_841, %get3A_842, %get3A_843] {strides = array<i32>} : memref<4x8x1024xf32, #tpu.memory_space<vmem>>, vector<1x1x16xf32>,
        %get3A_845 = vector.shape_cast %get3A_844 : vector<1x1x16xf32> to vector<16xf32>
        %swap3A_846 = arith.constant 3 : i32
        %swap3A_847 = arith.index_cast %swap3A_846 : i32 to index
        %swap3A_848 = arith.index_cast %scan3A_347 : i32 to index
        %swap3A_849 = arith.constant 608 : index
        %swap3A_850 = tpu.vector_load %arg7[%swap3A_847, %swap3A_848, %swap3A_849] {strides = array<i32>} : memref<4x8x1024xf32, #tpu.memory_space<vmem>>, vector<1x1x16xf32>,
        %swap3A_851 = vector.shape_cast %swap3A_850 : vector<1x1x16xf32> to vector<16xf32>
        %swap3A_852 = vector.shape_cast %get3A_845 : vector<16xf32> to vector<1x1x16xf32>
        tpu.vector_store %arg7[%swap3A_847, %swap3A_848, %swap3A_849], %swap3A_852 {add = true, strides = array<i32>} : memref<4x8x1024xf32, #tpu.memory_space<vmem>>, vector<1x1x16xf32>,
        %get3A_853 = arith.constant 3 : i32
        %get3A_854 = arith.index_cast %get3A_853 : i32 to index
        %get3A_855 = arith.index_cast %scan3A_347 : i32 to index
        %get3A_856 = arith.constant 624 : index
        %get3A_857 = tpu.vector_load %arg8[%get3A_854, %get3A_855, %get3A_856] {strides = array<i32>} : memref<4x8x1024xf32, #tpu.memory_space<vmem>>, vector<1x1x16xf32>,
        %get3A_858 = vector.shape_cast %get3A_857 : vector<1x1x16xf32> to vector<16xf32>
        %swap3A_859 = arith.constant 3 : i32
        %swap3A_860 = arith.index_cast %swap3A_859 : i32 to index
        %swap3A_861 = arith.index_cast %scan3A_347 : i32 to index
        %swap3A_862 = arith.constant 624 : index
        %swap3A_863 = tpu.vector_load %arg7[%swap3A_860, %swap3A_861, %swap3A_862] {strides = array<i32>} : memref<4x8x1024xf32, #tpu.memory_space<vmem>>, vector<1x1x16xf32>,
        %swap3A_864 = vector.shape_cast %swap3A_863 : vector<1x1x16xf32> to vector<16xf32>
        %swap3A_865 = vector.shape_cast %get3A_858 : vector<16xf32> to vector<1x1x16xf32>
        tpu.vector_store %arg7[%swap3A_860, %swap3A_861, %swap3A_862], %swap3A_865 {add = true, strides = array<i32>} : memref<4x8x1024xf32, #tpu.memory_space<vmem>>, vector<1x1x16xf32>,
        %get3A_866 = arith.constant 3 : i32
        %get3A_867 = arith.index_cast %get3A_866 : i32 to index
        %get3A_868 = arith.index_cast %scan3A_347 : i32 to index
        %get3A_869 = arith.constant 640 : index
        %get3A_870 = tpu.vector_load %arg8[%get3A_867, %get3A_868, %get3A_869] {strides = array<i32>} : memref<4x8x1024xf32, #tpu.memory_space<vmem>>, vector<1x1x16xf32>,
        %get3A_871 = vector.shape_cast %get3A_870 : vector<1x1x16xf32> to vector<16xf32>
        %swap3A_872 = arith.constant 3 : i32
        %swap3A_873 = arith.index_cast %swap3A_872 : i32 to index
        %swap3A_874 = arith.index_cast %scan3A_347 : i32 to index
        %swap3A_875 = arith.constant 640 : index
        %swap3A_876 = tpu.vector_load %arg7[%swap3A_873, %swap3A_874, %swap3A_875] {strides = array<i32>} : memref<4x8x1024xf32, #tpu.memory_space<vmem>>, vector<1x1x16xf32>,
        %swap3A_877 = vector.shape_cast %swap3A_876 : vector<1x1x16xf32> to vector<16xf32>
        %swap3A_878 = vector.shape_cast %get3A_871 : vector<16xf32> to vector<1x1x16xf32>
        tpu.vector_store %arg7[%swap3A_873, %swap3A_874, %swap3A_875], %swap3A_878 {add = true, strides = array<i32>} : memref<4x8x1024xf32, #tpu.memory_space<vmem>>, vector<1x1x16xf32>,
        %get3A_879 = arith.constant 3 : i32
        %get3A_880 = arith.index_cast %get3A_879 : i32 to index
        %get3A_881 = arith.index_cast %scan3A_347 : i32 to index
        %get3A_882 = arith.constant 656 : index
        %get3A_883 = tpu.vector_load %arg8[%get3A_880, %get3A_881, %get3A_882] {strides = array<i32>} : memref<4x8x1024xf32, #tpu.memory_space<vmem>>, vector<1x1x16xf32>,
        %get3A_884 = vector.shape_cast %get3A_883 : vector<1x1x16xf32> to vector<16xf32>
        %swap3A_885 = arith.constant 3 : i32
        %swap3A_886 = arith.index_cast %swap3A_885 : i32 to index
        %swap3A_887 = arith.index_cast %scan3A_347 : i32 to index
        %swap3A_888 = arith.constant 656 : index
        %swap3A_889 = tpu.vector_load %arg7[%swap3A_886, %swap3A_887, %swap3A_888] {strides = array<i32>} : memref<4x8x1024xf32, #tpu.memory_space<vmem>>, vector<1x1x16xf32>,
        %swap3A_890 = vector.shape_cast %swap3A_889 : vector<1x1x16xf32> to vector<16xf32>
        %swap3A_891 = vector.shape_cast %get3A_884 : vector<16xf32> to vector<1x1x16xf32>
        tpu.vector_store %arg7[%swap3A_886, %swap3A_887, %swap3A_888], %swap3A_891 {add = true, strides = array<i32>} : memref<4x8x1024xf32, #tpu.memory_space<vmem>>, vector<1x1x16xf32>,
        %get3A_892 = arith.constant 3 : i32
        %get3A_893 = arith.index_cast %get3A_892 : i32 to index
        %get3A_894 = arith.index_cast %scan3A_347 : i32 to index
        %get3A_895 = arith.constant 672 : index
        %get3A_896 = tpu.vector_load %arg8[%get3A_893, %get3A_894, %get3A_895] {strides = array<i32>} : memref<4x8x1024xf32, #tpu.memory_space<vmem>>, vector<1x1x16xf32>,
        %get3A_897 = vector.shape_cast %get3A_896 : vector<1x1x16xf32> to vector<16xf32>
        %swap3A_898 = arith.constant 3 : i32
        %swap3A_899 = arith.index_cast %swap3A_898 : i32 to index
        %swap3A_900 = arith.index_cast %scan3A_347 : i32 to index
        %swap3A_901 = arith.constant 672 : index
        %swap3A_902 = tpu.vector_load %arg7[%swap3A_899, %swap3A_900, %swap3A_901] {strides = array<i32>} : memref<4x8x1024xf32, #tpu.memory_space<vmem>>, vector<1x1x16xf32>,
        %swap3A_903 = vector.shape_cast %swap3A_902 : vector<1x1x16xf32> to vector<16xf32>
        %swap3A_904 = vector.shape_cast %get3A_897 : vector<16xf32> to vector<1x1x16xf32>
        tpu.vector_store %arg7[%swap3A_899, %swap3A_900, %swap3A_901], %swap3A_904 {add = true, strides = array<i32>} : memref<4x8x1024xf32, #tpu.memory_space<vmem>>, vector<1x1x16xf32>,
        %get3A_905 = arith.constant 3 : i32
        %get3A_906 = arith.index_cast %get3A_905 : i32 to index
        %get3A_907 = arith.index_cast %scan3A_347 : i32 to index
        %get3A_908 = arith.constant 688 : index
        %get3A_909 = tpu.vector_load %arg8[%get3A_906, %get3A_907, %get3A_908] {strides = array<i32>} : memref<4x8x1024xf32, #tpu.memory_space<vmem>>, vector<1x1x16xf32>,
        %get3A_910 = vector.shape_cast %get3A_909 : vector<1x1x16xf32> to vector<16xf32>
        %swap3A_911 = arith.constant 3 : i32
        %swap3A_912 = arith.index_cast %swap3A_911 : i32 to index
        %swap3A_913 = arith.index_cast %scan3A_347 : i32 to index
        %swap3A_914 = arith.constant 688 : index
        %swap3A_915 = tpu.vector_load %arg7[%swap3A_912, %swap3A_913, %swap3A_914] {strides = array<i32>} : memref<4x8x1024xf32, #tpu.memory_space<vmem>>, vector<1x1x16xf32>,
        %swap3A_916 = vector.shape_cast %swap3A_915 : vector<1x1x16xf32> to vector<16xf32>
        %swap3A_917 = vector.shape_cast %get3A_910 : vector<16xf32> to vector<1x1x16xf32>
        tpu.vector_store %arg7[%swap3A_912, %swap3A_913, %swap3A_914], %swap3A_917 {add = true, strides = array<i32>} : memref<4x8x1024xf32, #tpu.memory_space<vmem>>, vector<1x1x16xf32>,
        %get3A_918 = arith.constant 3 : i32
        %get3A_919 = arith.index_cast %get3A_918 : i32 to index
        %get3A_920 = arith.index_cast %scan3A_347 : i32 to index
        %get3A_921 = arith.constant 704 : index
        %get3A_922 = tpu.vector_load %arg8[%get3A_919, %get3A_920, %get3A_921] {strides = array<i32>} : memref<4x8x1024xf32, #tpu.memory_space<vmem>>, vector<1x1x16xf32>,
        %get3A_923 = vector.shape_cast %get3A_922 : vector<1x1x16xf32> to vector<16xf32>
        %swap3A_924 = arith.constant 3 : i32
        %swap3A_925 = arith.index_cast %swap3A_924 : i32 to index
        %swap3A_926 = arith.index_cast %scan3A_347 : i32 to index
        %swap3A_927 = arith.constant 704 : index
        %swap3A_928 = tpu.vector_load %arg7[%swap3A_925, %swap3A_926, %swap3A_927] {strides = array<i32>} : memref<4x8x1024xf32, #tpu.memory_space<vmem>>, vector<1x1x16xf32>,
        %swap3A_929 = vector.shape_cast %swap3A_928 : vector<1x1x16xf32> to vector<16xf32>
        %swap3A_930 = vector.shape_cast %get3A_923 : vector<16xf32> to vector<1x1x16xf32>
        tpu.vector_store %arg7[%swap3A_925, %swap3A_926, %swap3A_927], %swap3A_930 {add = true, strides = array<i32>} : memref<4x8x1024xf32, #tpu.memory_space<vmem>>, vector<1x1x16xf32>,
        %get3A_931 = arith.constant 3 : i32
        %get3A_932 = arith.index_cast %get3A_931 : i32 to index
        %get3A_933 = arith.index_cast %scan3A_347 : i32 to index
        %get3A_934 = arith.constant 720 : index
        %get3A_935 = tpu.vector_load %arg8[%get3A_932, %get3A_933, %get3A_934] {strides = array<i32>} : memref<4x8x1024xf32, #tpu.memory_space<vmem>>, vector<1x1x16xf32>,
        %get3A_936 = vector.shape_cast %get3A_935 : vector<1x1x16xf32> to vector<16xf32>
        %swap3A_937 = arith.constant 3 : i32
        %swap3A_938 = arith.index_cast %swap3A_937 : i32 to index
        %swap3A_939 = arith.index_cast %scan3A_347 : i32 to index
        %swap3A_940 = arith.constant 720 : index
        %swap3A_941 = tpu.vector_load %arg7[%swap3A_938, %swap3A_939, %swap3A_940] {strides = array<i32>} : memref<4x8x1024xf32, #tpu.memory_space<vmem>>, vector<1x1x16xf32>,
        %swap3A_942 = vector.shape_cast %swap3A_941 : vector<1x1x16xf32> to vector<16xf32>
        %swap3A_943 = vector.shape_cast %get3A_936 : vector<16xf32> to vector<1x1x16xf32>
        tpu.vector_store %arg7[%swap3A_938, %swap3A_939, %swap3A_940], %swap3A_943 {add = true, strides = array<i32>} : memref<4x8x1024xf32, #tpu.memory_space<vmem>>, vector<1x1x16xf32>,
        %get3A_944 = arith.constant 3 : i32
        %get3A_945 = arith.index_cast %get3A_944 : i32 to index
        %get3A_946 = arith.index_cast %scan3A_347 : i32 to index
        %get3A_947 = arith.constant 736 : index
        %get3A_948 = tpu.vector_load %arg8[%get3A_945, %get3A_946, %get3A_947] {strides = array<i32>} : memref<4x8x1024xf32, #tpu.memory_space<vmem>>, vector<1x1x16xf32>,
        %get3A_949 = vector.shape_cast %get3A_948 : vector<1x1x16xf32> to vector<16xf32>
        %swap3A_950 = arith.constant 3 : i32
        %swap3A_951 = arith.index_cast %swap3A_950 : i32 to index
        %swap3A_952 = arith.index_cast %scan3A_347 : i32 to index
        %swap3A_953 = arith.constant 736 : index
        %swap3A_954 = tpu.vector_load %arg7[%swap3A_951, %swap3A_952, %swap3A_953] {strides = array<i32>} : memref<4x8x1024xf32, #tpu.memory_space<vmem>>, vector<1x1x16xf32>,
        %swap3A_955 = vector.shape_cast %swap3A_954 : vector<1x1x16xf32> to vector<16xf32>
        %swap3A_956 = vector.shape_cast %get3A_949 : vector<16xf32> to vector<1x1x16xf32>
        tpu.vector_store %arg7[%swap3A_951, %swap3A_952, %swap3A_953], %swap3A_956 {add = true, strides = array<i32>} : memref<4x8x1024xf32, #tpu.memory_space<vmem>>, vector<1x1x16xf32>,
        %get3A_957 = arith.constant 3 : i32
        %get3A_958 = arith.index_cast %get3A_957 : i32 to index
        %get3A_959 = arith.index_cast %scan3A_347 : i32 to index
        %get3A_960 = arith.constant 752 : index
        %get3A_961 = tpu.vector_load %arg8[%get3A_958, %get3A_959, %get3A_960] {strides = array<i32>} : memref<4x8x1024xf32, #tpu.memory_space<vmem>>, vector<1x1x16xf32>,
        %get3A_962 = vector.shape_cast %get3A_961 : vector<1x1x16xf32> to vector<16xf32>
        %swap3A_963 = arith.constant 3 : i32
        %swap3A_964 = arith.index_cast %swap3A_963 : i32 to index
        %swap3A_965 = arith.index_cast %scan3A_347 : i32 to index
        %swap3A_966 = arith.constant 752 : index
        %swap3A_967 = tpu.vector_load %arg7[%swap3A_964, %swap3A_965, %swap3A_966] {strides = array<i32>} : memref<4x8x1024xf32, #tpu.memory_space<vmem>>, vector<1x1x16xf32>,
        %swap3A_968 = vector.shape_cast %swap3A_967 : vector<1x1x16xf32> to vector<16xf32>
        %swap3A_969 = vector.shape_cast %get3A_962 : vector<16xf32> to vector<1x1x16xf32>
        tpu.vector_store %arg7[%swap3A_964, %swap3A_965, %swap3A_966], %swap3A_969 {add = true, strides = array<i32>} : memref<4x8x1024xf32, #tpu.memory_space<vmem>>, vector<1x1x16xf32>,
        %get3A_970 = arith.constant 3 : i32
        %get3A_971 = arith.index_cast %get3A_970 : i32 to index
        %get3A_972 = arith.index_cast %scan3A_347 : i32 to index
        %get3A_973 = arith.constant 768 : index
        %get3A_974 = tpu.vector_load %arg8[%get3A_971, %get3A_972, %get3A_973] {strides = array<i32>} : memref<4x8x1024xf32, #tpu.memory_space<vmem>>, vector<1x1x16xf32>,
        %get3A_975 = vector.shape_cast %get3A_974 : vector<1x1x16xf32> to vector<16xf32>
        %swap3A_976 = arith.constant 3 : i32
        %swap3A_977 = arith.index_cast %swap3A_976 : i32 to index
        %swap3A_978 = arith.index_cast %scan3A_347 : i32 to index
        %swap3A_979 = arith.constant 768 : index
        %swap3A_980 = tpu.vector_load %arg7[%swap3A_977, %swap3A_978, %swap3A_979] {strides = array<i32>} : memref<4x8x1024xf32, #tpu.memory_space<vmem>>, vector<1x1x16xf32>,
        %swap3A_981 = vector.shape_cast %swap3A_980 : vector<1x1x16xf32> to vector<16xf32>
        %swap3A_982 = vector.shape_cast %get3A_975 : vector<16xf32> to vector<1x1x16xf32>
        tpu.vector_store %arg7[%swap3A_977, %swap3A_978, %swap3A_979], %swap3A_982 {add = true, strides = array<i32>} : memref<4x8x1024xf32, #tpu.memory_space<vmem>>, vector<1x1x16xf32>,
        %get3A_983 = arith.constant 3 : i32
        %get3A_984 = arith.index_cast %get3A_983 : i32 to index
        %get3A_985 = arith.index_cast %scan3A_347 : i32 to index
        %get3A_986 = arith.constant 784 : index
        %get3A_987 = tpu.vector_load %arg8[%get3A_984, %get3A_985, %get3A_986] {strides = array<i32>} : memref<4x8x1024xf32, #tpu.memory_space<vmem>>, vector<1x1x16xf32>,
        %get3A_988 = vector.shape_cast %get3A_987 : vector<1x1x16xf32> to vector<16xf32>
        %swap3A_989 = arith.constant 3 : i32
        %swap3A_990 = arith.index_cast %swap3A_989 : i32 to index
        %swap3A_991 = arith.index_cast %scan3A_347 : i32 to index
        %swap3A_992 = arith.constant 784 : index
        %swap3A_993 = tpu.vector_load %arg7[%swap3A_990, %swap3A_991, %swap3A_992] {strides = array<i32>} : memref<4x8x1024xf32, #tpu.memory_space<vmem>>, vector<1x1x16xf32>,
        %swap3A_994 = vector.shape_cast %swap3A_993 : vector<1x1x16xf32> to vector<16xf32>
        %swap3A_995 = vector.shape_cast %get3A_988 : vector<16xf32> to vector<1x1x16xf32>
        tpu.vector_store %arg7[%swap3A_990, %swap3A_991, %swap3A_992], %swap3A_995 {add = true, strides = array<i32>} : memref<4x8x1024xf32, #tpu.memory_space<vmem>>, vector<1x1x16xf32>,
        %get3A_996 = arith.constant 3 : i32
        %get3A_997 = arith.index_cast %get3A_996 : i32 to index
        %get3A_998 = arith.index_cast %scan3A_347 : i32 to index
        %get3A_999 = arith.constant 800 : index
        %get3A_1000 = tpu.vector_load %arg8[%get3A_997, %get3A_998, %get3A_999] {strides = array<i32>} : memref<4x8x1024xf32, #tpu.memory_space<vmem>>, vector<1x1x16xf32>,
        %get3A_1001 = vector.shape_cast %get3A_1000 : vector<1x1x16xf32> to vector<16xf32>
        %swap3A_1002 = arith.constant 3 : i32
        %swap3A_1003 = arith.index_cast %swap3A_1002 : i32 to index
        %swap3A_1004 = arith.index_cast %scan3A_347 : i32 to index
        %swap3A_1005 = arith.constant 800 : index
        %swap3A_1006 = tpu.vector_load %arg7[%swap3A_1003, %swap3A_1004, %swap3A_1005] {strides = array<i32>} : memref<4x8x1024xf32, #tpu.memory_space<vmem>>, vector<1x1x16xf32>,
        %swap3A_1007 = vector.shape_cast %swap3A_1006 : vector<1x1x16xf32> to vector<16xf32>
        %swap3A_1008 = vector.shape_cast %get3A_1001 : vector<16xf32> to vector<1x1x16xf32>
        tpu.vector_store %arg7[%swap3A_1003, %swap3A_1004, %swap3A_1005], %swap3A_1008 {add = true, strides = array<i32>} : memref<4x8x1024xf32, #tpu.memory_space<vmem>>, vector<1x1x16xf32>,
        %get3A_1009 = arith.constant 3 : i32
        %get3A_1010 = arith.index_cast %get3A_1009 : i32 to index
        %get3A_1011 = arith.index_cast %scan3A_347 : i32 to index
        %get3A_1012 = arith.constant 816 : index
        %get3A_1013 = tpu.vector_load %arg8[%get3A_1010, %get3A_1011, %get3A_1012] {strides = array<i32>} : memref<4x8x1024xf32, #tpu.memory_space<vmem>>, vector<1x1x16xf32>,
        %get3A_1014 = vector.shape_cast %get3A_1013 : vector<1x1x16xf32> to vector<16xf32>
        %swap3A_1015 = arith.constant 3 : i32
        %swap3A_1016 = arith.index_cast %swap3A_1015 : i32 to index
        %swap3A_1017 = arith.index_cast %scan3A_347 : i32 to index
        %swap3A_1018 = arith.constant 816 : index
        %swap3A_1019 = tpu.vector_load %arg7[%swap3A_1016, %swap3A_1017, %swap3A_1018] {strides = array<i32>} : memref<4x8x1024xf32, #tpu.memory_space<vmem>>, vector<1x1x16xf32>,
        %swap3A_1020 = vector.shape_cast %swap3A_1019 : vector<1x1x16xf32> to vector<16xf32>
        %swap3A_1021 = vector.shape_cast %get3A_1014 : vector<16xf32> to vector<1x1x16xf32>
        tpu.vector_store %arg7[%swap3A_1016, %swap3A_1017, %swap3A_1018], %swap3A_1021 {add = true, strides = array<i32>} : memref<4x8x1024xf32, #tpu.memory_space<vmem>>, vector<1x1x16xf32>,
        %get3A_1022 = arith.constant 3 : i32
        %get3A_1023 = arith.index_cast %get3A_1022 : i32 to index
        %get3A_1024 = arith.index_cast %scan3A_347 : i32 to index
        %get3A_1025 = arith.constant 832 : index
        %get3A_1026 = tpu.vector_load %arg8[%get3A_1023, %get3A_1024, %get3A_1025] {strides = array<i32>} : memref<4x8x1024xf32, #tpu.memory_space<vmem>>, vector<1x1x16xf32>,
        %get3A_1027 = vector.shape_cast %get3A_1026 : vector<1x1x16xf32> to vector<16xf32>
        %swap3A_1028 = arith.constant 3 : i32
        %swap3A_1029 = arith.index_cast %swap3A_1028 : i32 to index
        %swap3A_1030 = arith.index_cast %scan3A_347 : i32 to index
        %swap3A_1031 = arith.constant 832 : index
        %swap3A_1032 = tpu.vector_load %arg7[%swap3A_1029, %swap3A_1030, %swap3A_1031] {strides = array<i32>} : memref<4x8x1024xf32, #tpu.memory_space<vmem>>, vector<1x1x16xf32>,
        %swap3A_1033 = vector.shape_cast %swap3A_1032 : vector<1x1x16xf32> to vector<16xf32>
        %swap3A_1034 = vector.shape_cast %get3A_1027 : vector<16xf32> to vector<1x1x16xf32>
        tpu.vector_store %arg7[%swap3A_1029, %swap3A_1030, %swap3A_1031], %swap3A_1034 {add = true, strides = array<i32>} : memref<4x8x1024xf32, #tpu.memory_space<vmem>>, vector<1x1x16xf32>,
        %get3A_1035 = arith.constant 3 : i32
        %get3A_1036 = arith.index_cast %get3A_1035 : i32 to index
        %get3A_1037 = arith.index_cast %scan3A_347 : i32 to index
        %get3A_1038 = arith.constant 848 : index
        %get3A_1039 = tpu.vector_load %arg8[%get3A_1036, %get3A_1037, %get3A_1038] {strides = array<i32>} : memref<4x8x1024xf32, #tpu.memory_space<vmem>>, vector<1x1x16xf32>,
        %get3A_1040 = vector.shape_cast %get3A_1039 : vector<1x1x16xf32> to vector<16xf32>
        %swap3A_1041 = arith.constant 3 : i32
        %swap3A_1042 = arith.index_cast %swap3A_1041 : i32 to index
        %swap3A_1043 = arith.index_cast %scan3A_347 : i32 to index
        %swap3A_1044 = arith.constant 848 : index
        %swap3A_1045 = tpu.vector_load %arg7[%swap3A_1042, %swap3A_1043, %swap3A_1044] {strides = array<i32>} : memref<4x8x1024xf32, #tpu.memory_space<vmem>>, vector<1x1x16xf32>,
        %swap3A_1046 = vector.shape_cast %swap3A_1045 : vector<1x1x16xf32> to vector<16xf32>
        %swap3A_1047 = vector.shape_cast %get3A_1040 : vector<16xf32> to vector<1x1x16xf32>
        tpu.vector_store %arg7[%swap3A_1042, %swap3A_1043, %swap3A_1044], %swap3A_1047 {add = true, strides = array<i32>} : memref<4x8x1024xf32, #tpu.memory_space<vmem>>, vector<1x1x16xf32>,
        %get3A_1048 = arith.constant 3 : i32
        %get3A_1049 = arith.index_cast %get3A_1048 : i32 to index
        %get3A_1050 = arith.index_cast %scan3A_347 : i32 to index
        %get3A_1051 = arith.constant 864 : index
        %get3A_1052 = tpu.vector_load %arg8[%get3A_1049, %get3A_1050, %get3A_1051] {strides = array<i32>} : memref<4x8x1024xf32, #tpu.memory_space<vmem>>, vector<1x1x16xf32>,
        %get3A_1053 = vector.shape_cast %get3A_1052 : vector<1x1x16xf32> to vector<16xf32>
        %swap3A_1054 = arith.constant 3 : i32
        %swap3A_1055 = arith.index_cast %swap3A_1054 : i32 to index
        %swap3A_1056 = arith.index_cast %scan3A_347 : i32 to index
        %swap3A_1057 = arith.constant 864 : index
        %swap3A_1058 = tpu.vector_load %arg7[%swap3A_1055, %swap3A_1056, %swap3A_1057] {strides = array<i32>} : memref<4x8x1024xf32, #tpu.memory_space<vmem>>, vector<1x1x16xf32>,
        %swap3A_1059 = vector.shape_cast %swap3A_1058 : vector<1x1x16xf32> to vector<16xf32>
        %swap3A_1060 = vector.shape_cast %get3A_1053 : vector<16xf32> to vector<1x1x16xf32>
        tpu.vector_store %arg7[%swap3A_1055, %swap3A_1056, %swap3A_1057], %swap3A_1060 {add = true, strides = array<i32>} : memref<4x8x1024xf32, #tpu.memory_space<vmem>>, vector<1x1x16xf32>,
        %get3A_1061 = arith.constant 3 : i32
        %get3A_1062 = arith.index_cast %get3A_1061 : i32 to index
        %get3A_1063 = arith.index_cast %scan3A_347 : i32 to index
        %get3A_1064 = arith.constant 880 : index
        %get3A_1065 = tpu.vector_load %arg8[%get3A_1062, %get3A_1063, %get3A_1064] {strides = array<i32>} : memref<4x8x1024xf32, #tpu.memory_space<vmem>>, vector<1x1x16xf32>,
        %get3A_1066 = vector.shape_cast %get3A_1065 : vector<1x1x16xf32> to vector<16xf32>
        %swap3A_1067 = arith.constant 3 : i32
        %swap3A_1068 = arith.index_cast %swap3A_1067 : i32 to index
        %swap3A_1069 = arith.index_cast %scan3A_347 : i32 to index
        %swap3A_1070 = arith.constant 880 : index
        %swap3A_1071 = tpu.vector_load %arg7[%swap3A_1068, %swap3A_1069, %swap3A_1070] {strides = array<i32>} : memref<4x8x1024xf32, #tpu.memory_space<vmem>>, vector<1x1x16xf32>,
        %swap3A_1072 = vector.shape_cast %swap3A_1071 : vector<1x1x16xf32> to vector<16xf32>
        %swap3A_1073 = vector.shape_cast %get3A_1066 : vector<16xf32> to vector<1x1x16xf32>
        tpu.vector_store %arg7[%swap3A_1068, %swap3A_1069, %swap3A_1070], %swap3A_1073 {add = true, strides = array<i32>} : memref<4x8x1024xf32, #tpu.memory_space<vmem>>, vector<1x1x16xf32>,
        %get3A_1074 = arith.constant 3 : i32
        %get3A_1075 = arith.index_cast %get3A_1074 : i32 to index
        %get3A_1076 = arith.index_cast %scan3A_347 : i32 to index
        %get3A_1077 = arith.constant 896 : index
        %get3A_1078 = tpu.vector_load %arg8[%get3A_1075, %get3A_1076, %get3A_1077] {strides = array<i32>} : memref<4x8x1024xf32, #tpu.memory_space<vmem>>, vector<1x1x16xf32>,
        %get3A_1079 = vector.shape_cast %get3A_1078 : vector<1x1x16xf32> to vector<16xf32>
        %swap3A_1080 = arith.constant 3 : i32
        %swap3A_1081 = arith.index_cast %swap3A_1080 : i32 to index
        %swap3A_1082 = arith.index_cast %scan3A_347 : i32 to index
        %swap3A_1083 = arith.constant 896 : index
        %swap3A_1084 = tpu.vector_load %arg7[%swap3A_1081, %swap3A_1082, %swap3A_1083] {strides = array<i32>} : memref<4x8x1024xf32, #tpu.memory_space<vmem>>, vector<1x1x16xf32>,
        %swap3A_1085 = vector.shape_cast %swap3A_1084 : vector<1x1x16xf32> to vector<16xf32>
        %swap3A_1086 = vector.shape_cast %get3A_1079 : vector<16xf32> to vector<1x1x16xf32>
        tpu.vector_store %arg7[%swap3A_1081, %swap3A_1082, %swap3A_1083], %swap3A_1086 {add = true, strides = array<i32>} : memref<4x8x1024xf32, #tpu.memory_space<vmem>>, vector<1x1x16xf32>,
        %get3A_1087 = arith.constant 3 : i32
        %get3A_1088 = arith.index_cast %get3A_1087 : i32 to index
        %get3A_1089 = arith.index_cast %scan3A_347 : i32 to index
        %get3A_1090 = arith.constant 912 : index
        %get3A_1091 = tpu.vector_load %arg8[%get3A_1088, %get3A_1089, %get3A_1090] {strides = array<i32>} : memref<4x8x1024xf32, #tpu.memory_space<vmem>>, vector<1x1x16xf32>,
        %get3A_1092 = vector.shape_cast %get3A_1091 : vector<1x1x16xf32> to vector<16xf32>
        %swap3A_1093 = arith.constant 3 : i32
        %swap3A_1094 = arith.index_cast %swap3A_1093 : i32 to index
        %swap3A_1095 = arith.index_cast %scan3A_347 : i32 to index
        %swap3A_1096 = arith.constant 912 : index
        %swap3A_1097 = tpu.vector_load %arg7[%swap3A_1094, %swap3A_1095, %swap3A_1096] {strides = array<i32>} : memref<4x8x1024xf32, #tpu.memory_space<vmem>>, vector<1x1x16xf32>,
        %swap3A_1098 = vector.shape_cast %swap3A_1097 : vector<1x1x16xf32> to vector<16xf32>
        %swap3A_1099 = vector.shape_cast %get3A_1092 : vector<16xf32> to vector<1x1x16xf32>
        tpu.vector_store %arg7[%swap3A_1094, %swap3A_1095, %swap3A_1096], %swap3A_1099 {add = true, strides = array<i32>} : memref<4x8x1024xf32, #tpu.memory_space<vmem>>, vector<1x1x16xf32>,
        %get3A_1100 = arith.constant 3 : i32
        %get3A_1101 = arith.index_cast %get3A_1100 : i32 to index
        %get3A_1102 = arith.index_cast %scan3A_347 : i32 to index
        %get3A_1103 = arith.constant 928 : index
        %get3A_1104 = tpu.vector_load %arg8[%get3A_1101, %get3A_1102, %get3A_1103] {strides = array<i32>} : memref<4x8x1024xf32, #tpu.memory_space<vmem>>, vector<1x1x16xf32>,
        %get3A_1105 = vector.shape_cast %get3A_1104 : vector<1x1x16xf32> to vector<16xf32>
        %swap3A_1106 = arith.constant 3 : i32
        %swap3A_1107 = arith.index_cast %swap3A_1106 : i32 to index
        %swap3A_1108 = arith.index_cast %scan3A_347 : i32 to index
        %swap3A_1109 = arith.constant 928 : index
        %swap3A_1110 = tpu.vector_load %arg7[%swap3A_1107, %swap3A_1108, %swap3A_1109] {strides = array<i32>} : memref<4x8x1024xf32, #tpu.memory_space<vmem>>, vector<1x1x16xf32>,
        %swap3A_1111 = vector.shape_cast %swap3A_1110 : vector<1x1x16xf32> to vector<16xf32>
        %swap3A_1112 = vector.shape_cast %get3A_1105 : vector<16xf32> to vector<1x1x16xf32>
        tpu.vector_store %arg7[%swap3A_1107, %swap3A_1108, %swap3A_1109], %swap3A_1112 {add = true, strides = array<i32>} : memref<4x8x1024xf32, #tpu.memory_space<vmem>>, vector<1x1x16xf32>,
        %get3A_1113 = arith.constant 3 : i32
        %get3A_1114 = arith.index_cast %get3A_1113 : i32 to index
        %get3A_1115 = arith.index_cast %scan3A_347 : i32 to index
        %get3A_1116 = arith.constant 944 : index
        %get3A_1117 = tpu.vector_load %arg8[%get3A_1114, %get3A_1115, %get3A_1116] {strides = array<i32>} : memref<4x8x1024xf32, #tpu.memory_space<vmem>>, vector<1x1x16xf32>,
        %get3A_1118 = vector.shape_cast %get3A_1117 : vector<1x1x16xf32> to vector<16xf32>
        %swap3A_1119 = arith.constant 3 : i32
        %swap3A_1120 = arith.index_cast %swap3A_1119 : i32 to index
        %swap3A_1121 = arith.index_cast %scan3A_347 : i32 to index
        %swap3A_1122 = arith.constant 944 : index
        %swap3A_1123 = tpu.vector_load %arg7[%swap3A_1120, %swap3A_1121, %swap3A_1122] {strides = array<i32>} : memref<4x8x1024xf32, #tpu.memory_space<vmem>>, vector<1x1x16xf32>,
        %swap3A_1124 = vector.shape_cast %swap3A_1123 : vector<1x1x16xf32> to vector<16xf32>
        %swap3A_1125 = vector.shape_cast %get3A_1118 : vector<16xf32> to vector<1x1x16xf32>
        tpu.vector_store %arg7[%swap3A_1120, %swap3A_1121, %swap3A_1122], %swap3A_1125 {add = true, strides = array<i32>} : memref<4x8x1024xf32, #tpu.memory_space<vmem>>, vector<1x1x16xf32>,
        %get3A_1126 = arith.constant 3 : i32
        %get3A_1127 = arith.index_cast %get3A_1126 : i32 to index
        %get3A_1128 = arith.index_cast %scan3A_347 : i32 to index
        %get3A_1129 = arith.constant 960 : index
        %get3A_1130 = tpu.vector_load %arg8[%get3A_1127, %get3A_1128, %get3A_1129] {strides = array<i32>} : memref<4x8x1024xf32, #tpu.memory_space<vmem>>, vector<1x1x16xf32>,
        %get3A_1131 = vector.shape_cast %get3A_1130 : vector<1x1x16xf32> to vector<16xf32>
        %swap3A_1132 = arith.constant 3 : i32
        %swap3A_1133 = arith.index_cast %swap3A_1132 : i32 to index
        %swap3A_1134 = arith.index_cast %scan3A_347 : i32 to index
        %swap3A_1135 = arith.constant 960 : index
        %swap3A_1136 = tpu.vector_load %arg7[%swap3A_1133, %swap3A_1134, %swap3A_1135] {strides = array<i32>} : memref<4x8x1024xf32, #tpu.memory_space<vmem>>, vector<1x1x16xf32>,
        %swap3A_1137 = vector.shape_cast %swap3A_1136 : vector<1x1x16xf32> to vector<16xf32>
        %swap3A_1138 = vector.shape_cast %get3A_1131 : vector<16xf32> to vector<1x1x16xf32>
        tpu.vector_store %arg7[%swap3A_1133, %swap3A_1134, %swap3A_1135], %swap3A_1138 {add = true, strides = array<i32>} : memref<4x8x1024xf32, #tpu.memory_space<vmem>>, vector<1x1x16xf32>,
        %get3A_1139 = arith.constant 3 : i32
        %get3A_1140 = arith.index_cast %get3A_1139 : i32 to index
        %get3A_1141 = arith.index_cast %scan3A_347 : i32 to index
        %get3A_1142 = arith.constant 976 : index
        %get3A_1143 = tpu.vector_load %arg8[%get3A_1140, %get3A_1141, %get3A_1142] {strides = array<i32>} : memref<4x8x1024xf32, #tpu.memory_space<vmem>>, vector<1x1x16xf32>,
        %get3A_1144 = vector.shape_cast %get3A_1143 : vector<1x1x16xf32> to vector<16xf32>
        %swap3A_1145 = arith.constant 3 : i32
        %swap3A_1146 = arith.index_cast %swap3A_1145 : i32 to index
        %swap3A_1147 = arith.index_cast %scan3A_347 : i32 to index
        %swap3A_1148 = arith.constant 976 : index
        %swap3A_1149 = tpu.vector_load %arg7[%swap3A_1146, %swap3A_1147, %swap3A_1148] {strides = array<i32>} : memref<4x8x1024xf32, #tpu.memory_space<vmem>>, vector<1x1x16xf32>,
        %swap3A_1150 = vector.shape_cast %swap3A_1149 : vector<1x1x16xf32> to vector<16xf32>
        %swap3A_1151 = vector.shape_cast %get3A_1144 : vector<16xf32> to vector<1x1x16xf32>
        tpu.vector_store %arg7[%swap3A_1146, %swap3A_1147, %swap3A_1148], %swap3A_1151 {add = true, strides = array<i32>} : memref<4x8x1024xf32, #tpu.memory_space<vmem>>, vector<1x1x16xf32>,
        %get3A_1152 = arith.constant 3 : i32
        %get3A_1153 = arith.index_cast %get3A_1152 : i32 to index
        %get3A_1154 = arith.index_cast %scan3A_347 : i32 to index
        %get3A_1155 = arith.constant 992 : index
        %get3A_1156 = tpu.vector_load %arg8[%get3A_1153, %get3A_1154, %get3A_1155] {strides = array<i32>} : memref<4x8x1024xf32, #tpu.memory_space<vmem>>, vector<1x1x16xf32>,
        %get3A_1157 = vector.shape_cast %get3A_1156 : vector<1x1x16xf32> to vector<16xf32>
        %swap3A_1158 = arith.constant 3 : i32
        %swap3A_1159 = arith.index_cast %swap3A_1158 : i32 to index
        %swap3A_1160 = arith.index_cast %scan3A_347 : i32 to index
        %swap3A_1161 = arith.constant 992 : index
        %swap3A_1162 = tpu.vector_load %arg7[%swap3A_1159, %swap3A_1160, %swap3A_1161] {strides = array<i32>} : memref<4x8x1024xf32, #tpu.memory_space<vmem>>, vector<1x1x16xf32>,
        %swap3A_1163 = vector.shape_cast %swap3A_1162 : vector<1x1x16xf32> to vector<16xf32>
        %swap3A_1164 = vector.shape_cast %get3A_1157 : vector<16xf32> to vector<1x1x16xf32>
        tpu.vector_store %arg7[%swap3A_1159, %swap3A_1160, %swap3A_1161], %swap3A_1164 {add = true, strides = array<i32>} : memref<4x8x1024xf32, #tpu.memory_space<vmem>>, vector<1x1x16xf32>,
        %get3A_1165 = arith.constant 3 : i32
        %get3A_1166 = arith.index_cast %get3A_1165 : i32 to index
        %get3A_1167 = arith.index_cast %scan3A_347 : i32 to index
        %get3A_1168 = arith.constant 1008 : index
        %get3A_1169 = tpu.vector_load %arg8[%get3A_1166, %get3A_1167, %get3A_1168] {strides = array<i32>} : memref<4x8x1024xf32, #tpu.memory_space<vmem>>, vector<1x1x16xf32>,
        %get3A_1170 = vector.shape_cast %get3A_1169 : vector<1x1x16xf32> to vector<16xf32>
        %swap3A_1171 = arith.constant 3 : i32
        %swap3A_1172 = arith.index_cast %swap3A_1171 : i32 to index
        %swap3A_1173 = arith.index_cast %scan3A_347 : i32 to index
        %swap3A_1174 = arith.constant 1008 : index
        %swap3A_1175 = tpu.vector_load %arg7[%swap3A_1172, %swap3A_1173, %swap3A_1174] {strides = array<i32>} : memref<4x8x1024xf32, #tpu.memory_space<vmem>>, vector<1x1x16xf32>,
        %swap3A_1176 = vector.shape_cast %swap3A_1175 : vector<1x1x16xf32> to vector<16xf32>
        %swap3A_1177 = vector.shape_cast %get3A_1170 : vector<16xf32> to vector<1x1x16xf32>
        tpu.vector_store %arg7[%swap3A_1172, %swap3A_1173, %swap3A_1174], %swap3A_1177 {add = true, strides = array<i32>} : memref<4x8x1024xf32, #tpu.memory_space<vmem>>, vector<1x1x16xf32>,
      }
      %scan3A_330 = arith.constant 8 : i32
      %mul3A_331 = arith.constant 8 : i32
      %mul3A_332 = arith.muli %add3A_285, %mul3A_331 : i32
      %add3A_333 = arith.addi %mul3A_2, %mul3A_332 : i32
      %dma_start3A_334 = arith.constant 3 : i32
      %dma_start3A_335 = arith.constant 0 : i32
      %dma_start3A_336 = arith.constant 0 : i32
      %dma_start3A_337 = tpu.memref_slice %arg7[%dma_start3A_334, %dma_start3A_335, %dma_start3A_336] : memref<4x8x1024xf32, #tpu.memory_space<vmem>> -> memref<1x8x1024xf32, #tpu.memory_space<vmem>>
      %dma_start3A_338 = tpu.memref_squeeze %dma_start3A_337 : memref<1x8x1024xf32, #tpu.memory_space<vmem>> -> memref<8x1024xf32, #tpu.memory_space<vmem>>
      %dma_start3A_339 = arith.constant 0 : i32
      %dma_start3A_340 = tpu.memref_slice %arg5[%add3A_333, %dma_start3A_339] : memref<32768x1024xf32, #tpu.memory_space<hbm>> -> memref<8x1024xf32, #tpu.memory_space<hbm>>
      %dma_start3A_341 = arith.constant 0 : i32
      %dma_start3A_342 = tpu.memref_slice %arg5[%add3A_333, %dma_start3A_341] : memref<32768x1024xf32, #tpu.memory_space<hbm>> -> memref<8x1024xf32, #tpu.memory_space<hbm>>
      %dma_start3A_343 = arith.constant 0 : i32
      %dma_start3A_344 = arith.constant 0 : i32
      %dma_start3A_345 = tpu.memref_slice %arg7[%dma_start3A_334, %dma_start3A_343, %dma_start3A_344] : memref<4x8x1024xf32, #tpu.memory_space<vmem>> -> memref<1x8x1024xf32, #tpu.memory_space<vmem>>
      %dma_start3A_346 = tpu.memref_squeeze %dma_start3A_345 : memref<1x8x1024xf32, #tpu.memory_space<vmem>> -> memref<8x1024xf32, #tpu.memory_space<vmem>>
      tpu.enqueue_dma source(%dma_start3A_346 : memref<8x1024xf32, #tpu.memory_space<vmem>>) target(%dma_start3A_342 : memref<8x1024xf32, #tpu.memory_space<hbm>>) target_semaphore(%arg20 : memref<!tpu.dma_semaphore, #tpu.memory_space<semaphore_mem>>)
    }
    %scan3A_59 = arith.constant 32 : i32
    %add3A_60 = arith.constant 1008 : i32
    %add3A_61 = arith.addi %mul3A_2, %add3A_60 : i32
    %dma_wait3A_62 = arith.constant 2 : i32
    %dma_wait3A_63 = arith.constant 0 : i32
    %dma_wait3A_64 = arith.constant 0 : i32
    %dma_wait3A_65 = tpu.memref_slice %arg7[%dma_wait3A_62, %dma_wait3A_63, %dma_wait3A_64] : memref<4x8x1024xf32, #tpu.memory_space<vmem>> -> memref<1x8x1024xf32, #tpu.memory_space<vmem>>
    %dma_wait3A_66 = tpu.memref_squeeze %dma_wait3A_65 : memref<1x8x1024xf32, #tpu.memory_space<vmem>> -> memref<8x1024xf32, #tpu.memory_space<vmem>>
    %dma_wait3A_67 = arith.constant 0 : i32
    %dma_wait3A_68 = tpu.memref_slice %arg5[%add3A_61, %dma_wait3A_67] : memref<32768x1024xf32, #tpu.memory_space<hbm>> -> memref<8x1024xf32, #tpu.memory_space<hbm>>
    %dma_wait3A_69 = arith.constant 0 : i32
    %dma_wait3A_70 = tpu.memref_slice %arg5[%add3A_61, %dma_wait3A_69] : memref<32768x1024xf32, #tpu.memory_space<hbm>> -> memref<8x1024xf32, #tpu.memory_space<hbm>>
    %dma_wait3A_71 = arith.constant 0 : i32
    %dma_wait3A_72 = arith.constant 0 : i32
    %dma_wait3A_73 = tpu.memref_slice %arg7[%dma_wait3A_62, %dma_wait3A_71, %dma_wait3A_72] : memref<4x8x1024xf32, #tpu.memory_space<vmem>> -> memref<1x8x1024xf32, #tpu.memory_space<vmem>>
    %dma_wait3A_74 = tpu.memref_squeeze %dma_wait3A_73 : memref<1x8x1024xf32, #tpu.memory_space<vmem>> -> memref<8x1024xf32, #tpu.memory_space<vmem>>
    tpu.wait_dma2 semaphore(%arg19 : memref<!tpu.dma_semaphore, #tpu.memory_space<semaphore_mem>>) src(%dma_wait3A_74 : memref<8x1024xf32, #tpu.memory_space<vmem>>) dst(%dma_wait3A_70 : memref<8x1024xf32, #tpu.memory_space<hbm>>)
    %add3A_75 = arith.constant 1016 : i32
    %add3A_76 = arith.addi %mul3A_2, %add3A_75 : i32
    %dma_wait3A_77 = arith.constant 3 : i32
    %dma_wait3A_78 = arith.constant 0 : i32
    %dma_wait3A_79 = arith.constant 0 : i32
    %dma_wait3A_80 = tpu.memref_slice %arg7[%dma_wait3A_77, %dma_wait3A_78, %dma_wait3A_79] : memref<4x8x1024xf32, #tpu.memory_space<vmem>> -> memref<1x8x1024xf32, #tpu.memory_space<vmem>>
    %dma_wait3A_81 = tpu.memref_squeeze %dma_wait3A_80 : memref<1x8x1024xf32, #tpu.memory_space<vmem>> -> memref<8x1024xf32, #tpu.memory_space<vmem>>
    %dma_wait3A_82 = arith.constant 0 : i32
    %dma_wait3A_83 = tpu.memref_slice %arg5[%add3A_76, %dma_wait3A_82] : memref<32768x1024xf32, #tpu.memory_space<hbm>> -> memref<8x1024xf32, #tpu.memory_space<hbm>>
    %dma_wait3A_84 = arith.constant 0 : i32
    %dma_wait3A_85 = tpu.memref_slice %arg5[%add3A_76, %dma_wait3A_84] : memref<32768x1024xf32, #tpu.memory_space<hbm>> -> memref<8x1024xf32, #tpu.memory_space<hbm>>
    %dma_wait3A_86 = arith.constant 0 : i32
    %dma_wait3A_87 = arith.constant 0 : i32
    %dma_wait3A_88 = tpu.memref_slice %arg7[%dma_wait3A_77, %dma_wait3A_86, %dma_wait3A_87] : memref<4x8x1024xf32, #tpu.memory_space<vmem>> -> memref<1x8x1024xf32, #tpu.memory_space<vmem>>
    %dma_wait3A_89 = tpu.memref_squeeze %dma_wait3A_88 : memref<1x8x1024xf32, #tpu.memory_space<vmem>> -> memref<8x1024xf32, #tpu.memory_space<vmem>>
    tpu.wait_dma2 semaphore(%arg20 : memref<!tpu.dma_semaphore, #tpu.memory_space<semaphore_mem>>) src(%dma_wait3A_89 : memref<8x1024xf32, #tpu.memory_space<vmem>>) dst(%dma_wait3A_85 : memref<8x1024xf32, #tpu.memory_space<hbm>>)
    return
  }
}

</mosaic_0001>

<sc_bundles>
// kernel: _pos_enc_sc.3.cloned.1.call-start
scs
__scs_entry_jumppad:
0x0: {  	(pc) =	sbr.rel $0x88, $3  }
0x1: {  	(tag) =	ssettag $0x0;
	lr =	simm.s32 $0x1  }
0x2: {  	[smem:$0x3F9E] =	sst lr;
	_ =	strace $0xD0000000  }
0x3: {  	_ = 	snop  }
0x4: {  	_ = 	snop  }
0x5: {  	_ = 	snop  }
0x6: {  	_ = 	snop  }
0x7: {  	_ = 	snop  }
__scs_overlays_trampoline_lowered:
0x8: {  	[smem:$0x3FAD] =	sst s0  }
0x9: {  	[smem:$0x3FAE] =	sst s1  }
0xa: {  	[smem:$0x3FAF] =	sst s2  }
0xb: {  	[smem:$0x3FB0] =	sst s3  }
0xc: {  	[smem:$0x3FB1] =	sst s4  }
0xd: {  	[smem:$0x3FB2] =	sst s5  }
0xe: {  	[smem:$0x3FB3] =	sst s6  }
0xf: {  	[smem:$0x3FB4] =	sst s7  }
0x10: {  	[smem:$0x3FB5] =	sst s8  }
0x11: {  	[smem:$0x3FB6] =	sst s9;
	s0 =	simm.s32 @!p0 $0x0  }
0x12: {  	s1 =	sld [smem:$0x3F9C];
	s0 =	simm.s32 @p0 $0x1  }
0x13: {  	[smem:$0x3FB7] =	sst s0;
	s0 =	simm.s32 @!p1 $0x0  }
0x14: {  	s2 =	sld [smem:$0x3F9B];
	s0 =	simm.s32 @p1 $0x1  }
0x15: {  	[smem:$0x3FB8] =	sst s0;
	s0 =	simm.s32 @!p2 $0x0  }
0x16: {  	s3 =	sld [smem:$0x3FDB];
	s0 =	simm.s32 @p2 $0x1  }
0x17: {  	s4 =	simm.s32 $0x1BF5;
	[smem:$0x3FBA] =	sst s0  }
0x18: {  	s0 =	sld [smem:$0x3F9D];
	_ =	swait.ge [sflag:s4], $0x0  }
0x19: {  	s7 =	sld [smem:$0x3F9E]  }
0x1a: {  	s8 =	sadd.s32 $0xFFFFE003, lr  }
0x1b: {  	s9 =	sadd.s32 $0xFFFFFEF7, lr;
	s5 =	simm.s32 $0xFFFFFFFF;
	p2 =	slt.u32 s8, $0xFFFFF086  }
0x1c: {  	p1 =	slt.u32 s9, $0xF7A;
	s5 =	simm.s32 @!p2 $0x0  }
0x1d: {  	s5 =	simm.s32 @p1 $0x1;
	p0 =	seq.s32 s7, s2  }
0x1e: {  	s7 =	smul.u32 @!p0 $0xF7A, s2;
	p2 =	seq.s32 @!p0 s5, $0x0  }
0x1f: {  	s9 =	smul.u32 $0xF7A, s1;
	s8 =	simm.s32 @!p0 $0x1BF5;
	p2 =	por !p2, p0  }
0x20: {  	[sflag:s8] =	ssyncset.s32 @!p0 $0xFFFFF086;
	s6 =	sadd.s32 @!p0 s3, s7;
	s7 =	simm.s32 @!p0 $0x108  }
0x21: {  	s3 =	sadd.s32 s3, s9;
	s6 =	sadd.s32 @!p0 $0x88, s6;
	s7 =	simm.s32 @p2 $0x1082  }
0x22: {  	[simem:s7], [sflag:s8] =	dma.local @!p0 [hbm:s6], $0xF7A  }
0x23: {  	s9 =	sor.u32 $0xD0000000, s2;
	s6 =	simm.s32 $0x108;
	_ =	swait.ge @!p0 [sflag:s8], $0x0  }
0x24: {  	s3 =	sadd.s32 $0x88, s3;
	s6 =	simm.s32 @!p1 $0x1082;
	[sflag:s4] =	ssyncset.s32 $0xFFFFF086  }
0x25: {  	[simem:s6], [sflag:s4] =	dma.local [hbm:s3], $0xF7A  }
0x26: {  	[smem:$0x3F9E] =	sst s1;
	(tag) =	ssettag s2;
	_ =	strace s9  }
0x27: {  	s1 =	sld [smem:$0x3FAE]  }
0x28: {  	s2 =	sld [smem:$0x3FAF]  }
0x29: {  	s4 =	sld [smem:$0x3FB1]  }
0x2a: {  	p0 =	seq.s32 s5, $0x0;
	s5 =	sld [smem:$0x3FB2]  }
0x2b: {  	s6 =	sld [smem:$0x3FB3]  }
0x2c: {  	s7 =	sld [smem:$0x3FB4]  }
0x2d: {  	s3 =	simm.s32 $0x108;
	s8 =	sld [smem:$0x3FB5]  }
0x2e: {  	s3 =	simm.s32 @!p0 $0x1082;
	s9 =	sld [smem:$0x3FB6]  }
0x2f: {  	lr =	sadd.s32 s0, s3;
	s0 =	sld [smem:$0x3FAD]  }
0x30: {  	s3 =	sld [smem:$0x3FB0]  }
0x31: {  	[smem:$0x3FB9] =	sst s10  }
0x32: {  	s10 =	sld [smem:$0x3FB7];
	_ =	sdelay $0x3  }
0x33: {  	p0 =	seq.s32 s10, $0x1;
	s10 =	sld [smem:$0x3FB9];
	_ =	sdelay $0x3  }
0x34: {  	[smem:$0x3FB9] =	sst s10  }
0x35: {  	s10 =	sld [smem:$0x3FB8];
	_ =	sdelay $0x3  }
0x36: {  	p1 =	seq.s32 s10, $0x1;
	s10 =	sld [smem:$0x3FB9];
	_ =	sdelay $0x3  }
0x37: {  	[smem:$0x3FB9] =	sst s10  }
0x38: {  	s10 =	sld [smem:$0x3FBA]  }
0x39: {  	_ = 	snop;
	(pc) =	sbr.ind lr, $3  }
0x3a: {  	_ = 	snop  }
0x3b: {  	_ = 	snop  }
0x3c: {  	p2 =	seq.s32 s10, $0x1;
	s10 =	sld [smem:$0x3FB9]  }
0x3d: {  	_ =	shalt  }
0x3e: {  	_ =	shalt  }
0x3f: {  	_ =	shalt  }
0x40: {  	_ =	shalt  }
0x41: {  	_ =	shalt  }
0x42: {  	_ =	shalt  }
0x43: {  	_ =	shalt  }
0x44: {  	_ =	shalt  }
0x45: {  	_ =	shalt  }
0x46: {  	_ =	shalt  }
0x47: {  	_ =	shalt  }
0x48: {  	_ =	shalt  }
0x49: {  	_ =	shalt  }
0x4a: {  	_ =	shalt  }
0x4b: {  	_ =	shalt  }
0x4c: {  	_ =	shalt  }
0x4d: {  	_ =	shalt  }
0x4e: {  	_ =	shalt  }
0x4f: {  	_ =	shalt  }
0x50: {  	_ =	shalt  }
0x51: {  	_ =	shalt  }
0x52: {  	_ =	shalt  }
0x53: {  	_ =	shalt  }
0x54: {  	_ =	shalt  }
0x55: {  	_ =	shalt  }
0x56: {  	_ =	shalt  }
0x57: {  	_ =	shalt  }
0x58: {  	_ =	shalt  }
0x59: {  	_ =	shalt  }
0x5a: {  	_ =	shalt  }
0x5b: {  	_ =	shalt  }
0x5c: {  	_ =	shalt  }
0x5d: {  	_ =	shalt  }
0x5e: {  	_ =	shalt  }
0x5f: {  	_ =	shalt  }
0x60: {  	_ =	shalt  }
0x61: {  	_ =	shalt  }
0x62: {  	_ =	shalt  }
0x63: {  	_ =	shalt  }
0x64: {  	_ =	shalt  }
0x65: {  	_ =	shalt  }
0x66: {  	_ =	shalt  }
0x67: {  	_ =	shalt  }
0x68: {  	_ =	shalt  }
0x69: {  	_ =	shalt  }
0x6a: {  	_ =	shalt  }
0x6b: {  	_ =	shalt  }
0x6c: {  	_ =	shalt  }
0x6d: {  	_ =	shalt  }
0x6e: {  	_ =	shalt  }
0x6f: {  	_ =	shalt  }
0x70: {  	_ =	shalt  }
0x71: {  	_ =	shalt  }
0x72: {  	_ =	shalt  }
0x73: {  	_ =	shalt  }
0x74: {  	_ =	shalt  }
0x75: {  	_ =	shalt  }
0x76: {  	_ =	shalt  }
0x77: {  	_ =	shalt  }
0x78: {  	_ =	shalt  }
0x79: {  	_ =	shalt  }
0x7a: {  	_ =	shalt  }
0x7b: {  	_ =	shalt  }
0x7c: {  	_ =	shalt  }
0x7d: {  	_ =	shalt  }
0x7e: {  	_ =	shalt  }
0x7f: {  	_ =	shalt  }
0x80: {  	_ =	shalt  }
0x81: {  	_ =	shalt  }
0x82: {  	_ =	shalt  }
0x83: {  	_ =	shalt  }
0x84: {  	_ =	shalt  }
0x85: {  	_ =	shalt  }
0x86: {  	_ =	shalt  }
0x87: {  	_ =	shalt  }
.Lfunc_end0:
.L_simem_size_0:
called_computation_lowered:
.L_overlay_start_0:
0x88: {  	s2 =	sld [smem:$0x3FD9]  }
0x89: {  	s3 =	sld [smem:$0x3FFE];
	_ =	sdelay $0x1  }
0x8a: {  	s1 =	srdreg.scid  }
0x8b: {  	s0 =	sand.u32 $0x1, s1  }
0x8c: {  	s18 =	sshll.u32 s0, $0xA;
	s2 =	sadd.s32 s3, s2  }
0x8d: {  	s2 =	sadd.s32 s2, s18  }
0x8e: {  	[smem:$0x3FC5] =	sst s2  }
0x8f: {  	_ = 	snop  }
0x90: {  	s2 =	sld [smem:$0x3FC9]  }
0x91: {  	s19 =	sld [smem:$0x3FC8]  }
0x92: {  	s4 =	sld [smem:$0x3FC7]  }
0x93: {  	s5 =	sld [smem:$0x3FD0];
	(tm) =	ssettm $0x1  }
0x94: {  	s6 =	sld [smem:$0x3FFB];
	_ =	sdelay $0x3  }
0x95: {  	_ =	strace s6  }
0x96: {  	s6 =	sld [smem:$0x3FFC];
	_ =	sdelay $0x3  }
0x97: {  	_ =	strace s6  }
0x98: {  	s6 =	sld [smem:$0x3FFD];
	_ =	sdelay $0x3  }
0x99: {  	_ =	strace s6  }
0x9a: {  	_ =	strace $0x8FFFFFFF  }
0x9b: {  	s20 =	sld [smem:$0x3FDB];
	_ =	sdelay $0x1  }
0x9c: {  	s7 =	simm.s32 $_scs_section_size  }
0x9d: {  	s8 =	simm.s32 $_size__tile_overlayer_lowered;
	s9 =	simm.s32 $_tile_overlayer_lowered  }
0x9e: {  	s23 =	simm.s32 $0x1BFF;
	s22 =	sshll.u32 s9, $0x1;
	s6 =	sadd.s32 s7, s20  }
0x9f: {  	s10 =	simm.s32 $0x0;
	s21 =	sshll.u32 s8, $0x1;
	s8 =	sadd.s32 s22, s6  }
0xa0: {  	[timem:s10], [sflag:s23] =	dma.local [hbm:s8], s21  }
0xa1: {  	_ =	swait.ge [sflag:s23], s21  }
0xa2: {  	s7 =	ssub.s32 $0x0, s21;
	[sflag:s23] =	ssyncset.done $0x0  }
0xa3: {  	[sflag:s23] =	ssyncadd.s32 s7;
	_ =	sdelay $0x1  }
0xa4: {  	s24 =	simm.s32 $0x1B8B  }
0xa5: {  	_ =	swait.ge [sflag:s24], $0x1  }
0xa6: {  	[sflag:s24] =	ssyncset.done $0x0  }
0xa7: {  	s25 =	simm.s32 $0x1B8E;
	[sflag:s24] =	ssyncadd.s32 $0xFFFFFFFF  }
0xa8: {  	s26 =	simm.s32 $execute0_lowered;
	[smem:$0x3FD2] =	sst s25  }
0xa9: {  	s7 =	sshll.u32 s26, $0x1;
	_ =	strace $0x80000046;
	[dreg:$0x1] =	wrdreg $0xFFFFFFFF  }
0xaa: {  	s28 =	simm.s32 $_size_execute0_lowered;
	s6 =	sadd.s32 s6, s7;
	[dreg:$0x0] =	wrdreg $0x0  }
0xab: {  	s7 =	sshll.u32 s28, $0x1;
	[dreg:$0x2] =	wrdreg s6  }
0xac: {  	[dreg:$0x3] =	wrdreg s7  }
0xad: {  	[dreg:$0x4] =	wrdreg $0xC0  }
0xae: {  	_ =	task [dreg:s10], $0x5FFFF  }
0xaf: {  	[dreg:$0x1] =	wrdreg $0xFFFFFFFF  }
0xb0: {  	[dreg:$0x0] =	wrdreg $0x60  }
0xb1: {  	[dreg:$0x2] =	wrdreg s2  }
0xb2: {  	[dreg:$0x3] =	wrdreg s19  }
0xb3: {  	[dreg:$0x4] =	wrdreg s4  }
0xb4: {  	[dreg:$0x5] =	wrdreg s5  }
0xb5: {  	[dreg:$0x6] =	wrdreg $0x9  }
0xb6: {  	_ =	task.clear_ibuf [dreg:s10], $0x7FFFF;
	_ =	strace $0x90000046  }
0xb7: {  	s29 =	simm.s32 $0x9;
	_ =	strace $0x80000048  }
0xb8: {  	_ =	swait.ge [sflag:s29], $0x1  }
0xb9: {  	[sflag:s29] =	ssyncadd.s32 $0xFFFFFFFF  }
0xba: {  	_ =	strace $0x90000048  }
0xbb: {  	_ =	sfence  }
0xbc: {  	s30 =	sld [smem:$0x0];
	_ =	sdelay $0x2  }
0xbd: {  	s31 =	sshll.u32 s1, $0xD;
	s1 =	sshrl.u32 s1, $0x2  }
0xbe: {  	s3 =	sand.u32 $0x4000, s31;
	s1 =	sadd.s32 s1, s30  }
0xbf: {  	s0 =	sor.u32 s3, s0;
	s1 =	sshll.u32 s1, $0x11  }
0xc0: {  	s0 =	sor.u32 s1, s0  }
0xc1: {  	s0 =	sadd.s32 $0x8F2B, s0  }
0xc2: {  	[sflag:s0] =	ssyncadd.remote.s32 $0x1  }
0xc3: {  	_ =	sfence.sel $0xFFFF  }
0xc4: {  	[dreg:$0x0] =	wrdreg $0xFFFFFFFF;
	(pc) =	sbr.abs _section_cstart, $3  }
0xc5: {  	[dreg:$0x1] =	wrdreg $0xFFFFFFFF  }
0xc6: {  	_ =	task.clear_ibuf [dreg:s10], $0x2FFFF;
	_ =	strace $0x9FFFFFFF  }
0xc7: {  	(tm) =	ssettm $0x7FFFFFFF  }
tec
execute0_lowered:
.L_overlay_start_1:
0x0: {  	(tag) =	ssettag $0x1  }
0x1: {  	s1 =	rddreg [dreg:$0x0]  }
0x2: {  	s0 =	rddreg [dreg:$0x1]  }
0x3: {  	s3 =	rddreg [dreg:$0x2]  }
0x4: {  	s4 =	rddreg [dreg:$0x3]  }
0x5: {  	s2 =	srdreg.scid;
	s6 =	stileid.u32  }
0x6: {  	s5 =	simm.s32 $0x0;
	s16 =	simm.s32 $0x400;
	s17 =	simm.s32 $0x2400  }
0x7: {  	s19 =	simm.s32 $0x5;
	s24 =	simm.s32 $0x6400;
	s25 =	simm.s32 $0x2  }
0x8: {  	s26 =	simm.s32 $0x6;
	s15 =	simm.s32 $0x7;
	s18 =	simm.s32 $0x4  }
0x9: {  	s28 =	simm.s32 $0x8;
	s22 =	simm.s32 $0x0;
	s2 =	sand.u32 $0x1, s2  }
0xa: {  	s6 =	sshll.u32 s6, $0xB;
	[smem:$0x7FF] =	sst s5;
	s11 =	sadd.s32 $0x100, s3  }
0xb: {  	s12 =	sadd.s32 $0x200, s3;
	s13 =	sadd.s32 $0x300, s3;
	s7 =	sshll.u32 s2, $0xA  }
0xc: {  	_ =	strace $0x80000047;
	s2 =	ssub.s32 $0x2, s2;
	s6 =	sor.u32 s7, s6  }
0xd: {  	s9 =	sshrl.u32 s2, $0x1;
	s8 =	sshll.u32 s6, $0x7;
	s7 =	sshrl.u32 s6, $0x3  }
0xe: {  	s2 =	ssub.s32 s2, s9;
	s9 =	simm.s32 $0x9;
	s0 =	sadd.s32 s0, s7  }
0xf: {  	s10 =	sadd.s32 s1, s8;
	s14 =	sadd.s32 s4, s8;
	[dreg:$0x6] =	wrdreg s0  }
0x10: {  	v0 =	vlaneseq.u32;
	s31 =	smax.u32 s2, $0x1;
	s2 =	simm.s32 $0x1;
	[dreg:$0x5] =	wrdreg s10  }
0x11: {  	v1 =	vshrl.u32 v0, $0x3;
	v0 =	vand.u32 $0x7, v0;
	s8 =	simm.s32 $0xA;
	s30 =	sadd.s32 $0x400, s10;
	[dreg:$0x8] =	wrdreg s31  }
0x12: {  	vm0 =	vmmov $0xffff;
	[tilespmem:$0x1FFF0] =	vst v0;
	v1 =	vmul.u32 $0x8, v1;
	s0 =	simm.s32 $0x4400;
	s10 =	simm.s32 $0x3;
	[dreg:$0x7] =	wrdreg s30  }
.LBB2_1:
0x13: {  	[dreg:$0x9] =	wrdreg s22  }
0x14: {  	s20 =	rddreg [dreg:$0x6]  }
0x15: {  	[tilespmem:s5], [sflag:$0xD] =	stream.linear.gather [hbm4b:s20+s5], $0x400, $0x38;
	[tilespmem:$0x10400] =	vst v63  }
0x16: {  	s31 =	rddreg [dreg:$0x5]  }
0x17: {  	[tilespmem:s16], [sflag:$0x1] =	stream.linear.gather [hbm4b:s31+s5], $0x2000, $0x38;
	[tilespmem:$0x10400] =	vst v63  }
0x18: {  	s21 =	rddreg [dreg:$0x7];
	s22 =	simm.s32 $0xD  }
0x19: {  	[tilespmem:s17], [sflag:$0x2] =	stream.linear.gather [hbm4b:s21+s5], $0x2000, $0x38;
	[tilespmem:$0x10400] =	vst v63  }
0x1a: {  	_ =	swait.ge [sflag:s22], $0x400  }
0x1b: {  	[sflag:s22] =	ssyncset.done $0x0  }
0x1c: {  	[sflag:s22] =	ssyncadd.s32 $0xFFFFFC00  }
0x1d: {  	v2 =	vld.msk [tilespmem:$0x0], $0xff;
	_ =	sdelay $0x2  }
0x1e: {  	v0 =	vld [tilespmem:$0x1FFF0];
	_ =	sdelay $0x1  }
0x1f: {  	v3 =	vshll.u32 v2, $0x3  }
0x20: {  	v2 =	vand.u32 $0x7, v2;
	v3 =	vand.u32 $0xFFFFFFC0, v3  }
0x21: {  	v2 =	vor.u32 v2, v3  }
0x22: {  	v2 =	vperm.xlane v2, v0;
	_ =	sdelay $0x1  }
0x23: {  	v2 =	vadd.s32 v1, v2;
	_ =	sdelay $0x3  }
0x24: {  	s23 =	simm.s32 $0x8400  }
0x25: {  	[tilespmem:s23], [sflag:$0x5] =	stream.indirect_vreg.gather [hbm4b:s3+s5], $0x80, v2, vm0, $0xb8;
	[tilespmem:$0x10400] =	vst v63  }
0x26: {  	s30 =	simm.s32 $0x8C00  }
0x27: {  	[tilespmem:s30], [sflag:$0x5] =	stream.indirect_vreg.gather [hbm4b:s11+s5], $0x80, v2, vm0, $0xb8;
	[tilespmem:$0x10400] =	vst v63  }
0x28: {  	s31 =	simm.s32 $0x9400  }
0x29: {  	[tilespmem:s31], [sflag:$0x5] =	stream.indirect_vreg.gather [hbm4b:s12+s5], $0x80, v2, vm0, $0xb8;
	[tilespmem:$0x10400] =	vst v63  }
0x2a: {  	s21 =	simm.s32 $0x9C00  }
0x2b: {  	[tilespmem:s21], [sflag:$0x5] =	stream.indirect_vreg.gather [hbm4b:s13+s5], $0x80, v2, vm0, $0xb8;
	[tilespmem:$0x10400] =	vst v63  }
0x2c: {  	v2 =	vld.msk [tilespmem:$0x8], $0xff;
	_ =	sdelay $0x4  }
0x2d: {  	v3 =	vshll.u32 v2, $0x3  }
0x2e: {  	v2 =	vand.u32 $0x7, v2;
	v3 =	vand.u32 $0xFFFFFFC0, v3  }
0x2f: {  	v2 =	vor.u32 v2, v3  }
0x30: {  	v2 =	vperm.xlane v2, v0;
	_ =	sdelay $0x1  }
0x31: {  	v2 =	vadd.s32 v1, v2;
	_ =	sdelay $0x3  }
0x32: {  	s22 =	simm.s32 $0xA400  }
0x33: {  	[tilespmem:s22], [sflag:$0x6] =	stream.indirect_vreg.gather [hbm4b:s3+s5], $0x80, v2, vm0, $0xb8;
	[tilespmem:$0x10400] =	vst v63  }
0x34: {  	s23 =	simm.s32 $0xAC00  }
0x35: {  	[tilespmem:s23], [sflag:$0x6] =	stream.indirect_vreg.gather [hbm4b:s11+s5], $0x80, v2, vm0, $0xb8;
	[tilespmem:$0x10400] =	vst v63  }
0x36: {  	s30 =	simm.s32 $0xB400  }
0x37: {  	[tilespmem:s30], [sflag:$0x6] =	stream.indirect_vreg.gather [hbm4b:s12+s5], $0x80, v2, vm0, $0xb8;
	[tilespmem:$0x10400] =	vst v63  }
0x38: {  	s29 =	simm.s32 $0x0;
	s31 =	simm.s32 $0xBC00  }
0x39: {  	[tilespmem:s31], [sflag:$0x6] =	stream.indirect_vreg.gather [hbm4b:s13+s5], $0x80, v2, vm0, $0xb8;
	[tilespmem:$0x10400] =	vst v63  }
.LBB2_2:
0x3a: {  	p0 =	seq.s32 s29, $0x0  }
0x3b: {  	s21 =	simm.s32 @!p0 $0xB  }
0x3c: {  	s20 =	sshll.u32 s29, $0x2;
	_ =	swait.ge @!p0 [sflag:s21], $0x2000  }
0x3d: {  	s31 =	sor.u32 $0x2, s20;
	[sflag:s21] =	ssyncset.done @!p0 $0x0  }
0x3e: {  	[sflag:s21] =	ssyncadd.s32 @!p0 $0xFFFFE000;
	s21 =	sshll.u32 s31, $0x3  }
0x3f: {  	v2 =	vld.msk [tilespmem:s21+$0x0], $0xff;
	_ =	sdelay $0x2  }
0x40: {  	v0 =	vld [tilespmem:$0x1FFF0];
	_ =	sdelay $0x1  }
0x41: {  	v3 =	vshll.u32 v2, $0x3  }
0x42: {  	v2 =	vand.u32 $0x7, v2;
	v3 =	vand.u32 $0xFFFFFFC0, v3  }
0x43: {  	v2 =	vor.u32 v2, v3  }
0x44: {  	v2 =	vperm.xlane v2, v0;
	_ =	sdelay $0x1  }
0x45: {  	v2 =	vadd.s32 v1, v2;
	_ =	sdelay $0x3  }
0x46: {  	s22 =	simm.s32 $0x0;
	s23 =	simm.s32 $0xC400  }
0x47: {  	[tilespmem:s23], [sflag:$0x7] =	stream.indirect_vreg.gather [hbm4b:s3+s22], $0x80, v2, vm0, $0xb8;
	[tilespmem:$0x10400] =	vst v63  }
0x48: {  	s23 =	simm.s32 $0xCC00  }
0x49: {  	[tilespmem:s23], [sflag:$0x7] =	stream.indirect_vreg.gather [hbm4b:s11+s22], $0x80, v2, vm0, $0xb8;
	[tilespmem:$0x10400] =	vst v63  }
0x4a: {  	s21 =	sadd.s32 s6, s21;
	s23 =	simm.s32 $0xD400  }
0x4b: {  	[tilespmem:s23], [sflag:$0x7] =	stream.indirect_vreg.gather [hbm4b:s12+s22], $0x80, v2, vm0, $0xb8;
	[tilespmem:$0x10400] =	vst v63  }
0x4c: {  	s21 =	sshll.u32 s21, $0x7;
	s23 =	simm.s32 $0xDC00  }
0x4d: {  	[tilespmem:s23], [sflag:$0x7] =	stream.indirect_vreg.gather [hbm4b:s13+s22], $0x80, v2, vm0, $0xb8;
	[tilespmem:$0x10400] =	vst v63  }
0x4e: {  	s21 =	sadd.s32 s1, s21  }
0x4f: {  	[tilespmem:s0], [sflag:$0x3] =	stream.linear.gather [hbm4b:s21+s22], $0x2000, $0x38;
	[tilespmem:$0x10400] =	vst v63  }
0x50: {  	_ =	swait.ge [sflag:s2], $0x2000  }
0x51: {  	[sflag:s2] =	ssyncset.done $0x0  }
0x52: {  	[sflag:s2] =	ssyncadd.s32 $0xFFFFE000  }
0x53: {  	_ =	swait.ge [sflag:s19], $0x2000  }
0x54: {  	[sflag:s19] =	ssyncset.done $0x0  }
0x55: {  	s30 =	simm.s32 $0x200;
	s21 =	simm.s32 $0x0;
	[sflag:s19] =	ssyncadd.s32 $0xFFFFE000  }
.LBB2_3:
0x56: {  	p1 =	sne.s32 s30, $0xE00;
	v2 =	vld [tilespmem:s21+$0xA070]  }
0x57: {  	v3 =	vld [tilespmem:s21+$0x8400]  }
0x58: {  	v4 =	vld [tilespmem:s21+$0x8410]  }
0x59: {  	v5 =	vld [tilespmem:s21+$0x8420]  }
0x5a: {  	v6 =	vld [tilespmem:s21+$0x8430]  }
0x5b: {  	[tilespmem:s21+$0x2070] =	vst.add.f32.msk $0xffff, v2  }
0x5c: {  	v2 =	vld [tilespmem:s21+$0x8440]  }
0x5d: {  	v7 =	vld [tilespmem:s21+$0x8450]  }
0x5e: {  	v8 =	vld [tilespmem:s21+$0x8460]  }
0x5f: {  	v9 =	vld [tilespmem:s21+$0x8470]  }
0x60: {  	v10 =	vld [tilespmem:s21+$0x8800]  }
0x61: {  	v11 =	vld [tilespmem:s21+$0x8810]  }
0x62: {  	v12 =	vld [tilespmem:s21+$0x8820]  }
0x63: {  	v13 =	vld [tilespmem:s21+$0x8830]  }
0x64: {  	v14 =	vld [tilespmem:s21+$0x8840]  }
0x65: {  	v15 =	vld [tilespmem:s21+$0x8850]  }
0x66: {  	v16 =	vld [tilespmem:s21+$0x8860]  }
0x67: {  	v17 =	vld [tilespmem:s21+$0x8870]  }
0x68: {  	v18 =	vld [tilespmem:s21+$0x8C00]  }
0x69: {  	v19 =	vld [tilespmem:s21+$0x8C10]  }
0x6a: {  	v20 =	vld [tilespmem:s21+$0x8C20]  }
0x6b: {  	v21 =	vld [tilespmem:s21+$0x8C30]  }
0x6c: {  	v22 =	vld [tilespmem:s21+$0x8C40]  }
0x6d: {  	v23 =	vld [tilespmem:s21+$0x8C50]  }
0x6e: {  	v24 =	vld [tilespmem:s21+$0x8C60]  }
0x6f: {  	v25 =	vld [tilespmem:s21+$0x8C70]  }
0x70: {  	v26 =	vld [tilespmem:s21+$0x9000]  }
0x71: {  	v27 =	vld [tilespmem:s21+$0x9010]  }
0x72: {  	v28 =	vld [tilespmem:s21+$0x9020]  }
0x73: {  	v29 =	vld [tilespmem:s21+$0x9030]  }
0x74: {  	v30 =	vld [tilespmem:s21+$0x9040]  }
0x75: {  	v31 =	vld [tilespmem:s21+$0x9050]  }
0x76: {  	v32 =	vld [tilespmem:s21+$0x9060]  }
0x77: {  	v33 =	vld [tilespmem:s21+$0x9070]  }
0x78: {  	v34 =	vld [tilespmem:s21+$0x9400]  }
0x79: {  	v35 =	vld [tilespmem:s21+$0x9410]  }
0x7a: {  	v36 =	vld [tilespmem:s21+$0x9420]  }
0x7b: {  	v37 =	vld [tilespmem:s21+$0x9430]  }
0x7c: {  	v38 =	vld [tilespmem:s21+$0x9440]  }
0x7d: {  	v39 =	vld [tilespmem:s21+$0x9450]  }
0x7e: {  	v40 =	vld [tilespmem:s21+$0x9460]  }
0x7f: {  	v41 =	vld [tilespmem:s21+$0x9470]  }
0x80: {  	v42 =	vld [tilespmem:s21+$0x9800]  }
0x81: {  	v43 =	vld [tilespmem:s21+$0x9810]  }
0x82: {  	v44 =	vld [tilespmem:s21+$0x9820]  }
0x83: {  	v45 =	vld [tilespmem:s21+$0x9830]  }
0x84: {  	v46 =	vld [tilespmem:s21+$0x9840]  }
0x85: {  	v47 =	vld [tilespmem:s21+$0x9850]  }
0x86: {  	v48 =	vld [tilespmem:s21+$0x9860]  }
0x87: {  	v49 =	vld [tilespmem:s21+$0x9870]  }
0x88: {  	v50 =	vld [tilespmem:s21+$0x9C00]  }
0x89: {  	v51 =	vld [tilespmem:s21+$0x9C10]  }
0x8a: {  	v52 =	vld [tilespmem:s21+$0x9C20]  }
0x8b: {  	v53 =	vld [tilespmem:s21+$0x9C30]  }
0x8c: {  	v54 =	vld [tilespmem:s21+$0x9C40]  }
0x8d: {  	v55 =	vld [tilespmem:s21+$0x9C50]  }
0x8e: {  	v56 =	vld [tilespmem:s21+$0x9C60]  }
0x8f: {  	v57 =	vld [tilespmem:s21+$0x9C70]  }
0x90: {  	v58 =	vld [tilespmem:s21+$0xA000]  }
0x91: {  	v59 =	vld [tilespmem:s21+$0xA010]  }
0x92: {  	v60 =	vld [tilespmem:s21+$0xA020]  }
0x93: {  	v61 =	vld [tilespmem:s21+$0xA030]  }
0x94: {  	v62 =	vld [tilespmem:s21+$0xA040]  }
0x95: {  	v63 =	vld [tilespmem:s21+$0xA050]  }
0x96: {  	v0 =	vld [tilespmem:s21+$0xA060]  }
0x97: {  	[tilespmem:s21+$0x400] =	vst.add.f32.msk $0xffff, v3  }
0x98: {  	[tilespmem:s21+$0x410] =	vst.add.f32.msk $0xffff, v4  }
0x99: {  	[tilespmem:s21+$0x420] =	vst.add.f32.msk $0xffff, v5  }
0x9a: {  	[tilespmem:s21+$0x430] =	vst.add.f32.msk $0xffff, v6  }
0x9b: {  	[tilespmem:s21+$0x440] =	vst.add.f32.msk $0xffff, v2  }
0x9c: {  	[tilespmem:s21+$0x450] =	vst.add.f32.msk $0xffff, v7  }
0x9d: {  	[tilespmem:s21+$0x460] =	vst.add.f32.msk $0xffff, v8  }
0x9e: {  	[tilespmem:s21+$0x470] =	vst.add.f32.msk $0xffff, v9  }
0x9f: {  	[tilespmem:s21+$0x800] =	vst.add.f32.msk $0xffff, v10  }
0xa0: {  	[tilespmem:s21+$0x810] =	vst.add.f32.msk $0xffff, v11  }
0xa1: {  	[tilespmem:s21+$0x820] =	vst.add.f32.msk $0xffff, v12  }
0xa2: {  	[tilespmem:s21+$0x830] =	vst.add.f32.msk $0xffff, v13  }
0xa3: {  	[tilespmem:s21+$0x840] =	vst.add.f32.msk $0xffff, v14  }
0xa4: {  	[tilespmem:s21+$0x850] =	vst.add.f32.msk $0xffff, v15  }
0xa5: {  	[tilespmem:s21+$0x860] =	vst.add.f32.msk $0xffff, v16  }
0xa6: {  	[tilespmem:s21+$0x870] =	vst.add.f32.msk $0xffff, v17  }
0xa7: {  	[tilespmem:s21+$0xC00] =	vst.add.f32.msk $0xffff, v18  }
0xa8: {  	[tilespmem:s21+$0xC10] =	vst.add.f32.msk $0xffff, v19  }
0xa9: {  	[tilespmem:s21+$0xC20] =	vst.add.f32.msk $0xffff, v20  }
0xaa: {  	[tilespmem:s21+$0xC30] =	vst.add.f32.msk $0xffff, v21  }
0xab: {  	[tilespmem:s21+$0xC40] =	vst.add.f32.msk $0xffff, v22  }
0xac: {  	[tilespmem:s21+$0xC50] =	vst.add.f32.msk $0xffff, v23  }
0xad: {  	[tilespmem:s21+$0xC60] =	vst.add.f32.msk $0xffff, v24  }
0xae: {  	[tilespmem:s21+$0xC70] =	vst.add.f32.msk $0xffff, v25  }
0xaf: {  	[tilespmem:s21+$0x1000] =	vst.add.f32.msk $0xffff, v26  }
0xb0: {  	[tilespmem:s21+$0x1010] =	vst.add.f32.msk $0xffff, v27  }
0xb1: {  	[tilespmem:s21+$0x1020] =	vst.add.f32.msk $0xffff, v28  }
0xb2: {  	[tilespmem:s21+$0x1030] =	vst.add.f32.msk $0xffff, v29  }
0xb3: {  	[tilespmem:s21+$0x1040] =	vst.add.f32.msk $0xffff, v30  }
0xb4: {  	[tilespmem:s21+$0x1050] =	vst.add.f32.msk $0xffff, v31  }
0xb5: {  	[tilespmem:s21+$0x1060] =	vst.add.f32.msk $0xffff, v32  }
0xb6: {  	[tilespmem:s21+$0x1070] =	vst.add.f32.msk $0xffff, v33  }
0xb7: {  	[tilespmem:s21+$0x1400] =	vst.add.f32.msk $0xffff, v34  }
0xb8: {  	[tilespmem:s21+$0x1410] =	vst.add.f32.msk $0xffff, v35  }
0xb9: {  	[tilespmem:s21+$0x1420] =	vst.add.f32.msk $0xffff, v36  }
0xba: {  	[tilespmem:s21+$0x1430] =	vst.add.f32.msk $0xffff, v37  }
0xbb: {  	[tilespmem:s21+$0x1440] =	vst.add.f32.msk $0xffff, v38  }
0xbc: {  	[tilespmem:s21+$0x1450] =	vst.add.f32.msk $0xffff, v39  }
0xbd: {  	[tilespmem:s21+$0x1460] =	vst.add.f32.msk $0xffff, v40  }
0xbe: {  	[tilespmem:s21+$0x1470] =	vst.add.f32.msk $0xffff, v41  }
0xbf: {  	[tilespmem:s21+$0x1800] =	vst.add.f32.msk $0xffff, v42  }
0xc0: {  	[tilespmem:s21+$0x1810] =	vst.add.f32.msk $0xffff, v43  }
0xc1: {  	[tilespmem:s21+$0x1820] =	vst.add.f32.msk $0xffff, v44  }
0xc2: {  	[tilespmem:s21+$0x1830] =	vst.add.f32.msk $0xffff, v45  }
0xc3: {  	[tilespmem:s21+$0x1840] =	vst.add.f32.msk $0xffff, v46  }
0xc4: {  	[tilespmem:s21+$0x1850] =	vst.add.f32.msk $0xffff, v47  }
0xc5: {  	[tilespmem:s21+$0x1860] =	vst.add.f32.msk $0xffff, v48  }
0xc6: {  	[tilespmem:s21+$0x1870] =	vst.add.f32.msk $0xffff, v49  }
0xc7: {  	[tilespmem:s21+$0x1C00] =	vst.add.f32.msk $0xffff, v50  }
0xc8: {  	[tilespmem:s21+$0x1C10] =	vst.add.f32.msk $0xffff, v51  }
0xc9: {  	[tilespmem:s21+$0x1C20] =	vst.add.f32.msk $0xffff, v52  }
0xca: {  	[tilespmem:s21+$0x1C30] =	vst.add.f32.msk $0xffff, v53  }
0xcb: {  	[tilespmem:s21+$0x1C40] =	vst.add.f32.msk $0xffff, v54  }
0xcc: {  	[tilespmem:s21+$0x1C50] =	vst.add.f32.msk $0xffff, v55  }
0xcd: {  	[tilespmem:s21+$0x1C60] =	vst.add.f32.msk $0xffff, v56  }
0xce: {  	[tilespmem:s21+$0x1C70] =	vst.add.f32.msk $0xffff, v57  }
0xcf: {  	[tilespmem:s21+$0x2000] =	vst.add.f32.msk $0xffff, v58  }
0xd0: {  	[tilespmem:s21+$0x2010] =	vst.add.f32.msk $0xffff, v59  }
.Ltmp0:
0xd1: {  	[tilespmem:s21+$0x2020] =	vst.add.f32.msk $0xffff, v60;
	(pc) =	sbr.rel @p1 .LBB2_3-.Ltmp0, $4  }
0xd2: {  	[tilespmem:s21+$0x2030] =	vst.add.f32.msk $0xffff, v61  }
0xd3: {  	[tilespmem:s21+$0x2040] =	vst.add.f32.msk $0xffff, v62  }
0xd4: {  	[tilespmem:s21+$0x2050] =	vst.add.f32.msk $0xffff, v63  }
0xd5: {  	[tilespmem:s21+$0x2060] =	vst.add.f32.msk $0xffff, v0;
	s21 =	sshra.s32 s30, $0x2;
	s30 =	sadd.s32 $0x200, s30  }
0xd6: {  	v0 =	vld [tilespmem:s21+$0xA070]  }
0xd7: {  	v2 =	vld [tilespmem:s21+$0x8400]  }
0xd8: {  	v3 =	vld [tilespmem:s21+$0x8410]  }
0xd9: {  	v4 =	vld [tilespmem:s21+$0x8420]  }
0xda: {  	v5 =	vld [tilespmem:s21+$0x8430]  }
0xdb: {  	v6 =	vld [tilespmem:s21+$0x8450]  }
0xdc: {  	v7 =	vld [tilespmem:s21+$0x8460]  }
0xdd: {  	v8 =	vld [tilespmem:s21+$0x8470]  }
0xde: {  	v9 =	vld [tilespmem:s21+$0x8800]  }
0xdf: {  	v10 =	vld [tilespmem:s21+$0x8810]  }
0xe0: {  	v11 =	vld [tilespmem:s21+$0x8820]  }
0xe1: {  	v12 =	vld [tilespmem:s21+$0x8830]  }
0xe2: {  	v13 =	vld [tilespmem:s21+$0x8840]  }
0xe3: {  	v14 =	vld [tilespmem:s21+$0x8850]  }
0xe4: {  	v15 =	vld [tilespmem:s21+$0x8860]  }
0xe5: {  	v16 =	vld [tilespmem:s21+$0x8870]  }
0xe6: {  	v17 =	vld [tilespmem:s21+$0x8C00]  }
0xe7: {  	v18 =	vld [tilespmem:s21+$0x8C10]  }
0xe8: {  	v19 =	vld [tilespmem:s21+$0x8C20]  }
0xe9: {  	v20 =	vld [tilespmem:s21+$0x8C30]  }
0xea: {  	v21 =	vld [tilespmem:s21+$0x8C40]  }
0xeb: {  	v22 =	vld [tilespmem:s21+$0x8C50]  }
0xec: {  	v23 =	vld [tilespmem:s21+$0x8C60]  }
0xed: {  	v24 =	vld [tilespmem:s21+$0x8C70]  }
0xee: {  	v25 =	vld [tilespmem:s21+$0x9000]  }
0xef: {  	v26 =	vld [tilespmem:s21+$0x9010]  }
0xf0: {  	v27 =	vld [tilespmem:s21+$0x9020]  }
0xf1: {  	v28 =	vld [tilespmem:s21+$0x9030]  }
0xf2: {  	v29 =	vld [tilespmem:s21+$0x9040]  }
0xf3: {  	v30 =	vld [tilespmem:s21+$0x9050]  }
0xf4: {  	v31 =	vld [tilespmem:s21+$0x9060]  }
0xf5: {  	v32 =	vld [tilespmem:s21+$0x9070]  }
0xf6: {  	v33 =	vld [tilespmem:s21+$0x9400]  }
0xf7: {  	v34 =	vld [tilespmem:s21+$0x9410]  }
0xf8: {  	v35 =	vld [tilespmem:s21+$0x9420]  }
0xf9: {  	v36 =	vld [tilespmem:s21+$0x9430]  }
0xfa: {  	v37 =	vld [tilespmem:s21+$0x9440]  }
0xfb: {  	v38 =	vld [tilespmem:s21+$0x9450]  }
0xfc: {  	v39 =	vld [tilespmem:s21+$0x9460]  }
0xfd: {  	v40 =	vld [tilespmem:s21+$0x9470]  }
0xfe: {  	v41 =	vld [tilespmem:s21+$0x9800]  }
0xff: {  	v42 =	vld [tilespmem:s21+$0x9810]  }
0x100: {  	v43 =	vld [tilespmem:s21+$0x9820]  }
0x101: {  	v44 =	vld [tilespmem:s21+$0x9830]  }
0x102: {  	v45 =	vld [tilespmem:s21+$0x9840]  }
0x103: {  	v46 =	vld [tilespmem:s21+$0x9850]  }
0x104: {  	v47 =	vld [tilespmem:s21+$0x9860]  }
0x105: {  	v48 =	vld [tilespmem:s21+$0x9870]  }
0x106: {  	v49 =	vld [tilespmem:s21+$0x9C00]  }
0x107: {  	v50 =	vld [tilespmem:s21+$0x9C10]  }
0x108: {  	v51 =	vld [tilespmem:s21+$0x9C20]  }
0x109: {  	v52 =	vld [tilespmem:s21+$0x9C30]  }
0x10a: {  	v53 =	vld [tilespmem:s21+$0x9C40]  }
0x10b: {  	v54 =	vld [tilespmem:s21+$0x9C50]  }
0x10c: {  	v55 =	vld [tilespmem:s21+$0x9C60]  }
0x10d: {  	v56 =	vld [tilespmem:s21+$0x9C70]  }
0x10e: {  	v57 =	vld [tilespmem:s21+$0xA000]  }
0x10f: {  	v58 =	vld [tilespmem:s21+$0xA010]  }
0x110: {  	v59 =	vld [tilespmem:s21+$0xA020]  }
0x111: {  	v60 =	vld [tilespmem:s21+$0xA030]  }
0x112: {  	v61 =	vld [tilespmem:s21+$0xA040]  }
0x113: {  	v62 =	vld [tilespmem:s21+$0xA050]  }
0x114: {  	v63 =	vld [tilespmem:s21+$0xA060]  }
0x115: {  	[tilespmem:s21+$0x2070] =	vst.add.f32.msk $0xffff, v0  }
0x116: {  	v0 =	vld [tilespmem:s21+$0x8440]  }
0x117: {  	[tilespmem:s21+$0x400] =	vst.add.f32.msk $0xffff, v2  }
0x118: {  	[tilespmem:s21+$0x410] =	vst.add.f32.msk $0xffff, v3  }
0x119: {  	[tilespmem:s21+$0x420] =	vst.add.f32.msk $0xffff, v4  }
0x11a: {  	[tilespmem:s21+$0x430] =	vst.add.f32.msk $0xffff, v5  }
0x11b: {  	[tilespmem:s21+$0x450] =	vst.add.f32.msk $0xffff, v6  }
0x11c: {  	[tilespmem:s21+$0x460] =	vst.add.f32.msk $0xffff, v7  }
0x11d: {  	[tilespmem:s21+$0x470] =	vst.add.f32.msk $0xffff, v8  }
0x11e: {  	[tilespmem:s21+$0x800] =	vst.add.f32.msk $0xffff, v9  }
0x11f: {  	[tilespmem:s21+$0x810] =	vst.add.f32.msk $0xffff, v10  }
0x120: {  	[tilespmem:s21+$0x820] =	vst.add.f32.msk $0xffff, v11  }
0x121: {  	[tilespmem:s21+$0x830] =	vst.add.f32.msk $0xffff, v12  }
0x122: {  	[tilespmem:s21+$0x840] =	vst.add.f32.msk $0xffff, v13  }
0x123: {  	[tilespmem:s21+$0x850] =	vst.add.f32.msk $0xffff, v14  }
0x124: {  	[tilespmem:s21+$0x860] =	vst.add.f32.msk $0xffff, v15  }
0x125: {  	[tilespmem:s21+$0x870] =	vst.add.f32.msk $0xffff, v16  }
0x126: {  	[tilespmem:s21+$0xC00] =	vst.add.f32.msk $0xffff, v17  }
0x127: {  	[tilespmem:s21+$0xC10] =	vst.add.f32.msk $0xffff, v18  }
0x128: {  	[tilespmem:s21+$0xC20] =	vst.add.f32.msk $0xffff, v19  }
0x129: {  	[tilespmem:s21+$0xC30] =	vst.add.f32.msk $0xffff, v20  }
0x12a: {  	[tilespmem:s21+$0xC40] =	vst.add.f32.msk $0xffff, v21  }
0x12b: {  	[tilespmem:s21+$0xC50] =	vst.add.f32.msk $0xffff, v22  }
0x12c: {  	[tilespmem:s21+$0xC60] =	vst.add.f32.msk $0xffff, v23  }
0x12d: {  	[tilespmem:s21+$0xC70] =	vst.add.f32.msk $0xffff, v24  }
0x12e: {  	[tilespmem:s21+$0x1000] =	vst.add.f32.msk $0xffff, v25  }
0x12f: {  	[tilespmem:s21+$0x1010] =	vst.add.f32.msk $0xffff, v26  }
0x130: {  	[tilespmem:s21+$0x1020] =	vst.add.f32.msk $0xffff, v27  }
0x131: {  	[tilespmem:s21+$0x1030] =	vst.add.f32.msk $0xffff, v28  }
0x132: {  	[tilespmem:s21+$0x1040] =	vst.add.f32.msk $0xffff, v29  }
0x133: {  	[tilespmem:s21+$0x1050] =	vst.add.f32.msk $0xffff, v30  }
0x134: {  	[tilespmem:s21+$0x1060] =	vst.add.f32.msk $0xffff, v31  }
0x135: {  	[tilespmem:s21+$0x1070] =	vst.add.f32.msk $0xffff, v32  }
0x136: {  	[tilespmem:s21+$0x1400] =	vst.add.f32.msk $0xffff, v33  }
0x137: {  	[tilespmem:s21+$0x1410] =	vst.add.f32.msk $0xffff, v34  }
0x138: {  	[tilespmem:s21+$0x1420] =	vst.add.f32.msk $0xffff, v35  }
0x139: {  	[tilespmem:s21+$0x1430] =	vst.add.f32.msk $0xffff, v36  }
0x13a: {  	[tilespmem:s21+$0x1440] =	vst.add.f32.msk $0xffff, v37  }
0x13b: {  	[tilespmem:s21+$0x1450] =	vst.add.f32.msk $0xffff, v38  }
0x13c: {  	[tilespmem:s21+$0x1460] =	vst.add.f32.msk $0xffff, v39  }
0x13d: {  	[tilespmem:s21+$0x1470] =	vst.add.f32.msk $0xffff, v40  }
0x13e: {  	[tilespmem:s21+$0x1800] =	vst.add.f32.msk $0xffff, v41  }
0x13f: {  	[tilespmem:s21+$0x1810] =	vst.add.f32.msk $0xffff, v42  }
0x140: {  	[tilespmem:s21+$0x1820] =	vst.add.f32.msk $0xffff, v43  }
0x141: {  	[tilespmem:s21+$0x1830] =	vst.add.f32.msk $0xffff, v44  }
0x142: {  	[tilespmem:s21+$0x1840] =	vst.add.f32.msk $0xffff, v45  }
0x143: {  	[tilespmem:s21+$0x1850] =	vst.add.f32.msk $0xffff, v46  }
0x144: {  	[tilespmem:s21+$0x1860] =	vst.add.f32.msk $0xffff, v47  }
0x145: {  	[tilespmem:s21+$0x1870] =	vst.add.f32.msk $0xffff, v48  }
0x146: {  	[tilespmem:s21+$0x1C00] =	vst.add.f32.msk $0xffff, v49  }
0x147: {  	[tilespmem:s21+$0x1C10] =	vst.add.f32.msk $0xffff, v50  }
0x148: {  	[tilespmem:s21+$0x1C20] =	vst.add.f32.msk $0xffff, v51  }
0x149: {  	[tilespmem:s21+$0x1C30] =	vst.add.f32.msk $0xffff, v52  }
0x14a: {  	[tilespmem:s21+$0x1C40] =	vst.add.f32.msk $0xffff, v53  }
0x14b: {  	[tilespmem:s21+$0x1C50] =	vst.add.f32.msk $0xffff, v54  }
0x14c: {  	[tilespmem:s21+$0x1C60] =	vst.add.f32.msk $0xffff, v55  }
0x14d: {  	[tilespmem:s21+$0x1C70] =	vst.add.f32.msk $0xffff, v56  }
0x14e: {  	[tilespmem:s21+$0x2000] =	vst.add.f32.msk $0xffff, v57  }
0x14f: {  	[tilespmem:s21+$0x2010] =	vst.add.f32.msk $0xffff, v58  }
0x150: {  	[tilespmem:s21+$0x2020] =	vst.add.f32.msk $0xffff, v59  }
0x151: {  	[tilespmem:s21+$0x2030] =	vst.add.f32.msk $0xffff, v60  }
0x152: {  	[tilespmem:s21+$0x2040] =	vst.add.f32.msk $0xffff, v61  }
0x153: {  	[tilespmem:s21+$0x2050] =	vst.add.f32.msk $0xffff, v62  }
0x154: {  	s22 =	sshll.u32 s29, $0xC;
	[tilespmem:s21+$0x2060] =	vst.add.f32.msk $0xffff, v63  }
0x155: {  	s22 =	sadd.s32 s22, s14;
	[tilespmem:s21+$0x440] =	vst.add.f32.msk $0xffff, v0;
	s21 =	simm.s32 @!p0 $0xC  }
0x156: {  	[hbm4b:s22+s5] =	stream.linear.scatter [tilespmem:s16], [sflag:$0x9], $0x2000, $0x38;
	[tilespmem:$0x10400] =	vst v63  }
0x157: {  	_ =	swait.ge @!p0 [sflag:s21], $0x2000  }
0x158: {  	s30 =	sor.u32 $0x3, s20;
	[sflag:s21] =	ssyncset.done @!p0 $0x0  }
0x159: {  	s20 =	sshll.u32 s30, $0x3;
	[sflag:s21] =	ssyncadd.s32 @!p0 $0xFFFFE000  }
0x15a: {  	v0 =	vld.msk [tilespmem:s20+$0x0], $0xff;
	_ =	sdelay $0x4  }
0x15b: {  	v2 =	vshll.u32 v0, $0x3  }
0x15c: {  	v0 =	vand.u32 $0x7, v0;
	v2 =	vand.u32 $0xFFFFFFC0, v2  }
0x15d: {  	v0 =	vor.u32 v0, v2;
	v2 =	vld [tilespmem:$0x1FFF0];
	_ =	sdelay $0x4  }
0x15e: {  	v0 =	vperm.xlane v0, v2;
	_ =	sdelay $0x1  }
0x15f: {  	v0 =	vadd.s32 v1, v0;
	_ =	sdelay $0x3  }
0x160: {  	s23 =	simm.s32 $0xE400;
	s21 =	simm.s32 $0x0  }
0x161: {  	[tilespmem:s23], [sflag:$0x8] =	stream.indirect_vreg.gather [hbm4b:s3+s21], $0x80, v0, vm0, $0xb8;
	[tilespmem:$0x10400] =	vst v63  }
0x162: {  	s23 =	simm.s32 $0xEC00  }
0x163: {  	[tilespmem:s23], [sflag:$0x8] =	stream.indirect_vreg.gather [hbm4b:s11+s21], $0x80, v0, vm0, $0xb8;
	[tilespmem:$0x10400] =	vst v63  }
0x164: {  	s20 =	sadd.s32 s6, s20;
	s23 =	simm.s32 $0xF400  }
0x165: {  	[tilespmem:s23], [sflag:$0x8] =	stream.indirect_vreg.gather [hbm4b:s12+s21], $0x80, v0, vm0, $0xb8;
	[tilespmem:$0x10400] =	vst v63  }
0x166: {  	s20 =	sshll.u32 s20, $0x7;
	s23 =	simm.s32 $0xFC00  }
0x167: {  	[tilespmem:s23], [sflag:$0x8] =	stream.indirect_vreg.gather [hbm4b:s13+s21], $0x80, v0, vm0, $0xb8;
	[tilespmem:$0x10400] =	vst v63  }
0x168: {  	s20 =	sadd.s32 s1, s20  }
0x169: {  	[tilespmem:s24], [sflag:$0x4] =	stream.linear.gather [hbm4b:s20+s21], $0x2000, $0x38;
	[tilespmem:$0x10400] =	vst v63  }
0x16a: {  	_ =	swait.ge [sflag:s25], $0x2000  }
0x16b: {  	[sflag:s25] =	ssyncset.done $0x0  }
0x16c: {  	[sflag:s25] =	ssyncadd.s32 $0xFFFFE000  }
0x16d: {  	_ =	swait.ge [sflag:s26], $0x2000  }
0x16e: {  	[sflag:s26] =	ssyncset.done $0x0  }
0x16f: {  	s21 =	simm.s32 $0x0;
	s20 =	simm.s32 $0x200;
	[sflag:s26] =	ssyncadd.s32 $0xFFFFE000  }
.LBB2_5:
0x170: {  	p0 =	sne.s32 s20, $0xE00;
	v0 =	vld [tilespmem:s21+$0xC070]  }
0x171: {  	v2 =	vld [tilespmem:s21+$0xA400]  }
0x172: {  	v3 =	vld [tilespmem:s21+$0xA410]  }
0x173: {  	v4 =	vld [tilespmem:s21+$0xA420]  }
0x174: {  	v5 =	vld [tilespmem:s21+$0xA430]  }
0x175: {  	[tilespmem:s21+$0x4070] =	vst.add.f32.msk $0xffff, v0  }
0x176: {  	v0 =	vld [tilespmem:s21+$0xA440]  }
0x177: {  	v6 =	vld [tilespmem:s21+$0xA450]  }
0x178: {  	v7 =	vld [tilespmem:s21+$0xA460]  }
0x179: {  	v8 =	vld [tilespmem:s21+$0xA470]  }
0x17a: {  	v9 =	vld [tilespmem:s21+$0xA800]  }
0x17b: {  	v10 =	vld [tilespmem:s21+$0xA810]  }
0x17c: {  	v11 =	vld [tilespmem:s21+$0xA820]  }
0x17d: {  	v12 =	vld [tilespmem:s21+$0xA830]  }
0x17e: {  	v13 =	vld [tilespmem:s21+$0xA840]  }
0x17f: {  	v14 =	vld [tilespmem:s21+$0xA850]  }
0x180: {  	v15 =	vld [tilespmem:s21+$0xA860]  }
0x181: {  	v16 =	vld [tilespmem:s21+$0xA870]  }
0x182: {  	v17 =	vld [tilespmem:s21+$0xAC00]  }
0x183: {  	v18 =	vld [tilespmem:s21+$0xAC10]  }
0x184: {  	v19 =	vld [tilespmem:s21+$0xAC20]  }
0x185: {  	v20 =	vld [tilespmem:s21+$0xAC30]  }
0x186: {  	v21 =	vld [tilespmem:s21+$0xAC40]  }
0x187: {  	v22 =	vld [tilespmem:s21+$0xAC50]  }
0x188: {  	v23 =	vld [tilespmem:s21+$0xAC60]  }
0x189: {  	v24 =	vld [tilespmem:s21+$0xAC70]  }
0x18a: {  	v25 =	vld [tilespmem:s21+$0xB000]  }
0x18b: {  	v26 =	vld [tilespmem:s21+$0xB010]  }
0x18c: {  	v27 =	vld [tilespmem:s21+$0xB020]  }
0x18d: {  	v28 =	vld [tilespmem:s21+$0xB030]  }
0x18e: {  	v29 =	vld [tilespmem:s21+$0xB040]  }
0x18f: {  	v30 =	vld [tilespmem:s21+$0xB050]  }
0x190: {  	v31 =	vld [tilespmem:s21+$0xB060]  }
0x191: {  	v32 =	vld [tilespmem:s21+$0xB070]  }
0x192: {  	v33 =	vld [tilespmem:s21+$0xB400]  }
0x193: {  	v34 =	vld [tilespmem:s21+$0xB410]  }
0x194: {  	v35 =	vld [tilespmem:s21+$0xB420]  }
0x195: {  	v36 =	vld [tilespmem:s21+$0xB430]  }
0x196: {  	v37 =	vld [tilespmem:s21+$0xB440]  }
0x197: {  	v38 =	vld [tilespmem:s21+$0xB450]  }
0x198: {  	v39 =	vld [tilespmem:s21+$0xB460]  }
0x199: {  	v40 =	vld [tilespmem:s21+$0xB470]  }
0x19a: {  	v41 =	vld [tilespmem:s21+$0xB800]  }
0x19b: {  	v42 =	vld [tilespmem:s21+$0xB810]  }
0x19c: {  	v43 =	vld [tilespmem:s21+$0xB820]  }
0x19d: {  	v44 =	vld [tilespmem:s21+$0xB830]  }
0x19e: {  	v45 =	vld [tilespmem:s21+$0xB840]  }
0x19f: {  	v46 =	vld [tilespmem:s21+$0xB850]  }
0x1a0: {  	v47 =	vld [tilespmem:s21+$0xB860]  }
0x1a1: {  	v48 =	vld [tilespmem:s21+$0xB870]  }
0x1a2: {  	v49 =	vld [tilespmem:s21+$0xBC00]  }
0x1a3: {  	v50 =	vld [tilespmem:s21+$0xBC10]  }
0x1a4: {  	v51 =	vld [tilespmem:s21+$0xBC20]  }
0x1a5: {  	v52 =	vld [tilespmem:s21+$0xBC30]  }
0x1a6: {  	v53 =	vld [tilespmem:s21+$0xBC40]  }
0x1a7: {  	v54 =	vld [tilespmem:s21+$0xBC50]  }
0x1a8: {  	v55 =	vld [tilespmem:s21+$0xBC60]  }
0x1a9: {  	v56 =	vld [tilespmem:s21+$0xBC70]  }
0x1aa: {  	v57 =	vld [tilespmem:s21+$0xC000]  }
0x1ab: {  	v58 =	vld [tilespmem:s21+$0xC010]  }
0x1ac: {  	v59 =	vld [tilespmem:s21+$0xC020]  }
0x1ad: {  	v60 =	vld [tilespmem:s21+$0xC030]  }
0x1ae: {  	v61 =	vld [tilespmem:s21+$0xC040]  }
0x1af: {  	v62 =	vld [tilespmem:s21+$0xC050]  }
0x1b0: {  	v63 =	vld [tilespmem:s21+$0xC060]  }
0x1b1: {  	[tilespmem:s21+$0x2400] =	vst.add.f32.msk $0xffff, v2  }
0x1b2: {  	[tilespmem:s21+$0x2410] =	vst.add.f32.msk $0xffff, v3  }
0x1b3: {  	[tilespmem:s21+$0x2420] =	vst.add.f32.msk $0xffff, v4  }
0x1b4: {  	[tilespmem:s21+$0x2430] =	vst.add.f32.msk $0xffff, v5  }
0x1b5: {  	[tilespmem:s21+$0x2440] =	vst.add.f32.msk $0xffff, v0  }
0x1b6: {  	[tilespmem:s21+$0x2450] =	vst.add.f32.msk $0xffff, v6  }
0x1b7: {  	[tilespmem:s21+$0x2460] =	vst.add.f32.msk $0xffff, v7  }
0x1b8: {  	[tilespmem:s21+$0x2470] =	vst.add.f32.msk $0xffff, v8  }
0x1b9: {  	[tilespmem:s21+$0x2800] =	vst.add.f32.msk $0xffff, v9  }
0x1ba: {  	[tilespmem:s21+$0x2810] =	vst.add.f32.msk $0xffff, v10  }
0x1bb: {  	[tilespmem:s21+$0x2820] =	vst.add.f32.msk $0xffff, v11  }
0x1bc: {  	[tilespmem:s21+$0x2830] =	vst.add.f32.msk $0xffff, v12  }
0x1bd: {  	[tilespmem:s21+$0x2840] =	vst.add.f32.msk $0xffff, v13  }
0x1be: {  	[tilespmem:s21+$0x2850] =	vst.add.f32.msk $0xffff, v14  }
0x1bf: {  	[tilespmem:s21+$0x2860] =	vst.add.f32.msk $0xffff, v15  }
0x1c0: {  	[tilespmem:s21+$0x2870] =	vst.add.f32.msk $0xffff, v16  }
0x1c1: {  	[tilespmem:s21+$0x2C00] =	vst.add.f32.msk $0xffff, v17  }
0x1c2: {  	[tilespmem:s21+$0x2C10] =	vst.add.f32.msk $0xffff, v18  }
0x1c3: {  	[tilespmem:s21+$0x2C20] =	vst.add.f32.msk $0xffff, v19  }
0x1c4: {  	[tilespmem:s21+$0x2C30] =	vst.add.f32.msk $0xffff, v20  }
0x1c5: {  	[tilespmem:s21+$0x2C40] =	vst.add.f32.msk $0xffff, v21  }
0x1c6: {  	[tilespmem:s21+$0x2C50] =	vst.add.f32.msk $0xffff, v22  }
0x1c7: {  	[tilespmem:s21+$0x2C60] =	vst.add.f32.msk $0xffff, v23  }
0x1c8: {  	[tilespmem:s21+$0x2C70] =	vst.add.f32.msk $0xffff, v24  }
0x1c9: {  	[tilespmem:s21+$0x3000] =	vst.add.f32.msk $0xffff, v25  }
0x1ca: {  	[tilespmem:s21+$0x3010] =	vst.add.f32.msk $0xffff, v26  }
0x1cb: {  	[tilespmem:s21+$0x3020] =	vst.add.f32.msk $0xffff, v27  }
0x1cc: {  	[tilespmem:s21+$0x3030] =	vst.add.f32.msk $0xffff, v28  }
0x1cd: {  	[tilespmem:s21+$0x3040] =	vst.add.f32.msk $0xffff, v29  }
0x1ce: {  	[tilespmem:s21+$0x3050] =	vst.add.f32.msk $0xffff, v30  }
0x1cf: {  	[tilespmem:s21+$0x3060] =	vst.add.f32.msk $0xffff, v31  }
0x1d0: {  	[tilespmem:s21+$0x3070] =	vst.add.f32.msk $0xffff, v32  }
0x1d1: {  	[tilespmem:s21+$0x3400] =	vst.add.f32.msk $0xffff, v33  }
0x1d2: {  	[tilespmem:s21+$0x3410] =	vst.add.f32.msk $0xffff, v34  }
0x1d3: {  	[tilespmem:s21+$0x3420] =	vst.add.f32.msk $0xffff, v35  }
0x1d4: {  	[tilespmem:s21+$0x3430] =	vst.add.f32.msk $0xffff, v36  }
0x1d5: {  	[tilespmem:s21+$0x3440] =	vst.add.f32.msk $0xffff, v37  }
0x1d6: {  	[tilespmem:s21+$0x3450] =	vst.add.f32.msk $0xffff, v38  }
0x1d7: {  	[tilespmem:s21+$0x3460] =	vst.add.f32.msk $0xffff, v39  }
0x1d8: {  	[tilespmem:s21+$0x3470] =	vst.add.f32.msk $0xffff, v40  }
0x1d9: {  	[tilespmem:s21+$0x3800] =	vst.add.f32.msk $0xffff, v41  }
0x1da: {  	[tilespmem:s21+$0x3810] =	vst.add.f32.msk $0xffff, v42  }
0x1db: {  	[tilespmem:s21+$0x3820] =	vst.add.f32.msk $0xffff, v43  }
0x1dc: {  	[tilespmem:s21+$0x3830] =	vst.add.f32.msk $0xffff, v44  }
0x1dd: {  	[tilespmem:s21+$0x3840] =	vst.add.f32.msk $0xffff, v45  }
0x1de: {  	[tilespmem:s21+$0x3850] =	vst.add.f32.msk $0xffff, v46  }
0x1df: {  	[tilespmem:s21+$0x3860] =	vst.add.f32.msk $0xffff, v47  }
0x1e0: {  	[tilespmem:s21+$0x3870] =	vst.add.f32.msk $0xffff, v48  }
0x1e1: {  	[tilespmem:s21+$0x3C00] =	vst.add.f32.msk $0xffff, v49  }
0x1e2: {  	[tilespmem:s21+$0x3C10] =	vst.add.f32.msk $0xffff, v50  }
0x1e3: {  	[tilespmem:s21+$0x3C20] =	vst.add.f32.msk $0xffff, v51  }
0x1e4: {  	[tilespmem:s21+$0x3C30] =	vst.add.f32.msk $0xffff, v52  }
0x1e5: {  	[tilespmem:s21+$0x3C40] =	vst.add.f32.msk $0xffff, v53  }
0x1e6: {  	[tilespmem:s21+$0x3C50] =	vst.add.f32.msk $0xffff, v54  }
0x1e7: {  	[tilespmem:s21+$0x3C60] =	vst.add.f32.msk $0xffff, v55  }
0x1e8: {  	[tilespmem:s21+$0x3C70] =	vst.add.f32.msk $0xffff, v56  }
0x1e9: {  	[tilespmem:s21+$0x4000] =	vst.add.f32.msk $0xffff, v57  }
0x1ea: {  	[tilespmem:s21+$0x4010] =	vst.add.f32.msk $0xffff, v58  }
.Ltmp1:
0x1eb: {  	[tilespmem:s21+$0x4020] =	vst.add.f32.msk $0xffff, v59;
	(pc) =	sbr.rel @p0 .LBB2_5-.Ltmp1, $4  }
0x1ec: {  	[tilespmem:s21+$0x4030] =	vst.add.f32.msk $0xffff, v60  }
0x1ed: {  	[tilespmem:s21+$0x4040] =	vst.add.f32.msk $0xffff, v61  }
0x1ee: {  	[tilespmem:s21+$0x4050] =	vst.add.f32.msk $0xffff, v62  }
0x1ef: {  	[tilespmem:s21+$0x4060] =	vst.add.f32.msk $0xffff, v63;
	s21 =	sshra.s32 s20, $0x2;
	s20 =	sadd.s32 $0x200, s20  }
0x1f0: {  	v0 =	vld [tilespmem:s21+$0xC070]  }
0x1f1: {  	v2 =	vld [tilespmem:s21+$0xA400]  }
0x1f2: {  	v3 =	vld [tilespmem:s21+$0xA410]  }
0x1f3: {  	v4 =	vld [tilespmem:s21+$0xA420]  }
0x1f4: {  	v5 =	vld [tilespmem:s21+$0xA430]  }
0x1f5: {  	v6 =	vld [tilespmem:s21+$0xA450]  }
0x1f6: {  	v7 =	vld [tilespmem:s21+$0xA460]  }
0x1f7: {  	v8 =	vld [tilespmem:s21+$0xA470]  }
0x1f8: {  	v9 =	vld [tilespmem:s21+$0xA800]  }
0x1f9: {  	v10 =	vld [tilespmem:s21+$0xA810]  }
0x1fa: {  	v11 =	vld [tilespmem:s21+$0xA820]  }
0x1fb: {  	v12 =	vld [tilespmem:s21+$0xA830]  }
0x1fc: {  	v13 =	vld [tilespmem:s21+$0xA840]  }
0x1fd: {  	v14 =	vld [tilespmem:s21+$0xA850]  }
0x1fe: {  	v15 =	vld [tilespmem:s21+$0xA860]  }
0x1ff: {  	v16 =	vld [tilespmem:s21+$0xA870]  }
0x200: {  	v17 =	vld [tilespmem:s21+$0xAC00]  }
0x201: {  	v18 =	vld [tilespmem:s21+$0xAC10]  }
0x202: {  	v19 =	vld [tilespmem:s21+$0xAC20]  }
0x203: {  	v20 =	vld [tilespmem:s21+$0xAC30]  }
0x204: {  	v21 =	vld [tilespmem:s21+$0xAC40]  }
0x205: {  	v22 =	vld [tilespmem:s21+$0xAC50]  }
0x206: {  	v23 =	vld [tilespmem:s21+$0xAC60]  }
0x207: {  	v24 =	vld [tilespmem:s21+$0xAC70]  }
0x208: {  	v25 =	vld [tilespmem:s21+$0xB000]  }
0x209: {  	v26 =	vld [tilespmem:s21+$0xB010]  }
0x20a: {  	v27 =	vld [tilespmem:s21+$0xB020]  }
0x20b: {  	v28 =	vld [tilespmem:s21+$0xB030]  }
0x20c: {  	v29 =	vld [tilespmem:s21+$0xB040]  }
0x20d: {  	v30 =	vld [tilespmem:s21+$0xB050]  }
0x20e: {  	v31 =	vld [tilespmem:s21+$0xB060]  }
0x20f: {  	v32 =	vld [tilespmem:s21+$0xB070]  }
0x210: {  	v33 =	vld [tilespmem:s21+$0xB400]  }
0x211: {  	v34 =	vld [tilespmem:s21+$0xB410]  }
0x212: {  	v35 =	vld [tilespmem:s21+$0xB420]  }
0x213: {  	v36 =	vld [tilespmem:s21+$0xB430]  }
0x214: {  	v37 =	vld [tilespmem:s21+$0xB440]  }
0x215: {  	v38 =	vld [tilespmem:s21+$0xB450]  }
0x216: {  	v39 =	vld [tilespmem:s21+$0xB460]  }
0x217: {  	v40 =	vld [tilespmem:s21+$0xB470]  }
0x218: {  	v41 =	vld [tilespmem:s21+$0xB800]  }
0x219: {  	v42 =	vld [tilespmem:s21+$0xB810]  }
0x21a: {  	v43 =	vld [tilespmem:s21+$0xB820]  }
0x21b: {  	v44 =	vld [tilespmem:s21+$0xB830]  }
0x21c: {  	v45 =	vld [tilespmem:s21+$0xB840]  }
0x21d: {  	v46 =	vld [tilespmem:s21+$0xB850]  }
0x21e: {  	v47 =	vld [tilespmem:s21+$0xB860]  }
0x21f: {  	v48 =	vld [tilespmem:s21+$0xB870]  }
0x220: {  	v49 =	vld [tilespmem:s21+$0xBC00]  }
0x221: {  	v50 =	vld [tilespmem:s21+$0xBC10]  }
0x222: {  	v51 =	vld [tilespmem:s21+$0xBC20]  }
0x223: {  	v52 =	vld [tilespmem:s21+$0xBC30]  }
0x224: {  	v53 =	vld [tilespmem:s21+$0xBC40]  }
0x225: {  	v54 =	vld [tilespmem:s21+$0xBC50]  }
0x226: {  	v55 =	vld [tilespmem:s21+$0xBC60]  }
0x227: {  	v56 =	vld [tilespmem:s21+$0xBC70]  }
0x228: {  	v57 =	vld [tilespmem:s21+$0xC000]  }
0x229: {  	v58 =	vld [tilespmem:s21+$0xC010]  }
0x22a: {  	v59 =	vld [tilespmem:s21+$0xC020]  }
0x22b: {  	v60 =	vld [tilespmem:s21+$0xC030]  }
0x22c: {  	v61 =	vld [tilespmem:s21+$0xC040]  }
0x22d: {  	v62 =	vld [tilespmem:s21+$0xC050]  }
0x22e: {  	v63 =	vld [tilespmem:s21+$0xC060]  }
0x22f: {  	[tilespmem:s21+$0x4070] =	vst.add.f32.msk $0xffff, v0  }
0x230: {  	v0 =	vld [tilespmem:s21+$0xA440]  }
0x231: {  	[tilespmem:s21+$0x2400] =	vst.add.f32.msk $0xffff, v2  }
0x232: {  	[tilespmem:s21+$0x2410] =	vst.add.f32.msk $0xffff, v3  }
0x233: {  	[tilespmem:s21+$0x2420] =	vst.add.f32.msk $0xffff, v4  }
0x234: {  	[tilespmem:s21+$0x2430] =	vst.add.f32.msk $0xffff, v5  }
0x235: {  	[tilespmem:s21+$0x2450] =	vst.add.f32.msk $0xffff, v6  }
0x236: {  	[tilespmem:s21+$0x2460] =	vst.add.f32.msk $0xffff, v7  }
0x237: {  	[tilespmem:s21+$0x2470] =	vst.add.f32.msk $0xffff, v8  }
0x238: {  	[tilespmem:s21+$0x2800] =	vst.add.f32.msk $0xffff, v9  }
0x239: {  	[tilespmem:s21+$0x2810] =	vst.add.f32.msk $0xffff, v10  }
0x23a: {  	[tilespmem:s21+$0x2820] =	vst.add.f32.msk $0xffff, v11  }
0x23b: {  	[tilespmem:s21+$0x2830] =	vst.add.f32.msk $0xffff, v12  }
0x23c: {  	[tilespmem:s21+$0x2840] =	vst.add.f32.msk $0xffff, v13  }
0x23d: {  	[tilespmem:s21+$0x2850] =	vst.add.f32.msk $0xffff, v14  }
0x23e: {  	[tilespmem:s21+$0x2860] =	vst.add.f32.msk $0xffff, v15  }
0x23f: {  	[tilespmem:s21+$0x2870] =	vst.add.f32.msk $0xffff, v16  }
0x240: {  	[tilespmem:s21+$0x2C00] =	vst.add.f32.msk $0xffff, v17  }
0x241: {  	[tilespmem:s21+$0x2C10] =	vst.add.f32.msk $0xffff, v18  }
0x242: {  	[tilespmem:s21+$0x2C20] =	vst.add.f32.msk $0xffff, v19  }
0x243: {  	[tilespmem:s21+$0x2C30] =	vst.add.f32.msk $0xffff, v20  }
0x244: {  	[tilespmem:s21+$0x2C40] =	vst.add.f32.msk $0xffff, v21  }
0x245: {  	[tilespmem:s21+$0x2C50] =	vst.add.f32.msk $0xffff, v22  }
0x246: {  	[tilespmem:s21+$0x2C60] =	vst.add.f32.msk $0xffff, v23  }
0x247: {  	[tilespmem:s21+$0x2C70] =	vst.add.f32.msk $0xffff, v24  }
0x248: {  	[tilespmem:s21+$0x3000] =	vst.add.f32.msk $0xffff, v25  }
0x249: {  	[tilespmem:s21+$0x3010] =	vst.add.f32.msk $0xffff, v26  }
0x24a: {  	[tilespmem:s21+$0x3020] =	vst.add.f32.msk $0xffff, v27  }
0x24b: {  	[tilespmem:s21+$0x3030] =	vst.add.f32.msk $0xffff, v28  }
0x24c: {  	[tilespmem:s21+$0x3040] =	vst.add.f32.msk $0xffff, v29  }
0x24d: {  	[tilespmem:s21+$0x3050] =	vst.add.f32.msk $0xffff, v30  }
0x24e: {  	[tilespmem:s21+$0x3060] =	vst.add.f32.msk $0xffff, v31  }
0x24f: {  	[tilespmem:s21+$0x3070] =	vst.add.f32.msk $0xffff, v32  }
0x250: {  	[tilespmem:s21+$0x3400] =	vst.add.f32.msk $0xffff, v33  }
0x251: {  	[tilespmem:s21+$0x3410] =	vst.add.f32.msk $0xffff, v34  }
0x252: {  	[tilespmem:s21+$0x3420] =	vst.add.f32.msk $0xffff, v35  }
0x253: {  	[tilespmem:s21+$0x3430] =	vst.add.f32.msk $0xffff, v36  }
0x254: {  	[tilespmem:s21+$0x3440] =	vst.add.f32.msk $0xffff, v37  }
0x255: {  	[tilespmem:s21+$0x3450] =	vst.add.f32.msk $0xffff, v38  }
0x256: {  	[tilespmem:s21+$0x3460] =	vst.add.f32.msk $0xffff, v39  }
0x257: {  	[tilespmem:s21+$0x3470] =	vst.add.f32.msk $0xffff, v40  }
0x258: {  	[tilespmem:s21+$0x3800] =	vst.add.f32.msk $0xffff, v41  }
0x259: {  	[tilespmem:s21+$0x3810] =	vst.add.f32.msk $0xffff, v42  }
0x25a: {  	[tilespmem:s21+$0x3820] =	vst.add.f32.msk $0xffff, v43  }
0x25b: {  	[tilespmem:s21+$0x3830] =	vst.add.f32.msk $0xffff, v44  }
0x25c: {  	[tilespmem:s21+$0x3840] =	vst.add.f32.msk $0xffff, v45  }
0x25d: {  	[tilespmem:s21+$0x3850] =	vst.add.f32.msk $0xffff, v46  }
0x25e: {  	[tilespmem:s21+$0x3860] =	vst.add.f32.msk $0xffff, v47  }
0x25f: {  	[tilespmem:s21+$0x3870] =	vst.add.f32.msk $0xffff, v48  }
0x260: {  	[tilespmem:s21+$0x3C00] =	vst.add.f32.msk $0xffff, v49  }
0x261: {  	[tilespmem:s21+$0x3C10] =	vst.add.f32.msk $0xffff, v50  }
0x262: {  	[tilespmem:s21+$0x3C20] =	vst.add.f32.msk $0xffff, v51  }
0x263: {  	[tilespmem:s21+$0x3C30] =	vst.add.f32.msk $0xffff, v52  }
0x264: {  	[tilespmem:s21+$0x3C40] =	vst.add.f32.msk $0xffff, v53  }
0x265: {  	[tilespmem:s21+$0x3C50] =	vst.add.f32.msk $0xffff, v54  }
0x266: {  	[tilespmem:s21+$0x3C60] =	vst.add.f32.msk $0xffff, v55  }
0x267: {  	[tilespmem:s21+$0x3C70] =	vst.add.f32.msk $0xffff, v56  }
0x268: {  	[tilespmem:s21+$0x4000] =	vst.add.f32.msk $0xffff, v57  }
0x269: {  	[tilespmem:s21+$0x4010] =	vst.add.f32.msk $0xffff, v58  }
0x26a: {  	[tilespmem:s21+$0x4020] =	vst.add.f32.msk $0xffff, v59  }
0x26b: {  	s20 =	sshll.u32 s29, $0x5;
	[tilespmem:s21+$0x4030] =	vst.add.f32.msk $0xffff, v60  }
0x26c: {  	s22 =	sadd.s32 s20, s6;
	[tilespmem:s21+$0x4040] =	vst.add.f32.msk $0xffff, v61  }
0x26d: {  	s22 =	sshll.u32 s22, $0x7;
	[tilespmem:s21+$0x4050] =	vst.add.f32.msk $0xffff, v62  }
0x26e: {  	s22 =	sadd.s32 s4, s22;
	[tilespmem:s21+$0x4060] =	vst.add.f32.msk $0xffff, v63  }
0x26f: {  	s23 =	sadd.s32 $0x400, s22;
	[tilespmem:s21+$0x2440] =	vst.add.f32.msk $0xffff, v0  }
0x270: {  	[hbm4b:s23+s5] =	stream.linear.scatter [tilespmem:s17], [sflag:$0xA], $0x2000, $0x38;
	[tilespmem:$0x10400] =	vst v63  }
0x271: {  	_ =	swait.ge [sflag:s9], $0x2000  }
0x272: {  	[sflag:s9] =	ssyncset.done $0x0  }
0x273: {  	p0 =	seq.s32 s29, $0x1F;
	[sflag:s9] =	ssyncadd.s32 $0xFFFFE000  }
0x274: {  	v0 =	vld.msk @!p0 [tilespmem:s20+$0x20], $0xff;
	_ =	sdelay $0x4  }
0x275: {  	v2 =	vshll.u32 @!p0 v0, $0x3  }
0x276: {  	v3 =	vlaneseq.u32 @!p0;
	v0 =	vand.u32 @!p0 $0x7, v0;
	v2 =	vand.u32 @!p0 $0xFFFFFFC0, v2  }
0x277: {  	v0 =	vor.u32 @!p0 v0, v2;
	v2 =	vand.u32 @!p0 $0x7, v3;
	v3 =	vshrl.u32 @!p0 v3, $0x3  }
0x278: {  	v0 =	vperm.xlane @!p0 v0, v2;
	v2 =	vmul.u32 @!p0 $0x8, v3;
	_ =	sdelay $0x1  }
0x279: {  	v0 =	vadd.s32 @!p0 v2, v0;
	_ =	sdelay $0x3  }
0x27a: {  	vm1 =	vmmov @!p0 $0xffff;
	s22 =	simm.s32 @!p0 $0x8400;
	s21 =	simm.s32 @!p0 $0x0  }
0x27b: {  	[tilespmem:s22], [sflag:$0x5] =	stream.indirect_vreg.gather @!p0 [hbm4b:s3+s21], $0x80, v0, vm1, $0xb8;
	[tilespmem:$0x10400] =	vst v63  }
0x27c: {  	s22 =	simm.s32 @!p0 $0x8C00  }
0x27d: {  	[tilespmem:s22], [sflag:$0x5] =	stream.indirect_vreg.gather @!p0 [hbm4b:s11+s21], $0x80, v0, vm1, $0xb8;
	[tilespmem:$0x10400] =	vst v63  }
0x27e: {  	s22 =	simm.s32 @!p0 $0x9400  }
0x27f: {  	[tilespmem:s22], [sflag:$0x5] =	stream.indirect_vreg.gather @!p0 [hbm4b:s12+s21], $0x80, v0, vm1, $0xb8;
	[tilespmem:$0x10400] =	vst v63  }
0x280: {  	s22 =	sadd.s32 @!p0 $0x20, s20  }
0x281: {  	s23 =	simm.s32 @!p0 $0x9C00;
	s22 =	sadd.s32 @!p0 s6, s22  }
0x282: {  	[tilespmem:s23], [sflag:$0x5] =	stream.indirect_vreg.gather @!p0 [hbm4b:s13+s21], $0x80, v0, vm1, $0xb8;
	[tilespmem:$0x10400] =	vst v63  }
0x283: {  	s22 =	sshll.u32 @!p0 s22, $0x7  }
0x284: {  	s23 =	simm.s32 @!p0 $0x400;
	s22 =	sadd.s32 @!p0 s1, s22  }
0x285: {  	[tilespmem:s23], [sflag:$0x1] =	stream.linear.gather @!p0 [hbm4b:s22+s21], $0x2000, $0x38;
	[tilespmem:$0x10400] =	vst v63  }
0x286: {  	_ =	swait.ge [sflag:s10], $0x2000  }
0x287: {  	[sflag:s10] =	ssyncset.done $0x0  }
0x288: {  	[sflag:s10] =	ssyncadd.s32 $0xFFFFE000  }
0x289: {  	_ =	swait.ge [sflag:s15], $0x2000  }
0x28a: {  	[sflag:s15] =	ssyncset.done $0x0  }
0x28b: {  	s21 =	simm.s32 $0x0;
	s22 =	simm.s32 $0x200;
	[sflag:s15] =	ssyncadd.s32 $0xFFFFE000  }
.LBB2_7:
0x28c: {  	p1 =	sne.s32 s22, $0xE00;
	v0 =	vld [tilespmem:s21+$0xE070]  }
0x28d: {  	v2 =	vld [tilespmem:s21+$0xC400]  }
0x28e: {  	v3 =	vld [tilespmem:s21+$0xC410]  }
0x28f: {  	v4 =	vld [tilespmem:s21+$0xC420]  }
0x290: {  	v5 =	vld [tilespmem:s21+$0xC430]  }
0x291: {  	[tilespmem:s21+$0x6070] =	vst.add.f32.msk $0xffff, v0  }
0x292: {  	v0 =	vld [tilespmem:s21+$0xC440]  }
0x293: {  	v6 =	vld [tilespmem:s21+$0xC450]  }
0x294: {  	v7 =	vld [tilespmem:s21+$0xC460]  }
0x295: {  	v8 =	vld [tilespmem:s21+$0xC470]  }
0x296: {  	v9 =	vld [tilespmem:s21+$0xC800]  }
0x297: {  	v10 =	vld [tilespmem:s21+$0xC810]  }
0x298: {  	v11 =	vld [tilespmem:s21+$0xC820]  }
0x299: {  	v12 =	vld [tilespmem:s21+$0xC830]  }
0x29a: {  	v13 =	vld [tilespmem:s21+$0xC840]  }
0x29b: {  	v14 =	vld [tilespmem:s21+$0xC850]  }
0x29c: {  	v15 =	vld [tilespmem:s21+$0xC860]  }
0x29d: {  	v16 =	vld [tilespmem:s21+$0xC870]  }
0x29e: {  	v17 =	vld [tilespmem:s21+$0xCC00]  }
0x29f: {  	v18 =	vld [tilespmem:s21+$0xCC10]  }
0x2a0: {  	v19 =	vld [tilespmem:s21+$0xCC20]  }
0x2a1: {  	v20 =	vld [tilespmem:s21+$0xCC30]  }
0x2a2: {  	v21 =	vld [tilespmem:s21+$0xCC40]  }
0x2a3: {  	v22 =	vld [tilespmem:s21+$0xCC50]  }
0x2a4: {  	v23 =	vld [tilespmem:s21+$0xCC60]  }
0x2a5: {  	v24 =	vld [tilespmem:s21+$0xCC70]  }
0x2a6: {  	v25 =	vld [tilespmem:s21+$0xD000]  }
0x2a7: {  	v26 =	vld [tilespmem:s21+$0xD010]  }
0x2a8: {  	v27 =	vld [tilespmem:s21+$0xD020]  }
0x2a9: {  	v28 =	vld [tilespmem:s21+$0xD030]  }
0x2aa: {  	v29 =	vld [tilespmem:s21+$0xD040]  }
0x2ab: {  	v30 =	vld [tilespmem:s21+$0xD050]  }
0x2ac: {  	v31 =	vld [tilespmem:s21+$0xD060]  }
0x2ad: {  	v32 =	vld [tilespmem:s21+$0xD070]  }
0x2ae: {  	v33 =	vld [tilespmem:s21+$0xD400]  }
0x2af: {  	v34 =	vld [tilespmem:s21+$0xD410]  }
0x2b0: {  	v35 =	vld [tilespmem:s21+$0xD420]  }
0x2b1: {  	v36 =	vld [tilespmem:s21+$0xD430]  }
0x2b2: {  	v37 =	vld [tilespmem:s21+$0xD440]  }
0x2b3: {  	v38 =	vld [tilespmem:s21+$0xD450]  }
0x2b4: {  	v39 =	vld [tilespmem:s21+$0xD460]  }
0x2b5: {  	v40 =	vld [tilespmem:s21+$0xD470]  }
0x2b6: {  	v41 =	vld [tilespmem:s21+$0xD800]  }
0x2b7: {  	v42 =	vld [tilespmem:s21+$0xD810]  }
0x2b8: {  	v43 =	vld [tilespmem:s21+$0xD820]  }
0x2b9: {  	v44 =	vld [tilespmem:s21+$0xD830]  }
0x2ba: {  	v45 =	vld [tilespmem:s21+$0xD840]  }
0x2bb: {  	v46 =	vld [tilespmem:s21+$0xD850]  }
0x2bc: {  	v47 =	vld [tilespmem:s21+$0xD860]  }
0x2bd: {  	v48 =	vld [tilespmem:s21+$0xD870]  }
0x2be: {  	v49 =	vld [tilespmem:s21+$0xDC00]  }
0x2bf: {  	v50 =	vld [tilespmem:s21+$0xDC10]  }
0x2c0: {  	v51 =	vld [tilespmem:s21+$0xDC20]  }
0x2c1: {  	v52 =	vld [tilespmem:s21+$0xDC30]  }
0x2c2: {  	v53 =	vld [tilespmem:s21+$0xDC40]  }
0x2c3: {  	v54 =	vld [tilespmem:s21+$0xDC50]  }
0x2c4: {  	v55 =	vld [tilespmem:s21+$0xDC60]  }
0x2c5: {  	v56 =	vld [tilespmem:s21+$0xDC70]  }
0x2c6: {  	v57 =	vld [tilespmem:s21+$0xE000]  }
0x2c7: {  	v58 =	vld [tilespmem:s21+$0xE010]  }
0x2c8: {  	v59 =	vld [tilespmem:s21+$0xE020]  }
0x2c9: {  	v60 =	vld [tilespmem:s21+$0xE030]  }
0x2ca: {  	v61 =	vld [tilespmem:s21+$0xE040]  }
0x2cb: {  	v62 =	vld [tilespmem:s21+$0xE050]  }
0x2cc: {  	v63 =	vld [tilespmem:s21+$0xE060]  }
0x2cd: {  	[tilespmem:s21+$0x4400] =	vst.add.f32.msk $0xffff, v2  }
0x2ce: {  	[tilespmem:s21+$0x4410] =	vst.add.f32.msk $0xffff, v3  }
0x2cf: {  	[tilespmem:s21+$0x4420] =	vst.add.f32.msk $0xffff, v4  }
0x2d0: {  	[tilespmem:s21+$0x4430] =	vst.add.f32.msk $0xffff, v5  }
0x2d1: {  	[tilespmem:s21+$0x4440] =	vst.add.f32.msk $0xffff, v0  }
0x2d2: {  	[tilespmem:s21+$0x4450] =	vst.add.f32.msk $0xffff, v6  }
0x2d3: {  	[tilespmem:s21+$0x4460] =	vst.add.f32.msk $0xffff, v7  }
0x2d4: {  	[tilespmem:s21+$0x4470] =	vst.add.f32.msk $0xffff, v8  }
0x2d5: {  	[tilespmem:s21+$0x4800] =	vst.add.f32.msk $0xffff, v9  }
0x2d6: {  	[tilespmem:s21+$0x4810] =	vst.add.f32.msk $0xffff, v10  }
0x2d7: {  	[tilespmem:s21+$0x4820] =	vst.add.f32.msk $0xffff, v11  }
0x2d8: {  	[tilespmem:s21+$0x4830] =	vst.add.f32.msk $0xffff, v12  }
0x2d9: {  	[tilespmem:s21+$0x4840] =	vst.add.f32.msk $0xffff, v13  }
0x2da: {  	[tilespmem:s21+$0x4850] =	vst.add.f32.msk $0xffff, v14  }
0x2db: {  	[tilespmem:s21+$0x4860] =	vst.add.f32.msk $0xffff, v15  }
0x2dc: {  	[tilespmem:s21+$0x4870] =	vst.add.f32.msk $0xffff, v16  }
0x2dd: {  	[tilespmem:s21+$0x4C00] =	vst.add.f32.msk $0xffff, v17  }
0x2de: {  	[tilespmem:s21+$0x4C10] =	vst.add.f32.msk $0xffff, v18  }
0x2df: {  	[tilespmem:s21+$0x4C20] =	vst.add.f32.msk $0xffff, v19  }
0x2e0: {  	[tilespmem:s21+$0x4C30] =	vst.add.f32.msk $0xffff, v20  }
0x2e1: {  	[tilespmem:s21+$0x4C40] =	vst.add.f32.msk $0xffff, v21  }
0x2e2: {  	[tilespmem:s21+$0x4C50] =	vst.add.f32.msk $0xffff, v22  }
0x2e3: {  	[tilespmem:s21+$0x4C60] =	vst.add.f32.msk $0xffff, v23  }
0x2e4: {  	[tilespmem:s21+$0x4C70] =	vst.add.f32.msk $0xffff, v24  }
0x2e5: {  	[tilespmem:s21+$0x5000] =	vst.add.f32.msk $0xffff, v25  }
0x2e6: {  	[tilespmem:s21+$0x5010] =	vst.add.f32.msk $0xffff, v26  }
0x2e7: {  	[tilespmem:s21+$0x5020] =	vst.add.f32.msk $0xffff, v27  }
0x2e8: {  	[tilespmem:s21+$0x5030] =	vst.add.f32.msk $0xffff, v28  }
0x2e9: {  	[tilespmem:s21+$0x5040] =	vst.add.f32.msk $0xffff, v29  }
0x2ea: {  	[tilespmem:s21+$0x5050] =	vst.add.f32.msk $0xffff, v30  }
0x2eb: {  	[tilespmem:s21+$0x5060] =	vst.add.f32.msk $0xffff, v31  }
0x2ec: {  	[tilespmem:s21+$0x5070] =	vst.add.f32.msk $0xffff, v32  }
0x2ed: {  	[tilespmem:s21+$0x5400] =	vst.add.f32.msk $0xffff, v33  }
0x2ee: {  	[tilespmem:s21+$0x5410] =	vst.add.f32.msk $0xffff, v34  }
0x2ef: {  	[tilespmem:s21+$0x5420] =	vst.add.f32.msk $0xffff, v35  }
0x2f0: {  	[tilespmem:s21+$0x5430] =	vst.add.f32.msk $0xffff, v36  }
0x2f1: {  	[tilespmem:s21+$0x5440] =	vst.add.f32.msk $0xffff, v37  }
0x2f2: {  	[tilespmem:s21+$0x5450] =	vst.add.f32.msk $0xffff, v38  }
0x2f3: {  	[tilespmem:s21+$0x5460] =	vst.add.f32.msk $0xffff, v39  }
0x2f4: {  	[tilespmem:s21+$0x5470] =	vst.add.f32.msk $0xffff, v40  }
0x2f5: {  	[tilespmem:s21+$0x5800] =	vst.add.f32.msk $0xffff, v41  }
0x2f6: {  	[tilespmem:s21+$0x5810] =	vst.add.f32.msk $0xffff, v42  }
0x2f7: {  	[tilespmem:s21+$0x5820] =	vst.add.f32.msk $0xffff, v43  }
0x2f8: {  	[tilespmem:s21+$0x5830] =	vst.add.f32.msk $0xffff, v44  }
0x2f9: {  	[tilespmem:s21+$0x5840] =	vst.add.f32.msk $0xffff, v45  }
0x2fa: {  	[tilespmem:s21+$0x5850] =	vst.add.f32.msk $0xffff, v46  }
0x2fb: {  	[tilespmem:s21+$0x5860] =	vst.add.f32.msk $0xffff, v47  }
0x2fc: {  	[tilespmem:s21+$0x5870] =	vst.add.f32.msk $0xffff, v48  }
0x2fd: {  	[tilespmem:s21+$0x5C00] =	vst.add.f32.msk $0xffff, v49  }
0x2fe: {  	[tilespmem:s21+$0x5C10] =	vst.add.f32.msk $0xffff, v50  }
0x2ff: {  	[tilespmem:s21+$0x5C20] =	vst.add.f32.msk $0xffff, v51  }
0x300: {  	[tilespmem:s21+$0x5C30] =	vst.add.f32.msk $0xffff, v52  }
0x301: {  	[tilespmem:s21+$0x5C40] =	vst.add.f32.msk $0xffff, v53  }
0x302: {  	[tilespmem:s21+$0x5C50] =	vst.add.f32.msk $0xffff, v54  }
0x303: {  	[tilespmem:s21+$0x5C60] =	vst.add.f32.msk $0xffff, v55  }
0x304: {  	[tilespmem:s21+$0x5C70] =	vst.add.f32.msk $0xffff, v56  }
0x305: {  	[tilespmem:s21+$0x6000] =	vst.add.f32.msk $0xffff, v57  }
0x306: {  	[tilespmem:s21+$0x6010] =	vst.add.f32.msk $0xffff, v58  }
.Ltmp2:
0x307: {  	[tilespmem:s21+$0x6020] =	vst.add.f32.msk $0xffff, v59;
	(pc) =	sbr.rel @p1 .LBB2_7-.Ltmp2, $4  }
0x308: {  	[tilespmem:s21+$0x6030] =	vst.add.f32.msk $0xffff, v60  }
0x309: {  	[tilespmem:s21+$0x6040] =	vst.add.f32.msk $0xffff, v61  }
0x30a: {  	[tilespmem:s21+$0x6050] =	vst.add.f32.msk $0xffff, v62  }
0x30b: {  	[tilespmem:s21+$0x6060] =	vst.add.f32.msk $0xffff, v63;
	s21 =	sshra.s32 s22, $0x2;
	s22 =	sadd.s32 $0x200, s22  }
0x30c: {  	v0 =	vld [tilespmem:s21+$0xE070]  }
0x30d: {  	v2 =	vld [tilespmem:s21+$0xC400]  }
0x30e: {  	v3 =	vld [tilespmem:s21+$0xC410]  }
0x30f: {  	v4 =	vld [tilespmem:s21+$0xC420]  }
0x310: {  	v5 =	vld [tilespmem:s21+$0xC430]  }
0x311: {  	v6 =	vld [tilespmem:s21+$0xC450]  }
0x312: {  	v7 =	vld [tilespmem:s21+$0xC460]  }
0x313: {  	v8 =	vld [tilespmem:s21+$0xC470]  }
0x314: {  	v9 =	vld [tilespmem:s21+$0xC800]  }
0x315: {  	v10 =	vld [tilespmem:s21+$0xC810]  }
0x316: {  	v11 =	vld [tilespmem:s21+$0xC820]  }
0x317: {  	v12 =	vld [tilespmem:s21+$0xC830]  }
0x318: {  	v13 =	vld [tilespmem:s21+$0xC840]  }
0x319: {  	v14 =	vld [tilespmem:s21+$0xC850]  }
0x31a: {  	v15 =	vld [tilespmem:s21+$0xC860]  }
0x31b: {  	v16 =	vld [tilespmem:s21+$0xC870]  }
0x31c: {  	v17 =	vld [tilespmem:s21+$0xCC00]  }
0x31d: {  	v18 =	vld [tilespmem:s21+$0xCC10]  }
0x31e: {  	v19 =	vld [tilespmem:s21+$0xCC20]  }
0x31f: {  	v20 =	vld [tilespmem:s21+$0xCC30]  }
0x320: {  	v21 =	vld [tilespmem:s21+$0xCC40]  }
0x321: {  	v22 =	vld [tilespmem:s21+$0xCC50]  }
0x322: {  	v23 =	vld [tilespmem:s21+$0xCC60]  }
0x323: {  	v24 =	vld [tilespmem:s21+$0xCC70]  }
0x324: {  	v25 =	vld [tilespmem:s21+$0xD000]  }
0x325: {  	v26 =	vld [tilespmem:s21+$0xD010]  }
0x326: {  	v27 =	vld [tilespmem:s21+$0xD020]  }
0x327: {  	v28 =	vld [tilespmem:s21+$0xD030]  }
0x328: {  	v29 =	vld [tilespmem:s21+$0xD040]  }
0x329: {  	v30 =	vld [tilespmem:s21+$0xD050]  }
0x32a: {  	v31 =	vld [tilespmem:s21+$0xD060]  }
0x32b: {  	v32 =	vld [tilespmem:s21+$0xD070]  }
0x32c: {  	v33 =	vld [tilespmem:s21+$0xD400]  }
0x32d: {  	v34 =	vld [tilespmem:s21+$0xD410]  }
0x32e: {  	v35 =	vld [tilespmem:s21+$0xD420]  }
0x32f: {  	v36 =	vld [tilespmem:s21+$0xD430]  }
0x330: {  	v37 =	vld [tilespmem:s21+$0xD440]  }
0x331: {  	v38 =	vld [tilespmem:s21+$0xD450]  }
0x332: {  	v39 =	vld [tilespmem:s21+$0xD460]  }
0x333: {  	v40 =	vld [tilespmem:s21+$0xD470]  }
0x334: {  	v41 =	vld [tilespmem:s21+$0xD800]  }
0x335: {  	v42 =	vld [tilespmem:s21+$0xD810]  }
0x336: {  	v43 =	vld [tilespmem:s21+$0xD820]  }
0x337: {  	v44 =	vld [tilespmem:s21+$0xD830]  }
0x338: {  	v45 =	vld [tilespmem:s21+$0xD840]  }
0x339: {  	v46 =	vld [tilespmem:s21+$0xD850]  }
0x33a: {  	v47 =	vld [tilespmem:s21+$0xD860]  }
0x33b: {  	v48 =	vld [tilespmem:s21+$0xD870]  }
0x33c: {  	v49 =	vld [tilespmem:s21+$0xDC00]  }
0x33d: {  	v50 =	vld [tilespmem:s21+$0xDC10]  }
0x33e: {  	v51 =	vld [tilespmem:s21+$0xDC20]  }
0x33f: {  	v52 =	vld [tilespmem:s21+$0xDC30]  }
0x340: {  	v53 =	vld [tilespmem:s21+$0xDC40]  }
0x341: {  	v54 =	vld [tilespmem:s21+$0xDC50]  }
0x342: {  	v55 =	vld [tilespmem:s21+$0xDC60]  }
0x343: {  	v56 =	vld [tilespmem:s21+$0xDC70]  }
0x344: {  	v57 =	vld [tilespmem:s21+$0xE000]  }
0x345: {  	v58 =	vld [tilespmem:s21+$0xE010]  }
0x346: {  	v59 =	vld [tilespmem:s21+$0xE020]  }
0x347: {  	v60 =	vld [tilespmem:s21+$0xE030]  }
0x348: {  	v61 =	vld [tilespmem:s21+$0xE040]  }
0x349: {  	v62 =	vld [tilespmem:s21+$0xE050]  }
0x34a: {  	v63 =	vld [tilespmem:s21+$0xE060]  }
0x34b: {  	[tilespmem:s21+$0x6070] =	vst.add.f32.msk $0xffff, v0  }
0x34c: {  	v0 =	vld [tilespmem:s21+$0xC440]  }
0x34d: {  	[tilespmem:s21+$0x4400] =	vst.add.f32.msk $0xffff, v2  }
0x34e: {  	[tilespmem:s21+$0x4410] =	vst.add.f32.msk $0xffff, v3  }
0x34f: {  	[tilespmem:s21+$0x4420] =	vst.add.f32.msk $0xffff, v4  }
0x350: {  	[tilespmem:s21+$0x4430] =	vst.add.f32.msk $0xffff, v5  }
0x351: {  	[tilespmem:s21+$0x4450] =	vst.add.f32.msk $0xffff, v6  }
0x352: {  	[tilespmem:s21+$0x4460] =	vst.add.f32.msk $0xffff, v7  }
0x353: {  	[tilespmem:s21+$0x4470] =	vst.add.f32.msk $0xffff, v8  }
0x354: {  	[tilespmem:s21+$0x4800] =	vst.add.f32.msk $0xffff, v9  }
0x355: {  	[tilespmem:s21+$0x4810] =	vst.add.f32.msk $0xffff, v10  }
0x356: {  	[tilespmem:s21+$0x4820] =	vst.add.f32.msk $0xffff, v11  }
0x357: {  	[tilespmem:s21+$0x4830] =	vst.add.f32.msk $0xffff, v12  }
0x358: {  	[tilespmem:s21+$0x4840] =	vst.add.f32.msk $0xffff, v13  }
0x359: {  	[tilespmem:s21+$0x4850] =	vst.add.f32.msk $0xffff, v14  }
0x35a: {  	[tilespmem:s21+$0x4860] =	vst.add.f32.msk $0xffff, v15  }
0x35b: {  	[tilespmem:s21+$0x4870] =	vst.add.f32.msk $0xffff, v16  }
0x35c: {  	[tilespmem:s21+$0x4C00] =	vst.add.f32.msk $0xffff, v17  }
0x35d: {  	[tilespmem:s21+$0x4C10] =	vst.add.f32.msk $0xffff, v18  }
0x35e: {  	[tilespmem:s21+$0x4C20] =	vst.add.f32.msk $0xffff, v19  }
0x35f: {  	[tilespmem:s21+$0x4C30] =	vst.add.f32.msk $0xffff, v20  }
0x360: {  	[tilespmem:s21+$0x4C40] =	vst.add.f32.msk $0xffff, v21  }
0x361: {  	[tilespmem:s21+$0x4C50] =	vst.add.f32.msk $0xffff, v22  }
0x362: {  	[tilespmem:s21+$0x4C60] =	vst.add.f32.msk $0xffff, v23  }
0x363: {  	[tilespmem:s21+$0x4C70] =	vst.add.f32.msk $0xffff, v24  }
0x364: {  	[tilespmem:s21+$0x5000] =	vst.add.f32.msk $0xffff, v25  }
0x365: {  	[tilespmem:s21+$0x5010] =	vst.add.f32.msk $0xffff, v26  }
0x366: {  	[tilespmem:s21+$0x5020] =	vst.add.f32.msk $0xffff, v27  }
0x367: {  	[tilespmem:s21+$0x5030] =	vst.add.f32.msk $0xffff, v28  }
0x368: {  	[tilespmem:s21+$0x5040] =	vst.add.f32.msk $0xffff, v29  }
0x369: {  	[tilespmem:s21+$0x5050] =	vst.add.f32.msk $0xffff, v30  }
0x36a: {  	[tilespmem:s21+$0x5060] =	vst.add.f32.msk $0xffff, v31  }
0x36b: {  	[tilespmem:s21+$0x5070] =	vst.add.f32.msk $0xffff, v32  }
0x36c: {  	[tilespmem:s21+$0x5400] =	vst.add.f32.msk $0xffff, v33  }
0x36d: {  	[tilespmem:s21+$0x5410] =	vst.add.f32.msk $0xffff, v34  }
0x36e: {  	[tilespmem:s21+$0x5420] =	vst.add.f32.msk $0xffff, v35  }
0x36f: {  	[tilespmem:s21+$0x5430] =	vst.add.f32.msk $0xffff, v36  }
0x370: {  	[tilespmem:s21+$0x5440] =	vst.add.f32.msk $0xffff, v37  }
0x371: {  	[tilespmem:s21+$0x5450] =	vst.add.f32.msk $0xffff, v38  }
0x372: {  	[tilespmem:s21+$0x5460] =	vst.add.f32.msk $0xffff, v39  }
0x373: {  	[tilespmem:s21+$0x5470] =	vst.add.f32.msk $0xffff, v40  }
0x374: {  	[tilespmem:s21+$0x5800] =	vst.add.f32.msk $0xffff, v41  }
0x375: {  	[tilespmem:s21+$0x5810] =	vst.add.f32.msk $0xffff, v42  }
0x376: {  	[tilespmem:s21+$0x5820] =	vst.add.f32.msk $0xffff, v43  }
0x377: {  	[tilespmem:s21+$0x5830] =	vst.add.f32.msk $0xffff, v44  }
0x378: {  	[tilespmem:s21+$0x5840] =	vst.add.f32.msk $0xffff, v45  }
0x379: {  	[tilespmem:s21+$0x5850] =	vst.add.f32.msk $0xffff, v46  }
0x37a: {  	[tilespmem:s21+$0x5860] =	vst.add.f32.msk $0xffff, v47  }
0x37b: {  	[tilespmem:s21+$0x5870] =	vst.add.f32.msk $0xffff, v48  }
0x37c: {  	[tilespmem:s21+$0x5C00] =	vst.add.f32.msk $0xffff, v49  }
0x37d: {  	[tilespmem:s21+$0x5C10] =	vst.add.f32.msk $0xffff, v50  }
0x37e: {  	[tilespmem:s21+$0x5C20] =	vst.add.f32.msk $0xffff, v51  }
0x37f: {  	[tilespmem:s21+$0x5C30] =	vst.add.f32.msk $0xffff, v52  }
0x380: {  	[tilespmem:s21+$0x5C40] =	vst.add.f32.msk $0xffff, v53  }
0x381: {  	[tilespmem:s21+$0x5C50] =	vst.add.f32.msk $0xffff, v54  }
0x382: {  	[tilespmem:s21+$0x5C60] =	vst.add.f32.msk $0xffff, v55  }
0x383: {  	[tilespmem:s21+$0x5C70] =	vst.add.f32.msk $0xffff, v56  }
0x384: {  	[tilespmem:s21+$0x6000] =	vst.add.f32.msk $0xffff, v57  }
0x385: {  	[tilespmem:s21+$0x6010] =	vst.add.f32.msk $0xffff, v58  }
0x386: {  	[tilespmem:s21+$0x6020] =	vst.add.f32.msk $0xffff, v59  }
0x387: {  	[tilespmem:s21+$0x6030] =	vst.add.f32.msk $0xffff, v60  }
0x388: {  	[tilespmem:s21+$0x6040] =	vst.add.f32.msk $0xffff, v61  }
0x389: {  	s22 =	sadd.s32 s7, s31;
	[tilespmem:s21+$0x6050] =	vst.add.f32.msk $0xffff, v62  }
0x38a: {  	s22 =	sshll.u32 s22, $0xA;
	[tilespmem:s21+$0x6060] =	vst.add.f32.msk $0xffff, v63  }
0x38b: {  	s31 =	sadd.s32 s4, s22;
	[tilespmem:s21+$0x4440] =	vst.add.f32.msk $0xffff, v0  }
0x38c: {  	[hbm4b:s31+s5] =	stream.linear.scatter [tilespmem:s0], [sflag:$0xB], $0x2000, $0x38;
	[tilespmem:$0x10400] =	vst v63  }
0x38d: {  	_ =	swait.ge [sflag:s8], $0x2000  }
0x38e: {  	[sflag:s8] =	ssyncset.done $0x0  }
0x38f: {  	[sflag:s8] =	ssyncadd.s32 $0xFFFFE000  }
0x390: {  	v0 =	vld.msk @!p0 [tilespmem:s20+$0x28], $0xff;
	_ =	sdelay $0x4  }
0x391: {  	v2 =	vshll.u32 @!p0 v0, $0x3  }
0x392: {  	v3 =	vlaneseq.u32 @!p0;
	v0 =	vand.u32 @!p0 $0x7, v0;
	v2 =	vand.u32 @!p0 $0xFFFFFFC0, v2  }
0x393: {  	v0 =	vor.u32 @!p0 v0, v2;
	v2 =	vand.u32 @!p0 $0x7, v3;
	v3 =	vshrl.u32 @!p0 v3, $0x3  }
0x394: {  	v0 =	vperm.xlane @!p0 v0, v2;
	v2 =	vmul.u32 @!p0 $0x8, v3;
	_ =	sdelay $0x1  }
0x395: {  	v0 =	vadd.s32 @!p0 v2, v0;
	_ =	sdelay $0x3  }
0x396: {  	s22 =	simm.s32 @!p0 $0xA400;
	s21 =	simm.s32 @!p0 $0x0  }
0x397: {  	[tilespmem:s22], [sflag:$0x6] =	stream.indirect_vreg.gather @!p0 [hbm4b:s3+s21], $0x80, v0, vm1, $0xb8;
	[tilespmem:$0x10400] =	vst v63  }
0x398: {  	s20 =	sadd.s32 @!p0 $0x28, s20;
	s22 =	simm.s32 @!p0 $0xAC00  }
0x399: {  	[tilespmem:s22], [sflag:$0x6] =	stream.indirect_vreg.gather @!p0 [hbm4b:s11+s21], $0x80, v0, vm1, $0xb8;
	[tilespmem:$0x10400] =	vst v63  }
0x39a: {  	s20 =	sadd.s32 @!p0 s6, s20;
	s22 =	simm.s32 @!p0 $0xB400  }
0x39b: {  	[tilespmem:s22], [sflag:$0x6] =	stream.indirect_vreg.gather @!p0 [hbm4b:s12+s21], $0x80, v0, vm1, $0xb8;
	[tilespmem:$0x10400] =	vst v63  }
0x39c: {  	s20 =	sshll.u32 @!p0 s20, $0x7;
	s22 =	simm.s32 @!p0 $0xBC00  }
0x39d: {  	[tilespmem:s22], [sflag:$0x6] =	stream.indirect_vreg.gather @!p0 [hbm4b:s13+s21], $0x80, v0, vm1, $0xb8;
	[tilespmem:$0x10400] =	vst v63  }
0x39e: {  	s20 =	sadd.s32 @!p0 s1, s20;
	s22 =	simm.s32 @!p0 $0x2400  }
0x39f: {  	[tilespmem:s22], [sflag:$0x2] =	stream.linear.gather @!p0 [hbm4b:s20+s21], $0x2000, $0x38;
	[tilespmem:$0x10400] =	vst v63  }
0x3a0: {  	_ =	swait.ge [sflag:s18], $0x2000  }
0x3a1: {  	[sflag:s18] =	ssyncset.done $0x0  }
0x3a2: {  	[sflag:s18] =	ssyncadd.s32 $0xFFFFE000  }
0x3a3: {  	_ =	swait.ge [sflag:s28], $0x2000  }
0x3a4: {  	[sflag:s28] =	ssyncset.done $0x0  }
0x3a5: {  	s20 =	simm.s32 $0x0;
	s21 =	simm.s32 $0x200;
	[sflag:s28] =	ssyncadd.s32 $0xFFFFE000  }
.LBB2_9:
0x3a6: {  	p0 =	sne.s32 s21, $0xE00;
	v0 =	vld [tilespmem:s20+$0x10070]  }
0x3a7: {  	v2 =	vld [tilespmem:s20+$0xE400]  }
0x3a8: {  	v3 =	vld [tilespmem:s20+$0xE410]  }
0x3a9: {  	v4 =	vld [tilespmem:s20+$0xE420]  }
0x3aa: {  	v5 =	vld [tilespmem:s20+$0xE430]  }
0x3ab: {  	[tilespmem:s20+$0x8070] =	vst.add.f32.msk $0xffff, v0  }
0x3ac: {  	v0 =	vld [tilespmem:s20+$0xE440]  }
0x3ad: {  	v6 =	vld [tilespmem:s20+$0xE450]  }
0x3ae: {  	v7 =	vld [tilespmem:s20+$0xE460]  }
0x3af: {  	v8 =	vld [tilespmem:s20+$0xE470]  }
0x3b0: {  	v9 =	vld [tilespmem:s20+$0xE800]  }
0x3b1: {  	v10 =	vld [tilespmem:s20+$0xE810]  }
0x3b2: {  	v11 =	vld [tilespmem:s20+$0xE820]  }
0x3b3: {  	v12 =	vld [tilespmem:s20+$0xE830]  }
0x3b4: {  	v13 =	vld [tilespmem:s20+$0xE840]  }
0x3b5: {  	v14 =	vld [tilespmem:s20+$0xE850]  }
0x3b6: {  	v15 =	vld [tilespmem:s20+$0xE860]  }
0x3b7: {  	v16 =	vld [tilespmem:s20+$0xE870]  }
0x3b8: {  	v17 =	vld [tilespmem:s20+$0xEC00]  }
0x3b9: {  	v18 =	vld [tilespmem:s20+$0xEC10]  }
0x3ba: {  	v19 =	vld [tilespmem:s20+$0xEC20]  }
0x3bb: {  	v20 =	vld [tilespmem:s20+$0xEC30]  }
0x3bc: {  	v21 =	vld [tilespmem:s20+$0xEC40]  }
0x3bd: {  	v22 =	vld [tilespmem:s20+$0xEC50]  }
0x3be: {  	v23 =	vld [tilespmem:s20+$0xEC60]  }
0x3bf: {  	v24 =	vld [tilespmem:s20+$0xEC70]  }
0x3c0: {  	v25 =	vld [tilespmem:s20+$0xF000]  }
0x3c1: {  	v26 =	vld [tilespmem:s20+$0xF010]  }
0x3c2: {  	v27 =	vld [tilespmem:s20+$0xF020]  }
0x3c3: {  	v28 =	vld [tilespmem:s20+$0xF030]  }
0x3c4: {  	v29 =	vld [tilespmem:s20+$0xF040]  }
0x3c5: {  	v30 =	vld [tilespmem:s20+$0xF050]  }
0x3c6: {  	v31 =	vld [tilespmem:s20+$0xF060]  }
0x3c7: {  	v32 =	vld [tilespmem:s20+$0xF070]  }
0x3c8: {  	v33 =	vld [tilespmem:s20+$0xF400]  }
0x3c9: {  	v34 =	vld [tilespmem:s20+$0xF410]  }
0x3ca: {  	v35 =	vld [tilespmem:s20+$0xF420]  }
0x3cb: {  	v36 =	vld [tilespmem:s20+$0xF430]  }
0x3cc: {  	v37 =	vld [tilespmem:s20+$0xF440]  }
0x3cd: {  	v38 =	vld [tilespmem:s20+$0xF450]  }
0x3ce: {  	v39 =	vld [tilespmem:s20+$0xF460]  }
0x3cf: {  	v40 =	vld [tilespmem:s20+$0xF470]  }
0x3d0: {  	v41 =	vld [tilespmem:s20+$0xF800]  }
0x3d1: {  	v42 =	vld [tilespmem:s20+$0xF810]  }
0x3d2: {  	v43 =	vld [tilespmem:s20+$0xF820]  }
0x3d3: {  	v44 =	vld [tilespmem:s20+$0xF830]  }
0x3d4: {  	v45 =	vld [tilespmem:s20+$0xF840]  }
0x3d5: {  	v46 =	vld [tilespmem:s20+$0xF850]  }
0x3d6: {  	v47 =	vld [tilespmem:s20+$0xF860]  }
0x3d7: {  	v48 =	vld [tilespmem:s20+$0xF870]  }
0x3d8: {  	v49 =	vld [tilespmem:s20+$0xFC00]  }
0x3d9: {  	v50 =	vld [tilespmem:s20+$0xFC10]  }
0x3da: {  	v51 =	vld [tilespmem:s20+$0xFC20]  }
0x3db: {  	v52 =	vld [tilespmem:s20+$0xFC30]  }
0x3dc: {  	v53 =	vld [tilespmem:s20+$0xFC40]  }
0x3dd: {  	v54 =	vld [tilespmem:s20+$0xFC50]  }
0x3de: {  	v55 =	vld [tilespmem:s20+$0xFC60]  }
0x3df: {  	v56 =	vld [tilespmem:s20+$0xFC70]  }
0x3e0: {  	v57 =	vld [tilespmem:s20+$0x10000]  }
0x3e1: {  	v58 =	vld [tilespmem:s20+$0x10010]  }
0x3e2: {  	v59 =	vld [tilespmem:s20+$0x10020]  }
0x3e3: {  	v60 =	vld [tilespmem:s20+$0x10030]  }
0x3e4: {  	v61 =	vld [tilespmem:s20+$0x10040]  }
0x3e5: {  	v62 =	vld [tilespmem:s20+$0x10050]  }
0x3e6: {  	v63 =	vld [tilespmem:s20+$0x10060]  }
0x3e7: {  	[tilespmem:s20+$0x6400] =	vst.add.f32.msk $0xffff, v2  }
0x3e8: {  	[tilespmem:s20+$0x6410] =	vst.add.f32.msk $0xffff, v3  }
0x3e9: {  	[tilespmem:s20+$0x6420] =	vst.add.f32.msk $0xffff, v4  }
0x3ea: {  	[tilespmem:s20+$0x6430] =	vst.add.f32.msk $0xffff, v5  }
0x3eb: {  	[tilespmem:s20+$0x6440] =	vst.add.f32.msk $0xffff, v0  }
0x3ec: {  	[tilespmem:s20+$0x6450] =	vst.add.f32.msk $0xffff, v6  }
0x3ed: {  	[tilespmem:s20+$0x6460] =	vst.add.f32.msk $0xffff, v7  }
0x3ee: {  	[tilespmem:s20+$0x6470] =	vst.add.f32.msk $0xffff, v8  }
0x3ef: {  	[tilespmem:s20+$0x6800] =	vst.add.f32.msk $0xffff, v9  }
0x3f0: {  	[tilespmem:s20+$0x6810] =	vst.add.f32.msk $0xffff, v10  }
0x3f1: {  	[tilespmem:s20+$0x6820] =	vst.add.f32.msk $0xffff, v11  }
0x3f2: {  	[tilespmem:s20+$0x6830] =	vst.add.f32.msk $0xffff, v12  }
0x3f3: {  	[tilespmem:s20+$0x6840] =	vst.add.f32.msk $0xffff, v13  }
0x3f4: {  	[tilespmem:s20+$0x6850] =	vst.add.f32.msk $0xffff, v14  }
0x3f5: {  	[tilespmem:s20+$0x6860] =	vst.add.f32.msk $0xffff, v15  }
0x3f6: {  	[tilespmem:s20+$0x6870] =	vst.add.f32.msk $0xffff, v16  }
0x3f7: {  	[tilespmem:s20+$0x6C00] =	vst.add.f32.msk $0xffff, v17  }
0x3f8: {  	[tilespmem:s20+$0x6C10] =	vst.add.f32.msk $0xffff, v18  }
0x3f9: {  	[tilespmem:s20+$0x6C20] =	vst.add.f32.msk $0xffff, v19  }
0x3fa: {  	[tilespmem:s20+$0x6C30] =	vst.add.f32.msk $0xffff, v20  }
0x3fb: {  	[tilespmem:s20+$0x6C40] =	vst.add.f32.msk $0xffff, v21  }
0x3fc: {  	[tilespmem:s20+$0x6C50] =	vst.add.f32.msk $0xffff, v22  }
0x3fd: {  	[tilespmem:s20+$0x6C60] =	vst.add.f32.msk $0xffff, v23  }
0x3fe: {  	[tilespmem:s20+$0x6C70] =	vst.add.f32.msk $0xffff, v24  }
0x3ff: {  	[tilespmem:s20+$0x7000] =	vst.add.f32.msk $0xffff, v25  }
0x400: {  	[tilespmem:s20+$0x7010] =	vst.add.f32.msk $0xffff, v26  }
0x401: {  	[tilespmem:s20+$0x7020] =	vst.add.f32.msk $0xffff, v27  }
0x402: {  	[tilespmem:s20+$0x7030] =	vst.add.f32.msk $0xffff, v28  }
0x403: {  	[tilespmem:s20+$0x7040] =	vst.add.f32.msk $0xffff, v29  }
0x404: {  	[tilespmem:s20+$0x7050] =	vst.add.f32.msk $0xffff, v30  }
0x405: {  	[tilespmem:s20+$0x7060] =	vst.add.f32.msk $0xffff, v31  }
0x406: {  	[tilespmem:s20+$0x7070] =	vst.add.f32.msk $0xffff, v32  }
0x407: {  	[tilespmem:s20+$0x7400] =	vst.add.f32.msk $0xffff, v33  }
0x408: {  	[tilespmem:s20+$0x7410] =	vst.add.f32.msk $0xffff, v34  }
0x409: {  	[tilespmem:s20+$0x7420] =	vst.add.f32.msk $0xffff, v35  }
0x40a: {  	[tilespmem:s20+$0x7430] =	vst.add.f32.msk $0xffff, v36  }
0x40b: {  	[tilespmem:s20+$0x7440] =	vst.add.f32.msk $0xffff, v37  }
0x40c: {  	[tilespmem:s20+$0x7450] =	vst.add.f32.msk $0xffff, v38  }
0x40d: {  	[tilespmem:s20+$0x7460] =	vst.add.f32.msk $0xffff, v39  }
0x40e: {  	[tilespmem:s20+$0x7470] =	vst.add.f32.msk $0xffff, v40  }
0x40f: {  	[tilespmem:s20+$0x7800] =	vst.add.f32.msk $0xffff, v41  }
0x410: {  	[tilespmem:s20+$0x7810] =	vst.add.f32.msk $0xffff, v42  }
0x411: {  	[tilespmem:s20+$0x7820] =	vst.add.f32.msk $0xffff, v43  }
0x412: {  	[tilespmem:s20+$0x7830] =	vst.add.f32.msk $0xffff, v44  }
0x413: {  	[tilespmem:s20+$0x7840] =	vst.add.f32.msk $0xffff, v45  }
0x414: {  	[tilespmem:s20+$0x7850] =	vst.add.f32.msk $0xffff, v46  }
0x415: {  	[tilespmem:s20+$0x7860] =	vst.add.f32.msk $0xffff, v47  }
0x416: {  	[tilespmem:s20+$0x7870] =	vst.add.f32.msk $0xffff, v48  }
0x417: {  	[tilespmem:s20+$0x7C00] =	vst.add.f32.msk $0xffff, v49  }
0x418: {  	[tilespmem:s20+$0x7C10] =	vst.add.f32.msk $0xffff, v50  }
0x419: {  	[tilespmem:s20+$0x7C20] =	vst.add.f32.msk $0xffff, v51  }
0x41a: {  	[tilespmem:s20+$0x7C30] =	vst.add.f32.msk $0xffff, v52  }
0x41b: {  	[tilespmem:s20+$0x7C40] =	vst.add.f32.msk $0xffff, v53  }
0x41c: {  	[tilespmem:s20+$0x7C50] =	vst.add.f32.msk $0xffff, v54  }
0x41d: {  	[tilespmem:s20+$0x7C60] =	vst.add.f32.msk $0xffff, v55  }
0x41e: {  	[tilespmem:s20+$0x7C70] =	vst.add.f32.msk $0xffff, v56  }
0x41f: {  	[tilespmem:s20+$0x8000] =	vst.add.f32.msk $0xffff, v57  }
0x420: {  	[tilespmem:s20+$0x8010] =	vst.add.f32.msk $0xffff, v58  }
.Ltmp3:
0x421: {  	[tilespmem:s20+$0x8020] =	vst.add.f32.msk $0xffff, v59;
	(pc) =	sbr.rel @p0 .LBB2_9-.Ltmp3, $4  }
0x422: {  	[tilespmem:s20+$0x8030] =	vst.add.f32.msk $0xffff, v60  }
0x423: {  	[tilespmem:s20+$0x8040] =	vst.add.f32.msk $0xffff, v61  }
0x424: {  	[tilespmem:s20+$0x8050] =	vst.add.f32.msk $0xffff, v62  }
0x425: {  	[tilespmem:s20+$0x8060] =	vst.add.f32.msk $0xffff, v63;
	s20 =	sshra.s32 s21, $0x2;
	s21 =	sadd.s32 $0x200, s21  }
0x426: {  	v0 =	vld [tilespmem:s20+$0x10070]  }
0x427: {  	v2 =	vld [tilespmem:s20+$0xE400]  }
0x428: {  	v3 =	vld [tilespmem:s20+$0xE410]  }
0x429: {  	v4 =	vld [tilespmem:s20+$0xE420]  }
0x42a: {  	v5 =	vld [tilespmem:s20+$0xE430]  }
0x42b: {  	v6 =	vld [tilespmem:s20+$0xE450]  }
0x42c: {  	v7 =	vld [tilespmem:s20+$0xE460]  }
0x42d: {  	v8 =	vld [tilespmem:s20+$0xE470]  }
0x42e: {  	v9 =	vld [tilespmem:s20+$0xE800]  }
0x42f: {  	v10 =	vld [tilespmem:s20+$0xE810]  }
0x430: {  	v11 =	vld [tilespmem:s20+$0xE820]  }
0x431: {  	v12 =	vld [tilespmem:s20+$0xE830]  }
0x432: {  	v13 =	vld [tilespmem:s20+$0xE840]  }
0x433: {  	v14 =	vld [tilespmem:s20+$0xE850]  }
0x434: {  	v15 =	vld [tilespmem:s20+$0xE860]  }
0x435: {  	v16 =	vld [tilespmem:s20+$0xE870]  }
0x436: {  	v17 =	vld [tilespmem:s20+$0xEC00]  }
0x437: {  	v18 =	vld [tilespmem:s20+$0xEC10]  }
0x438: {  	v19 =	vld [tilespmem:s20+$0xEC20]  }
0x439: {  	v20 =	vld [tilespmem:s20+$0xEC30]  }
0x43a: {  	v21 =	vld [tilespmem:s20+$0xEC40]  }
0x43b: {  	v22 =	vld [tilespmem:s20+$0xEC50]  }
0x43c: {  	v23 =	vld [tilespmem:s20+$0xEC60]  }
0x43d: {  	v24 =	vld [tilespmem:s20+$0xEC70]  }
0x43e: {  	v25 =	vld [tilespmem:s20+$0xF000]  }
0x43f: {  	v26 =	vld [tilespmem:s20+$0xF010]  }
0x440: {  	v27 =	vld [tilespmem:s20+$0xF020]  }
0x441: {  	v28 =	vld [tilespmem:s20+$0xF030]  }
0x442: {  	v29 =	vld [tilespmem:s20+$0xF040]  }
0x443: {  	v30 =	vld [tilespmem:s20+$0xF050]  }
0x444: {  	v31 =	vld [tilespmem:s20+$0xF060]  }
0x445: {  	v32 =	vld [tilespmem:s20+$0xF070]  }
0x446: {  	v33 =	vld [tilespmem:s20+$0xF400]  }
0x447: {  	v34 =	vld [tilespmem:s20+$0xF410]  }
0x448: {  	v35 =	vld [tilespmem:s20+$0xF420]  }
0x449: {  	v36 =	vld [tilespmem:s20+$0xF430]  }
0x44a: {  	v37 =	vld [tilespmem:s20+$0xF440]  }
0x44b: {  	v38 =	vld [tilespmem:s20+$0xF450]  }
0x44c: {  	v39 =	vld [tilespmem:s20+$0xF460]  }
0x44d: {  	v40 =	vld [tilespmem:s20+$0xF470]  }
0x44e: {  	v41 =	vld [tilespmem:s20+$0xF800]  }
0x44f: {  	v42 =	vld [tilespmem:s20+$0xF810]  }
0x450: {  	v43 =	vld [tilespmem:s20+$0xF820]  }
0x451: {  	v44 =	vld [tilespmem:s20+$0xF830]  }
0x452: {  	v45 =	vld [tilespmem:s20+$0xF840]  }
0x453: {  	v46 =	vld [tilespmem:s20+$0xF850]  }
0x454: {  	v47 =	vld [tilespmem:s20+$0xF860]  }
0x455: {  	v48 =	vld [tilespmem:s20+$0xF870]  }
0x456: {  	v49 =	vld [tilespmem:s20+$0xFC00]  }
0x457: {  	v50 =	vld [tilespmem:s20+$0xFC10]  }
0x458: {  	v51 =	vld [tilespmem:s20+$0xFC20]  }
0x459: {  	v52 =	vld [tilespmem:s20+$0xFC30]  }
0x45a: {  	v53 =	vld [tilespmem:s20+$0xFC40]  }
0x45b: {  	v54 =	vld [tilespmem:s20+$0xFC50]  }
0x45c: {  	v55 =	vld [tilespmem:s20+$0xFC60]  }
0x45d: {  	v56 =	vld [tilespmem:s20+$0xFC70]  }
0x45e: {  	v57 =	vld [tilespmem:s20+$0x10000]  }
0x45f: {  	v58 =	vld [tilespmem:s20+$0x10010]  }
0x460: {  	v59 =	vld [tilespmem:s20+$0x10020]  }
0x461: {  	v60 =	vld [tilespmem:s20+$0x10030]  }
0x462: {  	v61 =	vld [tilespmem:s20+$0x10040]  }
0x463: {  	v62 =	vld [tilespmem:s20+$0x10050]  }
0x464: {  	v63 =	vld [tilespmem:s20+$0x10060]  }
0x465: {  	[tilespmem:s20+$0x8070] =	vst.add.f32.msk $0xffff, v0  }
0x466: {  	v0 =	vld [tilespmem:s20+$0xE440]  }
0x467: {  	[tilespmem:s20+$0x6400] =	vst.add.f32.msk $0xffff, v2  }
0x468: {  	[tilespmem:s20+$0x6410] =	vst.add.f32.msk $0xffff, v3  }
0x469: {  	[tilespmem:s20+$0x6420] =	vst.add.f32.msk $0xffff, v4  }
0x46a: {  	[tilespmem:s20+$0x6430] =	vst.add.f32.msk $0xffff, v5  }
0x46b: {  	[tilespmem:s20+$0x6450] =	vst.add.f32.msk $0xffff, v6  }
0x46c: {  	[tilespmem:s20+$0x6460] =	vst.add.f32.msk $0xffff, v7  }
0x46d: {  	[tilespmem:s20+$0x6470] =	vst.add.f32.msk $0xffff, v8  }
0x46e: {  	[tilespmem:s20+$0x6800] =	vst.add.f32.msk $0xffff, v9  }
0x46f: {  	[tilespmem:s20+$0x6810] =	vst.add.f32.msk $0xffff, v10  }
0x470: {  	[tilespmem:s20+$0x6820] =	vst.add.f32.msk $0xffff, v11  }
0x471: {  	[tilespmem:s20+$0x6830] =	vst.add.f32.msk $0xffff, v12  }
0x472: {  	[tilespmem:s20+$0x6840] =	vst.add.f32.msk $0xffff, v13  }
0x473: {  	[tilespmem:s20+$0x6850] =	vst.add.f32.msk $0xffff, v14  }
0x474: {  	[tilespmem:s20+$0x6860] =	vst.add.f32.msk $0xffff, v15  }
0x475: {  	[tilespmem:s20+$0x6870] =	vst.add.f32.msk $0xffff, v16  }
0x476: {  	[tilespmem:s20+$0x6C00] =	vst.add.f32.msk $0xffff, v17  }
0x477: {  	[tilespmem:s20+$0x6C10] =	vst.add.f32.msk $0xffff, v18  }
0x478: {  	[tilespmem:s20+$0x6C20] =	vst.add.f32.msk $0xffff, v19  }
0x479: {  	[tilespmem:s20+$0x6C30] =	vst.add.f32.msk $0xffff, v20  }
0x47a: {  	[tilespmem:s20+$0x6C40] =	vst.add.f32.msk $0xffff, v21  }
0x47b: {  	[tilespmem:s20+$0x6C50] =	vst.add.f32.msk $0xffff, v22  }
0x47c: {  	[tilespmem:s20+$0x6C60] =	vst.add.f32.msk $0xffff, v23  }
0x47d: {  	[tilespmem:s20+$0x6C70] =	vst.add.f32.msk $0xffff, v24  }
0x47e: {  	[tilespmem:s20+$0x7000] =	vst.add.f32.msk $0xffff, v25  }
0x47f: {  	[tilespmem:s20+$0x7010] =	vst.add.f32.msk $0xffff, v26  }
0x480: {  	[tilespmem:s20+$0x7020] =	vst.add.f32.msk $0xffff, v27  }
0x481: {  	[tilespmem:s20+$0x7030] =	vst.add.f32.msk $0xffff, v28  }
0x482: {  	[tilespmem:s20+$0x7040] =	vst.add.f32.msk $0xffff, v29  }
0x483: {  	[tilespmem:s20+$0x7050] =	vst.add.f32.msk $0xffff, v30  }
0x484: {  	[tilespmem:s20+$0x7060] =	vst.add.f32.msk $0xffff, v31  }
0x485: {  	[tilespmem:s20+$0x7070] =	vst.add.f32.msk $0xffff, v32  }
0x486: {  	[tilespmem:s20+$0x7400] =	vst.add.f32.msk $0xffff, v33  }
0x487: {  	[tilespmem:s20+$0x7410] =	vst.add.f32.msk $0xffff, v34  }
0x488: {  	[tilespmem:s20+$0x7420] =	vst.add.f32.msk $0xffff, v35  }
0x489: {  	[tilespmem:s20+$0x7430] =	vst.add.f32.msk $0xffff, v36  }
0x48a: {  	[tilespmem:s20+$0x7440] =	vst.add.f32.msk $0xffff, v37  }
0x48b: {  	[tilespmem:s20+$0x7450] =	vst.add.f32.msk $0xffff, v38  }
0x48c: {  	[tilespmem:s20+$0x7460] =	vst.add.f32.msk $0xffff, v39  }
0x48d: {  	[tilespmem:s20+$0x7470] =	vst.add.f32.msk $0xffff, v40  }
0x48e: {  	[tilespmem:s20+$0x7800] =	vst.add.f32.msk $0xffff, v41  }
0x48f: {  	[tilespmem:s20+$0x7810] =	vst.add.f32.msk $0xffff, v42  }
0x490: {  	[tilespmem:s20+$0x7820] =	vst.add.f32.msk $0xffff, v43  }
0x491: {  	[tilespmem:s20+$0x7830] =	vst.add.f32.msk $0xffff, v44  }
0x492: {  	[tilespmem:s20+$0x7840] =	vst.add.f32.msk $0xffff, v45  }
0x493: {  	[tilespmem:s20+$0x7850] =	vst.add.f32.msk $0xffff, v46  }
0x494: {  	[tilespmem:s20+$0x7860] =	vst.add.f32.msk $0xffff, v47  }
0x495: {  	[tilespmem:s20+$0x7870] =	vst.add.f32.msk $0xffff, v48  }
0x496: {  	[tilespmem:s20+$0x7C00] =	vst.add.f32.msk $0xffff, v49  }
0x497: {  	[tilespmem:s20+$0x7C10] =	vst.add.f32.msk $0xffff, v50  }
0x498: {  	[tilespmem:s20+$0x7C20] =	vst.add.f32.msk $0xffff, v51  }
0x499: {  	[tilespmem:s20+$0x7C30] =	vst.add.f32.msk $0xffff, v52  }
0x49a: {  	[tilespmem:s20+$0x7C40] =	vst.add.f32.msk $0xffff, v53  }
0x49b: {  	[tilespmem:s20+$0x7C50] =	vst.add.f32.msk $0xffff, v54  }
0x49c: {  	[tilespmem:s20+$0x7C60] =	vst.add.f32.msk $0xffff, v55  }
0x49d: {  	[tilespmem:s20+$0x7C70] =	vst.add.f32.msk $0xffff, v56  }
0x49e: {  	[tilespmem:s20+$0x8000] =	vst.add.f32.msk $0xffff, v57  }
0x49f: {  	[tilespmem:s20+$0x8010] =	vst.add.f32.msk $0xffff, v58  }
0x4a0: {  	s29 =	sadd.s32 $0x1, s29;
	[tilespmem:s20+$0x8020] =	vst.add.f32.msk $0xffff, v59  }
0x4a1: {  	p0 =	sne.s32 s29, $0x20;
	[tilespmem:s20+$0x8030] =	vst.add.f32.msk $0xffff, v60  }
.Ltmp4:
0x4a2: {  	[tilespmem:s20+$0x8040] =	vst.add.f32.msk $0xffff, v61;
	(pc) =	sbr.rel @p0 .LBB2_2-.Ltmp4, $4  }
0x4a3: {  	s21 =	sadd.s32 s7, s30;
	[tilespmem:s20+$0x8050] =	vst.add.f32.msk $0xffff, v62  }
0x4a4: {  	s21 =	sshll.u32 s21, $0xA;
	[tilespmem:s20+$0x8060] =	vst.add.f32.msk $0xffff, v63  }
0x4a5: {  	s31 =	sadd.s32 s4, s21;
	[tilespmem:s20+$0x6440] =	vst.add.f32.msk $0xffff, v0  }
0x4a6: {  	[hbm4b:s31+s5] =	stream.linear.scatter [tilespmem:s24], [sflag:$0xC], $0x2000, $0x38;
	[tilespmem:$0x10400] =	vst v63  }
0x4a7: {  	s20 =	simm.s32 $0xB  }
0x4a8: {  	_ =	swait.ge [sflag:s20], $0x2000  }
0x4a9: {  	[sflag:s20] =	ssyncset.done $0x0  }
0x4aa: {  	s21 =	simm.s32 $0xC;
	[sflag:s20] =	ssyncadd.s32 $0xFFFFE000  }
0x4ab: {  	_ =	swait.ge [sflag:s21], $0x2000  }
0x4ac: {  	s22 =	rddreg [dreg:$0x9]  }
0x4ad: {  	s31 =	rddreg [dreg:$0x8];
	s22 =	sadd.s32 $0x1, s22  }
0x4ae: {  	p0 =	sne.s32 s22, s31  }
.Ltmp5:
0x4af: {  	_ = 	snop;
	(pc) =	sbr.rel @p0 .LBB2_1-.Ltmp5, $3  }
0x4b0: {  	_ =	sdelay $0x1  }
0x4b1: {  	[sflag:s21] =	ssyncset.done $0x0  }
0x4b2: {  	[sflag:s21] =	ssyncadd.s32 $0xFFFFE000  }
0x4b3: {  	_ =	sfence.sel $0x180000  }
0x4b4: {  	[bflag:$0x0] =	sbarrier.arrive $0xFFFF  }
0x4b5: {  	_ =	strace $0x90000047  }
0x4b6: {  	s0 =	stileid.u32;
	[bflag:$0x2] =	sbarrier.arrive $0xFFFF  }
0x4b7: {  	p0 =	sne.s32 s0, $0x0;
	s0 =	rddreg [dreg:$0x4]  }
0x4b8: {  	s0 =	sadd.s32 @!p0 $0x100000, s0  }
0x4b9: {  	[sflag:s0] =	ssyncadd.tile.s32 @!p0 $0x1;
	_ =	shalt  }
.Lfunc_end2:
_tile_overlayer_lowered:
.L_overlay_start_2:
0x4ba: {  	(tag) =	ssettag $0x2  }
0x4bb: {  	s0 =	rddreg [dreg:$0x0];
	s2 =	stileid.u32  }
0x4bc: {  	s1 =	rddreg [dreg:$0x1];
	p0 =	sne.s32 s2, $0x0  }
0x4bd: {  	s3 =	rddreg [dreg:$0x2];
	[bflag:$0x3] =	sbarrier.arrive $0xFFFF;
	s2 =	simm.s32 @!p0 $0x1C0E  }
0x4be: {  	[timem:s3], [sflag:s2] =	dma.local @!p0 [hbm:s0], s1  }
0x4bf: {  	s0 =	simm.s32 @!p0 $0xE  }
0x4c0: {  	_ =	swait.ge @!p0 [sflag:s0], s1  }
0x4c1: {  	s1 =	ssub.s32 @!p0 $0x0, s1;
	[sflag:s0] =	ssyncset.done @!p0 $0x0  }
0x4c2: {  	[sflag:s0] =	ssyncadd.s32 @!p0 s1  }
0x4c3: {  	[bflag:$0x3] =	sbarrier.arrive $0xFFFF  }
0x4c4: {  	_ =	shalt  }

</sc_bundles>
